<compile_context>
chip_gen: v7x
topology: tpu7x:2x2x1
jax: 0.10.2.dev20260603
libtpu: 0.0.44.dev20260713+nightly
codegen_flags: <defaults>
</compile_context>

<pallas_src>
import functools
import math

import jax
import jax.numpy as jnp
from jax import lax
from jax.experimental import pallas as pl
from jax.experimental.pallas import tpu as pltpu
from jax.experimental.pallas import tpu_sc as plsc

TWO_PI = 2.0 * math.pi
EPS = 1e-12

_B = 4
_SEG = 1024
_N = _B * _SEG
_NSIG = 4
_NSC = _NSIG
_JSC = 24
_CSC = _JSC * 16
_NTC = _NSIG

_NC = 2
_NS = 16
_NW = _NC * _NS
_L = 16
_RPW = _N // _NW
_JC = _SEG // _L
_OSEC = _RPW + _L


def _lane_shuffle(v, idx):
    dnums = lax.GatherDimensionNumbers(
        offset_dims=(), collapsed_slice_dims=(0,), start_index_map=(0,))
    return lax.gather(v, idx[:, None], dimension_numbers=dnums,
                      slice_sizes=(1,),
                      mode=lax.GatherScatterMode.PROMISE_IN_BOUNDS)


def _sc_rowsums(x0, x1, x2, y0, y1, y2, w, coef_flat):
    mesh = plsc.VectorSubcoreMesh(
        core_axis_name="c", subcore_axis_name="s",
        num_cores=_NC, num_subcores=_NS)

    @functools.partial(
        pl.kernel,
        out_type=jax.ShapeDtypeStruct((_NSC * _N,), jnp.float32),
        mesh=mesh,
        scratch_types=[
            pltpu.VMEM((_CSC,), jnp.float32),
            pltpu.VMEM((_CSC,), jnp.float32),
            pltpu.VMEM((_CSC,), jnp.float32),
            pltpu.VMEM((_CSC,), jnp.float32),
            pltpu.VMEM((_RPW,), jnp.float32),
            pltpu.VMEM((_RPW,), jnp.float32),
            pltpu.VMEM((_RPW,), jnp.float32),
            pltpu.VMEM((_NSC * _L,), jnp.float32),
            pltpu.VMEM((_NSC * _OSEC,), jnp.float32),
        ],
    )
    def k(x0_h, x1_h, x2_h, y0_h, y1_h, y2_h, w_h, coef_h, out_h,
          y0_v, y1_v, y2_v, wy_v, x0_v, x1_v, x2_v, c_v, o_v):
        wid = lax.axis_index("s") * _NC + lax.axis_index("c")
        row0 = wid * _RPW
        seg0 = (wid // (_SEG // _RPW)) * _SEG

        pltpu.sync_copy(y0_h.at[pl.ds(seg0, _CSC)], y0_v)
        pltpu.sync_copy(y1_h.at[pl.ds(seg0, _CSC)], y1_v)
        pltpu.sync_copy(y2_h.at[pl.ds(seg0, _CSC)], y2_v)
        pltpu.sync_copy(w_h.at[pl.ds(seg0, _CSC)], wy_v)
        pltpu.sync_copy(x0_h.at[pl.ds(row0, _RPW)], x0_v)
        pltpu.sync_copy(x1_h.at[pl.ds(row0, _RPW)], x1_v)
        pltpu.sync_copy(x2_h.at[pl.ds(row0, _RPW)], x2_v)
        pltpu.sync_copy(coef_h, c_v)

        c = [c_v[pl.ds(s * _L, _L)] for s in range(_NSC)]
        lane = lax.iota(jnp.int32, _L)
        perms = [jnp.bitwise_xor(lane, jnp.int32(1 << k)) for k in range(4)]

        def group_body(g, carry):
            xg0 = x0_v[pl.ds(g * _L, _L)]
            xg1 = x1_v[pl.ds(g * _L, _L)]
            xg2 = x2_v[pl.ds(g * _L, _L)]
            res = [jnp.zeros((_L,), jnp.float32) for _ in range(_NSC)]
            for ii in range(0, _L, 2):
                xa0 = jnp.full((_L,), xg0[ii], jnp.float32)
                xa1 = jnp.full((_L,), xg1[ii], jnp.float32)
                xa2 = jnp.full((_L,), xg2[ii], jnp.float32)
                xb0 = jnp.full((_L,), xg0[ii + 1], jnp.float32)
                xb1 = jnp.full((_L,), xg1[ii + 1], jnp.float32)
                xb2 = jnp.full((_L,), xg2[ii + 1], jnp.float32)

                def col_body(jc, accs):
                    j = jc * _L
                    y0 = y0_v[pl.ds(j, _L)]
                    y1 = y1_v[pl.ds(j, _L)]
                    y2 = y2_v[pl.ds(j, _L)]
                    wv = wy_v[pl.ds(j, _L)]
                    da0 = xa0 - y0
                    da1 = xa1 - y1
                    da2 = xa2 - y2
                    dda = da0 * da0 + da1 * da1 + da2 * da2
                    db0 = xb0 - y0
                    db1 = xb1 - y1
                    db2 = xb2 - y2
                    ddb = db0 * db0 + db1 * db1 + db2 * db2
                    out = [accs[s] + jnp.exp(dda * c[s]) * wv
                           for s in range(_NSC)]
                    out += [accs[_NSC + s] + jnp.exp(ddb * c[s]) * wv
                            for s in range(_NSC)]
                    return tuple(out)

                accs = lax.fori_loop(
                    0, _JSC, col_body,
                    tuple(jnp.zeros((_L,), jnp.float32)
                          for _ in range(2 * _NSC)),
                    unroll=2)
                mska = lane == ii
                mskb = lane == ii + 1
                for s in range(_NSC):
                    ta = accs[s]
                    tb = accs[_NSC + s]
                    for p in perms:
                        ta = ta + _lane_shuffle(ta, p)
                        tb = tb + _lane_shuffle(tb, p)
                    res[s] = jnp.where(mska, ta, res[s])
                    res[s] = jnp.where(mskb, tb, res[s])
            for s in range(_NSC):
                o_v[pl.ds(s * _OSEC + g * _L, _L)] = res[s]
            return carry

        lax.fori_loop(0, _RPW // _L, group_body, 0)
        for s in range(_NSC):
            pltpu.sync_copy(o_v.at[pl.ds(s * _OSEC, _RPW)],
                            out_h.at[pl.ds(s * _N + row0, _RPW)])

    return k(x0, x1, x2, y0, y1, y2, w, coef_flat)


def _tc_rowsums_body(xt_ref, yt_ref, w_ref, ct_ref, o_ref):
    xt = xt_ref[...]
    yt = yt_ref[...][:, _CSC:]
    wb = w_ref[0][:, _CSC:]
    ct = ct_ref[...]
    xn = jnp.sum(xt * xt, axis=0)
    yn = jnp.sum(yt * yt, axis=0)
    g = lax.dot_general(xt, yt, (((0,), (0,)), ((), ())),
                        precision=lax.Precision.HIGHEST,
                        preferred_element_type=jnp.float32)
    d2 = xn[:, None] + yn[None, :] - 2.0 * g
    for t in range(_NTC):
        e = jnp.exp(d2 * ct[0, t])
        o_ref[0, t, :] = jnp.sum(e * wb, axis=1)


def _tc_rowsums(xt, yt, w2, coef_tc):
    return pl.pallas_call(
        _tc_rowsums_body,
        grid=(_B,),
        in_specs=[
            pl.BlockSpec((3, _SEG), lambda b: (0, b)),
            pl.BlockSpec((3, _SEG), lambda b: (0, b)),
            pl.BlockSpec((1, 1, _SEG), lambda b: (b, 0, 0)),
            pl.BlockSpec((1, _NTC), lambda b: (0, 0)),
        ],
        out_specs=pl.BlockSpec((1, _NTC, _SEG), lambda b: (b, 0, 0)),
        out_shape=jax.ShapeDtypeStruct((_B, _NTC, _SEG), jnp.float32),
    )(xt, yt, w2, coef_tc)


def _epilogue_body(rs_sc_ref, rs_tc_ref, w_ref, pr_ref, o_ref):
    rs_sc = rs_sc_ref[...]
    rs_tc = jnp.swapaxes(rs_tc_ref[...], 0, 1)
    rs = rs_sc + rs_tc
    w = w_ref[...]
    pr = pr_ref[...]
    norm = pr[:, 0]
    mix = pr[:, 1]
    wseg = jnp.sum(w, axis=1)
    den = norm[:, None, None] * wseg[None, :, None] + EPS
    nll = -jnp.log(rs / den + EPS)
    num = jnp.sum(w[None, :, :] * nll, axis=2)
    loss_seg = num / (wseg[None, :] + EPS)
    o_ref[...] = jnp.full((1, 1), jnp.sum(mix * jnp.mean(loss_seg, axis=1)),
                          jnp.float32)


def kernel(pos_noisy, pos_clean, weights, log_sigmas, log_weights,
           ptr_noisy, ptr_clean):
    x = pos_noisy.astype(jnp.float32)
    y = pos_clean.astype(jnp.float32)
    w = weights.astype(jnp.float32)
    sig = jnp.exp(log_sigmas).astype(jnp.float32)
    mix = jax.nn.softmax(log_weights).astype(jnp.float32)
    coef = -1.0 / (2.0 * sig * sig)
    coef_sc = jnp.repeat(coef, _L)
    coef_tc = coef.reshape(1, _NTC)
    norm = (TWO_PI * sig * sig) ** (3 / 2.0)

    xt = x.T
    yt = y.T
    w2 = w.reshape(_B, _SEG)
    rowsums_sc = _sc_rowsums(xt[0], xt[1], xt[2],
                             yt[0], yt[1], yt[2], w, coef_sc)
    rs_tc = _tc_rowsums(xt, yt, w2.reshape(_B, 1, _SEG), coef_tc)
    rs_sc = rowsums_sc.reshape(_NSIG, _B, _SEG)
    params = jnp.stack([norm, mix], axis=1)

    out = pl.pallas_call(
        _epilogue_body,
        out_shape=jax.ShapeDtypeStruct((1, 1), jnp.float32),
    )(rs_sc, rs_tc, w2, params)
    return out[0, 0]

# --- scband reference (transcript-rebuilt; emitter-appended) ---
"""Pipeline reference for scband-learnable-kde-79439715107055 (READ-ONLY COPY).

The authoritative reference and input builder live on the scoring server;
editing this copy changes nothing except your own understanding.
"""

import jax, jax.numpy as jnp
import numpy as np

TWO_PI = 2.0 * np.pi
EPS = 1e-12

B = 4
SEG = 1024
N = B * SEG
D = 3
INIT_SIGMAS = [0.1, 0.5, 1.0, 2.0]


def _segment_ids(ptr, n):
    # ptr: [B+1] cumulative offsets starting at 0
    return jnp.searchsorted(ptr, jnp.arange(n), side='right') - 1


def segmented_kde_loss(x, y, wx, wy, ptr_x, ptr_y, sigma):
    n, d = x.shape
    m = y.shape[0]
    nb = ptr_x.shape[0] - 1
    seg_x = _segment_ids(ptr_x, n)
    seg_y = _segment_ids(ptr_y, m)
    # pairwise squared distances, masked to same-segment pairs
    d2 = jnp.sum((x[:, None, :] - y[None, :, :]) ** 2, axis=-1)
    mask = (seg_x[:, None] == seg_y[None, :]).astype(x.dtype)
    K = jnp.exp(-d2 / (2.0 * sigma ** 2)) * mask
    norm = (TWO_PI * sigma ** 2) ** (d / 2.0)
    wy_seg = jax.ops.segment_sum(wy, seg_y, num_segments=nb)
    p = (K @ wy) / (norm * wy_seg[seg_x] + EPS)
    nll = -jnp.log(p + EPS)
    wx_seg = jax.ops.segment_sum(wx, seg_x, num_segments=nb)
    loss_seg = jax.ops.segment_sum(wx * nll, seg_x, num_segments=nb) / (wx_seg + EPS)
    return jnp.mean(loss_seg)


def setup_inputs(seed: int = 0) -> dict:
    key = jax.random.key(seed)
    k1, k2, k3 = jax.random.split(key, 3)
    pos_noisy = jax.random.normal(k1, (N, D), dtype=jnp.float32)
    pos_clean = jax.random.normal(k2, (N, D), dtype=jnp.float32)
    weights = jax.random.uniform(k3, (N,), dtype=jnp.float32)
    ptr = (jnp.arange(B + 1) * SEG).astype(jnp.int32)
    log_sigmas = jnp.log(jnp.asarray(INIT_SIGMAS, dtype=jnp.float32))
    log_weights = jnp.zeros((len(INIT_SIGMAS),), dtype=jnp.float32)
    return {
        'pos_noisy': pos_noisy,
        'pos_clean': pos_clean,
        'weights': weights,
        'log_sigmas': log_sigmas,
        'log_weights': log_weights,
        'ptr_noisy': ptr,
        'ptr_clean': ptr,
    }


def reference(pos_noisy, pos_clean, weights, log_sigmas, log_weights, ptr_noisy, ptr_clean):
    sigmas = jnp.exp(log_sigmas).astype(pos_noisy.dtype)
    mix = jax.nn.softmax(log_weights).astype(pos_noisy.dtype)
    losses = 0.0
    for i in range(log_sigmas.shape[0]):
        loss = segmented_kde_loss(pos_noisy, pos_clean, weights, weights,
                                  ptr_noisy, ptr_clean, sigmas[i])
        losses = losses + mix[i] * loss
    return losses

if __name__ == "__main__":
    import jax
    _d = setup_inputs()
    print(jax.jit(kernel)(*tuple(_d.values())))

</pallas_src>

<mosaic_0001>
#map = affine_map<(d0, d1) -> (0)>
module attributes {stable_mosaic.version = 14 : i64} {
  func.func @k(%arg0: i32, %arg1: i32, %arg2: memref<4096xf32, #tpu.memory_space<hbm>>, %arg3: memref<4096xf32, #tpu.memory_space<hbm>>, %arg4: memref<4096xf32, #tpu.memory_space<hbm>>, %arg5: memref<4096xf32, #tpu.memory_space<hbm>>, %arg6: memref<4096xf32, #tpu.memory_space<hbm>>, %arg7: memref<4096xf32, #tpu.memory_space<hbm>>, %arg8: memref<4096xf32, #tpu.memory_space<hbm>>, %arg9: memref<64xf32, #tpu.memory_space<hbm>>, %arg10: memref<16384xf32, #tpu.memory_space<hbm>>, %arg11: memref<384xf32, #tpu.memory_space<vmem>>, %arg12: memref<384xf32, #tpu.memory_space<vmem>>, %arg13: memref<384xf32, #tpu.memory_space<vmem>>, %arg14: memref<384xf32, #tpu.memory_space<vmem>>, %arg15: memref<128xf32, #tpu.memory_space<vmem>>, %arg16: memref<128xf32, #tpu.memory_space<vmem>>, %arg17: memref<128xf32, #tpu.memory_space<vmem>>, %arg18: memref<64xf32, #tpu.memory_space<vmem>>, %arg19: memref<576xf32, #tpu.memory_space<vmem>>) attributes {dimension_semantics = [#tpu.dimension_semantics<core_parallel>, #tpu.dimension_semantics<subcore_parallel>], iteration_bounds = array<i64: 2, 16>, scalar_prefetch = 0 : i64, scratch_operands = 9 : i64, tpu.core_type = #tpu.core_type<sc_vector_subcore>, window_params = [{transform_indices = #map}, {transform_indices = #map}, {transform_indices = #map}, {transform_indices = #map}, {transform_indices = #map}, {transform_indices = #map}, {transform_indices = #map}, {transform_indices = #map}, {transform_indices = #map}]} {
    %mul3A = arith.constant 2 : i32
    %mul3A_0 = arith.muli %arg1, %mul3A : i32
    %add3A = arith.addi %mul3A_0, %arg0 : i32
    %mul3A_1 = arith.constant 128 : i32
    %mul3A_2 = arith.muli %add3A, %mul3A_1 : i32
    %jit3A = arith.constant 8 : i32
    %div3A = arith.divsi %add3A, %jit3A : i32
    %sign3A = arith.constant 0 : i32
    %sign3A_3 = arith.cmpi sgt, %add3A, %sign3A : i32
    %sign3A_4 = arith.extui %sign3A_3 : i1 to i32
    %sign3A_5 = arith.constant 0 : i32
    %sign3A_6 = arith.cmpi slt, %add3A, %sign3A_5 : i32
    %sign3A_7 = arith.extui %sign3A_6 : i1 to i32
    %sign3A_8 = arith.subi %sign3A_4, %sign3A_7 : i32
    %sign3A_9 = arith.constant 0 : i32
    %sign3A_10 = arith.cmpi sgt, %jit3A, %sign3A_9 : i32
    %sign3A_11 = arith.extui %sign3A_10 : i1 to i32
    %sign3A_12 = arith.constant 0 : i32
    %sign3A_13 = arith.cmpi slt, %jit3A, %sign3A_12 : i32
    %sign3A_14 = arith.extui %sign3A_13 : i1 to i32
    %sign3A_15 = arith.subi %sign3A_11, %sign3A_14 : i32
    %ne3A = arith.cmpi ne, %sign3A_8, %sign3A_15 : i32
    %rem3A = arith.remsi %add3A, %jit3A : i32
    %ne3A_16 = arith.constant 0 : i32
    %ne3A_17 = arith.cmpi ne, %rem3A, %ne3A_16 : i32
    %and3A = arith.andi %ne3A, %ne3A_17 : i1
    %sub3A = arith.constant 1 : i32
    %sub3A_18 = arith.subi %div3A, %sub3A : i32
    %select_n3A = arith.select %and3A, %sub3A_18, %div3A : i32
    %mul3A_19 = arith.constant 1024 : i32
    %mul3A_20 = arith.muli %select_n3A, %mul3A_19 : i32
    "tpu.region"() ({
      %run_scoped3A = tpu.sem_alloc : memref<!tpu.dma_semaphore, #tpu.memory_space<semaphore_mem>>
      %dma_start3A = tpu.memref_slice %arg5[%mul3A_20] : memref<4096xf32, #tpu.memory_space<hbm>> -> memref<384xf32, #tpu.memory_space<hbm>>
      %dma_start3A_56 = tpu.memref_slice %arg5[%mul3A_20] : memref<4096xf32, #tpu.memory_space<hbm>> -> memref<384xf32, #tpu.memory_space<hbm>>
      tpu.enqueue_dma source(%dma_start3A_56 : memref<384xf32, #tpu.memory_space<hbm>>) target(%arg11 : memref<384xf32, #tpu.memory_space<vmem>>) target_semaphore(%run_scoped3A : memref<!tpu.dma_semaphore, #tpu.memory_space<semaphore_mem>>)
      %dma_wait3A = tpu.memref_slice %arg5[%mul3A_20] : memref<4096xf32, #tpu.memory_space<hbm>> -> memref<384xf32, #tpu.memory_space<hbm>>
      %dma_wait3A_57 = tpu.memref_slice %arg5[%mul3A_20] : memref<4096xf32, #tpu.memory_space<hbm>> -> memref<384xf32, #tpu.memory_space<hbm>>
      tpu.wait_dma2 semaphore(%run_scoped3A : memref<!tpu.dma_semaphore, #tpu.memory_space<semaphore_mem>>) src(%dma_wait3A_57 : memref<384xf32, #tpu.memory_space<hbm>>) dst(%arg11 : memref<384xf32, #tpu.memory_space<vmem>>)
      tpu.yield
    }) : () -> ()
    "tpu.region"() ({
      %run_scoped3A = tpu.sem_alloc : memref<!tpu.dma_semaphore, #tpu.memory_space<semaphore_mem>>
      %dma_start3A = tpu.memref_slice %arg6[%mul3A_20] : memref<4096xf32, #tpu.memory_space<hbm>> -> memref<384xf32, #tpu.memory_space<hbm>>
      %dma_start3A_56 = tpu.memref_slice %arg6[%mul3A_20] : memref<4096xf32, #tpu.memory_space<hbm>> -> memref<384xf32, #tpu.memory_space<hbm>>
      tpu.enqueue_dma source(%dma_start3A_56 : memref<384xf32, #tpu.memory_space<hbm>>) target(%arg12 : memref<384xf32, #tpu.memory_space<vmem>>) target_semaphore(%run_scoped3A : memref<!tpu.dma_semaphore, #tpu.memory_space<semaphore_mem>>)
      %dma_wait3A = tpu.memref_slice %arg6[%mul3A_20] : memref<4096xf32, #tpu.memory_space<hbm>> -> memref<384xf32, #tpu.memory_space<hbm>>
      %dma_wait3A_57 = tpu.memref_slice %arg6[%mul3A_20] : memref<4096xf32, #tpu.memory_space<hbm>> -> memref<384xf32, #tpu.memory_space<hbm>>
      tpu.wait_dma2 semaphore(%run_scoped3A : memref<!tpu.dma_semaphore, #tpu.memory_space<semaphore_mem>>) src(%dma_wait3A_57 : memref<384xf32, #tpu.memory_space<hbm>>) dst(%arg12 : memref<384xf32, #tpu.memory_space<vmem>>)
      tpu.yield
    }) : () -> ()
    "tpu.region"() ({
      %run_scoped3A = tpu.sem_alloc : memref<!tpu.dma_semaphore, #tpu.memory_space<semaphore_mem>>
      %dma_start3A = tpu.memref_slice %arg7[%mul3A_20] : memref<4096xf32, #tpu.memory_space<hbm>> -> memref<384xf32, #tpu.memory_space<hbm>>
      %dma_start3A_56 = tpu.memref_slice %arg7[%mul3A_20] : memref<4096xf32, #tpu.memory_space<hbm>> -> memref<384xf32, #tpu.memory_space<hbm>>
      tpu.enqueue_dma source(%dma_start3A_56 : memref<384xf32, #tpu.memory_space<hbm>>) target(%arg13 : memref<384xf32, #tpu.memory_space<vmem>>) target_semaphore(%run_scoped3A : memref<!tpu.dma_semaphore, #tpu.memory_space<semaphore_mem>>)
      %dma_wait3A = tpu.memref_slice %arg7[%mul3A_20] : memref<4096xf32, #tpu.memory_space<hbm>> -> memref<384xf32, #tpu.memory_space<hbm>>
      %dma_wait3A_57 = tpu.memref_slice %arg7[%mul3A_20] : memref<4096xf32, #tpu.memory_space<hbm>> -> memref<384xf32, #tpu.memory_space<hbm>>
      tpu.wait_dma2 semaphore(%run_scoped3A : memref<!tpu.dma_semaphore, #tpu.memory_space<semaphore_mem>>) src(%dma_wait3A_57 : memref<384xf32, #tpu.memory_space<hbm>>) dst(%arg13 : memref<384xf32, #tpu.memory_space<vmem>>)
      tpu.yield
    }) : () -> ()
    "tpu.region"() ({
      %run_scoped3A = tpu.sem_alloc : memref<!tpu.dma_semaphore, #tpu.memory_space<semaphore_mem>>
      %dma_start3A = tpu.memref_slice %arg8[%mul3A_20] : memref<4096xf32, #tpu.memory_space<hbm>> -> memref<384xf32, #tpu.memory_space<hbm>>
      %dma_start3A_56 = tpu.memref_slice %arg8[%mul3A_20] : memref<4096xf32, #tpu.memory_space<hbm>> -> memref<384xf32, #tpu.memory_space<hbm>>
      tpu.enqueue_dma source(%dma_start3A_56 : memref<384xf32, #tpu.memory_space<hbm>>) target(%arg14 : memref<384xf32, #tpu.memory_space<vmem>>) target_semaphore(%run_scoped3A : memref<!tpu.dma_semaphore, #tpu.memory_space<semaphore_mem>>)
      %dma_wait3A = tpu.memref_slice %arg8[%mul3A_20] : memref<4096xf32, #tpu.memory_space<hbm>> -> memref<384xf32, #tpu.memory_space<hbm>>
      %dma_wait3A_57 = tpu.memref_slice %arg8[%mul3A_20] : memref<4096xf32, #tpu.memory_space<hbm>> -> memref<384xf32, #tpu.memory_space<hbm>>
      tpu.wait_dma2 semaphore(%run_scoped3A : memref<!tpu.dma_semaphore, #tpu.memory_space<semaphore_mem>>) src(%dma_wait3A_57 : memref<384xf32, #tpu.memory_space<hbm>>) dst(%arg14 : memref<384xf32, #tpu.memory_space<vmem>>)
      tpu.yield
    }) : () -> ()
    "tpu.region"() ({
      %run_scoped3A = tpu.sem_alloc : memref<!tpu.dma_semaphore, #tpu.memory_space<semaphore_mem>>
      %dma_start3A = tpu.memref_slice %arg2[%mul3A_2] : memref<4096xf32, #tpu.memory_space<hbm>> -> memref<128xf32, #tpu.memory_space<hbm>>
      %dma_start3A_56 = tpu.memref_slice %arg2[%mul3A_2] : memref<4096xf32, #tpu.memory_space<hbm>> -> memref<128xf32, #tpu.memory_space<hbm>>
      tpu.enqueue_dma source(%dma_start3A_56 : memref<128xf32, #tpu.memory_space<hbm>>) target(%arg15 : memref<128xf32, #tpu.memory_space<vmem>>) target_semaphore(%run_scoped3A : memref<!tpu.dma_semaphore, #tpu.memory_space<semaphore_mem>>)
      %dma_wait3A = tpu.memref_slice %arg2[%mul3A_2] : memref<4096xf32, #tpu.memory_space<hbm>> -> memref<128xf32, #tpu.memory_space<hbm>>
      %dma_wait3A_57 = tpu.memref_slice %arg2[%mul3A_2] : memref<4096xf32, #tpu.memory_space<hbm>> -> memref<128xf32, #tpu.memory_space<hbm>>
      tpu.wait_dma2 semaphore(%run_scoped3A : memref<!tpu.dma_semaphore, #tpu.memory_space<semaphore_mem>>) src(%dma_wait3A_57 : memref<128xf32, #tpu.memory_space<hbm>>) dst(%arg15 : memref<128xf32, #tpu.memory_space<vmem>>)
      tpu.yield
    }) : () -> ()
    "tpu.region"() ({
      %run_scoped3A = tpu.sem_alloc : memref<!tpu.dma_semaphore, #tpu.memory_space<semaphore_mem>>
      %dma_start3A = tpu.memref_slice %arg3[%mul3A_2] : memref<4096xf32, #tpu.memory_space<hbm>> -> memref<128xf32, #tpu.memory_space<hbm>>
      %dma_start3A_56 = tpu.memref_slice %arg3[%mul3A_2] : memref<4096xf32, #tpu.memory_space<hbm>> -> memref<128xf32, #tpu.memory_space<hbm>>
      tpu.enqueue_dma source(%dma_start3A_56 : memref<128xf32, #tpu.memory_space<hbm>>) target(%arg16 : memref<128xf32, #tpu.memory_space<vmem>>) target_semaphore(%run_scoped3A : memref<!tpu.dma_semaphore, #tpu.memory_space<semaphore_mem>>)
      %dma_wait3A = tpu.memref_slice %arg3[%mul3A_2] : memref<4096xf32, #tpu.memory_space<hbm>> -> memref<128xf32, #tpu.memory_space<hbm>>
      %dma_wait3A_57 = tpu.memref_slice %arg3[%mul3A_2] : memref<4096xf32, #tpu.memory_space<hbm>> -> memref<128xf32, #tpu.memory_space<hbm>>
      tpu.wait_dma2 semaphore(%run_scoped3A : memref<!tpu.dma_semaphore, #tpu.memory_space<semaphore_mem>>) src(%dma_wait3A_57 : memref<128xf32, #tpu.memory_space<hbm>>) dst(%arg16 : memref<128xf32, #tpu.memory_space<vmem>>)
      tpu.yield
    }) : () -> ()
    "tpu.region"() ({
      %run_scoped3A = tpu.sem_alloc : memref<!tpu.dma_semaphore, #tpu.memory_space<semaphore_mem>>
      %dma_start3A = tpu.memref_slice %arg4[%mul3A_2] : memref<4096xf32, #tpu.memory_space<hbm>> -> memref<128xf32, #tpu.memory_space<hbm>>
      %dma_start3A_56 = tpu.memref_slice %arg4[%mul3A_2] : memref<4096xf32, #tpu.memory_space<hbm>> -> memref<128xf32, #tpu.memory_space<hbm>>
      tpu.enqueue_dma source(%dma_start3A_56 : memref<128xf32, #tpu.memory_space<hbm>>) target(%arg17 : memref<128xf32, #tpu.memory_space<vmem>>) target_semaphore(%run_scoped3A : memref<!tpu.dma_semaphore, #tpu.memory_space<semaphore_mem>>)
      %dma_wait3A = tpu.memref_slice %arg4[%mul3A_2] : memref<4096xf32, #tpu.memory_space<hbm>> -> memref<128xf32, #tpu.memory_space<hbm>>
      %dma_wait3A_57 = tpu.memref_slice %arg4[%mul3A_2] : memref<4096xf32, #tpu.memory_space<hbm>> -> memref<128xf32, #tpu.memory_space<hbm>>
      tpu.wait_dma2 semaphore(%run_scoped3A : memref<!tpu.dma_semaphore, #tpu.memory_space<semaphore_mem>>) src(%dma_wait3A_57 : memref<128xf32, #tpu.memory_space<hbm>>) dst(%arg17 : memref<128xf32, #tpu.memory_space<vmem>>)
      tpu.yield
    }) : () -> ()
    "tpu.region"() ({
      %run_scoped3A = tpu.sem_alloc : memref<!tpu.dma_semaphore, #tpu.memory_space<semaphore_mem>>
      tpu.enqueue_dma source(%arg9 : memref<64xf32, #tpu.memory_space<hbm>>) target(%arg18 : memref<64xf32, #tpu.memory_space<vmem>>) target_semaphore(%run_scoped3A : memref<!tpu.dma_semaphore, #tpu.memory_space<semaphore_mem>>)
      tpu.wait_dma2 semaphore(%run_scoped3A : memref<!tpu.dma_semaphore, #tpu.memory_space<semaphore_mem>>) src(%arg9 : memref<64xf32, #tpu.memory_space<hbm>>) dst(%arg18 : memref<64xf32, #tpu.memory_space<vmem>>)
      tpu.yield
    }) : () -> ()
    %get3A = arith.constant 0 : index
    %get3A_21 = tpu.vector_load %arg18[%get3A] {strides = array<i32>} : memref<64xf32, #tpu.memory_space<vmem>>, vector<16xf32>,
    %get3A_22 = vector.shape_cast %get3A_21 : vector<16xf32> to vector<16xf32>
    %get3A_23 = arith.constant 16 : index
    %get3A_24 = tpu.vector_load %arg18[%get3A_23] {strides = array<i32>} : memref<64xf32, #tpu.memory_space<vmem>>, vector<16xf32>,
    %get3A_25 = vector.shape_cast %get3A_24 : vector<16xf32> to vector<16xf32>
    %get3A_26 = arith.constant 32 : index
    %get3A_27 = tpu.vector_load %arg18[%get3A_26] {strides = array<i32>} : memref<64xf32, #tpu.memory_space<vmem>>, vector<16xf32>,
    %get3A_28 = vector.shape_cast %get3A_27 : vector<16xf32> to vector<16xf32>
    %get3A_29 = arith.constant 48 : index
    %get3A_30 = tpu.vector_load %arg18[%get3A_29] {strides = array<i32>} : memref<64xf32, #tpu.memory_space<vmem>>, vector<16xf32>,
    %get3A_31 = vector.shape_cast %get3A_30 : vector<16xf32> to vector<16xf32>
    %iota3A = tpu.iota {dimensions = array<i32: 0>} : vector<16xi32>
    %xor3A = arith.constant 1 : i32
    %xor3A_32 = vector.broadcast %xor3A : i32 to vector<16xi32>
    %xor3A_33 = arith.xori %iota3A, %xor3A_32 : vector<16xi32>
    %xor3A_34 = arith.constant 2 : i32
    %xor3A_35 = vector.broadcast %xor3A_34 : i32 to vector<16xi32>
    %xor3A_36 = arith.xori %iota3A, %xor3A_35 : vector<16xi32>
    %xor3A_37 = arith.constant 4 : i32
    %xor3A_38 = vector.broadcast %xor3A_37 : i32 to vector<16xi32>
    %xor3A_39 = arith.xori %iota3A, %xor3A_38 : vector<16xi32>
    %xor3A_40 = arith.constant 8 : i32
    %xor3A_41 = vector.broadcast %xor3A_40 : i32 to vector<16xi32>
    %xor3A_42 = arith.xori %iota3A, %xor3A_41 : vector<16xi32>
    %scan3A = arith.constant 0 : i32
    %scan3A_43 = arith.constant 0 : i32
    %scan3A_44 = arith.constant 8 : i32
    %scan3A_45 = arith.addi %scan3A_43, %scan3A_44 : i32
    %scan3A_46 = arith.constant 1 : i32
    scf.for %scan3A_56 = %scan3A_43 to %scan3A_45 step %scan3A_46  : i32 {
      %mul3A_57 = arith.constant 16 : i32
      %mul3A_58 = arith.muli %scan3A_56, %mul3A_57 : i32
      %get3A_59 = arith.index_cast %mul3A_58 : i32 to index
      %get3A_60 = tpu.vector_load %arg15[%get3A_59] {strides = array<i32>} : memref<128xf32, #tpu.memory_space<vmem>>, vector<16xf32>,
      %get3A_61 = vector.shape_cast %get3A_60 : vector<16xf32> to vector<16xf32>
      %mul3A_62 = arith.constant 16 : i32
      %mul3A_63 = arith.muli %scan3A_56, %mul3A_62 : i32
      %get3A_64 = arith.index_cast %mul3A_63 : i32 to index
      %get3A_65 = tpu.vector_load %arg16[%get3A_64] {strides = array<i32>} : memref<128xf32, #tpu.memory_space<vmem>>, vector<16xf32>,
      %get3A_66 = vector.shape_cast %get3A_65 : vector<16xf32> to vector<16xf32>
      %mul3A_67 = arith.constant 16 : i32
      %mul3A_68 = arith.muli %scan3A_56, %mul3A_67 : i32
      %get3A_69 = arith.index_cast %mul3A_68 : i32 to index
      %get3A_70 = tpu.vector_load %arg17[%get3A_69] {strides = array<i32>} : memref<128xf32, #tpu.memory_space<vmem>>, vector<16xf32>,
      %get3A_71 = vector.shape_cast %get3A_70 : vector<16xf32> to vector<16xf32>
      %broadcast_in_dim3A = arith.constant 0.000000e+00 : f32
      %broadcast_in_dim3A_72 = vector.broadcast %broadcast_in_dim3A : f32 to vector<16xf32>
      %broadcast_in_dim3A_73 = arith.constant 0.000000e+00 : f32
      %broadcast_in_dim3A_74 = vector.broadcast %broadcast_in_dim3A_73 : f32 to vector<16xf32>
      %broadcast_in_dim3A_75 = arith.constant 0.000000e+00 : f32
      %broadcast_in_dim3A_76 = vector.broadcast %broadcast_in_dim3A_75 : f32 to vector<16xf32>
      %broadcast_in_dim3A_77 = arith.constant 0.000000e+00 : f32
      %broadcast_in_dim3A_78 = vector.broadcast %broadcast_in_dim3A_77 : f32 to vector<16xf32>
      %slice3A = vector.extract_strided_slice %get3A_61 {offsets = [0], sizes = [1], strides = [1]} : vector<16xf32> to vector<1xf32>
      %squeeze3A = vector.extract %slice3A[0] : f32 from vector<1xf32>
      %broadcast_in_dim3A_79 = vector.broadcast %squeeze3A : f32 to vector<16xf32>
      %slice3A_80 = vector.extract_strided_slice %get3A_66 {offsets = [0], sizes = [1], strides = [1]} : vector<16xf32> to vector<1xf32>
      %squeeze3A_81 = vector.extract %slice3A_80[0] : f32 from vector<1xf32>
      %broadcast_in_dim3A_82 = vector.broadcast %squeeze3A_81 : f32 to vector<16xf32>
      %slice3A_83 = vector.extract_strided_slice %get3A_71 {offsets = [0], sizes = [1], strides = [1]} : vector<16xf32> to vector<1xf32>
      %squeeze3A_84 = vector.extract %slice3A_83[0] : f32 from vector<1xf32>
      %broadcast_in_dim3A_85 = vector.broadcast %squeeze3A_84 : f32 to vector<16xf32>
      %slice3A_86 = vector.extract_strided_slice %get3A_61 {offsets = [1], sizes = [1], strides = [1]} : vector<16xf32> to vector<1xf32>
      %squeeze3A_87 = vector.extract %slice3A_86[0] : f32 from vector<1xf32>
      %broadcast_in_dim3A_88 = vector.broadcast %squeeze3A_87 : f32 to vector<16xf32>
      %slice3A_89 = vector.extract_strided_slice %get3A_66 {offsets = [1], sizes = [1], strides = [1]} : vector<16xf32> to vector<1xf32>
      %squeeze3A_90 = vector.extract %slice3A_89[0] : f32 from vector<1xf32>
      %broadcast_in_dim3A_91 = vector.broadcast %squeeze3A_90 : f32 to vector<16xf32>
      %slice3A_92 = vector.extract_strided_slice %get3A_71 {offsets = [1], sizes = [1], strides = [1]} : vector<16xf32> to vector<1xf32>
      %squeeze3A_93 = vector.extract %slice3A_92[0] : f32 from vector<1xf32>
      %broadcast_in_dim3A_94 = vector.broadcast %squeeze3A_93 : f32 to vector<16xf32>
      %broadcast_in_dim3A_95 = arith.constant 0.000000e+00 : f32
      %broadcast_in_dim3A_96 = vector.broadcast %broadcast_in_dim3A_95 : f32 to vector<16xf32>
      %broadcast_in_dim3A_97 = arith.constant 0.000000e+00 : f32
      %broadcast_in_dim3A_98 = vector.broadcast %broadcast_in_dim3A_97 : f32 to vector<16xf32>
      %broadcast_in_dim3A_99 = arith.constant 0.000000e+00 : f32
      %broadcast_in_dim3A_100 = vector.broadcast %broadcast_in_dim3A_99 : f32 to vector<16xf32>
      %broadcast_in_dim3A_101 = arith.constant 0.000000e+00 : f32
      %broadcast_in_dim3A_102 = vector.broadcast %broadcast_in_dim3A_101 : f32 to vector<16xf32>
      %broadcast_in_dim3A_103 = arith.constant 0.000000e+00 : f32
      %broadcast_in_dim3A_104 = vector.broadcast %broadcast_in_dim3A_103 : f32 to vector<16xf32>
      %broadcast_in_dim3A_105 = arith.constant 0.000000e+00 : f32
      %broadcast_in_dim3A_106 = vector.broadcast %broadcast_in_dim3A_105 : f32 to vector<16xf32>
      %broadcast_in_dim3A_107 = arith.constant 0.000000e+00 : f32
      %broadcast_in_dim3A_108 = vector.broadcast %broadcast_in_dim3A_107 : f32 to vector<16xf32>
      %broadcast_in_dim3A_109 = arith.constant 0.000000e+00 : f32
      %broadcast_in_dim3A_110 = vector.broadcast %broadcast_in_dim3A_109 : f32 to vector<16xf32>
      %scan3A_111 = arith.constant 0 : i32
      %scan3A_112 = arith.constant 24 : i32
      %scan3A_113 = arith.addi %scan3A_111, %scan3A_112 : i32
      %scan3A_114 = arith.constant 2 : i32
      %scan3A_115:8 = scf.for %scan3A_1562 = %scan3A_111 to %scan3A_113 step %scan3A_114 iter_args(%scan3A_1563 = %broadcast_in_dim3A_96, %scan3A_1564 = %broadcast_in_dim3A_98, %scan3A_1565 = %broadcast_in_dim3A_100, %scan3A_1566 = %broadcast_in_dim3A_102, %scan3A_1567 = %broadcast_in_dim3A_104, %scan3A_1568 = %broadcast_in_dim3A_106, %scan3A_1569 = %broadcast_in_dim3A_108, %scan3A_1570 = %broadcast_in_dim3A_110) -> (vector<16xf32>, vector<16xf32>, vector<16xf32>, vector<16xf32>, vector<16xf32>, vector<16xf32>, vector<16xf32>, vector<16xf32>)  : i32 {
        %mul3A_1571 = arith.constant 16 : i32
        %mul3A_1572 = arith.muli %scan3A_1562, %mul3A_1571 : i32
        %get3A_1573 = arith.index_cast %mul3A_1572 : i32 to index
        %get3A_1574 = tpu.vector_load %arg11[%get3A_1573] {strides = array<i32>} : memref<384xf32, #tpu.memory_space<vmem>>, vector<16xf32>,
        %get3A_1575 = vector.shape_cast %get3A_1574 : vector<16xf32> to vector<16xf32>
        %get3A_1576 = arith.index_cast %mul3A_1572 : i32 to index
        %get3A_1577 = tpu.vector_load %arg12[%get3A_1576] {strides = array<i32>} : memref<384xf32, #tpu.memory_space<vmem>>, vector<16xf32>,
        %get3A_1578 = vector.shape_cast %get3A_1577 : vector<16xf32> to vector<16xf32>
        %get3A_1579 = arith.index_cast %mul3A_1572 : i32 to index
        %get3A_1580 = tpu.vector_load %arg13[%get3A_1579] {strides = array<i32>} : memref<384xf32, #tpu.memory_space<vmem>>, vector<16xf32>,
        %get3A_1581 = vector.shape_cast %get3A_1580 : vector<16xf32> to vector<16xf32>
        %get3A_1582 = arith.index_cast %mul3A_1572 : i32 to index
        %get3A_1583 = tpu.vector_load %arg14[%get3A_1582] {strides = array<i32>} : memref<384xf32, #tpu.memory_space<vmem>>, vector<16xf32>,
        %get3A_1584 = vector.shape_cast %get3A_1583 : vector<16xf32> to vector<16xf32>
        %sub3A_1585 = arith.subf %broadcast_in_dim3A_79, %get3A_1575 : vector<16xf32>
        %sub3A_1586 = arith.subf %broadcast_in_dim3A_82, %get3A_1578 : vector<16xf32>
        %sub3A_1587 = arith.subf %broadcast_in_dim3A_85, %get3A_1581 : vector<16xf32>
        %mul3A_1588 = arith.mulf %sub3A_1585, %sub3A_1585 : vector<16xf32>
        %mul3A_1589 = arith.mulf %sub3A_1586, %sub3A_1586 : vector<16xf32>
        %add3A_1590 = arith.addf %mul3A_1588, %mul3A_1589 : vector<16xf32>
        %mul3A_1591 = arith.mulf %sub3A_1587, %sub3A_1587 : vector<16xf32>
        %add3A_1592 = arith.addf %add3A_1590, %mul3A_1591 : vector<16xf32>
        %sub3A_1593 = arith.subf %broadcast_in_dim3A_88, %get3A_1575 : vector<16xf32>
        %sub3A_1594 = arith.subf %broadcast_in_dim3A_91, %get3A_1578 : vector<16xf32>
        %sub3A_1595 = arith.subf %broadcast_in_dim3A_94, %get3A_1581 : vector<16xf32>
        %mul3A_1596 = arith.mulf %sub3A_1593, %sub3A_1593 : vector<16xf32>
        %mul3A_1597 = arith.mulf %sub3A_1594, %sub3A_1594 : vector<16xf32>
        %add3A_1598 = arith.addf %mul3A_1596, %mul3A_1597 : vector<16xf32>
        %mul3A_1599 = arith.mulf %sub3A_1595, %sub3A_1595 : vector<16xf32>
        %add3A_1600 = arith.addf %add3A_1598, %mul3A_1599 : vector<16xf32>
        %mul3A_1601 = arith.mulf %add3A_1592, %get3A_22 : vector<16xf32>
        %exp3A = math.exp %mul3A_1601 : vector<16xf32>
        %mul3A_1602 = arith.mulf %exp3A, %get3A_1584 : vector<16xf32>
        %add3A_1603 = arith.addf %scan3A_1563, %mul3A_1602 : vector<16xf32>
        %mul3A_1604 = arith.mulf %add3A_1592, %get3A_25 : vector<16xf32>
        %exp3A_1605 = math.exp %mul3A_1604 : vector<16xf32>
        %mul3A_1606 = arith.mulf %exp3A_1605, %get3A_1584 : vector<16xf32>
        %add3A_1607 = arith.addf %scan3A_1564, %mul3A_1606 : vector<16xf32>
        %mul3A_1608 = arith.mulf %add3A_1592, %get3A_28 : vector<16xf32>
        %exp3A_1609 = math.exp %mul3A_1608 : vector<16xf32>
        %mul3A_1610 = arith.mulf %exp3A_1609, %get3A_1584 : vector<16xf32>
        %add3A_1611 = arith.addf %scan3A_1565, %mul3A_1610 : vector<16xf32>
        %mul3A_1612 = arith.mulf %add3A_1592, %get3A_31 : vector<16xf32>
        %exp3A_1613 = math.exp %mul3A_1612 : vector<16xf32>
        %mul3A_1614 = arith.mulf %exp3A_1613, %get3A_1584 : vector<16xf32>
        %add3A_1615 = arith.addf %scan3A_1566, %mul3A_1614 : vector<16xf32>
        %mul3A_1616 = arith.mulf %add3A_1600, %get3A_22 : vector<16xf32>
        %exp3A_1617 = math.exp %mul3A_1616 : vector<16xf32>
        %mul3A_1618 = arith.mulf %exp3A_1617, %get3A_1584 : vector<16xf32>
        %add3A_1619 = arith.addf %scan3A_1567, %mul3A_1618 : vector<16xf32>
        %mul3A_1620 = arith.mulf %add3A_1600, %get3A_25 : vector<16xf32>
        %exp3A_1621 = math.exp %mul3A_1620 : vector<16xf32>
        %mul3A_1622 = arith.mulf %exp3A_1621, %get3A_1584 : vector<16xf32>
        %add3A_1623 = arith.addf %scan3A_1568, %mul3A_1622 : vector<16xf32>
        %mul3A_1624 = arith.mulf %add3A_1600, %get3A_28 : vector<16xf32>
        %exp3A_1625 = math.exp %mul3A_1624 : vector<16xf32>
        %mul3A_1626 = arith.mulf %exp3A_1625, %get3A_1584 : vector<16xf32>
        %add3A_1627 = arith.addf %scan3A_1569, %mul3A_1626 : vector<16xf32>
        %mul3A_1628 = arith.mulf %add3A_1600, %get3A_31 : vector<16xf32>
        %exp3A_1629 = math.exp %mul3A_1628 : vector<16xf32>
        %mul3A_1630 = arith.mulf %exp3A_1629, %get3A_1584 : vector<16xf32>
        %add3A_1631 = arith.addf %scan3A_1570, %mul3A_1630 : vector<16xf32>
        %scan3A_1632 = arith.constant 1 : i32
        %scan3A_1633 = arith.addi %scan3A_1562, %scan3A_1632 : i32
        %mul3A_1634 = arith.constant 16 : i32
        %mul3A_1635 = arith.muli %scan3A_1633, %mul3A_1634 : i32
        %get3A_1636 = arith.index_cast %mul3A_1635 : i32 to index
        %get3A_1637 = tpu.vector_load %arg11[%get3A_1636] {strides = array<i32>} : memref<384xf32, #tpu.memory_space<vmem>>, vector<16xf32>,
        %get3A_1638 = vector.shape_cast %get3A_1637 : vector<16xf32> to vector<16xf32>
        %get3A_1639 = arith.index_cast %mul3A_1635 : i32 to index
        %get3A_1640 = tpu.vector_load %arg12[%get3A_1639] {strides = array<i32>} : memref<384xf32, #tpu.memory_space<vmem>>, vector<16xf32>,
        %get3A_1641 = vector.shape_cast %get3A_1640 : vector<16xf32> to vector<16xf32>
        %get3A_1642 = arith.index_cast %mul3A_1635 : i32 to index
        %get3A_1643 = tpu.vector_load %arg13[%get3A_1642] {strides = array<i32>} : memref<384xf32, #tpu.memory_space<vmem>>, vector<16xf32>,
        %get3A_1644 = vector.shape_cast %get3A_1643 : vector<16xf32> to vector<16xf32>
        %get3A_1645 = arith.index_cast %mul3A_1635 : i32 to index
        %get3A_1646 = tpu.vector_load %arg14[%get3A_1645] {strides = array<i32>} : memref<384xf32, #tpu.memory_space<vmem>>, vector<16xf32>,
        %get3A_1647 = vector.shape_cast %get3A_1646 : vector<16xf32> to vector<16xf32>
        %sub3A_1648 = arith.subf %broadcast_in_dim3A_79, %get3A_1638 : vector<16xf32>
        %sub3A_1649 = arith.subf %broadcast_in_dim3A_82, %get3A_1641 : vector<16xf32>
        %sub3A_1650 = arith.subf %broadcast_in_dim3A_85, %get3A_1644 : vector<16xf32>
        %mul3A_1651 = arith.mulf %sub3A_1648, %sub3A_1648 : vector<16xf32>
        %mul3A_1652 = arith.mulf %sub3A_1649, %sub3A_1649 : vector<16xf32>
        %add3A_1653 = arith.addf %mul3A_1651, %mul3A_1652 : vector<16xf32>
        %mul3A_1654 = arith.mulf %sub3A_1650, %sub3A_1650 : vector<16xf32>
        %add3A_1655 = arith.addf %add3A_1653, %mul3A_1654 : vector<16xf32>
        %sub3A_1656 = arith.subf %broadcast_in_dim3A_88, %get3A_1638 : vector<16xf32>
        %sub3A_1657 = arith.subf %broadcast_in_dim3A_91, %get3A_1641 : vector<16xf32>
        %sub3A_1658 = arith.subf %broadcast_in_dim3A_94, %get3A_1644 : vector<16xf32>
        %mul3A_1659 = arith.mulf %sub3A_1656, %sub3A_1656 : vector<16xf32>
        %mul3A_1660 = arith.mulf %sub3A_1657, %sub3A_1657 : vector<16xf32>
        %add3A_1661 = arith.addf %mul3A_1659, %mul3A_1660 : vector<16xf32>
        %mul3A_1662 = arith.mulf %sub3A_1658, %sub3A_1658 : vector<16xf32>
        %add3A_1663 = arith.addf %add3A_1661, %mul3A_1662 : vector<16xf32>
        %mul3A_1664 = arith.mulf %add3A_1655, %get3A_22 : vector<16xf32>
        %exp3A_1665 = math.exp %mul3A_1664 : vector<16xf32>
        %mul3A_1666 = arith.mulf %exp3A_1665, %get3A_1647 : vector<16xf32>
        %add3A_1667 = arith.addf %add3A_1603, %mul3A_1666 : vector<16xf32>
        %mul3A_1668 = arith.mulf %add3A_1655, %get3A_25 : vector<16xf32>
        %exp3A_1669 = math.exp %mul3A_1668 : vector<16xf32>
        %mul3A_1670 = arith.mulf %exp3A_1669, %get3A_1647 : vector<16xf32>
        %add3A_1671 = arith.addf %add3A_1607, %mul3A_1670 : vector<16xf32>
        %mul3A_1672 = arith.mulf %add3A_1655, %get3A_28 : vector<16xf32>
        %exp3A_1673 = math.exp %mul3A_1672 : vector<16xf32>
        %mul3A_1674 = arith.mulf %exp3A_1673, %get3A_1647 : vector<16xf32>
        %add3A_1675 = arith.addf %add3A_1611, %mul3A_1674 : vector<16xf32>
        %mul3A_1676 = arith.mulf %add3A_1655, %get3A_31 : vector<16xf32>
        %exp3A_1677 = math.exp %mul3A_1676 : vector<16xf32>
        %mul3A_1678 = arith.mulf %exp3A_1677, %get3A_1647 : vector<16xf32>
        %add3A_1679 = arith.addf %add3A_1615, %mul3A_1678 : vector<16xf32>
        %mul3A_1680 = arith.mulf %add3A_1663, %get3A_22 : vector<16xf32>
        %exp3A_1681 = math.exp %mul3A_1680 : vector<16xf32>
        %mul3A_1682 = arith.mulf %exp3A_1681, %get3A_1647 : vector<16xf32>
        %add3A_1683 = arith.addf %add3A_1619, %mul3A_1682 : vector<16xf32>
        %mul3A_1684 = arith.mulf %add3A_1663, %get3A_25 : vector<16xf32>
        %exp3A_1685 = math.exp %mul3A_1684 : vector<16xf32>
        %mul3A_1686 = arith.mulf %exp3A_1685, %get3A_1647 : vector<16xf32>
        %add3A_1687 = arith.addf %add3A_1623, %mul3A_1686 : vector<16xf32>
        %mul3A_1688 = arith.mulf %add3A_1663, %get3A_28 : vector<16xf32>
        %exp3A_1689 = math.exp %mul3A_1688 : vector<16xf32>
        %mul3A_1690 = arith.mulf %exp3A_1689, %get3A_1647 : vector<16xf32>
        %add3A_1691 = arith.addf %add3A_1627, %mul3A_1690 : vector<16xf32>
        %mul3A_1692 = arith.mulf %add3A_1663, %get3A_31 : vector<16xf32>
        %exp3A_1693 = math.exp %mul3A_1692 : vector<16xf32>
        %mul3A_1694 = arith.mulf %exp3A_1693, %get3A_1647 : vector<16xf32>
        %add3A_1695 = arith.addf %add3A_1631, %mul3A_1694 : vector<16xf32>
        scf.yield %add3A_1667, %add3A_1671, %add3A_1675, %add3A_1679, %add3A_1683, %add3A_1687, %add3A_1691, %add3A_1695 : vector<16xf32>, vector<16xf32>, vector<16xf32>, vector<16xf32>, vector<16xf32>, vector<16xf32>, vector<16xf32>, vector<16xf32>
      }
      %scan3A_116 = arith.constant 24 : i32
      %eq3A = arith.constant 0 : i32
      %eq3A_117 = vector.broadcast %eq3A : i32 to vector<16xi32>
      %eq3A_118 = arith.cmpi eq, %iota3A, %eq3A_117 : vector<16xi32>
      %eq3A_119 = arith.constant 1 : i32
      %eq3A_120 = vector.broadcast %eq3A_119 : i32 to vector<16xi32>
      %eq3A_121 = arith.cmpi eq, %iota3A, %eq3A_120 : vector<16xi32>
      %broadcast_in_dim3A_122 = vector.shape_cast %xor3A_33 : vector<16xi32> to vector<16x1xi32>
      %gather3A = vector.shape_cast %broadcast_in_dim3A_122 : vector<16x1xi32> to vector<16xi32>
      %gather3A_123 = tpu.dynamic_gather %scan3A_115#0[%gather3A] in [0] : vector<16xf32>, vector<16xi32> -> vector<16xf32>
      %add3A_124 = arith.addf %scan3A_115#0, %gather3A_123 : vector<16xf32>
      %broadcast_in_dim3A_125 = vector.shape_cast %xor3A_33 : vector<16xi32> to vector<16x1xi32>
      %gather3A_126 = vector.shape_cast %broadcast_in_dim3A_125 : vector<16x1xi32> to vector<16xi32>
      %gather3A_127 = tpu.dynamic_gather %scan3A_115#4[%gather3A_126] in [0] : vector<16xf32>, vector<16xi32> -> vector<16xf32>
      %add3A_128 = arith.addf %scan3A_115#4, %gather3A_127 : vector<16xf32>
      %broadcast_in_dim3A_129 = vector.shape_cast %xor3A_36 : vector<16xi32> to vector<16x1xi32>
      %gather3A_130 = vector.shape_cast %broadcast_in_dim3A_129 : vector<16x1xi32> to vector<16xi32>
      %gather3A_131 = tpu.dynamic_gather %add3A_124[%gather3A_130] in [0] : vector<16xf32>, vector<16xi32> -> vector<16xf32>
      %add3A_132 = arith.addf %add3A_124, %gather3A_131 : vector<16xf32>
      %broadcast_in_dim3A_133 = vector.shape_cast %xor3A_36 : vector<16xi32> to vector<16x1xi32>
      %gather3A_134 = vector.shape_cast %broadcast_in_dim3A_133 : vector<16x1xi32> to vector<16xi32>
      %gather3A_135 = tpu.dynamic_gather %add3A_128[%gather3A_134] in [0] : vector<16xf32>, vector<16xi32> -> vector<16xf32>
      %add3A_136 = arith.addf %add3A_128, %gather3A_135 : vector<16xf32>
      %broadcast_in_dim3A_137 = vector.shape_cast %xor3A_39 : vector<16xi32> to vector<16x1xi32>
      %gather3A_138 = vector.shape_cast %broadcast_in_dim3A_137 : vector<16x1xi32> to vector<16xi32>
      %gather3A_139 = tpu.dynamic_gather %add3A_132[%gather3A_138] in [0] : vector<16xf32>, vector<16xi32> -> vector<16xf32>
      %add3A_140 = arith.addf %add3A_132, %gather3A_139 : vector<16xf32>
      %broadcast_in_dim3A_141 = vector.shape_cast %xor3A_39 : vector<16xi32> to vector<16x1xi32>
      %gather3A_142 = vector.shape_cast %broadcast_in_dim3A_141 : vector<16x1xi32> to vector<16xi32>
      %gather3A_143 = tpu.dynamic_gather %add3A_136[%gather3A_142] in [0] : vector<16xf32>, vector<16xi32> -> vector<16xf32>
      %add3A_144 = arith.addf %add3A_136, %gather3A_143 : vector<16xf32>
      %broadcast_in_dim3A_145 = vector.shape_cast %xor3A_42 : vector<16xi32> to vector<16x1xi32>
      %gather3A_146 = vector.shape_cast %broadcast_in_dim3A_145 : vector<16x1xi32> to vector<16xi32>
      %gather3A_147 = tpu.dynamic_gather %add3A_140[%gather3A_146] in [0] : vector<16xf32>, vector<16xi32> -> vector<16xf32>
      %add3A_148 = arith.addf %add3A_140, %gather3A_147 : vector<16xf32>
      %broadcast_in_dim3A_149 = vector.shape_cast %xor3A_42 : vector<16xi32> to vector<16x1xi32>
      %gather3A_150 = vector.shape_cast %broadcast_in_dim3A_149 : vector<16x1xi32> to vector<16xi32>
      %gather3A_151 = tpu.dynamic_gather %add3A_144[%gather3A_150] in [0] : vector<16xf32>, vector<16xi32> -> vector<16xf32>
      %add3A_152 = arith.addf %add3A_144, %gather3A_151 : vector<16xf32>
      %select_n3A_153 = arith.select %eq3A_118, %add3A_148, %broadcast_in_dim3A_72 : vector<16xi1>, vector<16xf32>
      %select_n3A_154 = arith.select %eq3A_121, %add3A_152, %select_n3A_153 : vector<16xi1>, vector<16xf32>
      %broadcast_in_dim3A_155 = vector.shape_cast %xor3A_33 : vector<16xi32> to vector<16x1xi32>
      %gather3A_156 = vector.shape_cast %broadcast_in_dim3A_155 : vector<16x1xi32> to vector<16xi32>
      %gather3A_157 = tpu.dynamic_gather %scan3A_115#1[%gather3A_156] in [0] : vector<16xf32>, vector<16xi32> -> vector<16xf32>
      %add3A_158 = arith.addf %scan3A_115#1, %gather3A_157 : vector<16xf32>
      %broadcast_in_dim3A_159 = vector.shape_cast %xor3A_33 : vector<16xi32> to vector<16x1xi32>
      %gather3A_160 = vector.shape_cast %broadcast_in_dim3A_159 : vector<16x1xi32> to vector<16xi32>
      %gather3A_161 = tpu.dynamic_gather %scan3A_115#5[%gather3A_160] in [0] : vector<16xf32>, vector<16xi32> -> vector<16xf32>
      %add3A_162 = arith.addf %scan3A_115#5, %gather3A_161 : vector<16xf32>
      %broadcast_in_dim3A_163 = vector.shape_cast %xor3A_36 : vector<16xi32> to vector<16x1xi32>
      %gather3A_164 = vector.shape_cast %broadcast_in_dim3A_163 : vector<16x1xi32> to vector<16xi32>
      %gather3A_165 = tpu.dynamic_gather %add3A_158[%gather3A_164] in [0] : vector<16xf32>, vector<16xi32> -> vector<16xf32>
      %add3A_166 = arith.addf %add3A_158, %gather3A_165 : vector<16xf32>
      %broadcast_in_dim3A_167 = vector.shape_cast %xor3A_36 : vector<16xi32> to vector<16x1xi32>
      %gather3A_168 = vector.shape_cast %broadcast_in_dim3A_167 : vector<16x1xi32> to vector<16xi32>
      %gather3A_169 = tpu.dynamic_gather %add3A_162[%gather3A_168] in [0] : vector<16xf32>, vector<16xi32> -> vector<16xf32>
      %add3A_170 = arith.addf %add3A_162, %gather3A_169 : vector<16xf32>
      %broadcast_in_dim3A_171 = vector.shape_cast %xor3A_39 : vector<16xi32> to vector<16x1xi32>
      %gather3A_172 = vector.shape_cast %broadcast_in_dim3A_171 : vector<16x1xi32> to vector<16xi32>
      %gather3A_173 = tpu.dynamic_gather %add3A_166[%gather3A_172] in [0] : vector<16xf32>, vector<16xi32> -> vector<16xf32>
      %add3A_174 = arith.addf %add3A_166, %gather3A_173 : vector<16xf32>
      %broadcast_in_dim3A_175 = vector.shape_cast %xor3A_39 : vector<16xi32> to vector<16x1xi32>
      %gather3A_176 = vector.shape_cast %broadcast_in_dim3A_175 : vector<16x1xi32> to vector<16xi32>
      %gather3A_177 = tpu.dynamic_gather %add3A_170[%gather3A_176] in [0] : vector<16xf32>, vector<16xi32> -> vector<16xf32>
      %add3A_178 = arith.addf %add3A_170, %gather3A_177 : vector<16xf32>
      %broadcast_in_dim3A_179 = vector.shape_cast %xor3A_42 : vector<16xi32> to vector<16x1xi32>
      %gather3A_180 = vector.shape_cast %broadcast_in_dim3A_179 : vector<16x1xi32> to vector<16xi32>
      %gather3A_181 = tpu.dynamic_gather %add3A_174[%gather3A_180] in [0] : vector<16xf32>, vector<16xi32> -> vector<16xf32>
      %add3A_182 = arith.addf %add3A_174, %gather3A_181 : vector<16xf32>
      %broadcast_in_dim3A_183 = vector.shape_cast %xor3A_42 : vector<16xi32> to vector<16x1xi32>
      %gather3A_184 = vector.shape_cast %broadcast_in_dim3A_183 : vector<16x1xi32> to vector<16xi32>
      %gather3A_185 = tpu.dynamic_gather %add3A_178[%gather3A_184] in [0] : vector<16xf32>, vector<16xi32> -> vector<16xf32>
      %add3A_186 = arith.addf %add3A_178, %gather3A_185 : vector<16xf32>
      %select_n3A_187 = arith.select %eq3A_118, %add3A_182, %broadcast_in_dim3A_74 : vector<16xi1>, vector<16xf32>
      %select_n3A_188 = arith.select %eq3A_121, %add3A_186, %select_n3A_187 : vector<16xi1>, vector<16xf32>
      %broadcast_in_dim3A_189 = vector.shape_cast %xor3A_33 : vector<16xi32> to vector<16x1xi32>
      %gather3A_190 = vector.shape_cast %broadcast_in_dim3A_189 : vector<16x1xi32> to vector<16xi32>
      %gather3A_191 = tpu.dynamic_gather %scan3A_115#2[%gather3A_190] in [0] : vector<16xf32>, vector<16xi32> -> vector<16xf32>
      %add3A_192 = arith.addf %scan3A_115#2, %gather3A_191 : vector<16xf32>
      %broadcast_in_dim3A_193 = vector.shape_cast %xor3A_33 : vector<16xi32> to vector<16x1xi32>
      %gather3A_194 = vector.shape_cast %broadcast_in_dim3A_193 : vector<16x1xi32> to vector<16xi32>
      %gather3A_195 = tpu.dynamic_gather %scan3A_115#6[%gather3A_194] in [0] : vector<16xf32>, vector<16xi32> -> vector<16xf32>
      %add3A_196 = arith.addf %scan3A_115#6, %gather3A_195 : vector<16xf32>
      %broadcast_in_dim3A_197 = vector.shape_cast %xor3A_36 : vector<16xi32> to vector<16x1xi32>
      %gather3A_198 = vector.shape_cast %broadcast_in_dim3A_197 : vector<16x1xi32> to vector<16xi32>
      %gather3A_199 = tpu.dynamic_gather %add3A_192[%gather3A_198] in [0] : vector<16xf32>, vector<16xi32> -> vector<16xf32>
      %add3A_200 = arith.addf %add3A_192, %gather3A_199 : vector<16xf32>
      %broadcast_in_dim3A_201 = vector.shape_cast %xor3A_36 : vector<16xi32> to vector<16x1xi32>
      %gather3A_202 = vector.shape_cast %broadcast_in_dim3A_201 : vector<16x1xi32> to vector<16xi32>
      %gather3A_203 = tpu.dynamic_gather %add3A_196[%gather3A_202] in [0] : vector<16xf32>, vector<16xi32> -> vector<16xf32>
      %add3A_204 = arith.addf %add3A_196, %gather3A_203 : vector<16xf32>
      %broadcast_in_dim3A_205 = vector.shape_cast %xor3A_39 : vector<16xi32> to vector<16x1xi32>
      %gather3A_206 = vector.shape_cast %broadcast_in_dim3A_205 : vector<16x1xi32> to vector<16xi32>
      %gather3A_207 = tpu.dynamic_gather %add3A_200[%gather3A_206] in [0] : vector<16xf32>, vector<16xi32> -> vector<16xf32>
      %add3A_208 = arith.addf %add3A_200, %gather3A_207 : vector<16xf32>
      %broadcast_in_dim3A_209 = vector.shape_cast %xor3A_39 : vector<16xi32> to vector<16x1xi32>
      %gather3A_210 = vector.shape_cast %broadcast_in_dim3A_209 : vector<16x1xi32> to vector<16xi32>
      %gather3A_211 = tpu.dynamic_gather %add3A_204[%gather3A_210] in [0] : vector<16xf32>, vector<16xi32> -> vector<16xf32>
      %add3A_212 = arith.addf %add3A_204, %gather3A_211 : vector<16xf32>
      %broadcast_in_dim3A_213 = vector.shape_cast %xor3A_42 : vector<16xi32> to vector<16x1xi32>
      %gather3A_214 = vector.shape_cast %broadcast_in_dim3A_213 : vector<16x1xi32> to vector<16xi32>
      %gather3A_215 = tpu.dynamic_gather %add3A_208[%gather3A_214] in [0] : vector<16xf32>, vector<16xi32> -> vector<16xf32>
      %add3A_216 = arith.addf %add3A_208, %gather3A_215 : vector<16xf32>
      %broadcast_in_dim3A_217 = vector.shape_cast %xor3A_42 : vector<16xi32> to vector<16x1xi32>
      %gather3A_218 = vector.shape_cast %broadcast_in_dim3A_217 : vector<16x1xi32> to vector<16xi32>
      %gather3A_219 = tpu.dynamic_gather %add3A_212[%gather3A_218] in [0] : vector<16xf32>, vector<16xi32> -> vector<16xf32>
      %add3A_220 = arith.addf %add3A_212, %gather3A_219 : vector<16xf32>
      %select_n3A_221 = arith.select %eq3A_118, %add3A_216, %broadcast_in_dim3A_76 : vector<16xi1>, vector<16xf32>
      %select_n3A_222 = arith.select %eq3A_121, %add3A_220, %select_n3A_221 : vector<16xi1>, vector<16xf32>
      %broadcast_in_dim3A_223 = vector.shape_cast %xor3A_33 : vector<16xi32> to vector<16x1xi32>
      %gather3A_224 = vector.shape_cast %broadcast_in_dim3A_223 : vector<16x1xi32> to vector<16xi32>
      %gather3A_225 = tpu.dynamic_gather %scan3A_115#3[%gather3A_224] in [0] : vector<16xf32>, vector<16xi32> -> vector<16xf32>
      %add3A_226 = arith.addf %scan3A_115#3, %gather3A_225 : vector<16xf32>
      %broadcast_in_dim3A_227 = vector.shape_cast %xor3A_33 : vector<16xi32> to vector<16x1xi32>
      %gather3A_228 = vector.shape_cast %broadcast_in_dim3A_227 : vector<16x1xi32> to vector<16xi32>
      %gather3A_229 = tpu.dynamic_gather %scan3A_115#7[%gather3A_228] in [0] : vector<16xf32>, vector<16xi32> -> vector<16xf32>
      %add3A_230 = arith.addf %scan3A_115#7, %gather3A_229 : vector<16xf32>
      %broadcast_in_dim3A_231 = vector.shape_cast %xor3A_36 : vector<16xi32> to vector<16x1xi32>
      %gather3A_232 = vector.shape_cast %broadcast_in_dim3A_231 : vector<16x1xi32> to vector<16xi32>
      %gather3A_233 = tpu.dynamic_gather %add3A_226[%gather3A_232] in [0] : vector<16xf32>, vector<16xi32> -> vector<16xf32>
      %add3A_234 = arith.addf %add3A_226, %gather3A_233 : vector<16xf32>
      %broadcast_in_dim3A_235 = vector.shape_cast %xor3A_36 : vector<16xi32> to vector<16x1xi32>
      %gather3A_236 = vector.shape_cast %broadcast_in_dim3A_235 : vector<16x1xi32> to vector<16xi32>
      %gather3A_237 = tpu.dynamic_gather %add3A_230[%gather3A_236] in [0] : vector<16xf32>, vector<16xi32> -> vector<16xf32>
      %add3A_238 = arith.addf %add3A_230, %gather3A_237 : vector<16xf32>
      %broadcast_in_dim3A_239 = vector.shape_cast %xor3A_39 : vector<16xi32> to vector<16x1xi32>
      %gather3A_240 = vector.shape_cast %broadcast_in_dim3A_239 : vector<16x1xi32> to vector<16xi32>
      %gather3A_241 = tpu.dynamic_gather %add3A_234[%gather3A_240] in [0] : vector<16xf32>, vector<16xi32> -> vector<16xf32>
      %add3A_242 = arith.addf %add3A_234, %gather3A_241 : vector<16xf32>
      %broadcast_in_dim3A_243 = vector.shape_cast %xor3A_39 : vector<16xi32> to vector<16x1xi32>
      %gather3A_244 = vector.shape_cast %broadcast_in_dim3A_243 : vector<16x1xi32> to vector<16xi32>
      %gather3A_245 = tpu.dynamic_gather %add3A_238[%gather3A_244] in [0] : vector<16xf32>, vector<16xi32> -> vector<16xf32>
      %add3A_246 = arith.addf %add3A_238, %gather3A_245 : vector<16xf32>
      %broadcast_in_dim3A_247 = vector.shape_cast %xor3A_42 : vector<16xi32> to vector<16x1xi32>
      %gather3A_248 = vector.shape_cast %broadcast_in_dim3A_247 : vector<16x1xi32> to vector<16xi32>
      %gather3A_249 = tpu.dynamic_gather %add3A_242[%gather3A_248] in [0] : vector<16xf32>, vector<16xi32> -> vector<16xf32>
      %add3A_250 = arith.addf %add3A_242, %gather3A_249 : vector<16xf32>
      %broadcast_in_dim3A_251 = vector.shape_cast %xor3A_42 : vector<16xi32> to vector<16x1xi32>
      %gather3A_252 = vector.shape_cast %broadcast_in_dim3A_251 : vector<16x1xi32> to vector<16xi32>
      %gather3A_253 = tpu.dynamic_gather %add3A_246[%gather3A_252] in [0] : vector<16xf32>, vector<16xi32> -> vector<16xf32>
      %add3A_254 = arith.addf %add3A_246, %gather3A_253 : vector<16xf32>
      %select_n3A_255 = arith.select %eq3A_118, %add3A_250, %broadcast_in_dim3A_78 : vector<16xi1>, vector<16xf32>
      %select_n3A_256 = arith.select %eq3A_121, %add3A_254, %select_n3A_255 : vector<16xi1>, vector<16xf32>
      %slice3A_257 = vector.extract_strided_slice %get3A_61 {offsets = [2], sizes = [1], strides = [1]} : vector<16xf32> to vector<1xf32>
      %squeeze3A_258 = vector.extract %slice3A_257[0] : f32 from vector<1xf32>
      %broadcast_in_dim3A_259 = vector.broadcast %squeeze3A_258 : f32 to vector<16xf32>
      %slice3A_260 = vector.extract_strided_slice %get3A_66 {offsets = [2], sizes = [1], strides = [1]} : vector<16xf32> to vector<1xf32>
      %squeeze3A_261 = vector.extract %slice3A_260[0] : f32 from vector<1xf32>
      %broadcast_in_dim3A_262 = vector.broadcast %squeeze3A_261 : f32 to vector<16xf32>
      %slice3A_263 = vector.extract_strided_slice %get3A_71 {offsets = [2], sizes = [1], strides = [1]} : vector<16xf32> to vector<1xf32>
      %squeeze3A_264 = vector.extract %slice3A_263[0] : f32 from vector<1xf32>
      %broadcast_in_dim3A_265 = vector.broadcast %squeeze3A_264 : f32 to vector<16xf32>
      %slice3A_266 = vector.extract_strided_slice %get3A_61 {offsets = [3], sizes = [1], strides = [1]} : vector<16xf32> to vector<1xf32>
      %squeeze3A_267 = vector.extract %slice3A_266[0] : f32 from vector<1xf32>
      %broadcast_in_dim3A_268 = vector.broadcast %squeeze3A_267 : f32 to vector<16xf32>
      %slice3A_269 = vector.extract_strided_slice %get3A_66 {offsets = [3], sizes = [1], strides = [1]} : vector<16xf32> to vector<1xf32>
      %squeeze3A_270 = vector.extract %slice3A_269[0] : f32 from vector<1xf32>
      %broadcast_in_dim3A_271 = vector.broadcast %squeeze3A_270 : f32 to vector<16xf32>
      %slice3A_272 = vector.extract_strided_slice %get3A_71 {offsets = [3], sizes = [1], strides = [1]} : vector<16xf32> to vector<1xf32>
      %squeeze3A_273 = vector.extract %slice3A_272[0] : f32 from vector<1xf32>
      %broadcast_in_dim3A_274 = vector.broadcast %squeeze3A_273 : f32 to vector<16xf32>
      %broadcast_in_dim3A_275 = arith.constant 0.000000e+00 : f32
      %broadcast_in_dim3A_276 = vector.broadcast %broadcast_in_dim3A_275 : f32 to vector<16xf32>
      %broadcast_in_dim3A_277 = arith.constant 0.000000e+00 : f32
      %broadcast_in_dim3A_278 = vector.broadcast %broadcast_in_dim3A_277 : f32 to vector<16xf32>
      %broadcast_in_dim3A_279 = arith.constant 0.000000e+00 : f32
      %broadcast_in_dim3A_280 = vector.broadcast %broadcast_in_dim3A_279 : f32 to vector<16xf32>
      %broadcast_in_dim3A_281 = arith.constant 0.000000e+00 : f32
      %broadcast_in_dim3A_282 = vector.broadcast %broadcast_in_dim3A_281 : f32 to vector<16xf32>
      %broadcast_in_dim3A_283 = arith.constant 0.000000e+00 : f32
      %broadcast_in_dim3A_284 = vector.broadcast %broadcast_in_dim3A_283 : f32 to vector<16xf32>
      %broadcast_in_dim3A_285 = arith.constant 0.000000e+00 : f32
      %broadcast_in_dim3A_286 = vector.broadcast %broadcast_in_dim3A_285 : f32 to vector<16xf32>
      %broadcast_in_dim3A_287 = arith.constant 0.000000e+00 : f32
      %broadcast_in_dim3A_288 = vector.broadcast %broadcast_in_dim3A_287 : f32 to vector<16xf32>
      %broadcast_in_dim3A_289 = arith.constant 0.000000e+00 : f32
      %broadcast_in_dim3A_290 = vector.broadcast %broadcast_in_dim3A_289 : f32 to vector<16xf32>
      %scan3A_291 = arith.constant 0 : i32
      %scan3A_292 = arith.constant 24 : i32
      %scan3A_293 = arith.addi %scan3A_291, %scan3A_292 : i32
      %scan3A_294 = arith.constant 2 : i32
      %scan3A_295:8 = scf.for %scan3A_1562 = %scan3A_291 to %scan3A_293 step %scan3A_294 iter_args(%scan3A_1563 = %broadcast_in_dim3A_276, %scan3A_1564 = %broadcast_in_dim3A_278, %scan3A_1565 = %broadcast_in_dim3A_280, %scan3A_1566 = %broadcast_in_dim3A_282, %scan3A_1567 = %broadcast_in_dim3A_284, %scan3A_1568 = %broadcast_in_dim3A_286, %scan3A_1569 = %broadcast_in_dim3A_288, %scan3A_1570 = %broadcast_in_dim3A_290) -> (vector<16xf32>, vector<16xf32>, vector<16xf32>, vector<16xf32>, vector<16xf32>, vector<16xf32>, vector<16xf32>, vector<16xf32>)  : i32 {
        %mul3A_1571 = arith.constant 16 : i32
        %mul3A_1572 = arith.muli %scan3A_1562, %mul3A_1571 : i32
        %get3A_1573 = arith.index_cast %mul3A_1572 : i32 to index
        %get3A_1574 = tpu.vector_load %arg11[%get3A_1573] {strides = array<i32>} : memref<384xf32, #tpu.memory_space<vmem>>, vector<16xf32>,
        %get3A_1575 = vector.shape_cast %get3A_1574 : vector<16xf32> to vector<16xf32>
        %get3A_1576 = arith.index_cast %mul3A_1572 : i32 to index
        %get3A_1577 = tpu.vector_load %arg12[%get3A_1576] {strides = array<i32>} : memref<384xf32, #tpu.memory_space<vmem>>, vector<16xf32>,
        %get3A_1578 = vector.shape_cast %get3A_1577 : vector<16xf32> to vector<16xf32>
        %get3A_1579 = arith.index_cast %mul3A_1572 : i32 to index
        %get3A_1580 = tpu.vector_load %arg13[%get3A_1579] {strides = array<i32>} : memref<384xf32, #tpu.memory_space<vmem>>, vector<16xf32>,
        %get3A_1581 = vector.shape_cast %get3A_1580 : vector<16xf32> to vector<16xf32>
        %get3A_1582 = arith.index_cast %mul3A_1572 : i32 to index
        %get3A_1583 = tpu.vector_load %arg14[%get3A_1582] {strides = array<i32>} : memref<384xf32, #tpu.memory_space<vmem>>, vector<16xf32>,
        %get3A_1584 = vector.shape_cast %get3A_1583 : vector<16xf32> to vector<16xf32>
        %sub3A_1585 = arith.subf %broadcast_in_dim3A_259, %get3A_1575 : vector<16xf32>
        %sub3A_1586 = arith.subf %broadcast_in_dim3A_262, %get3A_1578 : vector<16xf32>
        %sub3A_1587 = arith.subf %broadcast_in_dim3A_265, %get3A_1581 : vector<16xf32>
        %mul3A_1588 = arith.mulf %sub3A_1585, %sub3A_1585 : vector<16xf32>
        %mul3A_1589 = arith.mulf %sub3A_1586, %sub3A_1586 : vector<16xf32>
        %add3A_1590 = arith.addf %mul3A_1588, %mul3A_1589 : vector<16xf32>
        %mul3A_1591 = arith.mulf %sub3A_1587, %sub3A_1587 : vector<16xf32>
        %add3A_1592 = arith.addf %add3A_1590, %mul3A_1591 : vector<16xf32>
        %sub3A_1593 = arith.subf %broadcast_in_dim3A_268, %get3A_1575 : vector<16xf32>
        %sub3A_1594 = arith.subf %broadcast_in_dim3A_271, %get3A_1578 : vector<16xf32>
        %sub3A_1595 = arith.subf %broadcast_in_dim3A_274, %get3A_1581 : vector<16xf32>
        %mul3A_1596 = arith.mulf %sub3A_1593, %sub3A_1593 : vector<16xf32>
        %mul3A_1597 = arith.mulf %sub3A_1594, %sub3A_1594 : vector<16xf32>
        %add3A_1598 = arith.addf %mul3A_1596, %mul3A_1597 : vector<16xf32>
        %mul3A_1599 = arith.mulf %sub3A_1595, %sub3A_1595 : vector<16xf32>
        %add3A_1600 = arith.addf %add3A_1598, %mul3A_1599 : vector<16xf32>
        %mul3A_1601 = arith.mulf %add3A_1592, %get3A_22 : vector<16xf32>
        %exp3A = math.exp %mul3A_1601 : vector<16xf32>
        %mul3A_1602 = arith.mulf %exp3A, %get3A_1584 : vector<16xf32>
        %add3A_1603 = arith.addf %scan3A_1563, %mul3A_1602 : vector<16xf32>
        %mul3A_1604 = arith.mulf %add3A_1592, %get3A_25 : vector<16xf32>
        %exp3A_1605 = math.exp %mul3A_1604 : vector<16xf32>
        %mul3A_1606 = arith.mulf %exp3A_1605, %get3A_1584 : vector<16xf32>
        %add3A_1607 = arith.addf %scan3A_1564, %mul3A_1606 : vector<16xf32>
        %mul3A_1608 = arith.mulf %add3A_1592, %get3A_28 : vector<16xf32>
        %exp3A_1609 = math.exp %mul3A_1608 : vector<16xf32>
        %mul3A_1610 = arith.mulf %exp3A_1609, %get3A_1584 : vector<16xf32>
        %add3A_1611 = arith.addf %scan3A_1565, %mul3A_1610 : vector<16xf32>
        %mul3A_1612 = arith.mulf %add3A_1592, %get3A_31 : vector<16xf32>
        %exp3A_1613 = math.exp %mul3A_1612 : vector<16xf32>
        %mul3A_1614 = arith.mulf %exp3A_1613, %get3A_1584 : vector<16xf32>
        %add3A_1615 = arith.addf %scan3A_1566, %mul3A_1614 : vector<16xf32>
        %mul3A_1616 = arith.mulf %add3A_1600, %get3A_22 : vector<16xf32>
        %exp3A_1617 = math.exp %mul3A_1616 : vector<16xf32>
        %mul3A_1618 = arith.mulf %exp3A_1617, %get3A_1584 : vector<16xf32>
        %add3A_1619 = arith.addf %scan3A_1567, %mul3A_1618 : vector<16xf32>
        %mul3A_1620 = arith.mulf %add3A_1600, %get3A_25 : vector<16xf32>
        %exp3A_1621 = math.exp %mul3A_1620 : vector<16xf32>
        %mul3A_1622 = arith.mulf %exp3A_1621, %get3A_1584 : vector<16xf32>
        %add3A_1623 = arith.addf %scan3A_1568, %mul3A_1622 : vector<16xf32>
        %mul3A_1624 = arith.mulf %add3A_1600, %get3A_28 : vector<16xf32>
        %exp3A_1625 = math.exp %mul3A_1624 : vector<16xf32>
        %mul3A_1626 = arith.mulf %exp3A_1625, %get3A_1584 : vector<16xf32>
        %add3A_1627 = arith.addf %scan3A_1569, %mul3A_1626 : vector<16xf32>
        %mul3A_1628 = arith.mulf %add3A_1600, %get3A_31 : vector<16xf32>
        %exp3A_1629 = math.exp %mul3A_1628 : vector<16xf32>
        %mul3A_1630 = arith.mulf %exp3A_1629, %get3A_1584 : vector<16xf32>
        %add3A_1631 = arith.addf %scan3A_1570, %mul3A_1630 : vector<16xf32>
        %scan3A_1632 = arith.constant 1 : i32
        %scan3A_1633 = arith.addi %scan3A_1562, %scan3A_1632 : i32
        %mul3A_1634 = arith.constant 16 : i32
        %mul3A_1635 = arith.muli %scan3A_1633, %mul3A_1634 : i32
        %get3A_1636 = arith.index_cast %mul3A_1635 : i32 to index
        %get3A_1637 = tpu.vector_load %arg11[%get3A_1636] {strides = array<i32>} : memref<384xf32, #tpu.memory_space<vmem>>, vector<16xf32>,
        %get3A_1638 = vector.shape_cast %get3A_1637 : vector<16xf32> to vector<16xf32>
        %get3A_1639 = arith.index_cast %mul3A_1635 : i32 to index
        %get3A_1640 = tpu.vector_load %arg12[%get3A_1639] {strides = array<i32>} : memref<384xf32, #tpu.memory_space<vmem>>, vector<16xf32>,
        %get3A_1641 = vector.shape_cast %get3A_1640 : vector<16xf32> to vector<16xf32>
        %get3A_1642 = arith.index_cast %mul3A_1635 : i32 to index
        %get3A_1643 = tpu.vector_load %arg13[%get3A_1642] {strides = array<i32>} : memref<384xf32, #tpu.memory_space<vmem>>, vector<16xf32>,
        %get3A_1644 = vector.shape_cast %get3A_1643 : vector<16xf32> to vector<16xf32>
        %get3A_1645 = arith.index_cast %mul3A_1635 : i32 to index
        %get3A_1646 = tpu.vector_load %arg14[%get3A_1645] {strides = array<i32>} : memref<384xf32, #tpu.memory_space<vmem>>, vector<16xf32>,
        %get3A_1647 = vector.shape_cast %get3A_1646 : vector<16xf32> to vector<16xf32>
        %sub3A_1648 = arith.subf %broadcast_in_dim3A_259, %get3A_1638 : vector<16xf32>
        %sub3A_1649 = arith.subf %broadcast_in_dim3A_262, %get3A_1641 : vector<16xf32>
        %sub3A_1650 = arith.subf %broadcast_in_dim3A_265, %get3A_1644 : vector<16xf32>
        %mul3A_1651 = arith.mulf %sub3A_1648, %sub3A_1648 : vector<16xf32>
        %mul3A_1652 = arith.mulf %sub3A_1649, %sub3A_1649 : vector<16xf32>
        %add3A_1653 = arith.addf %mul3A_1651, %mul3A_1652 : vector<16xf32>
        %mul3A_1654 = arith.mulf %sub3A_1650, %sub3A_1650 : vector<16xf32>
        %add3A_1655 = arith.addf %add3A_1653, %mul3A_1654 : vector<16xf32>
        %sub3A_1656 = arith.subf %broadcast_in_dim3A_268, %get3A_1638 : vector<16xf32>
        %sub3A_1657 = arith.subf %broadcast_in_dim3A_271, %get3A_1641 : vector<16xf32>
        %sub3A_1658 = arith.subf %broadcast_in_dim3A_274, %get3A_1644 : vector<16xf32>
        %mul3A_1659 = arith.mulf %sub3A_1656, %sub3A_1656 : vector<16xf32>
        %mul3A_1660 = arith.mulf %sub3A_1657, %sub3A_1657 : vector<16xf32>
        %add3A_1661 = arith.addf %mul3A_1659, %mul3A_1660 : vector<16xf32>
        %mul3A_1662 = arith.mulf %sub3A_1658, %sub3A_1658 : vector<16xf32>
        %add3A_1663 = arith.addf %add3A_1661, %mul3A_1662 : vector<16xf32>
        %mul3A_1664 = arith.mulf %add3A_1655, %get3A_22 : vector<16xf32>
        %exp3A_1665 = math.exp %mul3A_1664 : vector<16xf32>
        %mul3A_1666 = arith.mulf %exp3A_1665, %get3A_1647 : vector<16xf32>
        %add3A_1667 = arith.addf %add3A_1603, %mul3A_1666 : vector<16xf32>
        %mul3A_1668 = arith.mulf %add3A_1655, %get3A_25 : vector<16xf32>
        %exp3A_1669 = math.exp %mul3A_1668 : vector<16xf32>
        %mul3A_1670 = arith.mulf %exp3A_1669, %get3A_1647 : vector<16xf32>
        %add3A_1671 = arith.addf %add3A_1607, %mul3A_1670 : vector<16xf32>
        %mul3A_1672 = arith.mulf %add3A_1655, %get3A_28 : vector<16xf32>
        %exp3A_1673 = math.exp %mul3A_1672 : vector<16xf32>
        %mul3A_1674 = arith.mulf %exp3A_1673, %get3A_1647 : vector<16xf32>
        %add3A_1675 = arith.addf %add3A_1611, %mul3A_1674 : vector<16xf32>
        %mul3A_1676 = arith.mulf %add3A_1655, %get3A_31 : vector<16xf32>
        %exp3A_1677 = math.exp %mul3A_1676 : vector<16xf32>
        %mul3A_1678 = arith.mulf %exp3A_1677, %get3A_1647 : vector<16xf32>
        %add3A_1679 = arith.addf %add3A_1615, %mul3A_1678 : vector<16xf32>
        %mul3A_1680 = arith.mulf %add3A_1663, %get3A_22 : vector<16xf32>
        %exp3A_1681 = math.exp %mul3A_1680 : vector<16xf32>
        %mul3A_1682 = arith.mulf %exp3A_1681, %get3A_1647 : vector<16xf32>
        %add3A_1683 = arith.addf %add3A_1619, %mul3A_1682 : vector<16xf32>
        %mul3A_1684 = arith.mulf %add3A_1663, %get3A_25 : vector<16xf32>
        %exp3A_1685 = math.exp %mul3A_1684 : vector<16xf32>
        %mul3A_1686 = arith.mulf %exp3A_1685, %get3A_1647 : vector<16xf32>
        %add3A_1687 = arith.addf %add3A_1623, %mul3A_1686 : vector<16xf32>
        %mul3A_1688 = arith.mulf %add3A_1663, %get3A_28 : vector<16xf32>
        %exp3A_1689 = math.exp %mul3A_1688 : vector<16xf32>
        %mul3A_1690 = arith.mulf %exp3A_1689, %get3A_1647 : vector<16xf32>
        %add3A_1691 = arith.addf %add3A_1627, %mul3A_1690 : vector<16xf32>
        %mul3A_1692 = arith.mulf %add3A_1663, %get3A_31 : vector<16xf32>
        %exp3A_1693 = math.exp %mul3A_1692 : vector<16xf32>
        %mul3A_1694 = arith.mulf %exp3A_1693, %get3A_1647 : vector<16xf32>
        %add3A_1695 = arith.addf %add3A_1631, %mul3A_1694 : vector<16xf32>
        scf.yield %add3A_1667, %add3A_1671, %add3A_1675, %add3A_1679, %add3A_1683, %add3A_1687, %add3A_1691, %add3A_1695 : vector<16xf32>, vector<16xf32>, vector<16xf32>, vector<16xf32>, vector<16xf32>, vector<16xf32>, vector<16xf32>, vector<16xf32>
      }
      %scan3A_296 = arith.constant 24 : i32
      %eq3A_297 = arith.constant 2 : i32
      %eq3A_298 = vector.broadcast %eq3A_297 : i32 to vector<16xi32>
      %eq3A_299 = arith.cmpi eq, %iota3A, %eq3A_298 : vector<16xi32>
      %eq3A_300 = arith.constant 3 : i32
      %eq3A_301 = vector.broadcast %eq3A_300 : i32 to vector<16xi32>
      %eq3A_302 = arith.cmpi eq, %iota3A, %eq3A_301 : vector<16xi32>
      %broadcast_in_dim3A_303 = vector.shape_cast %xor3A_33 : vector<16xi32> to vector<16x1xi32>
      %gather3A_304 = vector.shape_cast %broadcast_in_dim3A_303 : vector<16x1xi32> to vector<16xi32>
      %gather3A_305 = tpu.dynamic_gather %scan3A_295#0[%gather3A_304] in [0] : vector<16xf32>, vector<16xi32> -> vector<16xf32>
      %add3A_306 = arith.addf %scan3A_295#0, %gather3A_305 : vector<16xf32>
      %broadcast_in_dim3A_307 = vector.shape_cast %xor3A_33 : vector<16xi32> to vector<16x1xi32>
      %gather3A_308 = vector.shape_cast %broadcast_in_dim3A_307 : vector<16x1xi32> to vector<16xi32>
      %gather3A_309 = tpu.dynamic_gather %scan3A_295#4[%gather3A_308] in [0] : vector<16xf32>, vector<16xi32> -> vector<16xf32>
      %add3A_310 = arith.addf %scan3A_295#4, %gather3A_309 : vector<16xf32>
      %broadcast_in_dim3A_311 = vector.shape_cast %xor3A_36 : vector<16xi32> to vector<16x1xi32>
      %gather3A_312 = vector.shape_cast %broadcast_in_dim3A_311 : vector<16x1xi32> to vector<16xi32>
      %gather3A_313 = tpu.dynamic_gather %add3A_306[%gather3A_312] in [0] : vector<16xf32>, vector<16xi32> -> vector<16xf32>
      %add3A_314 = arith.addf %add3A_306, %gather3A_313 : vector<16xf32>
      %broadcast_in_dim3A_315 = vector.shape_cast %xor3A_36 : vector<16xi32> to vector<16x1xi32>
      %gather3A_316 = vector.shape_cast %broadcast_in_dim3A_315 : vector<16x1xi32> to vector<16xi32>
      %gather3A_317 = tpu.dynamic_gather %add3A_310[%gather3A_316] in [0] : vector<16xf32>, vector<16xi32> -> vector<16xf32>
      %add3A_318 = arith.addf %add3A_310, %gather3A_317 : vector<16xf32>
      %broadcast_in_dim3A_319 = vector.shape_cast %xor3A_39 : vector<16xi32> to vector<16x1xi32>
      %gather3A_320 = vector.shape_cast %broadcast_in_dim3A_319 : vector<16x1xi32> to vector<16xi32>
      %gather3A_321 = tpu.dynamic_gather %add3A_314[%gather3A_320] in [0] : vector<16xf32>, vector<16xi32> -> vector<16xf32>
      %add3A_322 = arith.addf %add3A_314, %gather3A_321 : vector<16xf32>
      %broadcast_in_dim3A_323 = vector.shape_cast %xor3A_39 : vector<16xi32> to vector<16x1xi32>
      %gather3A_324 = vector.shape_cast %broadcast_in_dim3A_323 : vector<16x1xi32> to vector<16xi32>
      %gather3A_325 = tpu.dynamic_gather %add3A_318[%gather3A_324] in [0] : vector<16xf32>, vector<16xi32> -> vector<16xf32>
      %add3A_326 = arith.addf %add3A_318, %gather3A_325 : vector<16xf32>
      %broadcast_in_dim3A_327 = vector.shape_cast %xor3A_42 : vector<16xi32> to vector<16x1xi32>
      %gather3A_328 = vector.shape_cast %broadcast_in_dim3A_327 : vector<16x1xi32> to vector<16xi32>
      %gather3A_329 = tpu.dynamic_gather %add3A_322[%gather3A_328] in [0] : vector<16xf32>, vector<16xi32> -> vector<16xf32>
      %add3A_330 = arith.addf %add3A_322, %gather3A_329 : vector<16xf32>
      %broadcast_in_dim3A_331 = vector.shape_cast %xor3A_42 : vector<16xi32> to vector<16x1xi32>
      %gather3A_332 = vector.shape_cast %broadcast_in_dim3A_331 : vector<16x1xi32> to vector<16xi32>
      %gather3A_333 = tpu.dynamic_gather %add3A_326[%gather3A_332] in [0] : vector<16xf32>, vector<16xi32> -> vector<16xf32>
      %add3A_334 = arith.addf %add3A_326, %gather3A_333 : vector<16xf32>
      %select_n3A_335 = arith.select %eq3A_299, %add3A_330, %select_n3A_154 : vector<16xi1>, vector<16xf32>
      %select_n3A_336 = arith.select %eq3A_302, %add3A_334, %select_n3A_335 : vector<16xi1>, vector<16xf32>
      %broadcast_in_dim3A_337 = vector.shape_cast %xor3A_33 : vector<16xi32> to vector<16x1xi32>
      %gather3A_338 = vector.shape_cast %broadcast_in_dim3A_337 : vector<16x1xi32> to vector<16xi32>
      %gather3A_339 = tpu.dynamic_gather %scan3A_295#1[%gather3A_338] in [0] : vector<16xf32>, vector<16xi32> -> vector<16xf32>
      %add3A_340 = arith.addf %scan3A_295#1, %gather3A_339 : vector<16xf32>
      %broadcast_in_dim3A_341 = vector.shape_cast %xor3A_33 : vector<16xi32> to vector<16x1xi32>
      %gather3A_342 = vector.shape_cast %broadcast_in_dim3A_341 : vector<16x1xi32> to vector<16xi32>
      %gather3A_343 = tpu.dynamic_gather %scan3A_295#5[%gather3A_342] in [0] : vector<16xf32>, vector<16xi32> -> vector<16xf32>
      %add3A_344 = arith.addf %scan3A_295#5, %gather3A_343 : vector<16xf32>
      %broadcast_in_dim3A_345 = vector.shape_cast %xor3A_36 : vector<16xi32> to vector<16x1xi32>
      %gather3A_346 = vector.shape_cast %broadcast_in_dim3A_345 : vector<16x1xi32> to vector<16xi32>
      %gather3A_347 = tpu.dynamic_gather %add3A_340[%gather3A_346] in [0] : vector<16xf32>, vector<16xi32> -> vector<16xf32>
      %add3A_348 = arith.addf %add3A_340, %gather3A_347 : vector<16xf32>
      %broadcast_in_dim3A_349 = vector.shape_cast %xor3A_36 : vector<16xi32> to vector<16x1xi32>
      %gather3A_350 = vector.shape_cast %broadcast_in_dim3A_349 : vector<16x1xi32> to vector<16xi32>
      %gather3A_351 = tpu.dynamic_gather %add3A_344[%gather3A_350] in [0] : vector<16xf32>, vector<16xi32> -> vector<16xf32>
      %add3A_352 = arith.addf %add3A_344, %gather3A_351 : vector<16xf32>
      %broadcast_in_dim3A_353 = vector.shape_cast %xor3A_39 : vector<16xi32> to vector<16x1xi32>
      %gather3A_354 = vector.shape_cast %broadcast_in_dim3A_353 : vector<16x1xi32> to vector<16xi32>
      %gather3A_355 = tpu.dynamic_gather %add3A_348[%gather3A_354] in [0] : vector<16xf32>, vector<16xi32> -> vector<16xf32>
      %add3A_356 = arith.addf %add3A_348, %gather3A_355 : vector<16xf32>
      %broadcast_in_dim3A_357 = vector.shape_cast %xor3A_39 : vector<16xi32> to vector<16x1xi32>
      %gather3A_358 = vector.shape_cast %broadcast_in_dim3A_357 : vector<16x1xi32> to vector<16xi32>
      %gather3A_359 = tpu.dynamic_gather %add3A_352[%gather3A_358] in [0] : vector<16xf32>, vector<16xi32> -> vector<16xf32>
      %add3A_360 = arith.addf %add3A_352, %gather3A_359 : vector<16xf32>
      %broadcast_in_dim3A_361 = vector.shape_cast %xor3A_42 : vector<16xi32> to vector<16x1xi32>
      %gather3A_362 = vector.shape_cast %broadcast_in_dim3A_361 : vector<16x1xi32> to vector<16xi32>
      %gather3A_363 = tpu.dynamic_gather %add3A_356[%gather3A_362] in [0] : vector<16xf32>, vector<16xi32> -> vector<16xf32>
      %add3A_364 = arith.addf %add3A_356, %gather3A_363 : vector<16xf32>
      %broadcast_in_dim3A_365 = vector.shape_cast %xor3A_42 : vector<16xi32> to vector<16x1xi32>
      %gather3A_366 = vector.shape_cast %broadcast_in_dim3A_365 : vector<16x1xi32> to vector<16xi32>
      %gather3A_367 = tpu.dynamic_gather %add3A_360[%gather3A_366] in [0] : vector<16xf32>, vector<16xi32> -> vector<16xf32>
      %add3A_368 = arith.addf %add3A_360, %gather3A_367 : vector<16xf32>
      %select_n3A_369 = arith.select %eq3A_299, %add3A_364, %select_n3A_188 : vector<16xi1>, vector<16xf32>
      %select_n3A_370 = arith.select %eq3A_302, %add3A_368, %select_n3A_369 : vector<16xi1>, vector<16xf32>
      %broadcast_in_dim3A_371 = vector.shape_cast %xor3A_33 : vector<16xi32> to vector<16x1xi32>
      %gather3A_372 = vector.shape_cast %broadcast_in_dim3A_371 : vector<16x1xi32> to vector<16xi32>
      %gather3A_373 = tpu.dynamic_gather %scan3A_295#2[%gather3A_372] in [0] : vector<16xf32>, vector<16xi32> -> vector<16xf32>
      %add3A_374 = arith.addf %scan3A_295#2, %gather3A_373 : vector<16xf32>
      %broadcast_in_dim3A_375 = vector.shape_cast %xor3A_33 : vector<16xi32> to vector<16x1xi32>
      %gather3A_376 = vector.shape_cast %broadcast_in_dim3A_375 : vector<16x1xi32> to vector<16xi32>
      %gather3A_377 = tpu.dynamic_gather %scan3A_295#6[%gather3A_376] in [0] : vector<16xf32>, vector<16xi32> -> vector<16xf32>
      %add3A_378 = arith.addf %scan3A_295#6, %gather3A_377 : vector<16xf32>
      %broadcast_in_dim3A_379 = vector.shape_cast %xor3A_36 : vector<16xi32> to vector<16x1xi32>
      %gather3A_380 = vector.shape_cast %broadcast_in_dim3A_379 : vector<16x1xi32> to vector<16xi32>
      %gather3A_381 = tpu.dynamic_gather %add3A_374[%gather3A_380] in [0] : vector<16xf32>, vector<16xi32> -> vector<16xf32>
      %add3A_382 = arith.addf %add3A_374, %gather3A_381 : vector<16xf32>
      %broadcast_in_dim3A_383 = vector.shape_cast %xor3A_36 : vector<16xi32> to vector<16x1xi32>
      %gather3A_384 = vector.shape_cast %broadcast_in_dim3A_383 : vector<16x1xi32> to vector<16xi32>
      %gather3A_385 = tpu.dynamic_gather %add3A_378[%gather3A_384] in [0] : vector<16xf32>, vector<16xi32> -> vector<16xf32>
      %add3A_386 = arith.addf %add3A_378, %gather3A_385 : vector<16xf32>
      %broadcast_in_dim3A_387 = vector.shape_cast %xor3A_39 : vector<16xi32> to vector<16x1xi32>
      %gather3A_388 = vector.shape_cast %broadcast_in_dim3A_387 : vector<16x1xi32> to vector<16xi32>
      %gather3A_389 = tpu.dynamic_gather %add3A_382[%gather3A_388] in [0] : vector<16xf32>, vector<16xi32> -> vector<16xf32>
      %add3A_390 = arith.addf %add3A_382, %gather3A_389 : vector<16xf32>
      %broadcast_in_dim3A_391 = vector.shape_cast %xor3A_39 : vector<16xi32> to vector<16x1xi32>
      %gather3A_392 = vector.shape_cast %broadcast_in_dim3A_391 : vector<16x1xi32> to vector<16xi32>
      %gather3A_393 = tpu.dynamic_gather %add3A_386[%gather3A_392] in [0] : vector<16xf32>, vector<16xi32> -> vector<16xf32>
      %add3A_394 = arith.addf %add3A_386, %gather3A_393 : vector<16xf32>
      %broadcast_in_dim3A_395 = vector.shape_cast %xor3A_42 : vector<16xi32> to vector<16x1xi32>
      %gather3A_396 = vector.shape_cast %broadcast_in_dim3A_395 : vector<16x1xi32> to vector<16xi32>
      %gather3A_397 = tpu.dynamic_gather %add3A_390[%gather3A_396] in [0] : vector<16xf32>, vector<16xi32> -> vector<16xf32>
      %add3A_398 = arith.addf %add3A_390, %gather3A_397 : vector<16xf32>
      %broadcast_in_dim3A_399 = vector.shape_cast %xor3A_42 : vector<16xi32> to vector<16x1xi32>
      %gather3A_400 = vector.shape_cast %broadcast_in_dim3A_399 : vector<16x1xi32> to vector<16xi32>
      %gather3A_401 = tpu.dynamic_gather %add3A_394[%gather3A_400] in [0] : vector<16xf32>, vector<16xi32> -> vector<16xf32>
      %add3A_402 = arith.addf %add3A_394, %gather3A_401 : vector<16xf32>
      %select_n3A_403 = arith.select %eq3A_299, %add3A_398, %select_n3A_222 : vector<16xi1>, vector<16xf32>
      %select_n3A_404 = arith.select %eq3A_302, %add3A_402, %select_n3A_403 : vector<16xi1>, vector<16xf32>
      %broadcast_in_dim3A_405 = vector.shape_cast %xor3A_33 : vector<16xi32> to vector<16x1xi32>
      %gather3A_406 = vector.shape_cast %broadcast_in_dim3A_405 : vector<16x1xi32> to vector<16xi32>
      %gather3A_407 = tpu.dynamic_gather %scan3A_295#3[%gather3A_406] in [0] : vector<16xf32>, vector<16xi32> -> vector<16xf32>
      %add3A_408 = arith.addf %scan3A_295#3, %gather3A_407 : vector<16xf32>
      %broadcast_in_dim3A_409 = vector.shape_cast %xor3A_33 : vector<16xi32> to vector<16x1xi32>
      %gather3A_410 = vector.shape_cast %broadcast_in_dim3A_409 : vector<16x1xi32> to vector<16xi32>
      %gather3A_411 = tpu.dynamic_gather %scan3A_295#7[%gather3A_410] in [0] : vector<16xf32>, vector<16xi32> -> vector<16xf32>
      %add3A_412 = arith.addf %scan3A_295#7, %gather3A_411 : vector<16xf32>
      %broadcast_in_dim3A_413 = vector.shape_cast %xor3A_36 : vector<16xi32> to vector<16x1xi32>
      %gather3A_414 = vector.shape_cast %broadcast_in_dim3A_413 : vector<16x1xi32> to vector<16xi32>
      %gather3A_415 = tpu.dynamic_gather %add3A_408[%gather3A_414] in [0] : vector<16xf32>, vector<16xi32> -> vector<16xf32>
      %add3A_416 = arith.addf %add3A_408, %gather3A_415 : vector<16xf32>
      %broadcast_in_dim3A_417 = vector.shape_cast %xor3A_36 : vector<16xi32> to vector<16x1xi32>
      %gather3A_418 = vector.shape_cast %broadcast_in_dim3A_417 : vector<16x1xi32> to vector<16xi32>
      %gather3A_419 = tpu.dynamic_gather %add3A_412[%gather3A_418] in [0] : vector<16xf32>, vector<16xi32> -> vector<16xf32>
      %add3A_420 = arith.addf %add3A_412, %gather3A_419 : vector<16xf32>
      %broadcast_in_dim3A_421 = vector.shape_cast %xor3A_39 : vector<16xi32> to vector<16x1xi32>
      %gather3A_422 = vector.shape_cast %broadcast_in_dim3A_421 : vector<16x1xi32> to vector<16xi32>
      %gather3A_423 = tpu.dynamic_gather %add3A_416[%gather3A_422] in [0] : vector<16xf32>, vector<16xi32> -> vector<16xf32>
      %add3A_424 = arith.addf %add3A_416, %gather3A_423 : vector<16xf32>
      %broadcast_in_dim3A_425 = vector.shape_cast %xor3A_39 : vector<16xi32> to vector<16x1xi32>
      %gather3A_426 = vector.shape_cast %broadcast_in_dim3A_425 : vector<16x1xi32> to vector<16xi32>
      %gather3A_427 = tpu.dynamic_gather %add3A_420[%gather3A_426] in [0] : vector<16xf32>, vector<16xi32> -> vector<16xf32>
      %add3A_428 = arith.addf %add3A_420, %gather3A_427 : vector<16xf32>
      %broadcast_in_dim3A_429 = vector.shape_cast %xor3A_42 : vector<16xi32> to vector<16x1xi32>
      %gather3A_430 = vector.shape_cast %broadcast_in_dim3A_429 : vector<16x1xi32> to vector<16xi32>
      %gather3A_431 = tpu.dynamic_gather %add3A_424[%gather3A_430] in [0] : vector<16xf32>, vector<16xi32> -> vector<16xf32>
      %add3A_432 = arith.addf %add3A_424, %gather3A_431 : vector<16xf32>
      %broadcast_in_dim3A_433 = vector.shape_cast %xor3A_42 : vector<16xi32> to vector<16x1xi32>
      %gather3A_434 = vector.shape_cast %broadcast_in_dim3A_433 : vector<16x1xi32> to vector<16xi32>
      %gather3A_435 = tpu.dynamic_gather %add3A_428[%gather3A_434] in [0] : vector<16xf32>, vector<16xi32> -> vector<16xf32>
      %add3A_436 = arith.addf %add3A_428, %gather3A_435 : vector<16xf32>
      %select_n3A_437 = arith.select %eq3A_299, %add3A_432, %select_n3A_256 : vector<16xi1>, vector<16xf32>
      %select_n3A_438 = arith.select %eq3A_302, %add3A_436, %select_n3A_437 : vector<16xi1>, vector<16xf32>
      %slice3A_439 = vector.extract_strided_slice %get3A_61 {offsets = [4], sizes = [1], strides = [1]} : vector<16xf32> to vector<1xf32>
      %squeeze3A_440 = vector.extract %slice3A_439[0] : f32 from vector<1xf32>
      %broadcast_in_dim3A_441 = vector.broadcast %squeeze3A_440 : f32 to vector<16xf32>
      %slice3A_442 = vector.extract_strided_slice %get3A_66 {offsets = [4], sizes = [1], strides = [1]} : vector<16xf32> to vector<1xf32>
      %squeeze3A_443 = vector.extract %slice3A_442[0] : f32 from vector<1xf32>
      %broadcast_in_dim3A_444 = vector.broadcast %squeeze3A_443 : f32 to vector<16xf32>
      %slice3A_445 = vector.extract_strided_slice %get3A_71 {offsets = [4], sizes = [1], strides = [1]} : vector<16xf32> to vector<1xf32>
      %squeeze3A_446 = vector.extract %slice3A_445[0] : f32 from vector<1xf32>
      %broadcast_in_dim3A_447 = vector.broadcast %squeeze3A_446 : f32 to vector<16xf32>
      %slice3A_448 = vector.extract_strided_slice %get3A_61 {offsets = [5], sizes = [1], strides = [1]} : vector<16xf32> to vector<1xf32>
      %squeeze3A_449 = vector.extract %slice3A_448[0] : f32 from vector<1xf32>
      %broadcast_in_dim3A_450 = vector.broadcast %squeeze3A_449 : f32 to vector<16xf32>
      %slice3A_451 = vector.extract_strided_slice %get3A_66 {offsets = [5], sizes = [1], strides = [1]} : vector<16xf32> to vector<1xf32>
      %squeeze3A_452 = vector.extract %slice3A_451[0] : f32 from vector<1xf32>
      %broadcast_in_dim3A_453 = vector.broadcast %squeeze3A_452 : f32 to vector<16xf32>
      %slice3A_454 = vector.extract_strided_slice %get3A_71 {offsets = [5], sizes = [1], strides = [1]} : vector<16xf32> to vector<1xf32>
      %squeeze3A_455 = vector.extract %slice3A_454[0] : f32 from vector<1xf32>
      %broadcast_in_dim3A_456 = vector.broadcast %squeeze3A_455 : f32 to vector<16xf32>
      %broadcast_in_dim3A_457 = arith.constant 0.000000e+00 : f32
      %broadcast_in_dim3A_458 = vector.broadcast %broadcast_in_dim3A_457 : f32 to vector<16xf32>
      %broadcast_in_dim3A_459 = arith.constant 0.000000e+00 : f32
      %broadcast_in_dim3A_460 = vector.broadcast %broadcast_in_dim3A_459 : f32 to vector<16xf32>
      %broadcast_in_dim3A_461 = arith.constant 0.000000e+00 : f32
      %broadcast_in_dim3A_462 = vector.broadcast %broadcast_in_dim3A_461 : f32 to vector<16xf32>
      %broadcast_in_dim3A_463 = arith.constant 0.000000e+00 : f32
      %broadcast_in_dim3A_464 = vector.broadcast %broadcast_in_dim3A_463 : f32 to vector<16xf32>
      %broadcast_in_dim3A_465 = arith.constant 0.000000e+00 : f32
      %broadcast_in_dim3A_466 = vector.broadcast %broadcast_in_dim3A_465 : f32 to vector<16xf32>
      %broadcast_in_dim3A_467 = arith.constant 0.000000e+00 : f32
      %broadcast_in_dim3A_468 = vector.broadcast %broadcast_in_dim3A_467 : f32 to vector<16xf32>
      %broadcast_in_dim3A_469 = arith.constant 0.000000e+00 : f32
      %broadcast_in_dim3A_470 = vector.broadcast %broadcast_in_dim3A_469 : f32 to vector<16xf32>
      %broadcast_in_dim3A_471 = arith.constant 0.000000e+00 : f32
      %broadcast_in_dim3A_472 = vector.broadcast %broadcast_in_dim3A_471 : f32 to vector<16xf32>
      %scan3A_473 = arith.constant 0 : i32
      %scan3A_474 = arith.constant 24 : i32
      %scan3A_475 = arith.addi %scan3A_473, %scan3A_474 : i32
      %scan3A_476 = arith.constant 2 : i32
      %scan3A_477:8 = scf.for %scan3A_1562 = %scan3A_473 to %scan3A_475 step %scan3A_476 iter_args(%scan3A_1563 = %broadcast_in_dim3A_458, %scan3A_1564 = %broadcast_in_dim3A_460, %scan3A_1565 = %broadcast_in_dim3A_462, %scan3A_1566 = %broadcast_in_dim3A_464, %scan3A_1567 = %broadcast_in_dim3A_466, %scan3A_1568 = %broadcast_in_dim3A_468, %scan3A_1569 = %broadcast_in_dim3A_470, %scan3A_1570 = %broadcast_in_dim3A_472) -> (vector<16xf32>, vector<16xf32>, vector<16xf32>, vector<16xf32>, vector<16xf32>, vector<16xf32>, vector<16xf32>, vector<16xf32>)  : i32 {
        %mul3A_1571 = arith.constant 16 : i32
        %mul3A_1572 = arith.muli %scan3A_1562, %mul3A_1571 : i32
        %get3A_1573 = arith.index_cast %mul3A_1572 : i32 to index
        %get3A_1574 = tpu.vector_load %arg11[%get3A_1573] {strides = array<i32>} : memref<384xf32, #tpu.memory_space<vmem>>, vector<16xf32>,
        %get3A_1575 = vector.shape_cast %get3A_1574 : vector<16xf32> to vector<16xf32>
        %get3A_1576 = arith.index_cast %mul3A_1572 : i32 to index
        %get3A_1577 = tpu.vector_load %arg12[%get3A_1576] {strides = array<i32>} : memref<384xf32, #tpu.memory_space<vmem>>, vector<16xf32>,
        %get3A_1578 = vector.shape_cast %get3A_1577 : vector<16xf32> to vector<16xf32>
        %get3A_1579 = arith.index_cast %mul3A_1572 : i32 to index
        %get3A_1580 = tpu.vector_load %arg13[%get3A_1579] {strides = array<i32>} : memref<384xf32, #tpu.memory_space<vmem>>, vector<16xf32>,
        %get3A_1581 = vector.shape_cast %get3A_1580 : vector<16xf32> to vector<16xf32>
        %get3A_1582 = arith.index_cast %mul3A_1572 : i32 to index
        %get3A_1583 = tpu.vector_load %arg14[%get3A_1582] {strides = array<i32>} : memref<384xf32, #tpu.memory_space<vmem>>, vector<16xf32>,
        %get3A_1584 = vector.shape_cast %get3A_1583 : vector<16xf32> to vector<16xf32>
        %sub3A_1585 = arith.subf %broadcast_in_dim3A_441, %get3A_1575 : vector<16xf32>
        %sub3A_1586 = arith.subf %broadcast_in_dim3A_444, %get3A_1578 : vector<16xf32>
        %sub3A_1587 = arith.subf %broadcast_in_dim3A_447, %get3A_1581 : vector<16xf32>
        %mul3A_1588 = arith.mulf %sub3A_1585, %sub3A_1585 : vector<16xf32>
        %mul3A_1589 = arith.mulf %sub3A_1586, %sub3A_1586 : vector<16xf32>
        %add3A_1590 = arith.addf %mul3A_1588, %mul3A_1589 : vector<16xf32>
        %mul3A_1591 = arith.mulf %sub3A_1587, %sub3A_1587 : vector<16xf32>
        %add3A_1592 = arith.addf %add3A_1590, %mul3A_1591 : vector<16xf32>
        %sub3A_1593 = arith.subf %broadcast_in_dim3A_450, %get3A_1575 : vector<16xf32>
        %sub3A_1594 = arith.subf %broadcast_in_dim3A_453, %get3A_1578 : vector<16xf32>
        %sub3A_1595 = arith.subf %broadcast_in_dim3A_456, %get3A_1581 : vector<16xf32>
        %mul3A_1596 = arith.mulf %sub3A_1593, %sub3A_1593 : vector<16xf32>
        %mul3A_1597 = arith.mulf %sub3A_1594, %sub3A_1594 : vector<16xf32>
        %add3A_1598 = arith.addf %mul3A_1596, %mul3A_1597 : vector<16xf32>
        %mul3A_1599 = arith.mulf %sub3A_1595, %sub3A_1595 : vector<16xf32>
        %add3A_1600 = arith.addf %add3A_1598, %mul3A_1599 : vector<16xf32>
        %mul3A_1601 = arith.mulf %add3A_1592, %get3A_22 : vector<16xf32>
        %exp3A = math.exp %mul3A_1601 : vector<16xf32>
        %mul3A_1602 = arith.mulf %exp3A, %get3A_1584 : vector<16xf32>
        %add3A_1603 = arith.addf %scan3A_1563, %mul3A_1602 : vector<16xf32>
        %mul3A_1604 = arith.mulf %add3A_1592, %get3A_25 : vector<16xf32>
        %exp3A_1605 = math.exp %mul3A_1604 : vector<16xf32>
        %mul3A_1606 = arith.mulf %exp3A_1605, %get3A_1584 : vector<16xf32>
        %add3A_1607 = arith.addf %scan3A_1564, %mul3A_1606 : vector<16xf32>
        %mul3A_1608 = arith.mulf %add3A_1592, %get3A_28 : vector<16xf32>
        %exp3A_1609 = math.exp %mul3A_1608 : vector<16xf32>
        %mul3A_1610 = arith.mulf %exp3A_1609, %get3A_1584 : vector<16xf32>
        %add3A_1611 = arith.addf %scan3A_1565, %mul3A_1610 : vector<16xf32>
        %mul3A_1612 = arith.mulf %add3A_1592, %get3A_31 : vector<16xf32>
        %exp3A_1613 = math.exp %mul3A_1612 : vector<16xf32>
        %mul3A_1614 = arith.mulf %exp3A_1613, %get3A_1584 : vector<16xf32>
        %add3A_1615 = arith.addf %scan3A_1566, %mul3A_1614 : vector<16xf32>
        %mul3A_1616 = arith.mulf %add3A_1600, %get3A_22 : vector<16xf32>
        %exp3A_1617 = math.exp %mul3A_1616 : vector<16xf32>
        %mul3A_1618 = arith.mulf %exp3A_1617, %get3A_1584 : vector<16xf32>
        %add3A_1619 = arith.addf %scan3A_1567, %mul3A_1618 : vector<16xf32>
        %mul3A_1620 = arith.mulf %add3A_1600, %get3A_25 : vector<16xf32>
        %exp3A_1621 = math.exp %mul3A_1620 : vector<16xf32>
        %mul3A_1622 = arith.mulf %exp3A_1621, %get3A_1584 : vector<16xf32>
        %add3A_1623 = arith.addf %scan3A_1568, %mul3A_1622 : vector<16xf32>
        %mul3A_1624 = arith.mulf %add3A_1600, %get3A_28 : vector<16xf32>
        %exp3A_1625 = math.exp %mul3A_1624 : vector<16xf32>
        %mul3A_1626 = arith.mulf %exp3A_1625, %get3A_1584 : vector<16xf32>
        %add3A_1627 = arith.addf %scan3A_1569, %mul3A_1626 : vector<16xf32>
        %mul3A_1628 = arith.mulf %add3A_1600, %get3A_31 : vector<16xf32>
        %exp3A_1629 = math.exp %mul3A_1628 : vector<16xf32>
        %mul3A_1630 = arith.mulf %exp3A_1629, %get3A_1584 : vector<16xf32>
        %add3A_1631 = arith.addf %scan3A_1570, %mul3A_1630 : vector<16xf32>
        %scan3A_1632 = arith.constant 1 : i32
        %scan3A_1633 = arith.addi %scan3A_1562, %scan3A_1632 : i32
        %mul3A_1634 = arith.constant 16 : i32
        %mul3A_1635 = arith.muli %scan3A_1633, %mul3A_1634 : i32
        %get3A_1636 = arith.index_cast %mul3A_1635 : i32 to index
        %get3A_1637 = tpu.vector_load %arg11[%get3A_1636] {strides = array<i32>} : memref<384xf32, #tpu.memory_space<vmem>>, vector<16xf32>,
        %get3A_1638 = vector.shape_cast %get3A_1637 : vector<16xf32> to vector<16xf32>
        %get3A_1639 = arith.index_cast %mul3A_1635 : i32 to index
        %get3A_1640 = tpu.vector_load %arg12[%get3A_1639] {strides = array<i32>} : memref<384xf32, #tpu.memory_space<vmem>>, vector<16xf32>,
        %get3A_1641 = vector.shape_cast %get3A_1640 : vector<16xf32> to vector<16xf32>
        %get3A_1642 = arith.index_cast %mul3A_1635 : i32 to index
        %get3A_1643 = tpu.vector_load %arg13[%get3A_1642] {strides = array<i32>} : memref<384xf32, #tpu.memory_space<vmem>>, vector<16xf32>,
        %get3A_1644 = vector.shape_cast %get3A_1643 : vector<16xf32> to vector<16xf32>
        %get3A_1645 = arith.index_cast %mul3A_1635 : i32 to index
        %get3A_1646 = tpu.vector_load %arg14[%get3A_1645] {strides = array<i32>} : memref<384xf32, #tpu.memory_space<vmem>>, vector<16xf32>,
        %get3A_1647 = vector.shape_cast %get3A_1646 : vector<16xf32> to vector<16xf32>
        %sub3A_1648 = arith.subf %broadcast_in_dim3A_441, %get3A_1638 : vector<16xf32>
        %sub3A_1649 = arith.subf %broadcast_in_dim3A_444, %get3A_1641 : vector<16xf32>
        %sub3A_1650 = arith.subf %broadcast_in_dim3A_447, %get3A_1644 : vector<16xf32>
        %mul3A_1651 = arith.mulf %sub3A_1648, %sub3A_1648 : vector<16xf32>
        %mul3A_1652 = arith.mulf %sub3A_1649, %sub3A_1649 : vector<16xf32>
        %add3A_1653 = arith.addf %mul3A_1651, %mul3A_1652 : vector<16xf32>
        %mul3A_1654 = arith.mulf %sub3A_1650, %sub3A_1650 : vector<16xf32>
        %add3A_1655 = arith.addf %add3A_1653, %mul3A_1654 : vector<16xf32>
        %sub3A_1656 = arith.subf %broadcast_in_dim3A_450, %get3A_1638 : vector<16xf32>
        %sub3A_1657 = arith.subf %broadcast_in_dim3A_453, %get3A_1641 : vector<16xf32>
        %sub3A_1658 = arith.subf %broadcast_in_dim3A_456, %get3A_1644 : vector<16xf32>
        %mul3A_1659 = arith.mulf %sub3A_1656, %sub3A_1656 : vector<16xf32>
        %mul3A_1660 = arith.mulf %sub3A_1657, %sub3A_1657 : vector<16xf32>
        %add3A_1661 = arith.addf %mul3A_1659, %mul3A_1660 : vector<16xf32>
        %mul3A_1662 = arith.mulf %sub3A_1658, %sub3A_1658 : vector<16xf32>
        %add3A_1663 = arith.addf %add3A_1661, %mul3A_1662 : vector<16xf32>
        %mul3A_1664 = arith.mulf %add3A_1655, %get3A_22 : vector<16xf32>
        %exp3A_1665 = math.exp %mul3A_1664 : vector<16xf32>
        %mul3A_1666 = arith.mulf %exp3A_1665, %get3A_1647 : vector<16xf32>
        %add3A_1667 = arith.addf %add3A_1603, %mul3A_1666 : vector<16xf32>
        %mul3A_1668 = arith.mulf %add3A_1655, %get3A_25 : vector<16xf32>
        %exp3A_1669 = math.exp %mul3A_1668 : vector<16xf32>
        %mul3A_1670 = arith.mulf %exp3A_1669, %get3A_1647 : vector<16xf32>
        %add3A_1671 = arith.addf %add3A_1607, %mul3A_1670 : vector<16xf32>
        %mul3A_1672 = arith.mulf %add3A_1655, %get3A_28 : vector<16xf32>
        %exp3A_1673 = math.exp %mul3A_1672 : vector<16xf32>
        %mul3A_1674 = arith.mulf %exp3A_1673, %get3A_1647 : vector<16xf32>
        %add3A_1675 = arith.addf %add3A_1611, %mul3A_1674 : vector<16xf32>
        %mul3A_1676 = arith.mulf %add3A_1655, %get3A_31 : vector<16xf32>
        %exp3A_1677 = math.exp %mul3A_1676 : vector<16xf32>
        %mul3A_1678 = arith.mulf %exp3A_1677, %get3A_1647 : vector<16xf32>
        %add3A_1679 = arith.addf %add3A_1615, %mul3A_1678 : vector<16xf32>
        %mul3A_1680 = arith.mulf %add3A_1663, %get3A_22 : vector<16xf32>
        %exp3A_1681 = math.exp %mul3A_1680 : vector<16xf32>
        %mul3A_1682 = arith.mulf %exp3A_1681, %get3A_1647 : vector<16xf32>
        %add3A_1683 = arith.addf %add3A_1619, %mul3A_1682 : vector<16xf32>
        %mul3A_1684 = arith.mulf %add3A_1663, %get3A_25 : vector<16xf32>
        %exp3A_1685 = math.exp %mul3A_1684 : vector<16xf32>
        %mul3A_1686 = arith.mulf %exp3A_1685, %get3A_1647 : vector<16xf32>
        %add3A_1687 = arith.addf %add3A_1623, %mul3A_1686 : vector<16xf32>
        %mul3A_1688 = arith.mulf %add3A_1663, %get3A_28 : vector<16xf32>
        %exp3A_1689 = math.exp %mul3A_1688 : vector<16xf32>
        %mul3A_1690 = arith.mulf %exp3A_1689, %get3A_1647 : vector<16xf32>
        %add3A_1691 = arith.addf %add3A_1627, %mul3A_1690 : vector<16xf32>
        %mul3A_1692 = arith.mulf %add3A_1663, %get3A_31 : vector<16xf32>
        %exp3A_1693 = math.exp %mul3A_1692 : vector<16xf32>
        %mul3A_1694 = arith.mulf %exp3A_1693, %get3A_1647 : vector<16xf32>
        %add3A_1695 = arith.addf %add3A_1631, %mul3A_1694 : vector<16xf32>
        scf.yield %add3A_1667, %add3A_1671, %add3A_1675, %add3A_1679, %add3A_1683, %add3A_1687, %add3A_1691, %add3A_1695 : vector<16xf32>, vector<16xf32>, vector<16xf32>, vector<16xf32>, vector<16xf32>, vector<16xf32>, vector<16xf32>, vector<16xf32>
      }
      %scan3A_478 = arith.constant 24 : i32
      %eq3A_479 = arith.constant 4 : i32
      %eq3A_480 = vector.broadcast %eq3A_479 : i32 to vector<16xi32>
      %eq3A_481 = arith.cmpi eq, %iota3A, %eq3A_480 : vector<16xi32>
      %eq3A_482 = arith.constant 5 : i32
      %eq3A_483 = vector.broadcast %eq3A_482 : i32 to vector<16xi32>
      %eq3A_484 = arith.cmpi eq, %iota3A, %eq3A_483 : vector<16xi32>
      %broadcast_in_dim3A_485 = vector.shape_cast %xor3A_33 : vector<16xi32> to vector<16x1xi32>
      %gather3A_486 = vector.shape_cast %broadcast_in_dim3A_485 : vector<16x1xi32> to vector<16xi32>
      %gather3A_487 = tpu.dynamic_gather %scan3A_477#0[%gather3A_486] in [0] : vector<16xf32>, vector<16xi32> -> vector<16xf32>
      %add3A_488 = arith.addf %scan3A_477#0, %gather3A_487 : vector<16xf32>
      %broadcast_in_dim3A_489 = vector.shape_cast %xor3A_33 : vector<16xi32> to vector<16x1xi32>
      %gather3A_490 = vector.shape_cast %broadcast_in_dim3A_489 : vector<16x1xi32> to vector<16xi32>
      %gather3A_491 = tpu.dynamic_gather %scan3A_477#4[%gather3A_490] in [0] : vector<16xf32>, vector<16xi32> -> vector<16xf32>
      %add3A_492 = arith.addf %scan3A_477#4, %gather3A_491 : vector<16xf32>
      %broadcast_in_dim3A_493 = vector.shape_cast %xor3A_36 : vector<16xi32> to vector<16x1xi32>
      %gather3A_494 = vector.shape_cast %broadcast_in_dim3A_493 : vector<16x1xi32> to vector<16xi32>
      %gather3A_495 = tpu.dynamic_gather %add3A_488[%gather3A_494] in [0] : vector<16xf32>, vector<16xi32> -> vector<16xf32>
      %add3A_496 = arith.addf %add3A_488, %gather3A_495 : vector<16xf32>
      %broadcast_in_dim3A_497 = vector.shape_cast %xor3A_36 : vector<16xi32> to vector<16x1xi32>
      %gather3A_498 = vector.shape_cast %broadcast_in_dim3A_497 : vector<16x1xi32> to vector<16xi32>
      %gather3A_499 = tpu.dynamic_gather %add3A_492[%gather3A_498] in [0] : vector<16xf32>, vector<16xi32> -> vector<16xf32>
      %add3A_500 = arith.addf %add3A_492, %gather3A_499 : vector<16xf32>
      %broadcast_in_dim3A_501 = vector.shape_cast %xor3A_39 : vector<16xi32> to vector<16x1xi32>
      %gather3A_502 = vector.shape_cast %broadcast_in_dim3A_501 : vector<16x1xi32> to vector<16xi32>
      %gather3A_503 = tpu.dynamic_gather %add3A_496[%gather3A_502] in [0] : vector<16xf32>, vector<16xi32> -> vector<16xf32>
      %add3A_504 = arith.addf %add3A_496, %gather3A_503 : vector<16xf32>
      %broadcast_in_dim3A_505 = vector.shape_cast %xor3A_39 : vector<16xi32> to vector<16x1xi32>
      %gather3A_506 = vector.shape_cast %broadcast_in_dim3A_505 : vector<16x1xi32> to vector<16xi32>
      %gather3A_507 = tpu.dynamic_gather %add3A_500[%gather3A_506] in [0] : vector<16xf32>, vector<16xi32> -> vector<16xf32>
      %add3A_508 = arith.addf %add3A_500, %gather3A_507 : vector<16xf32>
      %broadcast_in_dim3A_509 = vector.shape_cast %xor3A_42 : vector<16xi32> to vector<16x1xi32>
      %gather3A_510 = vector.shape_cast %broadcast_in_dim3A_509 : vector<16x1xi32> to vector<16xi32>
      %gather3A_511 = tpu.dynamic_gather %add3A_504[%gather3A_510] in [0] : vector<16xf32>, vector<16xi32> -> vector<16xf32>
      %add3A_512 = arith.addf %add3A_504, %gather3A_511 : vector<16xf32>
      %broadcast_in_dim3A_513 = vector.shape_cast %xor3A_42 : vector<16xi32> to vector<16x1xi32>
      %gather3A_514 = vector.shape_cast %broadcast_in_dim3A_513 : vector<16x1xi32> to vector<16xi32>
      %gather3A_515 = tpu.dynamic_gather %add3A_508[%gather3A_514] in [0] : vector<16xf32>, vector<16xi32> -> vector<16xf32>
      %add3A_516 = arith.addf %add3A_508, %gather3A_515 : vector<16xf32>
      %select_n3A_517 = arith.select %eq3A_481, %add3A_512, %select_n3A_336 : vector<16xi1>, vector<16xf32>
      %select_n3A_518 = arith.select %eq3A_484, %add3A_516, %select_n3A_517 : vector<16xi1>, vector<16xf32>
      %broadcast_in_dim3A_519 = vector.shape_cast %xor3A_33 : vector<16xi32> to vector<16x1xi32>
      %gather3A_520 = vector.shape_cast %broadcast_in_dim3A_519 : vector<16x1xi32> to vector<16xi32>
      %gather3A_521 = tpu.dynamic_gather %scan3A_477#1[%gather3A_520] in [0] : vector<16xf32>, vector<16xi32> -> vector<16xf32>
      %add3A_522 = arith.addf %scan3A_477#1, %gather3A_521 : vector<16xf32>
      %broadcast_in_dim3A_523 = vector.shape_cast %xor3A_33 : vector<16xi32> to vector<16x1xi32>
      %gather3A_524 = vector.shape_cast %broadcast_in_dim3A_523 : vector<16x1xi32> to vector<16xi32>
      %gather3A_525 = tpu.dynamic_gather %scan3A_477#5[%gather3A_524] in [0] : vector<16xf32>, vector<16xi32> -> vector<16xf32>
      %add3A_526 = arith.addf %scan3A_477#5, %gather3A_525 : vector<16xf32>
      %broadcast_in_dim3A_527 = vector.shape_cast %xor3A_36 : vector<16xi32> to vector<16x1xi32>
      %gather3A_528 = vector.shape_cast %broadcast_in_dim3A_527 : vector<16x1xi32> to vector<16xi32>
      %gather3A_529 = tpu.dynamic_gather %add3A_522[%gather3A_528] in [0] : vector<16xf32>, vector<16xi32> -> vector<16xf32>
      %add3A_530 = arith.addf %add3A_522, %gather3A_529 : vector<16xf32>
      %broadcast_in_dim3A_531 = vector.shape_cast %xor3A_36 : vector<16xi32> to vector<16x1xi32>
      %gather3A_532 = vector.shape_cast %broadcast_in_dim3A_531 : vector<16x1xi32> to vector<16xi32>
      %gather3A_533 = tpu.dynamic_gather %add3A_526[%gather3A_532] in [0] : vector<16xf32>, vector<16xi32> -> vector<16xf32>
      %add3A_534 = arith.addf %add3A_526, %gather3A_533 : vector<16xf32>
      %broadcast_in_dim3A_535 = vector.shape_cast %xor3A_39 : vector<16xi32> to vector<16x1xi32>
      %gather3A_536 = vector.shape_cast %broadcast_in_dim3A_535 : vector<16x1xi32> to vector<16xi32>
      %gather3A_537 = tpu.dynamic_gather %add3A_530[%gather3A_536] in [0] : vector<16xf32>, vector<16xi32> -> vector<16xf32>
      %add3A_538 = arith.addf %add3A_530, %gather3A_537 : vector<16xf32>
      %broadcast_in_dim3A_539 = vector.shape_cast %xor3A_39 : vector<16xi32> to vector<16x1xi32>
      %gather3A_540 = vector.shape_cast %broadcast_in_dim3A_539 : vector<16x1xi32> to vector<16xi32>
      %gather3A_541 = tpu.dynamic_gather %add3A_534[%gather3A_540] in [0] : vector<16xf32>, vector<16xi32> -> vector<16xf32>
      %add3A_542 = arith.addf %add3A_534, %gather3A_541 : vector<16xf32>
      %broadcast_in_dim3A_543 = vector.shape_cast %xor3A_42 : vector<16xi32> to vector<16x1xi32>
      %gather3A_544 = vector.shape_cast %broadcast_in_dim3A_543 : vector<16x1xi32> to vector<16xi32>
      %gather3A_545 = tpu.dynamic_gather %add3A_538[%gather3A_544] in [0] : vector<16xf32>, vector<16xi32> -> vector<16xf32>
      %add3A_546 = arith.addf %add3A_538, %gather3A_545 : vector<16xf32>
      %broadcast_in_dim3A_547 = vector.shape_cast %xor3A_42 : vector<16xi32> to vector<16x1xi32>
      %gather3A_548 = vector.shape_cast %broadcast_in_dim3A_547 : vector<16x1xi32> to vector<16xi32>
      %gather3A_549 = tpu.dynamic_gather %add3A_542[%gather3A_548] in [0] : vector<16xf32>, vector<16xi32> -> vector<16xf32>
      %add3A_550 = arith.addf %add3A_542, %gather3A_549 : vector<16xf32>
      %select_n3A_551 = arith.select %eq3A_481, %add3A_546, %select_n3A_370 : vector<16xi1>, vector<16xf32>
      %select_n3A_552 = arith.select %eq3A_484, %add3A_550, %select_n3A_551 : vector<16xi1>, vector<16xf32>
      %broadcast_in_dim3A_553 = vector.shape_cast %xor3A_33 : vector<16xi32> to vector<16x1xi32>
      %gather3A_554 = vector.shape_cast %broadcast_in_dim3A_553 : vector<16x1xi32> to vector<16xi32>
      %gather3A_555 = tpu.dynamic_gather %scan3A_477#2[%gather3A_554] in [0] : vector<16xf32>, vector<16xi32> -> vector<16xf32>
      %add3A_556 = arith.addf %scan3A_477#2, %gather3A_555 : vector<16xf32>
      %broadcast_in_dim3A_557 = vector.shape_cast %xor3A_33 : vector<16xi32> to vector<16x1xi32>
      %gather3A_558 = vector.shape_cast %broadcast_in_dim3A_557 : vector<16x1xi32> to vector<16xi32>
      %gather3A_559 = tpu.dynamic_gather %scan3A_477#6[%gather3A_558] in [0] : vector<16xf32>, vector<16xi32> -> vector<16xf32>
      %add3A_560 = arith.addf %scan3A_477#6, %gather3A_559 : vector<16xf32>
      %broadcast_in_dim3A_561 = vector.shape_cast %xor3A_36 : vector<16xi32> to vector<16x1xi32>
      %gather3A_562 = vector.shape_cast %broadcast_in_dim3A_561 : vector<16x1xi32> to vector<16xi32>
      %gather3A_563 = tpu.dynamic_gather %add3A_556[%gather3A_562] in [0] : vector<16xf32>, vector<16xi32> -> vector<16xf32>
      %add3A_564 = arith.addf %add3A_556, %gather3A_563 : vector<16xf32>
      %broadcast_in_dim3A_565 = vector.shape_cast %xor3A_36 : vector<16xi32> to vector<16x1xi32>
      %gather3A_566 = vector.shape_cast %broadcast_in_dim3A_565 : vector<16x1xi32> to vector<16xi32>
      %gather3A_567 = tpu.dynamic_gather %add3A_560[%gather3A_566] in [0] : vector<16xf32>, vector<16xi32> -> vector<16xf32>
      %add3A_568 = arith.addf %add3A_560, %gather3A_567 : vector<16xf32>
      %broadcast_in_dim3A_569 = vector.shape_cast %xor3A_39 : vector<16xi32> to vector<16x1xi32>
      %gather3A_570 = vector.shape_cast %broadcast_in_dim3A_569 : vector<16x1xi32> to vector<16xi32>
      %gather3A_571 = tpu.dynamic_gather %add3A_564[%gather3A_570] in [0] : vector<16xf32>, vector<16xi32> -> vector<16xf32>
      %add3A_572 = arith.addf %add3A_564, %gather3A_571 : vector<16xf32>
      %broadcast_in_dim3A_573 = vector.shape_cast %xor3A_39 : vector<16xi32> to vector<16x1xi32>
      %gather3A_574 = vector.shape_cast %broadcast_in_dim3A_573 : vector<16x1xi32> to vector<16xi32>
      %gather3A_575 = tpu.dynamic_gather %add3A_568[%gather3A_574] in [0] : vector<16xf32>, vector<16xi32> -> vector<16xf32>
      %add3A_576 = arith.addf %add3A_568, %gather3A_575 : vector<16xf32>
      %broadcast_in_dim3A_577 = vector.shape_cast %xor3A_42 : vector<16xi32> to vector<16x1xi32>
      %gather3A_578 = vector.shape_cast %broadcast_in_dim3A_577 : vector<16x1xi32> to vector<16xi32>
      %gather3A_579 = tpu.dynamic_gather %add3A_572[%gather3A_578] in [0] : vector<16xf32>, vector<16xi32> -> vector<16xf32>
      %add3A_580 = arith.addf %add3A_572, %gather3A_579 : vector<16xf32>
      %broadcast_in_dim3A_581 = vector.shape_cast %xor3A_42 : vector<16xi32> to vector<16x1xi32>
      %gather3A_582 = vector.shape_cast %broadcast_in_dim3A_581 : vector<16x1xi32> to vector<16xi32>
      %gather3A_583 = tpu.dynamic_gather %add3A_576[%gather3A_582] in [0] : vector<16xf32>, vector<16xi32> -> vector<16xf32>
      %add3A_584 = arith.addf %add3A_576, %gather3A_583 : vector<16xf32>
      %select_n3A_585 = arith.select %eq3A_481, %add3A_580, %select_n3A_404 : vector<16xi1>, vector<16xf32>
      %select_n3A_586 = arith.select %eq3A_484, %add3A_584, %select_n3A_585 : vector<16xi1>, vector<16xf32>
      %broadcast_in_dim3A_587 = vector.shape_cast %xor3A_33 : vector<16xi32> to vector<16x1xi32>
      %gather3A_588 = vector.shape_cast %broadcast_in_dim3A_587 : vector<16x1xi32> to vector<16xi32>
      %gather3A_589 = tpu.dynamic_gather %scan3A_477#3[%gather3A_588] in [0] : vector<16xf32>, vector<16xi32> -> vector<16xf32>
      %add3A_590 = arith.addf %scan3A_477#3, %gather3A_589 : vector<16xf32>
      %broadcast_in_dim3A_591 = vector.shape_cast %xor3A_33 : vector<16xi32> to vector<16x1xi32>
      %gather3A_592 = vector.shape_cast %broadcast_in_dim3A_591 : vector<16x1xi32> to vector<16xi32>
      %gather3A_593 = tpu.dynamic_gather %scan3A_477#7[%gather3A_592] in [0] : vector<16xf32>, vector<16xi32> -> vector<16xf32>
      %add3A_594 = arith.addf %scan3A_477#7, %gather3A_593 : vector<16xf32>
      %broadcast_in_dim3A_595 = vector.shape_cast %xor3A_36 : vector<16xi32> to vector<16x1xi32>
      %gather3A_596 = vector.shape_cast %broadcast_in_dim3A_595 : vector<16x1xi32> to vector<16xi32>
      %gather3A_597 = tpu.dynamic_gather %add3A_590[%gather3A_596] in [0] : vector<16xf32>, vector<16xi32> -> vector<16xf32>
      %add3A_598 = arith.addf %add3A_590, %gather3A_597 : vector<16xf32>
      %broadcast_in_dim3A_599 = vector.shape_cast %xor3A_36 : vector<16xi32> to vector<16x1xi32>
      %gather3A_600 = vector.shape_cast %broadcast_in_dim3A_599 : vector<16x1xi32> to vector<16xi32>
      %gather3A_601 = tpu.dynamic_gather %add3A_594[%gather3A_600] in [0] : vector<16xf32>, vector<16xi32> -> vector<16xf32>
      %add3A_602 = arith.addf %add3A_594, %gather3A_601 : vector<16xf32>
      %broadcast_in_dim3A_603 = vector.shape_cast %xor3A_39 : vector<16xi32> to vector<16x1xi32>
      %gather3A_604 = vector.shape_cast %broadcast_in_dim3A_603 : vector<16x1xi32> to vector<16xi32>
      %gather3A_605 = tpu.dynamic_gather %add3A_598[%gather3A_604] in [0] : vector<16xf32>, vector<16xi32> -> vector<16xf32>
      %add3A_606 = arith.addf %add3A_598, %gather3A_605 : vector<16xf32>
      %broadcast_in_dim3A_607 = vector.shape_cast %xor3A_39 : vector<16xi32> to vector<16x1xi32>
      %gather3A_608 = vector.shape_cast %broadcast_in_dim3A_607 : vector<16x1xi32> to vector<16xi32>
      %gather3A_609 = tpu.dynamic_gather %add3A_602[%gather3A_608] in [0] : vector<16xf32>, vector<16xi32> -> vector<16xf32>
      %add3A_610 = arith.addf %add3A_602, %gather3A_609 : vector<16xf32>
      %broadcast_in_dim3A_611 = vector.shape_cast %xor3A_42 : vector<16xi32> to vector<16x1xi32>
      %gather3A_612 = vector.shape_cast %broadcast_in_dim3A_611 : vector<16x1xi32> to vector<16xi32>
      %gather3A_613 = tpu.dynamic_gather %add3A_606[%gather3A_612] in [0] : vector<16xf32>, vector<16xi32> -> vector<16xf32>
      %add3A_614 = arith.addf %add3A_606, %gather3A_613 : vector<16xf32>
      %broadcast_in_dim3A_615 = vector.shape_cast %xor3A_42 : vector<16xi32> to vector<16x1xi32>
      %gather3A_616 = vector.shape_cast %broadcast_in_dim3A_615 : vector<16x1xi32> to vector<16xi32>
      %gather3A_617 = tpu.dynamic_gather %add3A_610[%gather3A_616] in [0] : vector<16xf32>, vector<16xi32> -> vector<16xf32>
      %add3A_618 = arith.addf %add3A_610, %gather3A_617 : vector<16xf32>
      %select_n3A_619 = arith.select %eq3A_481, %add3A_614, %select_n3A_438 : vector<16xi1>, vector<16xf32>
      %select_n3A_620 = arith.select %eq3A_484, %add3A_618, %select_n3A_619 : vector<16xi1>, vector<16xf32>
      %slice3A_621 = vector.extract_strided_slice %get3A_61 {offsets = [6], sizes = [1], strides = [1]} : vector<16xf32> to vector<1xf32>
      %squeeze3A_622 = vector.extract %slice3A_621[0] : f32 from vector<1xf32>
      %broadcast_in_dim3A_623 = vector.broadcast %squeeze3A_622 : f32 to vector<16xf32>
      %slice3A_624 = vector.extract_strided_slice %get3A_66 {offsets = [6], sizes = [1], strides = [1]} : vector<16xf32> to vector<1xf32>
      %squeeze3A_625 = vector.extract %slice3A_624[0] : f32 from vector<1xf32>
      %broadcast_in_dim3A_626 = vector.broadcast %squeeze3A_625 : f32 to vector<16xf32>
      %slice3A_627 = vector.extract_strided_slice %get3A_71 {offsets = [6], sizes = [1], strides = [1]} : vector<16xf32> to vector<1xf32>
      %squeeze3A_628 = vector.extract %slice3A_627[0] : f32 from vector<1xf32>
      %broadcast_in_dim3A_629 = vector.broadcast %squeeze3A_628 : f32 to vector<16xf32>
      %slice3A_630 = vector.extract_strided_slice %get3A_61 {offsets = [7], sizes = [1], strides = [1]} : vector<16xf32> to vector<1xf32>
      %squeeze3A_631 = vector.extract %slice3A_630[0] : f32 from vector<1xf32>
      %broadcast_in_dim3A_632 = vector.broadcast %squeeze3A_631 : f32 to vector<16xf32>
      %slice3A_633 = vector.extract_strided_slice %get3A_66 {offsets = [7], sizes = [1], strides = [1]} : vector<16xf32> to vector<1xf32>
      %squeeze3A_634 = vector.extract %slice3A_633[0] : f32 from vector<1xf32>
      %broadcast_in_dim3A_635 = vector.broadcast %squeeze3A_634 : f32 to vector<16xf32>
      %slice3A_636 = vector.extract_strided_slice %get3A_71 {offsets = [7], sizes = [1], strides = [1]} : vector<16xf32> to vector<1xf32>
      %squeeze3A_637 = vector.extract %slice3A_636[0] : f32 from vector<1xf32>
      %broadcast_in_dim3A_638 = vector.broadcast %squeeze3A_637 : f32 to vector<16xf32>
      %broadcast_in_dim3A_639 = arith.constant 0.000000e+00 : f32
      %broadcast_in_dim3A_640 = vector.broadcast %broadcast_in_dim3A_639 : f32 to vector<16xf32>
      %broadcast_in_dim3A_641 = arith.constant 0.000000e+00 : f32
      %broadcast_in_dim3A_642 = vector.broadcast %broadcast_in_dim3A_641 : f32 to vector<16xf32>
      %broadcast_in_dim3A_643 = arith.constant 0.000000e+00 : f32
      %broadcast_in_dim3A_644 = vector.broadcast %broadcast_in_dim3A_643 : f32 to vector<16xf32>
      %broadcast_in_dim3A_645 = arith.constant 0.000000e+00 : f32
      %broadcast_in_dim3A_646 = vector.broadcast %broadcast_in_dim3A_645 : f32 to vector<16xf32>
      %broadcast_in_dim3A_647 = arith.constant 0.000000e+00 : f32
      %broadcast_in_dim3A_648 = vector.broadcast %broadcast_in_dim3A_647 : f32 to vector<16xf32>
      %broadcast_in_dim3A_649 = arith.constant 0.000000e+00 : f32
      %broadcast_in_dim3A_650 = vector.broadcast %broadcast_in_dim3A_649 : f32 to vector<16xf32>
      %broadcast_in_dim3A_651 = arith.constant 0.000000e+00 : f32
      %broadcast_in_dim3A_652 = vector.broadcast %broadcast_in_dim3A_651 : f32 to vector<16xf32>
      %broadcast_in_dim3A_653 = arith.constant 0.000000e+00 : f32
      %broadcast_in_dim3A_654 = vector.broadcast %broadcast_in_dim3A_653 : f32 to vector<16xf32>
      %scan3A_655 = arith.constant 0 : i32
      %scan3A_656 = arith.constant 24 : i32
      %scan3A_657 = arith.addi %scan3A_655, %scan3A_656 : i32
      %scan3A_658 = arith.constant 2 : i32
      %scan3A_659:8 = scf.for %scan3A_1562 = %scan3A_655 to %scan3A_657 step %scan3A_658 iter_args(%scan3A_1563 = %broadcast_in_dim3A_640, %scan3A_1564 = %broadcast_in_dim3A_642, %scan3A_1565 = %broadcast_in_dim3A_644, %scan3A_1566 = %broadcast_in_dim3A_646, %scan3A_1567 = %broadcast_in_dim3A_648, %scan3A_1568 = %broadcast_in_dim3A_650, %scan3A_1569 = %broadcast_in_dim3A_652, %scan3A_1570 = %broadcast_in_dim3A_654) -> (vector<16xf32>, vector<16xf32>, vector<16xf32>, vector<16xf32>, vector<16xf32>, vector<16xf32>, vector<16xf32>, vector<16xf32>)  : i32 {
        %mul3A_1571 = arith.constant 16 : i32
        %mul3A_1572 = arith.muli %scan3A_1562, %mul3A_1571 : i32
        %get3A_1573 = arith.index_cast %mul3A_1572 : i32 to index
        %get3A_1574 = tpu.vector_load %arg11[%get3A_1573] {strides = array<i32>} : memref<384xf32, #tpu.memory_space<vmem>>, vector<16xf32>,
        %get3A_1575 = vector.shape_cast %get3A_1574 : vector<16xf32> to vector<16xf32>
        %get3A_1576 = arith.index_cast %mul3A_1572 : i32 to index
        %get3A_1577 = tpu.vector_load %arg12[%get3A_1576] {strides = array<i32>} : memref<384xf32, #tpu.memory_space<vmem>>, vector<16xf32>,
        %get3A_1578 = vector.shape_cast %get3A_1577 : vector<16xf32> to vector<16xf32>
        %get3A_1579 = arith.index_cast %mul3A_1572 : i32 to index
        %get3A_1580 = tpu.vector_load %arg13[%get3A_1579] {strides = array<i32>} : memref<384xf32, #tpu.memory_space<vmem>>, vector<16xf32>,
        %get3A_1581 = vector.shape_cast %get3A_1580 : vector<16xf32> to vector<16xf32>
        %get3A_1582 = arith.index_cast %mul3A_1572 : i32 to index
        %get3A_1583 = tpu.vector_load %arg14[%get3A_1582] {strides = array<i32>} : memref<384xf32, #tpu.memory_space<vmem>>, vector<16xf32>,
        %get3A_1584 = vector.shape_cast %get3A_1583 : vector<16xf32> to vector<16xf32>
        %sub3A_1585 = arith.subf %broadcast_in_dim3A_623, %get3A_1575 : vector<16xf32>
        %sub3A_1586 = arith.subf %broadcast_in_dim3A_626, %get3A_1578 : vector<16xf32>
        %sub3A_1587 = arith.subf %broadcast_in_dim3A_629, %get3A_1581 : vector<16xf32>
        %mul3A_1588 = arith.mulf %sub3A_1585, %sub3A_1585 : vector<16xf32>
        %mul3A_1589 = arith.mulf %sub3A_1586, %sub3A_1586 : vector<16xf32>
        %add3A_1590 = arith.addf %mul3A_1588, %mul3A_1589 : vector<16xf32>
        %mul3A_1591 = arith.mulf %sub3A_1587, %sub3A_1587 : vector<16xf32>
        %add3A_1592 = arith.addf %add3A_1590, %mul3A_1591 : vector<16xf32>
        %sub3A_1593 = arith.subf %broadcast_in_dim3A_632, %get3A_1575 : vector<16xf32>
        %sub3A_1594 = arith.subf %broadcast_in_dim3A_635, %get3A_1578 : vector<16xf32>
        %sub3A_1595 = arith.subf %broadcast_in_dim3A_638, %get3A_1581 : vector<16xf32>
        %mul3A_1596 = arith.mulf %sub3A_1593, %sub3A_1593 : vector<16xf32>
        %mul3A_1597 = arith.mulf %sub3A_1594, %sub3A_1594 : vector<16xf32>
        %add3A_1598 = arith.addf %mul3A_1596, %mul3A_1597 : vector<16xf32>
        %mul3A_1599 = arith.mulf %sub3A_1595, %sub3A_1595 : vector<16xf32>
        %add3A_1600 = arith.addf %add3A_1598, %mul3A_1599 : vector<16xf32>
        %mul3A_1601 = arith.mulf %add3A_1592, %get3A_22 : vector<16xf32>
        %exp3A = math.exp %mul3A_1601 : vector<16xf32>
        %mul3A_1602 = arith.mulf %exp3A, %get3A_1584 : vector<16xf32>
        %add3A_1603 = arith.addf %scan3A_1563, %mul3A_1602 : vector<16xf32>
        %mul3A_1604 = arith.mulf %add3A_1592, %get3A_25 : vector<16xf32>
        %exp3A_1605 = math.exp %mul3A_1604 : vector<16xf32>
        %mul3A_1606 = arith.mulf %exp3A_1605, %get3A_1584 : vector<16xf32>
        %add3A_1607 = arith.addf %scan3A_1564, %mul3A_1606 : vector<16xf32>
        %mul3A_1608 = arith.mulf %add3A_1592, %get3A_28 : vector<16xf32>
        %exp3A_1609 = math.exp %mul3A_1608 : vector<16xf32>
        %mul3A_1610 = arith.mulf %exp3A_1609, %get3A_1584 : vector<16xf32>
        %add3A_1611 = arith.addf %scan3A_1565, %mul3A_1610 : vector<16xf32>
        %mul3A_1612 = arith.mulf %add3A_1592, %get3A_31 : vector<16xf32>
        %exp3A_1613 = math.exp %mul3A_1612 : vector<16xf32>
        %mul3A_1614 = arith.mulf %exp3A_1613, %get3A_1584 : vector<16xf32>
        %add3A_1615 = arith.addf %scan3A_1566, %mul3A_1614 : vector<16xf32>
        %mul3A_1616 = arith.mulf %add3A_1600, %get3A_22 : vector<16xf32>
        %exp3A_1617 = math.exp %mul3A_1616 : vector<16xf32>
        %mul3A_1618 = arith.mulf %exp3A_1617, %get3A_1584 : vector<16xf32>
        %add3A_1619 = arith.addf %scan3A_1567, %mul3A_1618 : vector<16xf32>
        %mul3A_1620 = arith.mulf %add3A_1600, %get3A_25 : vector<16xf32>
        %exp3A_1621 = math.exp %mul3A_1620 : vector<16xf32>
        %mul3A_1622 = arith.mulf %exp3A_1621, %get3A_1584 : vector<16xf32>
        %add3A_1623 = arith.addf %scan3A_1568, %mul3A_1622 : vector<16xf32>
        %mul3A_1624 = arith.mulf %add3A_1600, %get3A_28 : vector<16xf32>
        %exp3A_1625 = math.exp %mul3A_1624 : vector<16xf32>
        %mul3A_1626 = arith.mulf %exp3A_1625, %get3A_1584 : vector<16xf32>
        %add3A_1627 = arith.addf %scan3A_1569, %mul3A_1626 : vector<16xf32>
        %mul3A_1628 = arith.mulf %add3A_1600, %get3A_31 : vector<16xf32>
        %exp3A_1629 = math.exp %mul3A_1628 : vector<16xf32>
        %mul3A_1630 = arith.mulf %exp3A_1629, %get3A_1584 : vector<16xf32>
        %add3A_1631 = arith.addf %scan3A_1570, %mul3A_1630 : vector<16xf32>
        %scan3A_1632 = arith.constant 1 : i32
        %scan3A_1633 = arith.addi %scan3A_1562, %scan3A_1632 : i32
        %mul3A_1634 = arith.constant 16 : i32
        %mul3A_1635 = arith.muli %scan3A_1633, %mul3A_1634 : i32
        %get3A_1636 = arith.index_cast %mul3A_1635 : i32 to index
        %get3A_1637 = tpu.vector_load %arg11[%get3A_1636] {strides = array<i32>} : memref<384xf32, #tpu.memory_space<vmem>>, vector<16xf32>,
        %get3A_1638 = vector.shape_cast %get3A_1637 : vector<16xf32> to vector<16xf32>
        %get3A_1639 = arith.index_cast %mul3A_1635 : i32 to index
        %get3A_1640 = tpu.vector_load %arg12[%get3A_1639] {strides = array<i32>} : memref<384xf32, #tpu.memory_space<vmem>>, vector<16xf32>,
        %get3A_1641 = vector.shape_cast %get3A_1640 : vector<16xf32> to vector<16xf32>
        %get3A_1642 = arith.index_cast %mul3A_1635 : i32 to index
        %get3A_1643 = tpu.vector_load %arg13[%get3A_1642] {strides = array<i32>} : memref<384xf32, #tpu.memory_space<vmem>>, vector<16xf32>,
        %get3A_1644 = vector.shape_cast %get3A_1643 : vector<16xf32> to vector<16xf32>
        %get3A_1645 = arith.index_cast %mul3A_1635 : i32 to index
        %get3A_1646 = tpu.vector_load %arg14[%get3A_1645] {strides = array<i32>} : memref<384xf32, #tpu.memory_space<vmem>>, vector<16xf32>,
        %get3A_1647 = vector.shape_cast %get3A_1646 : vector<16xf32> to vector<16xf32>
        %sub3A_1648 = arith.subf %broadcast_in_dim3A_623, %get3A_1638 : vector<16xf32>
        %sub3A_1649 = arith.subf %broadcast_in_dim3A_626, %get3A_1641 : vector<16xf32>
        %sub3A_1650 = arith.subf %broadcast_in_dim3A_629, %get3A_1644 : vector<16xf32>
        %mul3A_1651 = arith.mulf %sub3A_1648, %sub3A_1648 : vector<16xf32>
        %mul3A_1652 = arith.mulf %sub3A_1649, %sub3A_1649 : vector<16xf32>
        %add3A_1653 = arith.addf %mul3A_1651, %mul3A_1652 : vector<16xf32>
        %mul3A_1654 = arith.mulf %sub3A_1650, %sub3A_1650 : vector<16xf32>
        %add3A_1655 = arith.addf %add3A_1653, %mul3A_1654 : vector<16xf32>
        %sub3A_1656 = arith.subf %broadcast_in_dim3A_632, %get3A_1638 : vector<16xf32>
        %sub3A_1657 = arith.subf %broadcast_in_dim3A_635, %get3A_1641 : vector<16xf32>
        %sub3A_1658 = arith.subf %broadcast_in_dim3A_638, %get3A_1644 : vector<16xf32>
        %mul3A_1659 = arith.mulf %sub3A_1656, %sub3A_1656 : vector<16xf32>
        %mul3A_1660 = arith.mulf %sub3A_1657, %sub3A_1657 : vector<16xf32>
        %add3A_1661 = arith.addf %mul3A_1659, %mul3A_1660 : vector<16xf32>
        %mul3A_1662 = arith.mulf %sub3A_1658, %sub3A_1658 : vector<16xf32>
        %add3A_1663 = arith.addf %add3A_1661, %mul3A_1662 : vector<16xf32>
        %mul3A_1664 = arith.mulf %add3A_1655, %get3A_22 : vector<16xf32>
        %exp3A_1665 = math.exp %mul3A_1664 : vector<16xf32>
        %mul3A_1666 = arith.mulf %exp3A_1665, %get3A_1647 : vector<16xf32>
        %add3A_1667 = arith.addf %add3A_1603, %mul3A_1666 : vector<16xf32>
        %mul3A_1668 = arith.mulf %add3A_1655, %get3A_25 : vector<16xf32>
        %exp3A_1669 = math.exp %mul3A_1668 : vector<16xf32>
        %mul3A_1670 = arith.mulf %exp3A_1669, %get3A_1647 : vector<16xf32>
        %add3A_1671 = arith.addf %add3A_1607, %mul3A_1670 : vector<16xf32>
        %mul3A_1672 = arith.mulf %add3A_1655, %get3A_28 : vector<16xf32>
        %exp3A_1673 = math.exp %mul3A_1672 : vector<16xf32>
        %mul3A_1674 = arith.mulf %exp3A_1673, %get3A_1647 : vector<16xf32>
        %add3A_1675 = arith.addf %add3A_1611, %mul3A_1674 : vector<16xf32>
        %mul3A_1676 = arith.mulf %add3A_1655, %get3A_31 : vector<16xf32>
        %exp3A_1677 = math.exp %mul3A_1676 : vector<16xf32>
        %mul3A_1678 = arith.mulf %exp3A_1677, %get3A_1647 : vector<16xf32>
        %add3A_1679 = arith.addf %add3A_1615, %mul3A_1678 : vector<16xf32>
        %mul3A_1680 = arith.mulf %add3A_1663, %get3A_22 : vector<16xf32>
        %exp3A_1681 = math.exp %mul3A_1680 : vector<16xf32>
        %mul3A_1682 = arith.mulf %exp3A_1681, %get3A_1647 : vector<16xf32>
        %add3A_1683 = arith.addf %add3A_1619, %mul3A_1682 : vector<16xf32>
        %mul3A_1684 = arith.mulf %add3A_1663, %get3A_25 : vector<16xf32>
        %exp3A_1685 = math.exp %mul3A_1684 : vector<16xf32>
        %mul3A_1686 = arith.mulf %exp3A_1685, %get3A_1647 : vector<16xf32>
        %add3A_1687 = arith.addf %add3A_1623, %mul3A_1686 : vector<16xf32>
        %mul3A_1688 = arith.mulf %add3A_1663, %get3A_28 : vector<16xf32>
        %exp3A_1689 = math.exp %mul3A_1688 : vector<16xf32>
        %mul3A_1690 = arith.mulf %exp3A_1689, %get3A_1647 : vector<16xf32>
        %add3A_1691 = arith.addf %add3A_1627, %mul3A_1690 : vector<16xf32>
        %mul3A_1692 = arith.mulf %add3A_1663, %get3A_31 : vector<16xf32>
        %exp3A_1693 = math.exp %mul3A_1692 : vector<16xf32>
        %mul3A_1694 = arith.mulf %exp3A_1693, %get3A_1647 : vector<16xf32>
        %add3A_1695 = arith.addf %add3A_1631, %mul3A_1694 : vector<16xf32>
        scf.yield %add3A_1667, %add3A_1671, %add3A_1675, %add3A_1679, %add3A_1683, %add3A_1687, %add3A_1691, %add3A_1695 : vector<16xf32>, vector<16xf32>, vector<16xf32>, vector<16xf32>, vector<16xf32>, vector<16xf32>, vector<16xf32>, vector<16xf32>
      }
      %scan3A_660 = arith.constant 24 : i32
      %eq3A_661 = arith.constant 6 : i32
      %eq3A_662 = vector.broadcast %eq3A_661 : i32 to vector<16xi32>
      %eq3A_663 = arith.cmpi eq, %iota3A, %eq3A_662 : vector<16xi32>
      %eq3A_664 = arith.constant 7 : i32
      %eq3A_665 = vector.broadcast %eq3A_664 : i32 to vector<16xi32>
      %eq3A_666 = arith.cmpi eq, %iota3A, %eq3A_665 : vector<16xi32>
      %broadcast_in_dim3A_667 = vector.shape_cast %xor3A_33 : vector<16xi32> to vector<16x1xi32>
      %gather3A_668 = vector.shape_cast %broadcast_in_dim3A_667 : vector<16x1xi32> to vector<16xi32>
      %gather3A_669 = tpu.dynamic_gather %scan3A_659#0[%gather3A_668] in [0] : vector<16xf32>, vector<16xi32> -> vector<16xf32>
      %add3A_670 = arith.addf %scan3A_659#0, %gather3A_669 : vector<16xf32>
      %broadcast_in_dim3A_671 = vector.shape_cast %xor3A_33 : vector<16xi32> to vector<16x1xi32>
      %gather3A_672 = vector.shape_cast %broadcast_in_dim3A_671 : vector<16x1xi32> to vector<16xi32>
      %gather3A_673 = tpu.dynamic_gather %scan3A_659#4[%gather3A_672] in [0] : vector<16xf32>, vector<16xi32> -> vector<16xf32>
      %add3A_674 = arith.addf %scan3A_659#4, %gather3A_673 : vector<16xf32>
      %broadcast_in_dim3A_675 = vector.shape_cast %xor3A_36 : vector<16xi32> to vector<16x1xi32>
      %gather3A_676 = vector.shape_cast %broadcast_in_dim3A_675 : vector<16x1xi32> to vector<16xi32>
      %gather3A_677 = tpu.dynamic_gather %add3A_670[%gather3A_676] in [0] : vector<16xf32>, vector<16xi32> -> vector<16xf32>
      %add3A_678 = arith.addf %add3A_670, %gather3A_677 : vector<16xf32>
      %broadcast_in_dim3A_679 = vector.shape_cast %xor3A_36 : vector<16xi32> to vector<16x1xi32>
      %gather3A_680 = vector.shape_cast %broadcast_in_dim3A_679 : vector<16x1xi32> to vector<16xi32>
      %gather3A_681 = tpu.dynamic_gather %add3A_674[%gather3A_680] in [0] : vector<16xf32>, vector<16xi32> -> vector<16xf32>
      %add3A_682 = arith.addf %add3A_674, %gather3A_681 : vector<16xf32>
      %broadcast_in_dim3A_683 = vector.shape_cast %xor3A_39 : vector<16xi32> to vector<16x1xi32>
      %gather3A_684 = vector.shape_cast %broadcast_in_dim3A_683 : vector<16x1xi32> to vector<16xi32>
      %gather3A_685 = tpu.dynamic_gather %add3A_678[%gather3A_684] in [0] : vector<16xf32>, vector<16xi32> -> vector<16xf32>
      %add3A_686 = arith.addf %add3A_678, %gather3A_685 : vector<16xf32>
      %broadcast_in_dim3A_687 = vector.shape_cast %xor3A_39 : vector<16xi32> to vector<16x1xi32>
      %gather3A_688 = vector.shape_cast %broadcast_in_dim3A_687 : vector<16x1xi32> to vector<16xi32>
      %gather3A_689 = tpu.dynamic_gather %add3A_682[%gather3A_688] in [0] : vector<16xf32>, vector<16xi32> -> vector<16xf32>
      %add3A_690 = arith.addf %add3A_682, %gather3A_689 : vector<16xf32>
      %broadcast_in_dim3A_691 = vector.shape_cast %xor3A_42 : vector<16xi32> to vector<16x1xi32>
      %gather3A_692 = vector.shape_cast %broadcast_in_dim3A_691 : vector<16x1xi32> to vector<16xi32>
      %gather3A_693 = tpu.dynamic_gather %add3A_686[%gather3A_692] in [0] : vector<16xf32>, vector<16xi32> -> vector<16xf32>
      %add3A_694 = arith.addf %add3A_686, %gather3A_693 : vector<16xf32>
      %broadcast_in_dim3A_695 = vector.shape_cast %xor3A_42 : vector<16xi32> to vector<16x1xi32>
      %gather3A_696 = vector.shape_cast %broadcast_in_dim3A_695 : vector<16x1xi32> to vector<16xi32>
      %gather3A_697 = tpu.dynamic_gather %add3A_690[%gather3A_696] in [0] : vector<16xf32>, vector<16xi32> -> vector<16xf32>
      %add3A_698 = arith.addf %add3A_690, %gather3A_697 : vector<16xf32>
      %select_n3A_699 = arith.select %eq3A_663, %add3A_694, %select_n3A_518 : vector<16xi1>, vector<16xf32>
      %select_n3A_700 = arith.select %eq3A_666, %add3A_698, %select_n3A_699 : vector<16xi1>, vector<16xf32>
      %broadcast_in_dim3A_701 = vector.shape_cast %xor3A_33 : vector<16xi32> to vector<16x1xi32>
      %gather3A_702 = vector.shape_cast %broadcast_in_dim3A_701 : vector<16x1xi32> to vector<16xi32>
      %gather3A_703 = tpu.dynamic_gather %scan3A_659#1[%gather3A_702] in [0] : vector<16xf32>, vector<16xi32> -> vector<16xf32>
      %add3A_704 = arith.addf %scan3A_659#1, %gather3A_703 : vector<16xf32>
      %broadcast_in_dim3A_705 = vector.shape_cast %xor3A_33 : vector<16xi32> to vector<16x1xi32>
      %gather3A_706 = vector.shape_cast %broadcast_in_dim3A_705 : vector<16x1xi32> to vector<16xi32>
      %gather3A_707 = tpu.dynamic_gather %scan3A_659#5[%gather3A_706] in [0] : vector<16xf32>, vector<16xi32> -> vector<16xf32>
      %add3A_708 = arith.addf %scan3A_659#5, %gather3A_707 : vector<16xf32>
      %broadcast_in_dim3A_709 = vector.shape_cast %xor3A_36 : vector<16xi32> to vector<16x1xi32>
      %gather3A_710 = vector.shape_cast %broadcast_in_dim3A_709 : vector<16x1xi32> to vector<16xi32>
      %gather3A_711 = tpu.dynamic_gather %add3A_704[%gather3A_710] in [0] : vector<16xf32>, vector<16xi32> -> vector<16xf32>
      %add3A_712 = arith.addf %add3A_704, %gather3A_711 : vector<16xf32>
      %broadcast_in_dim3A_713 = vector.shape_cast %xor3A_36 : vector<16xi32> to vector<16x1xi32>
      %gather3A_714 = vector.shape_cast %broadcast_in_dim3A_713 : vector<16x1xi32> to vector<16xi32>
      %gather3A_715 = tpu.dynamic_gather %add3A_708[%gather3A_714] in [0] : vector<16xf32>, vector<16xi32> -> vector<16xf32>
      %add3A_716 = arith.addf %add3A_708, %gather3A_715 : vector<16xf32>
      %broadcast_in_dim3A_717 = vector.shape_cast %xor3A_39 : vector<16xi32> to vector<16x1xi32>
      %gather3A_718 = vector.shape_cast %broadcast_in_dim3A_717 : vector<16x1xi32> to vector<16xi32>
      %gather3A_719 = tpu.dynamic_gather %add3A_712[%gather3A_718] in [0] : vector<16xf32>, vector<16xi32> -> vector<16xf32>
      %add3A_720 = arith.addf %add3A_712, %gather3A_719 : vector<16xf32>
      %broadcast_in_dim3A_721 = vector.shape_cast %xor3A_39 : vector<16xi32> to vector<16x1xi32>
      %gather3A_722 = vector.shape_cast %broadcast_in_dim3A_721 : vector<16x1xi32> to vector<16xi32>
      %gather3A_723 = tpu.dynamic_gather %add3A_716[%gather3A_722] in [0] : vector<16xf32>, vector<16xi32> -> vector<16xf32>
      %add3A_724 = arith.addf %add3A_716, %gather3A_723 : vector<16xf32>
      %broadcast_in_dim3A_725 = vector.shape_cast %xor3A_42 : vector<16xi32> to vector<16x1xi32>
      %gather3A_726 = vector.shape_cast %broadcast_in_dim3A_725 : vector<16x1xi32> to vector<16xi32>
      %gather3A_727 = tpu.dynamic_gather %add3A_720[%gather3A_726] in [0] : vector<16xf32>, vector<16xi32> -> vector<16xf32>
      %add3A_728 = arith.addf %add3A_720, %gather3A_727 : vector<16xf32>
      %broadcast_in_dim3A_729 = vector.shape_cast %xor3A_42 : vector<16xi32> to vector<16x1xi32>
      %gather3A_730 = vector.shape_cast %broadcast_in_dim3A_729 : vector<16x1xi32> to vector<16xi32>
      %gather3A_731 = tpu.dynamic_gather %add3A_724[%gather3A_730] in [0] : vector<16xf32>, vector<16xi32> -> vector<16xf32>
      %add3A_732 = arith.addf %add3A_724, %gather3A_731 : vector<16xf32>
      %select_n3A_733 = arith.select %eq3A_663, %add3A_728, %select_n3A_552 : vector<16xi1>, vector<16xf32>
      %select_n3A_734 = arith.select %eq3A_666, %add3A_732, %select_n3A_733 : vector<16xi1>, vector<16xf32>
      %broadcast_in_dim3A_735 = vector.shape_cast %xor3A_33 : vector<16xi32> to vector<16x1xi32>
      %gather3A_736 = vector.shape_cast %broadcast_in_dim3A_735 : vector<16x1xi32> to vector<16xi32>
      %gather3A_737 = tpu.dynamic_gather %scan3A_659#2[%gather3A_736] in [0] : vector<16xf32>, vector<16xi32> -> vector<16xf32>
      %add3A_738 = arith.addf %scan3A_659#2, %gather3A_737 : vector<16xf32>
      %broadcast_in_dim3A_739 = vector.shape_cast %xor3A_33 : vector<16xi32> to vector<16x1xi32>
      %gather3A_740 = vector.shape_cast %broadcast_in_dim3A_739 : vector<16x1xi32> to vector<16xi32>
      %gather3A_741 = tpu.dynamic_gather %scan3A_659#6[%gather3A_740] in [0] : vector<16xf32>, vector<16xi32> -> vector<16xf32>
      %add3A_742 = arith.addf %scan3A_659#6, %gather3A_741 : vector<16xf32>
      %broadcast_in_dim3A_743 = vector.shape_cast %xor3A_36 : vector<16xi32> to vector<16x1xi32>
      %gather3A_744 = vector.shape_cast %broadcast_in_dim3A_743 : vector<16x1xi32> to vector<16xi32>
      %gather3A_745 = tpu.dynamic_gather %add3A_738[%gather3A_744] in [0] : vector<16xf32>, vector<16xi32> -> vector<16xf32>
      %add3A_746 = arith.addf %add3A_738, %gather3A_745 : vector<16xf32>
      %broadcast_in_dim3A_747 = vector.shape_cast %xor3A_36 : vector<16xi32> to vector<16x1xi32>
      %gather3A_748 = vector.shape_cast %broadcast_in_dim3A_747 : vector<16x1xi32> to vector<16xi32>
      %gather3A_749 = tpu.dynamic_gather %add3A_742[%gather3A_748] in [0] : vector<16xf32>, vector<16xi32> -> vector<16xf32>
      %add3A_750 = arith.addf %add3A_742, %gather3A_749 : vector<16xf32>
      %broadcast_in_dim3A_751 = vector.shape_cast %xor3A_39 : vector<16xi32> to vector<16x1xi32>
      %gather3A_752 = vector.shape_cast %broadcast_in_dim3A_751 : vector<16x1xi32> to vector<16xi32>
      %gather3A_753 = tpu.dynamic_gather %add3A_746[%gather3A_752] in [0] : vector<16xf32>, vector<16xi32> -> vector<16xf32>
      %add3A_754 = arith.addf %add3A_746, %gather3A_753 : vector<16xf32>
      %broadcast_in_dim3A_755 = vector.shape_cast %xor3A_39 : vector<16xi32> to vector<16x1xi32>
      %gather3A_756 = vector.shape_cast %broadcast_in_dim3A_755 : vector<16x1xi32> to vector<16xi32>
      %gather3A_757 = tpu.dynamic_gather %add3A_750[%gather3A_756] in [0] : vector<16xf32>, vector<16xi32> -> vector<16xf32>
      %add3A_758 = arith.addf %add3A_750, %gather3A_757 : vector<16xf32>
      %broadcast_in_dim3A_759 = vector.shape_cast %xor3A_42 : vector<16xi32> to vector<16x1xi32>
      %gather3A_760 = vector.shape_cast %broadcast_in_dim3A_759 : vector<16x1xi32> to vector<16xi32>
      %gather3A_761 = tpu.dynamic_gather %add3A_754[%gather3A_760] in [0] : vector<16xf32>, vector<16xi32> -> vector<16xf32>
      %add3A_762 = arith.addf %add3A_754, %gather3A_761 : vector<16xf32>
      %broadcast_in_dim3A_763 = vector.shape_cast %xor3A_42 : vector<16xi32> to vector<16x1xi32>
      %gather3A_764 = vector.shape_cast %broadcast_in_dim3A_763 : vector<16x1xi32> to vector<16xi32>
      %gather3A_765 = tpu.dynamic_gather %add3A_758[%gather3A_764] in [0] : vector<16xf32>, vector<16xi32> -> vector<16xf32>
      %add3A_766 = arith.addf %add3A_758, %gather3A_765 : vector<16xf32>
      %select_n3A_767 = arith.select %eq3A_663, %add3A_762, %select_n3A_586 : vector<16xi1>, vector<16xf32>
      %select_n3A_768 = arith.select %eq3A_666, %add3A_766, %select_n3A_767 : vector<16xi1>, vector<16xf32>
      %broadcast_in_dim3A_769 = vector.shape_cast %xor3A_33 : vector<16xi32> to vector<16x1xi32>
      %gather3A_770 = vector.shape_cast %broadcast_in_dim3A_769 : vector<16x1xi32> to vector<16xi32>
      %gather3A_771 = tpu.dynamic_gather %scan3A_659#3[%gather3A_770] in [0] : vector<16xf32>, vector<16xi32> -> vector<16xf32>
      %add3A_772 = arith.addf %scan3A_659#3, %gather3A_771 : vector<16xf32>
      %broadcast_in_dim3A_773 = vector.shape_cast %xor3A_33 : vector<16xi32> to vector<16x1xi32>
      %gather3A_774 = vector.shape_cast %broadcast_in_dim3A_773 : vector<16x1xi32> to vector<16xi32>
      %gather3A_775 = tpu.dynamic_gather %scan3A_659#7[%gather3A_774] in [0] : vector<16xf32>, vector<16xi32> -> vector<16xf32>
      %add3A_776 = arith.addf %scan3A_659#7, %gather3A_775 : vector<16xf32>
      %broadcast_in_dim3A_777 = vector.shape_cast %xor3A_36 : vector<16xi32> to vector<16x1xi32>
      %gather3A_778 = vector.shape_cast %broadcast_in_dim3A_777 : vector<16x1xi32> to vector<16xi32>
      %gather3A_779 = tpu.dynamic_gather %add3A_772[%gather3A_778] in [0] : vector<16xf32>, vector<16xi32> -> vector<16xf32>
      %add3A_780 = arith.addf %add3A_772, %gather3A_779 : vector<16xf32>
      %broadcast_in_dim3A_781 = vector.shape_cast %xor3A_36 : vector<16xi32> to vector<16x1xi32>
      %gather3A_782 = vector.shape_cast %broadcast_in_dim3A_781 : vector<16x1xi32> to vector<16xi32>
      %gather3A_783 = tpu.dynamic_gather %add3A_776[%gather3A_782] in [0] : vector<16xf32>, vector<16xi32> -> vector<16xf32>
      %add3A_784 = arith.addf %add3A_776, %gather3A_783 : vector<16xf32>
      %broadcast_in_dim3A_785 = vector.shape_cast %xor3A_39 : vector<16xi32> to vector<16x1xi32>
      %gather3A_786 = vector.shape_cast %broadcast_in_dim3A_785 : vector<16x1xi32> to vector<16xi32>
      %gather3A_787 = tpu.dynamic_gather %add3A_780[%gather3A_786] in [0] : vector<16xf32>, vector<16xi32> -> vector<16xf32>
      %add3A_788 = arith.addf %add3A_780, %gather3A_787 : vector<16xf32>
      %broadcast_in_dim3A_789 = vector.shape_cast %xor3A_39 : vector<16xi32> to vector<16x1xi32>
      %gather3A_790 = vector.shape_cast %broadcast_in_dim3A_789 : vector<16x1xi32> to vector<16xi32>
      %gather3A_791 = tpu.dynamic_gather %add3A_784[%gather3A_790] in [0] : vector<16xf32>, vector<16xi32> -> vector<16xf32>
      %add3A_792 = arith.addf %add3A_784, %gather3A_791 : vector<16xf32>
      %broadcast_in_dim3A_793 = vector.shape_cast %xor3A_42 : vector<16xi32> to vector<16x1xi32>
      %gather3A_794 = vector.shape_cast %broadcast_in_dim3A_793 : vector<16x1xi32> to vector<16xi32>
      %gather3A_795 = tpu.dynamic_gather %add3A_788[%gather3A_794] in [0] : vector<16xf32>, vector<16xi32> -> vector<16xf32>
      %add3A_796 = arith.addf %add3A_788, %gather3A_795 : vector<16xf32>
      %broadcast_in_dim3A_797 = vector.shape_cast %xor3A_42 : vector<16xi32> to vector<16x1xi32>
      %gather3A_798 = vector.shape_cast %broadcast_in_dim3A_797 : vector<16x1xi32> to vector<16xi32>
      %gather3A_799 = tpu.dynamic_gather %add3A_792[%gather3A_798] in [0] : vector<16xf32>, vector<16xi32> -> vector<16xf32>
      %add3A_800 = arith.addf %add3A_792, %gather3A_799 : vector<16xf32>
      %select_n3A_801 = arith.select %eq3A_663, %add3A_796, %select_n3A_620 : vector<16xi1>, vector<16xf32>
      %select_n3A_802 = arith.select %eq3A_666, %add3A_800, %select_n3A_801 : vector<16xi1>, vector<16xf32>
      %slice3A_803 = vector.extract_strided_slice %get3A_61 {offsets = [8], sizes = [1], strides = [1]} : vector<16xf32> to vector<1xf32>
      %squeeze3A_804 = vector.extract %slice3A_803[0] : f32 from vector<1xf32>
      %broadcast_in_dim3A_805 = vector.broadcast %squeeze3A_804 : f32 to vector<16xf32>
      %slice3A_806 = vector.extract_strided_slice %get3A_66 {offsets = [8], sizes = [1], strides = [1]} : vector<16xf32> to vector<1xf32>
      %squeeze3A_807 = vector.extract %slice3A_806[0] : f32 from vector<1xf32>
      %broadcast_in_dim3A_808 = vector.broadcast %squeeze3A_807 : f32 to vector<16xf32>
      %slice3A_809 = vector.extract_strided_slice %get3A_71 {offsets = [8], sizes = [1], strides = [1]} : vector<16xf32> to vector<1xf32>
      %squeeze3A_810 = vector.extract %slice3A_809[0] : f32 from vector<1xf32>
      %broadcast_in_dim3A_811 = vector.broadcast %squeeze3A_810 : f32 to vector<16xf32>
      %slice3A_812 = vector.extract_strided_slice %get3A_61 {offsets = [9], sizes = [1], strides = [1]} : vector<16xf32> to vector<1xf32>
      %squeeze3A_813 = vector.extract %slice3A_812[0] : f32 from vector<1xf32>
      %broadcast_in_dim3A_814 = vector.broadcast %squeeze3A_813 : f32 to vector<16xf32>
      %slice3A_815 = vector.extract_strided_slice %get3A_66 {offsets = [9], sizes = [1], strides = [1]} : vector<16xf32> to vector<1xf32>
      %squeeze3A_816 = vector.extract %slice3A_815[0] : f32 from vector<1xf32>
      %broadcast_in_dim3A_817 = vector.broadcast %squeeze3A_816 : f32 to vector<16xf32>
      %slice3A_818 = vector.extract_strided_slice %get3A_71 {offsets = [9], sizes = [1], strides = [1]} : vector<16xf32> to vector<1xf32>
      %squeeze3A_819 = vector.extract %slice3A_818[0] : f32 from vector<1xf32>
      %broadcast_in_dim3A_820 = vector.broadcast %squeeze3A_819 : f32 to vector<16xf32>
      %broadcast_in_dim3A_821 = arith.constant 0.000000e+00 : f32
      %broadcast_in_dim3A_822 = vector.broadcast %broadcast_in_dim3A_821 : f32 to vector<16xf32>
      %broadcast_in_dim3A_823 = arith.constant 0.000000e+00 : f32
      %broadcast_in_dim3A_824 = vector.broadcast %broadcast_in_dim3A_823 : f32 to vector<16xf32>
      %broadcast_in_dim3A_825 = arith.constant 0.000000e+00 : f32
      %broadcast_in_dim3A_826 = vector.broadcast %broadcast_in_dim3A_825 : f32 to vector<16xf32>
      %broadcast_in_dim3A_827 = arith.constant 0.000000e+00 : f32
      %broadcast_in_dim3A_828 = vector.broadcast %broadcast_in_dim3A_827 : f32 to vector<16xf32>
      %broadcast_in_dim3A_829 = arith.constant 0.000000e+00 : f32
      %broadcast_in_dim3A_830 = vector.broadcast %broadcast_in_dim3A_829 : f32 to vector<16xf32>
      %broadcast_in_dim3A_831 = arith.constant 0.000000e+00 : f32
      %broadcast_in_dim3A_832 = vector.broadcast %broadcast_in_dim3A_831 : f32 to vector<16xf32>
      %broadcast_in_dim3A_833 = arith.constant 0.000000e+00 : f32
      %broadcast_in_dim3A_834 = vector.broadcast %broadcast_in_dim3A_833 : f32 to vector<16xf32>
      %broadcast_in_dim3A_835 = arith.constant 0.000000e+00 : f32
      %broadcast_in_dim3A_836 = vector.broadcast %broadcast_in_dim3A_835 : f32 to vector<16xf32>
      %scan3A_837 = arith.constant 0 : i32
      %scan3A_838 = arith.constant 24 : i32
      %scan3A_839 = arith.addi %scan3A_837, %scan3A_838 : i32
      %scan3A_840 = arith.constant 2 : i32
      %scan3A_841:8 = scf.for %scan3A_1562 = %scan3A_837 to %scan3A_839 step %scan3A_840 iter_args(%scan3A_1563 = %broadcast_in_dim3A_822, %scan3A_1564 = %broadcast_in_dim3A_824, %scan3A_1565 = %broadcast_in_dim3A_826, %scan3A_1566 = %broadcast_in_dim3A_828, %scan3A_1567 = %broadcast_in_dim3A_830, %scan3A_1568 = %broadcast_in_dim3A_832, %scan3A_1569 = %broadcast_in_dim3A_834, %scan3A_1570 = %broadcast_in_dim3A_836) -> (vector<16xf32>, vector<16xf32>, vector<16xf32>, vector<16xf32>, vector<16xf32>, vector<16xf32>, vector<16xf32>, vector<16xf32>)  : i32 {
        %mul3A_1571 = arith.constant 16 : i32
        %mul3A_1572 = arith.muli %scan3A_1562, %mul3A_1571 : i32
        %get3A_1573 = arith.index_cast %mul3A_1572 : i32 to index
        %get3A_1574 = tpu.vector_load %arg11[%get3A_1573] {strides = array<i32>} : memref<384xf32, #tpu.memory_space<vmem>>, vector<16xf32>,
        %get3A_1575 = vector.shape_cast %get3A_1574 : vector<16xf32> to vector<16xf32>
        %get3A_1576 = arith.index_cast %mul3A_1572 : i32 to index
        %get3A_1577 = tpu.vector_load %arg12[%get3A_1576] {strides = array<i32>} : memref<384xf32, #tpu.memory_space<vmem>>, vector<16xf32>,
        %get3A_1578 = vector.shape_cast %get3A_1577 : vector<16xf32> to vector<16xf32>
        %get3A_1579 = arith.index_cast %mul3A_1572 : i32 to index
        %get3A_1580 = tpu.vector_load %arg13[%get3A_1579] {strides = array<i32>} : memref<384xf32, #tpu.memory_space<vmem>>, vector<16xf32>,
        %get3A_1581 = vector.shape_cast %get3A_1580 : vector<16xf32> to vector<16xf32>
        %get3A_1582 = arith.index_cast %mul3A_1572 : i32 to index
        %get3A_1583 = tpu.vector_load %arg14[%get3A_1582] {strides = array<i32>} : memref<384xf32, #tpu.memory_space<vmem>>, vector<16xf32>,
        %get3A_1584 = vector.shape_cast %get3A_1583 : vector<16xf32> to vector<16xf32>
        %sub3A_1585 = arith.subf %broadcast_in_dim3A_805, %get3A_1575 : vector<16xf32>
        %sub3A_1586 = arith.subf %broadcast_in_dim3A_808, %get3A_1578 : vector<16xf32>
        %sub3A_1587 = arith.subf %broadcast_in_dim3A_811, %get3A_1581 : vector<16xf32>
        %mul3A_1588 = arith.mulf %sub3A_1585, %sub3A_1585 : vector<16xf32>
        %mul3A_1589 = arith.mulf %sub3A_1586, %sub3A_1586 : vector<16xf32>
        %add3A_1590 = arith.addf %mul3A_1588, %mul3A_1589 : vector<16xf32>
        %mul3A_1591 = arith.mulf %sub3A_1587, %sub3A_1587 : vector<16xf32>
        %add3A_1592 = arith.addf %add3A_1590, %mul3A_1591 : vector<16xf32>
        %sub3A_1593 = arith.subf %broadcast_in_dim3A_814, %get3A_1575 : vector<16xf32>
        %sub3A_1594 = arith.subf %broadcast_in_dim3A_817, %get3A_1578 : vector<16xf32>
        %sub3A_1595 = arith.subf %broadcast_in_dim3A_820, %get3A_1581 : vector<16xf32>
        %mul3A_1596 = arith.mulf %sub3A_1593, %sub3A_1593 : vector<16xf32>
        %mul3A_1597 = arith.mulf %sub3A_1594, %sub3A_1594 : vector<16xf32>
        %add3A_1598 = arith.addf %mul3A_1596, %mul3A_1597 : vector<16xf32>
        %mul3A_1599 = arith.mulf %sub3A_1595, %sub3A_1595 : vector<16xf32>
        %add3A_1600 = arith.addf %add3A_1598, %mul3A_1599 : vector<16xf32>
        %mul3A_1601 = arith.mulf %add3A_1592, %get3A_22 : vector<16xf32>
        %exp3A = math.exp %mul3A_1601 : vector<16xf32>
        %mul3A_1602 = arith.mulf %exp3A, %get3A_1584 : vector<16xf32>
        %add3A_1603 = arith.addf %scan3A_1563, %mul3A_1602 : vector<16xf32>
        %mul3A_1604 = arith.mulf %add3A_1592, %get3A_25 : vector<16xf32>
        %exp3A_1605 = math.exp %mul3A_1604 : vector<16xf32>
        %mul3A_1606 = arith.mulf %exp3A_1605, %get3A_1584 : vector<16xf32>
        %add3A_1607 = arith.addf %scan3A_1564, %mul3A_1606 : vector<16xf32>
        %mul3A_1608 = arith.mulf %add3A_1592, %get3A_28 : vector<16xf32>
        %exp3A_1609 = math.exp %mul3A_1608 : vector<16xf32>
        %mul3A_1610 = arith.mulf %exp3A_1609, %get3A_1584 : vector<16xf32>
        %add3A_1611 = arith.addf %scan3A_1565, %mul3A_1610 : vector<16xf32>
        %mul3A_1612 = arith.mulf %add3A_1592, %get3A_31 : vector<16xf32>
        %exp3A_1613 = math.exp %mul3A_1612 : vector<16xf32>
        %mul3A_1614 = arith.mulf %exp3A_1613, %get3A_1584 : vector<16xf32>
        %add3A_1615 = arith.addf %scan3A_1566, %mul3A_1614 : vector<16xf32>
        %mul3A_1616 = arith.mulf %add3A_1600, %get3A_22 : vector<16xf32>
        %exp3A_1617 = math.exp %mul3A_1616 : vector<16xf32>
        %mul3A_1618 = arith.mulf %exp3A_1617, %get3A_1584 : vector<16xf32>
        %add3A_1619 = arith.addf %scan3A_1567, %mul3A_1618 : vector<16xf32>
        %mul3A_1620 = arith.mulf %add3A_1600, %get3A_25 : vector<16xf32>
        %exp3A_1621 = math.exp %mul3A_1620 : vector<16xf32>
        %mul3A_1622 = arith.mulf %exp3A_1621, %get3A_1584 : vector<16xf32>
        %add3A_1623 = arith.addf %scan3A_1568, %mul3A_1622 : vector<16xf32>
        %mul3A_1624 = arith.mulf %add3A_1600, %get3A_28 : vector<16xf32>
        %exp3A_1625 = math.exp %mul3A_1624 : vector<16xf32>
        %mul3A_1626 = arith.mulf %exp3A_1625, %get3A_1584 : vector<16xf32>
        %add3A_1627 = arith.addf %scan3A_1569, %mul3A_1626 : vector<16xf32>
        %mul3A_1628 = arith.mulf %add3A_1600, %get3A_31 : vector<16xf32>
        %exp3A_1629 = math.exp %mul3A_1628 : vector<16xf32>
        %mul3A_1630 = arith.mulf %exp3A_1629, %get3A_1584 : vector<16xf32>
        %add3A_1631 = arith.addf %scan3A_1570, %mul3A_1630 : vector<16xf32>
        %scan3A_1632 = arith.constant 1 : i32
        %scan3A_1633 = arith.addi %scan3A_1562, %scan3A_1632 : i32
        %mul3A_1634 = arith.constant 16 : i32
        %mul3A_1635 = arith.muli %scan3A_1633, %mul3A_1634 : i32
        %get3A_1636 = arith.index_cast %mul3A_1635 : i32 to index
        %get3A_1637 = tpu.vector_load %arg11[%get3A_1636] {strides = array<i32>} : memref<384xf32, #tpu.memory_space<vmem>>, vector<16xf32>,
        %get3A_1638 = vector.shape_cast %get3A_1637 : vector<16xf32> to vector<16xf32>
        %get3A_1639 = arith.index_cast %mul3A_1635 : i32 to index
        %get3A_1640 = tpu.vector_load %arg12[%get3A_1639] {strides = array<i32>} : memref<384xf32, #tpu.memory_space<vmem>>, vector<16xf32>,
        %get3A_1641 = vector.shape_cast %get3A_1640 : vector<16xf32> to vector<16xf32>
        %get3A_1642 = arith.index_cast %mul3A_1635 : i32 to index
        %get3A_1643 = tpu.vector_load %arg13[%get3A_1642] {strides = array<i32>} : memref<384xf32, #tpu.memory_space<vmem>>, vector<16xf32>,
        %get3A_1644 = vector.shape_cast %get3A_1643 : vector<16xf32> to vector<16xf32>
        %get3A_1645 = arith.index_cast %mul3A_1635 : i32 to index
        %get3A_1646 = tpu.vector_load %arg14[%get3A_1645] {strides = array<i32>} : memref<384xf32, #tpu.memory_space<vmem>>, vector<16xf32>,
        %get3A_1647 = vector.shape_cast %get3A_1646 : vector<16xf32> to vector<16xf32>
        %sub3A_1648 = arith.subf %broadcast_in_dim3A_805, %get3A_1638 : vector<16xf32>
        %sub3A_1649 = arith.subf %broadcast_in_dim3A_808, %get3A_1641 : vector<16xf32>
        %sub3A_1650 = arith.subf %broadcast_in_dim3A_811, %get3A_1644 : vector<16xf32>
        %mul3A_1651 = arith.mulf %sub3A_1648, %sub3A_1648 : vector<16xf32>
        %mul3A_1652 = arith.mulf %sub3A_1649, %sub3A_1649 : vector<16xf32>
        %add3A_1653 = arith.addf %mul3A_1651, %mul3A_1652 : vector<16xf32>
        %mul3A_1654 = arith.mulf %sub3A_1650, %sub3A_1650 : vector<16xf32>
        %add3A_1655 = arith.addf %add3A_1653, %mul3A_1654 : vector<16xf32>
        %sub3A_1656 = arith.subf %broadcast_in_dim3A_814, %get3A_1638 : vector<16xf32>
        %sub3A_1657 = arith.subf %broadcast_in_dim3A_817, %get3A_1641 : vector<16xf32>
        %sub3A_1658 = arith.subf %broadcast_in_dim3A_820, %get3A_1644 : vector<16xf32>
        %mul3A_1659 = arith.mulf %sub3A_1656, %sub3A_1656 : vector<16xf32>
        %mul3A_1660 = arith.mulf %sub3A_1657, %sub3A_1657 : vector<16xf32>
        %add3A_1661 = arith.addf %mul3A_1659, %mul3A_1660 : vector<16xf32>
        %mul3A_1662 = arith.mulf %sub3A_1658, %sub3A_1658 : vector<16xf32>
        %add3A_1663 = arith.addf %add3A_1661, %mul3A_1662 : vector<16xf32>
        %mul3A_1664 = arith.mulf %add3A_1655, %get3A_22 : vector<16xf32>
        %exp3A_1665 = math.exp %mul3A_1664 : vector<16xf32>
        %mul3A_1666 = arith.mulf %exp3A_1665, %get3A_1647 : vector<16xf32>
        %add3A_1667 = arith.addf %add3A_1603, %mul3A_1666 : vector<16xf32>
        %mul3A_1668 = arith.mulf %add3A_1655, %get3A_25 : vector<16xf32>
        %exp3A_1669 = math.exp %mul3A_1668 : vector<16xf32>
        %mul3A_1670 = arith.mulf %exp3A_1669, %get3A_1647 : vector<16xf32>
        %add3A_1671 = arith.addf %add3A_1607, %mul3A_1670 : vector<16xf32>
        %mul3A_1672 = arith.mulf %add3A_1655, %get3A_28 : vector<16xf32>
        %exp3A_1673 = math.exp %mul3A_1672 : vector<16xf32>
        %mul3A_1674 = arith.mulf %exp3A_1673, %get3A_1647 : vector<16xf32>
        %add3A_1675 = arith.addf %add3A_1611, %mul3A_1674 : vector<16xf32>
        %mul3A_1676 = arith.mulf %add3A_1655, %get3A_31 : vector<16xf32>
        %exp3A_1677 = math.exp %mul3A_1676 : vector<16xf32>
        %mul3A_1678 = arith.mulf %exp3A_1677, %get3A_1647 : vector<16xf32>
        %add3A_1679 = arith.addf %add3A_1615, %mul3A_1678 : vector<16xf32>
        %mul3A_1680 = arith.mulf %add3A_1663, %get3A_22 : vector<16xf32>
        %exp3A_1681 = math.exp %mul3A_1680 : vector<16xf32>
        %mul3A_1682 = arith.mulf %exp3A_1681, %get3A_1647 : vector<16xf32>
        %add3A_1683 = arith.addf %add3A_1619, %mul3A_1682 : vector<16xf32>
        %mul3A_1684 = arith.mulf %add3A_1663, %get3A_25 : vector<16xf32>
        %exp3A_1685 = math.exp %mul3A_1684 : vector<16xf32>
        %mul3A_1686 = arith.mulf %exp3A_1685, %get3A_1647 : vector<16xf32>
        %add3A_1687 = arith.addf %add3A_1623, %mul3A_1686 : vector<16xf32>
        %mul3A_1688 = arith.mulf %add3A_1663, %get3A_28 : vector<16xf32>
        %exp3A_1689 = math.exp %mul3A_1688 : vector<16xf32>
        %mul3A_1690 = arith.mulf %exp3A_1689, %get3A_1647 : vector<16xf32>
        %add3A_1691 = arith.addf %add3A_1627, %mul3A_1690 : vector<16xf32>
        %mul3A_1692 = arith.mulf %add3A_1663, %get3A_31 : vector<16xf32>
        %exp3A_1693 = math.exp %mul3A_1692 : vector<16xf32>
        %mul3A_1694 = arith.mulf %exp3A_1693, %get3A_1647 : vector<16xf32>
        %add3A_1695 = arith.addf %add3A_1631, %mul3A_1694 : vector<16xf32>
        scf.yield %add3A_1667, %add3A_1671, %add3A_1675, %add3A_1679, %add3A_1683, %add3A_1687, %add3A_1691, %add3A_1695 : vector<16xf32>, vector<16xf32>, vector<16xf32>, vector<16xf32>, vector<16xf32>, vector<16xf32>, vector<16xf32>, vector<16xf32>
      }
      %scan3A_842 = arith.constant 24 : i32
      %eq3A_843 = arith.constant 8 : i32
      %eq3A_844 = vector.broadcast %eq3A_843 : i32 to vector<16xi32>
      %eq3A_845 = arith.cmpi eq, %iota3A, %eq3A_844 : vector<16xi32>
      %eq3A_846 = arith.constant 9 : i32
      %eq3A_847 = vector.broadcast %eq3A_846 : i32 to vector<16xi32>
      %eq3A_848 = arith.cmpi eq, %iota3A, %eq3A_847 : vector<16xi32>
      %broadcast_in_dim3A_849 = vector.shape_cast %xor3A_33 : vector<16xi32> to vector<16x1xi32>
      %gather3A_850 = vector.shape_cast %broadcast_in_dim3A_849 : vector<16x1xi32> to vector<16xi32>
      %gather3A_851 = tpu.dynamic_gather %scan3A_841#0[%gather3A_850] in [0] : vector<16xf32>, vector<16xi32> -> vector<16xf32>
      %add3A_852 = arith.addf %scan3A_841#0, %gather3A_851 : vector<16xf32>
      %broadcast_in_dim3A_853 = vector.shape_cast %xor3A_33 : vector<16xi32> to vector<16x1xi32>
      %gather3A_854 = vector.shape_cast %broadcast_in_dim3A_853 : vector<16x1xi32> to vector<16xi32>
      %gather3A_855 = tpu.dynamic_gather %scan3A_841#4[%gather3A_854] in [0] : vector<16xf32>, vector<16xi32> -> vector<16xf32>
      %add3A_856 = arith.addf %scan3A_841#4, %gather3A_855 : vector<16xf32>
      %broadcast_in_dim3A_857 = vector.shape_cast %xor3A_36 : vector<16xi32> to vector<16x1xi32>
      %gather3A_858 = vector.shape_cast %broadcast_in_dim3A_857 : vector<16x1xi32> to vector<16xi32>
      %gather3A_859 = tpu.dynamic_gather %add3A_852[%gather3A_858] in [0] : vector<16xf32>, vector<16xi32> -> vector<16xf32>
      %add3A_860 = arith.addf %add3A_852, %gather3A_859 : vector<16xf32>
      %broadcast_in_dim3A_861 = vector.shape_cast %xor3A_36 : vector<16xi32> to vector<16x1xi32>
      %gather3A_862 = vector.shape_cast %broadcast_in_dim3A_861 : vector<16x1xi32> to vector<16xi32>
      %gather3A_863 = tpu.dynamic_gather %add3A_856[%gather3A_862] in [0] : vector<16xf32>, vector<16xi32> -> vector<16xf32>
      %add3A_864 = arith.addf %add3A_856, %gather3A_863 : vector<16xf32>
      %broadcast_in_dim3A_865 = vector.shape_cast %xor3A_39 : vector<16xi32> to vector<16x1xi32>
      %gather3A_866 = vector.shape_cast %broadcast_in_dim3A_865 : vector<16x1xi32> to vector<16xi32>
      %gather3A_867 = tpu.dynamic_gather %add3A_860[%gather3A_866] in [0] : vector<16xf32>, vector<16xi32> -> vector<16xf32>
      %add3A_868 = arith.addf %add3A_860, %gather3A_867 : vector<16xf32>
      %broadcast_in_dim3A_869 = vector.shape_cast %xor3A_39 : vector<16xi32> to vector<16x1xi32>
      %gather3A_870 = vector.shape_cast %broadcast_in_dim3A_869 : vector<16x1xi32> to vector<16xi32>
      %gather3A_871 = tpu.dynamic_gather %add3A_864[%gather3A_870] in [0] : vector<16xf32>, vector<16xi32> -> vector<16xf32>
      %add3A_872 = arith.addf %add3A_864, %gather3A_871 : vector<16xf32>
      %broadcast_in_dim3A_873 = vector.shape_cast %xor3A_42 : vector<16xi32> to vector<16x1xi32>
      %gather3A_874 = vector.shape_cast %broadcast_in_dim3A_873 : vector<16x1xi32> to vector<16xi32>
      %gather3A_875 = tpu.dynamic_gather %add3A_868[%gather3A_874] in [0] : vector<16xf32>, vector<16xi32> -> vector<16xf32>
      %add3A_876 = arith.addf %add3A_868, %gather3A_875 : vector<16xf32>
      %broadcast_in_dim3A_877 = vector.shape_cast %xor3A_42 : vector<16xi32> to vector<16x1xi32>
      %gather3A_878 = vector.shape_cast %broadcast_in_dim3A_877 : vector<16x1xi32> to vector<16xi32>
      %gather3A_879 = tpu.dynamic_gather %add3A_872[%gather3A_878] in [0] : vector<16xf32>, vector<16xi32> -> vector<16xf32>
      %add3A_880 = arith.addf %add3A_872, %gather3A_879 : vector<16xf32>
      %select_n3A_881 = arith.select %eq3A_845, %add3A_876, %select_n3A_700 : vector<16xi1>, vector<16xf32>
      %select_n3A_882 = arith.select %eq3A_848, %add3A_880, %select_n3A_881 : vector<16xi1>, vector<16xf32>
      %broadcast_in_dim3A_883 = vector.shape_cast %xor3A_33 : vector<16xi32> to vector<16x1xi32>
      %gather3A_884 = vector.shape_cast %broadcast_in_dim3A_883 : vector<16x1xi32> to vector<16xi32>
      %gather3A_885 = tpu.dynamic_gather %scan3A_841#1[%gather3A_884] in [0] : vector<16xf32>, vector<16xi32> -> vector<16xf32>
      %add3A_886 = arith.addf %scan3A_841#1, %gather3A_885 : vector<16xf32>
      %broadcast_in_dim3A_887 = vector.shape_cast %xor3A_33 : vector<16xi32> to vector<16x1xi32>
      %gather3A_888 = vector.shape_cast %broadcast_in_dim3A_887 : vector<16x1xi32> to vector<16xi32>
      %gather3A_889 = tpu.dynamic_gather %scan3A_841#5[%gather3A_888] in [0] : vector<16xf32>, vector<16xi32> -> vector<16xf32>
      %add3A_890 = arith.addf %scan3A_841#5, %gather3A_889 : vector<16xf32>
      %broadcast_in_dim3A_891 = vector.shape_cast %xor3A_36 : vector<16xi32> to vector<16x1xi32>
      %gather3A_892 = vector.shape_cast %broadcast_in_dim3A_891 : vector<16x1xi32> to vector<16xi32>
      %gather3A_893 = tpu.dynamic_gather %add3A_886[%gather3A_892] in [0] : vector<16xf32>, vector<16xi32> -> vector<16xf32>
      %add3A_894 = arith.addf %add3A_886, %gather3A_893 : vector<16xf32>
      %broadcast_in_dim3A_895 = vector.shape_cast %xor3A_36 : vector<16xi32> to vector<16x1xi32>
      %gather3A_896 = vector.shape_cast %broadcast_in_dim3A_895 : vector<16x1xi32> to vector<16xi32>
      %gather3A_897 = tpu.dynamic_gather %add3A_890[%gather3A_896] in [0] : vector<16xf32>, vector<16xi32> -> vector<16xf32>
      %add3A_898 = arith.addf %add3A_890, %gather3A_897 : vector<16xf32>
      %broadcast_in_dim3A_899 = vector.shape_cast %xor3A_39 : vector<16xi32> to vector<16x1xi32>
      %gather3A_900 = vector.shape_cast %broadcast_in_dim3A_899 : vector<16x1xi32> to vector<16xi32>
      %gather3A_901 = tpu.dynamic_gather %add3A_894[%gather3A_900] in [0] : vector<16xf32>, vector<16xi32> -> vector<16xf32>
      %add3A_902 = arith.addf %add3A_894, %gather3A_901 : vector<16xf32>
      %broadcast_in_dim3A_903 = vector.shape_cast %xor3A_39 : vector<16xi32> to vector<16x1xi32>
      %gather3A_904 = vector.shape_cast %broadcast_in_dim3A_903 : vector<16x1xi32> to vector<16xi32>
      %gather3A_905 = tpu.dynamic_gather %add3A_898[%gather3A_904] in [0] : vector<16xf32>, vector<16xi32> -> vector<16xf32>
      %add3A_906 = arith.addf %add3A_898, %gather3A_905 : vector<16xf32>
      %broadcast_in_dim3A_907 = vector.shape_cast %xor3A_42 : vector<16xi32> to vector<16x1xi32>
      %gather3A_908 = vector.shape_cast %broadcast_in_dim3A_907 : vector<16x1xi32> to vector<16xi32>
      %gather3A_909 = tpu.dynamic_gather %add3A_902[%gather3A_908] in [0] : vector<16xf32>, vector<16xi32> -> vector<16xf32>
      %add3A_910 = arith.addf %add3A_902, %gather3A_909 : vector<16xf32>
      %broadcast_in_dim3A_911 = vector.shape_cast %xor3A_42 : vector<16xi32> to vector<16x1xi32>
      %gather3A_912 = vector.shape_cast %broadcast_in_dim3A_911 : vector<16x1xi32> to vector<16xi32>
      %gather3A_913 = tpu.dynamic_gather %add3A_906[%gather3A_912] in [0] : vector<16xf32>, vector<16xi32> -> vector<16xf32>
      %add3A_914 = arith.addf %add3A_906, %gather3A_913 : vector<16xf32>
      %select_n3A_915 = arith.select %eq3A_845, %add3A_910, %select_n3A_734 : vector<16xi1>, vector<16xf32>
      %select_n3A_916 = arith.select %eq3A_848, %add3A_914, %select_n3A_915 : vector<16xi1>, vector<16xf32>
      %broadcast_in_dim3A_917 = vector.shape_cast %xor3A_33 : vector<16xi32> to vector<16x1xi32>
      %gather3A_918 = vector.shape_cast %broadcast_in_dim3A_917 : vector<16x1xi32> to vector<16xi32>
      %gather3A_919 = tpu.dynamic_gather %scan3A_841#2[%gather3A_918] in [0] : vector<16xf32>, vector<16xi32> -> vector<16xf32>
      %add3A_920 = arith.addf %scan3A_841#2, %gather3A_919 : vector<16xf32>
      %broadcast_in_dim3A_921 = vector.shape_cast %xor3A_33 : vector<16xi32> to vector<16x1xi32>
      %gather3A_922 = vector.shape_cast %broadcast_in_dim3A_921 : vector<16x1xi32> to vector<16xi32>
      %gather3A_923 = tpu.dynamic_gather %scan3A_841#6[%gather3A_922] in [0] : vector<16xf32>, vector<16xi32> -> vector<16xf32>
      %add3A_924 = arith.addf %scan3A_841#6, %gather3A_923 : vector<16xf32>
      %broadcast_in_dim3A_925 = vector.shape_cast %xor3A_36 : vector<16xi32> to vector<16x1xi32>
      %gather3A_926 = vector.shape_cast %broadcast_in_dim3A_925 : vector<16x1xi32> to vector<16xi32>
      %gather3A_927 = tpu.dynamic_gather %add3A_920[%gather3A_926] in [0] : vector<16xf32>, vector<16xi32> -> vector<16xf32>
      %add3A_928 = arith.addf %add3A_920, %gather3A_927 : vector<16xf32>
      %broadcast_in_dim3A_929 = vector.shape_cast %xor3A_36 : vector<16xi32> to vector<16x1xi32>
      %gather3A_930 = vector.shape_cast %broadcast_in_dim3A_929 : vector<16x1xi32> to vector<16xi32>
      %gather3A_931 = tpu.dynamic_gather %add3A_924[%gather3A_930] in [0] : vector<16xf32>, vector<16xi32> -> vector<16xf32>
      %add3A_932 = arith.addf %add3A_924, %gather3A_931 : vector<16xf32>
      %broadcast_in_dim3A_933 = vector.shape_cast %xor3A_39 : vector<16xi32> to vector<16x1xi32>
      %gather3A_934 = vector.shape_cast %broadcast_in_dim3A_933 : vector<16x1xi32> to vector<16xi32>
      %gather3A_935 = tpu.dynamic_gather %add3A_928[%gather3A_934] in [0] : vector<16xf32>, vector<16xi32> -> vector<16xf32>
      %add3A_936 = arith.addf %add3A_928, %gather3A_935 : vector<16xf32>
      %broadcast_in_dim3A_937 = vector.shape_cast %xor3A_39 : vector<16xi32> to vector<16x1xi32>
      %gather3A_938 = vector.shape_cast %broadcast_in_dim3A_937 : vector<16x1xi32> to vector<16xi32>
      %gather3A_939 = tpu.dynamic_gather %add3A_932[%gather3A_938] in [0] : vector<16xf32>, vector<16xi32> -> vector<16xf32>
      %add3A_940 = arith.addf %add3A_932, %gather3A_939 : vector<16xf32>
      %broadcast_in_dim3A_941 = vector.shape_cast %xor3A_42 : vector<16xi32> to vector<16x1xi32>
      %gather3A_942 = vector.shape_cast %broadcast_in_dim3A_941 : vector<16x1xi32> to vector<16xi32>
      %gather3A_943 = tpu.dynamic_gather %add3A_936[%gather3A_942] in [0] : vector<16xf32>, vector<16xi32> -> vector<16xf32>
      %add3A_944 = arith.addf %add3A_936, %gather3A_943 : vector<16xf32>
      %broadcast_in_dim3A_945 = vector.shape_cast %xor3A_42 : vector<16xi32> to vector<16x1xi32>
      %gather3A_946 = vector.shape_cast %broadcast_in_dim3A_945 : vector<16x1xi32> to vector<16xi32>
      %gather3A_947 = tpu.dynamic_gather %add3A_940[%gather3A_946] in [0] : vector<16xf32>, vector<16xi32> -> vector<16xf32>
      %add3A_948 = arith.addf %add3A_940, %gather3A_947 : vector<16xf32>
      %select_n3A_949 = arith.select %eq3A_845, %add3A_944, %select_n3A_768 : vector<16xi1>, vector<16xf32>
      %select_n3A_950 = arith.select %eq3A_848, %add3A_948, %select_n3A_949 : vector<16xi1>, vector<16xf32>
      %broadcast_in_dim3A_951 = vector.shape_cast %xor3A_33 : vector<16xi32> to vector<16x1xi32>
      %gather3A_952 = vector.shape_cast %broadcast_in_dim3A_951 : vector<16x1xi32> to vector<16xi32>
      %gather3A_953 = tpu.dynamic_gather %scan3A_841#3[%gather3A_952] in [0] : vector<16xf32>, vector<16xi32> -> vector<16xf32>
      %add3A_954 = arith.addf %scan3A_841#3, %gather3A_953 : vector<16xf32>
      %broadcast_in_dim3A_955 = vector.shape_cast %xor3A_33 : vector<16xi32> to vector<16x1xi32>
      %gather3A_956 = vector.shape_cast %broadcast_in_dim3A_955 : vector<16x1xi32> to vector<16xi32>
      %gather3A_957 = tpu.dynamic_gather %scan3A_841#7[%gather3A_956] in [0] : vector<16xf32>, vector<16xi32> -> vector<16xf32>
      %add3A_958 = arith.addf %scan3A_841#7, %gather3A_957 : vector<16xf32>
      %broadcast_in_dim3A_959 = vector.shape_cast %xor3A_36 : vector<16xi32> to vector<16x1xi32>
      %gather3A_960 = vector.shape_cast %broadcast_in_dim3A_959 : vector<16x1xi32> to vector<16xi32>
      %gather3A_961 = tpu.dynamic_gather %add3A_954[%gather3A_960] in [0] : vector<16xf32>, vector<16xi32> -> vector<16xf32>
      %add3A_962 = arith.addf %add3A_954, %gather3A_961 : vector<16xf32>
      %broadcast_in_dim3A_963 = vector.shape_cast %xor3A_36 : vector<16xi32> to vector<16x1xi32>
      %gather3A_964 = vector.shape_cast %broadcast_in_dim3A_963 : vector<16x1xi32> to vector<16xi32>
      %gather3A_965 = tpu.dynamic_gather %add3A_958[%gather3A_964] in [0] : vector<16xf32>, vector<16xi32> -> vector<16xf32>
      %add3A_966 = arith.addf %add3A_958, %gather3A_965 : vector<16xf32>
      %broadcast_in_dim3A_967 = vector.shape_cast %xor3A_39 : vector<16xi32> to vector<16x1xi32>
      %gather3A_968 = vector.shape_cast %broadcast_in_dim3A_967 : vector<16x1xi32> to vector<16xi32>
      %gather3A_969 = tpu.dynamic_gather %add3A_962[%gather3A_968] in [0] : vector<16xf32>, vector<16xi32> -> vector<16xf32>
      %add3A_970 = arith.addf %add3A_962, %gather3A_969 : vector<16xf32>
      %broadcast_in_dim3A_971 = vector.shape_cast %xor3A_39 : vector<16xi32> to vector<16x1xi32>
      %gather3A_972 = vector.shape_cast %broadcast_in_dim3A_971 : vector<16x1xi32> to vector<16xi32>
      %gather3A_973 = tpu.dynamic_gather %add3A_966[%gather3A_972] in [0] : vector<16xf32>, vector<16xi32> -> vector<16xf32>
      %add3A_974 = arith.addf %add3A_966, %gather3A_973 : vector<16xf32>
      %broadcast_in_dim3A_975 = vector.shape_cast %xor3A_42 : vector<16xi32> to vector<16x1xi32>
      %gather3A_976 = vector.shape_cast %broadcast_in_dim3A_975 : vector<16x1xi32> to vector<16xi32>
      %gather3A_977 = tpu.dynamic_gather %add3A_970[%gather3A_976] in [0] : vector<16xf32>, vector<16xi32> -> vector<16xf32>
      %add3A_978 = arith.addf %add3A_970, %gather3A_977 : vector<16xf32>
      %broadcast_in_dim3A_979 = vector.shape_cast %xor3A_42 : vector<16xi32> to vector<16x1xi32>
      %gather3A_980 = vector.shape_cast %broadcast_in_dim3A_979 : vector<16x1xi32> to vector<16xi32>
      %gather3A_981 = tpu.dynamic_gather %add3A_974[%gather3A_980] in [0] : vector<16xf32>, vector<16xi32> -> vector<16xf32>
      %add3A_982 = arith.addf %add3A_974, %gather3A_981 : vector<16xf32>
      %select_n3A_983 = arith.select %eq3A_845, %add3A_978, %select_n3A_802 : vector<16xi1>, vector<16xf32>
      %select_n3A_984 = arith.select %eq3A_848, %add3A_982, %select_n3A_983 : vector<16xi1>, vector<16xf32>
      %slice3A_985 = vector.extract_strided_slice %get3A_61 {offsets = [10], sizes = [1], strides = [1]} : vector<16xf32> to vector<1xf32>
      %squeeze3A_986 = vector.extract %slice3A_985[0] : f32 from vector<1xf32>
      %broadcast_in_dim3A_987 = vector.broadcast %squeeze3A_986 : f32 to vector<16xf32>
      %slice3A_988 = vector.extract_strided_slice %get3A_66 {offsets = [10], sizes = [1], strides = [1]} : vector<16xf32> to vector<1xf32>
      %squeeze3A_989 = vector.extract %slice3A_988[0] : f32 from vector<1xf32>
      %broadcast_in_dim3A_990 = vector.broadcast %squeeze3A_989 : f32 to vector<16xf32>
      %slice3A_991 = vector.extract_strided_slice %get3A_71 {offsets = [10], sizes = [1], strides = [1]} : vector<16xf32> to vector<1xf32>
      %squeeze3A_992 = vector.extract %slice3A_991[0] : f32 from vector<1xf32>
      %broadcast_in_dim3A_993 = vector.broadcast %squeeze3A_992 : f32 to vector<16xf32>
      %slice3A_994 = vector.extract_strided_slice %get3A_61 {offsets = [11], sizes = [1], strides = [1]} : vector<16xf32> to vector<1xf32>
      %squeeze3A_995 = vector.extract %slice3A_994[0] : f32 from vector<1xf32>
      %broadcast_in_dim3A_996 = vector.broadcast %squeeze3A_995 : f32 to vector<16xf32>
      %slice3A_997 = vector.extract_strided_slice %get3A_66 {offsets = [11], sizes = [1], strides = [1]} : vector<16xf32> to vector<1xf32>
      %squeeze3A_998 = vector.extract %slice3A_997[0] : f32 from vector<1xf32>
      %broadcast_in_dim3A_999 = vector.broadcast %squeeze3A_998 : f32 to vector<16xf32>
      %slice3A_1000 = vector.extract_strided_slice %get3A_71 {offsets = [11], sizes = [1], strides = [1]} : vector<16xf32> to vector<1xf32>
      %squeeze3A_1001 = vector.extract %slice3A_1000[0] : f32 from vector<1xf32>
      %broadcast_in_dim3A_1002 = vector.broadcast %squeeze3A_1001 : f32 to vector<16xf32>
      %broadcast_in_dim3A_1003 = arith.constant 0.000000e+00 : f32
      %broadcast_in_dim3A_1004 = vector.broadcast %broadcast_in_dim3A_1003 : f32 to vector<16xf32>
      %broadcast_in_dim3A_1005 = arith.constant 0.000000e+00 : f32
      %broadcast_in_dim3A_1006 = vector.broadcast %broadcast_in_dim3A_1005 : f32 to vector<16xf32>
      %broadcast_in_dim3A_1007 = arith.constant 0.000000e+00 : f32
      %broadcast_in_dim3A_1008 = vector.broadcast %broadcast_in_dim3A_1007 : f32 to vector<16xf32>
      %broadcast_in_dim3A_1009 = arith.constant 0.000000e+00 : f32
      %broadcast_in_dim3A_1010 = vector.broadcast %broadcast_in_dim3A_1009 : f32 to vector<16xf32>
      %broadcast_in_dim3A_1011 = arith.constant 0.000000e+00 : f32
      %broadcast_in_dim3A_1012 = vector.broadcast %broadcast_in_dim3A_1011 : f32 to vector<16xf32>
      %broadcast_in_dim3A_1013 = arith.constant 0.000000e+00 : f32
      %broadcast_in_dim3A_1014 = vector.broadcast %broadcast_in_dim3A_1013 : f32 to vector<16xf32>
      %broadcast_in_dim3A_1015 = arith.constant 0.000000e+00 : f32
      %broadcast_in_dim3A_1016 = vector.broadcast %broadcast_in_dim3A_1015 : f32 to vector<16xf32>
      %broadcast_in_dim3A_1017 = arith.constant 0.000000e+00 : f32
      %broadcast_in_dim3A_1018 = vector.broadcast %broadcast_in_dim3A_1017 : f32 to vector<16xf32>
      %scan3A_1019 = arith.constant 0 : i32
      %scan3A_1020 = arith.constant 24 : i32
      %scan3A_1021 = arith.addi %scan3A_1019, %scan3A_1020 : i32
      %scan3A_1022 = arith.constant 2 : i32
      %scan3A_1023:8 = scf.for %scan3A_1562 = %scan3A_1019 to %scan3A_1021 step %scan3A_1022 iter_args(%scan3A_1563 = %broadcast_in_dim3A_1004, %scan3A_1564 = %broadcast_in_dim3A_1006, %scan3A_1565 = %broadcast_in_dim3A_1008, %scan3A_1566 = %broadcast_in_dim3A_1010, %scan3A_1567 = %broadcast_in_dim3A_1012, %scan3A_1568 = %broadcast_in_dim3A_1014, %scan3A_1569 = %broadcast_in_dim3A_1016, %scan3A_1570 = %broadcast_in_dim3A_1018) -> (vector<16xf32>, vector<16xf32>, vector<16xf32>, vector<16xf32>, vector<16xf32>, vector<16xf32>, vector<16xf32>, vector<16xf32>)  : i32 {
        %mul3A_1571 = arith.constant 16 : i32
        %mul3A_1572 = arith.muli %scan3A_1562, %mul3A_1571 : i32
        %get3A_1573 = arith.index_cast %mul3A_1572 : i32 to index
        %get3A_1574 = tpu.vector_load %arg11[%get3A_1573] {strides = array<i32>} : memref<384xf32, #tpu.memory_space<vmem>>, vector<16xf32>,
        %get3A_1575 = vector.shape_cast %get3A_1574 : vector<16xf32> to vector<16xf32>
        %get3A_1576 = arith.index_cast %mul3A_1572 : i32 to index
        %get3A_1577 = tpu.vector_load %arg12[%get3A_1576] {strides = array<i32>} : memref<384xf32, #tpu.memory_space<vmem>>, vector<16xf32>,
        %get3A_1578 = vector.shape_cast %get3A_1577 : vector<16xf32> to vector<16xf32>
        %get3A_1579 = arith.index_cast %mul3A_1572 : i32 to index
        %get3A_1580 = tpu.vector_load %arg13[%get3A_1579] {strides = array<i32>} : memref<384xf32, #tpu.memory_space<vmem>>, vector<16xf32>,
        %get3A_1581 = vector.shape_cast %get3A_1580 : vector<16xf32> to vector<16xf32>
        %get3A_1582 = arith.index_cast %mul3A_1572 : i32 to index
        %get3A_1583 = tpu.vector_load %arg14[%get3A_1582] {strides = array<i32>} : memref<384xf32, #tpu.memory_space<vmem>>, vector<16xf32>,
        %get3A_1584 = vector.shape_cast %get3A_1583 : vector<16xf32> to vector<16xf32>
        %sub3A_1585 = arith.subf %broadcast_in_dim3A_987, %get3A_1575 : vector<16xf32>
        %sub3A_1586 = arith.subf %broadcast_in_dim3A_990, %get3A_1578 : vector<16xf32>
        %sub3A_1587 = arith.subf %broadcast_in_dim3A_993, %get3A_1581 : vector<16xf32>
        %mul3A_1588 = arith.mulf %sub3A_1585, %sub3A_1585 : vector<16xf32>
        %mul3A_1589 = arith.mulf %sub3A_1586, %sub3A_1586 : vector<16xf32>
        %add3A_1590 = arith.addf %mul3A_1588, %mul3A_1589 : vector<16xf32>
        %mul3A_1591 = arith.mulf %sub3A_1587, %sub3A_1587 : vector<16xf32>
        %add3A_1592 = arith.addf %add3A_1590, %mul3A_1591 : vector<16xf32>
        %sub3A_1593 = arith.subf %broadcast_in_dim3A_996, %get3A_1575 : vector<16xf32>
        %sub3A_1594 = arith.subf %broadcast_in_dim3A_999, %get3A_1578 : vector<16xf32>
        %sub3A_1595 = arith.subf %broadcast_in_dim3A_1002, %get3A_1581 : vector<16xf32>
        %mul3A_1596 = arith.mulf %sub3A_1593, %sub3A_1593 : vector<16xf32>
        %mul3A_1597 = arith.mulf %sub3A_1594, %sub3A_1594 : vector<16xf32>
        %add3A_1598 = arith.addf %mul3A_1596, %mul3A_1597 : vector<16xf32>
        %mul3A_1599 = arith.mulf %sub3A_1595, %sub3A_1595 : vector<16xf32>
        %add3A_1600 = arith.addf %add3A_1598, %mul3A_1599 : vector<16xf32>
        %mul3A_1601 = arith.mulf %add3A_1592, %get3A_22 : vector<16xf32>
        %exp3A = math.exp %mul3A_1601 : vector<16xf32>
        %mul3A_1602 = arith.mulf %exp3A, %get3A_1584 : vector<16xf32>
        %add3A_1603 = arith.addf %scan3A_1563, %mul3A_1602 : vector<16xf32>
        %mul3A_1604 = arith.mulf %add3A_1592, %get3A_25 : vector<16xf32>
        %exp3A_1605 = math.exp %mul3A_1604 : vector<16xf32>
        %mul3A_1606 = arith.mulf %exp3A_1605, %get3A_1584 : vector<16xf32>
        %add3A_1607 = arith.addf %scan3A_1564, %mul3A_1606 : vector<16xf32>
        %mul3A_1608 = arith.mulf %add3A_1592, %get3A_28 : vector<16xf32>
        %exp3A_1609 = math.exp %mul3A_1608 : vector<16xf32>
        %mul3A_1610 = arith.mulf %exp3A_1609, %get3A_1584 : vector<16xf32>
        %add3A_1611 = arith.addf %scan3A_1565, %mul3A_1610 : vector<16xf32>
        %mul3A_1612 = arith.mulf %add3A_1592, %get3A_31 : vector<16xf32>
        %exp3A_1613 = math.exp %mul3A_1612 : vector<16xf32>
        %mul3A_1614 = arith.mulf %exp3A_1613, %get3A_1584 : vector<16xf32>
        %add3A_1615 = arith.addf %scan3A_1566, %mul3A_1614 : vector<16xf32>
        %mul3A_1616 = arith.mulf %add3A_1600, %get3A_22 : vector<16xf32>
        %exp3A_1617 = math.exp %mul3A_1616 : vector<16xf32>
        %mul3A_1618 = arith.mulf %exp3A_1617, %get3A_1584 : vector<16xf32>
        %add3A_1619 = arith.addf %scan3A_1567, %mul3A_1618 : vector<16xf32>
        %mul3A_1620 = arith.mulf %add3A_1600, %get3A_25 : vector<16xf32>
        %exp3A_1621 = math.exp %mul3A_1620 : vector<16xf32>
        %mul3A_1622 = arith.mulf %exp3A_1621, %get3A_1584 : vector<16xf32>
        %add3A_1623 = arith.addf %scan3A_1568, %mul3A_1622 : vector<16xf32>
        %mul3A_1624 = arith.mulf %add3A_1600, %get3A_28 : vector<16xf32>
        %exp3A_1625 = math.exp %mul3A_1624 : vector<16xf32>
        %mul3A_1626 = arith.mulf %exp3A_1625, %get3A_1584 : vector<16xf32>
        %add3A_1627 = arith.addf %scan3A_1569, %mul3A_1626 : vector<16xf32>
        %mul3A_1628 = arith.mulf %add3A_1600, %get3A_31 : vector<16xf32>
        %exp3A_1629 = math.exp %mul3A_1628 : vector<16xf32>
        %mul3A_1630 = arith.mulf %exp3A_1629, %get3A_1584 : vector<16xf32>
        %add3A_1631 = arith.addf %scan3A_1570, %mul3A_1630 : vector<16xf32>
        %scan3A_1632 = arith.constant 1 : i32
        %scan3A_1633 = arith.addi %scan3A_1562, %scan3A_1632 : i32
        %mul3A_1634 = arith.constant 16 : i32
        %mul3A_1635 = arith.muli %scan3A_1633, %mul3A_1634 : i32
        %get3A_1636 = arith.index_cast %mul3A_1635 : i32 to index
        %get3A_1637 = tpu.vector_load %arg11[%get3A_1636] {strides = array<i32>} : memref<384xf32, #tpu.memory_space<vmem>>, vector<16xf32>,
        %get3A_1638 = vector.shape_cast %get3A_1637 : vector<16xf32> to vector<16xf32>
        %get3A_1639 = arith.index_cast %mul3A_1635 : i32 to index
        %get3A_1640 = tpu.vector_load %arg12[%get3A_1639] {strides = array<i32>} : memref<384xf32, #tpu.memory_space<vmem>>, vector<16xf32>,
        %get3A_1641 = vector.shape_cast %get3A_1640 : vector<16xf32> to vector<16xf32>
        %get3A_1642 = arith.index_cast %mul3A_1635 : i32 to index
        %get3A_1643 = tpu.vector_load %arg13[%get3A_1642] {strides = array<i32>} : memref<384xf32, #tpu.memory_space<vmem>>, vector<16xf32>,
        %get3A_1644 = vector.shape_cast %get3A_1643 : vector<16xf32> to vector<16xf32>
        %get3A_1645 = arith.index_cast %mul3A_1635 : i32 to index
        %get3A_1646 = tpu.vector_load %arg14[%get3A_1645] {strides = array<i32>} : memref<384xf32, #tpu.memory_space<vmem>>, vector<16xf32>,
        %get3A_1647 = vector.shape_cast %get3A_1646 : vector<16xf32> to vector<16xf32>
        %sub3A_1648 = arith.subf %broadcast_in_dim3A_987, %get3A_1638 : vector<16xf32>
        %sub3A_1649 = arith.subf %broadcast_in_dim3A_990, %get3A_1641 : vector<16xf32>
        %sub3A_1650 = arith.subf %broadcast_in_dim3A_993, %get3A_1644 : vector<16xf32>
        %mul3A_1651 = arith.mulf %sub3A_1648, %sub3A_1648 : vector<16xf32>
        %mul3A_1652 = arith.mulf %sub3A_1649, %sub3A_1649 : vector<16xf32>
        %add3A_1653 = arith.addf %mul3A_1651, %mul3A_1652 : vector<16xf32>
        %mul3A_1654 = arith.mulf %sub3A_1650, %sub3A_1650 : vector<16xf32>
        %add3A_1655 = arith.addf %add3A_1653, %mul3A_1654 : vector<16xf32>
        %sub3A_1656 = arith.subf %broadcast_in_dim3A_996, %get3A_1638 : vector<16xf32>
        %sub3A_1657 = arith.subf %broadcast_in_dim3A_999, %get3A_1641 : vector<16xf32>
        %sub3A_1658 = arith.subf %broadcast_in_dim3A_1002, %get3A_1644 : vector<16xf32>
        %mul3A_1659 = arith.mulf %sub3A_1656, %sub3A_1656 : vector<16xf32>
        %mul3A_1660 = arith.mulf %sub3A_1657, %sub3A_1657 : vector<16xf32>
        %add3A_1661 = arith.addf %mul3A_1659, %mul3A_1660 : vector<16xf32>
        %mul3A_1662 = arith.mulf %sub3A_1658, %sub3A_1658 : vector<16xf32>
        %add3A_1663 = arith.addf %add3A_1661, %mul3A_1662 : vector<16xf32>
        %mul3A_1664 = arith.mulf %add3A_1655, %get3A_22 : vector<16xf32>
        %exp3A_1665 = math.exp %mul3A_1664 : vector<16xf32>
        %mul3A_1666 = arith.mulf %exp3A_1665, %get3A_1647 : vector<16xf32>
        %add3A_1667 = arith.addf %add3A_1603, %mul3A_1666 : vector<16xf32>
        %mul3A_1668 = arith.mulf %add3A_1655, %get3A_25 : vector<16xf32>
        %exp3A_1669 = math.exp %mul3A_1668 : vector<16xf32>
        %mul3A_1670 = arith.mulf %exp3A_1669, %get3A_1647 : vector<16xf32>
        %add3A_1671 = arith.addf %add3A_1607, %mul3A_1670 : vector<16xf32>
        %mul3A_1672 = arith.mulf %add3A_1655, %get3A_28 : vector<16xf32>
        %exp3A_1673 = math.exp %mul3A_1672 : vector<16xf32>
        %mul3A_1674 = arith.mulf %exp3A_1673, %get3A_1647 : vector<16xf32>
        %add3A_1675 = arith.addf %add3A_1611, %mul3A_1674 : vector<16xf32>
        %mul3A_1676 = arith.mulf %add3A_1655, %get3A_31 : vector<16xf32>
        %exp3A_1677 = math.exp %mul3A_1676 : vector<16xf32>
        %mul3A_1678 = arith.mulf %exp3A_1677, %get3A_1647 : vector<16xf32>
        %add3A_1679 = arith.addf %add3A_1615, %mul3A_1678 : vector<16xf32>
        %mul3A_1680 = arith.mulf %add3A_1663, %get3A_22 : vector<16xf32>
        %exp3A_1681 = math.exp %mul3A_1680 : vector<16xf32>
        %mul3A_1682 = arith.mulf %exp3A_1681, %get3A_1647 : vector<16xf32>
        %add3A_1683 = arith.addf %add3A_1619, %mul3A_1682 : vector<16xf32>
        %mul3A_1684 = arith.mulf %add3A_1663, %get3A_25 : vector<16xf32>
        %exp3A_1685 = math.exp %mul3A_1684 : vector<16xf32>
        %mul3A_1686 = arith.mulf %exp3A_1685, %get3A_1647 : vector<16xf32>
        %add3A_1687 = arith.addf %add3A_1623, %mul3A_1686 : vector<16xf32>
        %mul3A_1688 = arith.mulf %add3A_1663, %get3A_28 : vector<16xf32>
        %exp3A_1689 = math.exp %mul3A_1688 : vector<16xf32>
        %mul3A_1690 = arith.mulf %exp3A_1689, %get3A_1647 : vector<16xf32>
        %add3A_1691 = arith.addf %add3A_1627, %mul3A_1690 : vector<16xf32>
        %mul3A_1692 = arith.mulf %add3A_1663, %get3A_31 : vector<16xf32>
        %exp3A_1693 = math.exp %mul3A_1692 : vector<16xf32>
        %mul3A_1694 = arith.mulf %exp3A_1693, %get3A_1647 : vector<16xf32>
        %add3A_1695 = arith.addf %add3A_1631, %mul3A_1694 : vector<16xf32>
        scf.yield %add3A_1667, %add3A_1671, %add3A_1675, %add3A_1679, %add3A_1683, %add3A_1687, %add3A_1691, %add3A_1695 : vector<16xf32>, vector<16xf32>, vector<16xf32>, vector<16xf32>, vector<16xf32>, vector<16xf32>, vector<16xf32>, vector<16xf32>
      }
      %scan3A_1024 = arith.constant 24 : i32
      %eq3A_1025 = arith.constant 10 : i32
      %eq3A_1026 = vector.broadcast %eq3A_1025 : i32 to vector<16xi32>
      %eq3A_1027 = arith.cmpi eq, %iota3A, %eq3A_1026 : vector<16xi32>
      %eq3A_1028 = arith.constant 11 : i32
      %eq3A_1029 = vector.broadcast %eq3A_1028 : i32 to vector<16xi32>
      %eq3A_1030 = arith.cmpi eq, %iota3A, %eq3A_1029 : vector<16xi32>
      %broadcast_in_dim3A_1031 = vector.shape_cast %xor3A_33 : vector<16xi32> to vector<16x1xi32>
      %gather3A_1032 = vector.shape_cast %broadcast_in_dim3A_1031 : vector<16x1xi32> to vector<16xi32>
      %gather3A_1033 = tpu.dynamic_gather %scan3A_1023#0[%gather3A_1032] in [0] : vector<16xf32>, vector<16xi32> -> vector<16xf32>
      %add3A_1034 = arith.addf %scan3A_1023#0, %gather3A_1033 : vector<16xf32>
      %broadcast_in_dim3A_1035 = vector.shape_cast %xor3A_33 : vector<16xi32> to vector<16x1xi32>
      %gather3A_1036 = vector.shape_cast %broadcast_in_dim3A_1035 : vector<16x1xi32> to vector<16xi32>
      %gather3A_1037 = tpu.dynamic_gather %scan3A_1023#4[%gather3A_1036] in [0] : vector<16xf32>, vector<16xi32> -> vector<16xf32>
      %add3A_1038 = arith.addf %scan3A_1023#4, %gather3A_1037 : vector<16xf32>
      %broadcast_in_dim3A_1039 = vector.shape_cast %xor3A_36 : vector<16xi32> to vector<16x1xi32>
      %gather3A_1040 = vector.shape_cast %broadcast_in_dim3A_1039 : vector<16x1xi32> to vector<16xi32>
      %gather3A_1041 = tpu.dynamic_gather %add3A_1034[%gather3A_1040] in [0] : vector<16xf32>, vector<16xi32> -> vector<16xf32>
      %add3A_1042 = arith.addf %add3A_1034, %gather3A_1041 : vector<16xf32>
      %broadcast_in_dim3A_1043 = vector.shape_cast %xor3A_36 : vector<16xi32> to vector<16x1xi32>
      %gather3A_1044 = vector.shape_cast %broadcast_in_dim3A_1043 : vector<16x1xi32> to vector<16xi32>
      %gather3A_1045 = tpu.dynamic_gather %add3A_1038[%gather3A_1044] in [0] : vector<16xf32>, vector<16xi32> -> vector<16xf32>
      %add3A_1046 = arith.addf %add3A_1038, %gather3A_1045 : vector<16xf32>
      %broadcast_in_dim3A_1047 = vector.shape_cast %xor3A_39 : vector<16xi32> to vector<16x1xi32>
      %gather3A_1048 = vector.shape_cast %broadcast_in_dim3A_1047 : vector<16x1xi32> to vector<16xi32>
      %gather3A_1049 = tpu.dynamic_gather %add3A_1042[%gather3A_1048] in [0] : vector<16xf32>, vector<16xi32> -> vector<16xf32>
      %add3A_1050 = arith.addf %add3A_1042, %gather3A_1049 : vector<16xf32>
      %broadcast_in_dim3A_1051 = vector.shape_cast %xor3A_39 : vector<16xi32> to vector<16x1xi32>
      %gather3A_1052 = vector.shape_cast %broadcast_in_dim3A_1051 : vector<16x1xi32> to vector<16xi32>
      %gather3A_1053 = tpu.dynamic_gather %add3A_1046[%gather3A_1052] in [0] : vector<16xf32>, vector<16xi32> -> vector<16xf32>
      %add3A_1054 = arith.addf %add3A_1046, %gather3A_1053 : vector<16xf32>
      %broadcast_in_dim3A_1055 = vector.shape_cast %xor3A_42 : vector<16xi32> to vector<16x1xi32>
      %gather3A_1056 = vector.shape_cast %broadcast_in_dim3A_1055 : vector<16x1xi32> to vector<16xi32>
      %gather3A_1057 = tpu.dynamic_gather %add3A_1050[%gather3A_1056] in [0] : vector<16xf32>, vector<16xi32> -> vector<16xf32>
      %add3A_1058 = arith.addf %add3A_1050, %gather3A_1057 : vector<16xf32>
      %broadcast_in_dim3A_1059 = vector.shape_cast %xor3A_42 : vector<16xi32> to vector<16x1xi32>
      %gather3A_1060 = vector.shape_cast %broadcast_in_dim3A_1059 : vector<16x1xi32> to vector<16xi32>
      %gather3A_1061 = tpu.dynamic_gather %add3A_1054[%gather3A_1060] in [0] : vector<16xf32>, vector<16xi32> -> vector<16xf32>
      %add3A_1062 = arith.addf %add3A_1054, %gather3A_1061 : vector<16xf32>
      %select_n3A_1063 = arith.select %eq3A_1027, %add3A_1058, %select_n3A_882 : vector<16xi1>, vector<16xf32>
      %select_n3A_1064 = arith.select %eq3A_1030, %add3A_1062, %select_n3A_1063 : vector<16xi1>, vector<16xf32>
      %broadcast_in_dim3A_1065 = vector.shape_cast %xor3A_33 : vector<16xi32> to vector<16x1xi32>
      %gather3A_1066 = vector.shape_cast %broadcast_in_dim3A_1065 : vector<16x1xi32> to vector<16xi32>
      %gather3A_1067 = tpu.dynamic_gather %scan3A_1023#1[%gather3A_1066] in [0] : vector<16xf32>, vector<16xi32> -> vector<16xf32>
      %add3A_1068 = arith.addf %scan3A_1023#1, %gather3A_1067 : vector<16xf32>
      %broadcast_in_dim3A_1069 = vector.shape_cast %xor3A_33 : vector<16xi32> to vector<16x1xi32>
      %gather3A_1070 = vector.shape_cast %broadcast_in_dim3A_1069 : vector<16x1xi32> to vector<16xi32>
      %gather3A_1071 = tpu.dynamic_gather %scan3A_1023#5[%gather3A_1070] in [0] : vector<16xf32>, vector<16xi32> -> vector<16xf32>
      %add3A_1072 = arith.addf %scan3A_1023#5, %gather3A_1071 : vector<16xf32>
      %broadcast_in_dim3A_1073 = vector.shape_cast %xor3A_36 : vector<16xi32> to vector<16x1xi32>
      %gather3A_1074 = vector.shape_cast %broadcast_in_dim3A_1073 : vector<16x1xi32> to vector<16xi32>
      %gather3A_1075 = tpu.dynamic_gather %add3A_1068[%gather3A_1074] in [0] : vector<16xf32>, vector<16xi32> -> vector<16xf32>
      %add3A_1076 = arith.addf %add3A_1068, %gather3A_1075 : vector<16xf32>
      %broadcast_in_dim3A_1077 = vector.shape_cast %xor3A_36 : vector<16xi32> to vector<16x1xi32>
      %gather3A_1078 = vector.shape_cast %broadcast_in_dim3A_1077 : vector<16x1xi32> to vector<16xi32>
      %gather3A_1079 = tpu.dynamic_gather %add3A_1072[%gather3A_1078] in [0] : vector<16xf32>, vector<16xi32> -> vector<16xf32>
      %add3A_1080 = arith.addf %add3A_1072, %gather3A_1079 : vector<16xf32>
      %broadcast_in_dim3A_1081 = vector.shape_cast %xor3A_39 : vector<16xi32> to vector<16x1xi32>
      %gather3A_1082 = vector.shape_cast %broadcast_in_dim3A_1081 : vector<16x1xi32> to vector<16xi32>
      %gather3A_1083 = tpu.dynamic_gather %add3A_1076[%gather3A_1082] in [0] : vector<16xf32>, vector<16xi32> -> vector<16xf32>
      %add3A_1084 = arith.addf %add3A_1076, %gather3A_1083 : vector<16xf32>
      %broadcast_in_dim3A_1085 = vector.shape_cast %xor3A_39 : vector<16xi32> to vector<16x1xi32>
      %gather3A_1086 = vector.shape_cast %broadcast_in_dim3A_1085 : vector<16x1xi32> to vector<16xi32>
      %gather3A_1087 = tpu.dynamic_gather %add3A_1080[%gather3A_1086] in [0] : vector<16xf32>, vector<16xi32> -> vector<16xf32>
      %add3A_1088 = arith.addf %add3A_1080, %gather3A_1087 : vector<16xf32>
      %broadcast_in_dim3A_1089 = vector.shape_cast %xor3A_42 : vector<16xi32> to vector<16x1xi32>
      %gather3A_1090 = vector.shape_cast %broadcast_in_dim3A_1089 : vector<16x1xi32> to vector<16xi32>
      %gather3A_1091 = tpu.dynamic_gather %add3A_1084[%gather3A_1090] in [0] : vector<16xf32>, vector<16xi32> -> vector<16xf32>
      %add3A_1092 = arith.addf %add3A_1084, %gather3A_1091 : vector<16xf32>
      %broadcast_in_dim3A_1093 = vector.shape_cast %xor3A_42 : vector<16xi32> to vector<16x1xi32>
      %gather3A_1094 = vector.shape_cast %broadcast_in_dim3A_1093 : vector<16x1xi32> to vector<16xi32>
      %gather3A_1095 = tpu.dynamic_gather %add3A_1088[%gather3A_1094] in [0] : vector<16xf32>, vector<16xi32> -> vector<16xf32>
      %add3A_1096 = arith.addf %add3A_1088, %gather3A_1095 : vector<16xf32>
      %select_n3A_1097 = arith.select %eq3A_1027, %add3A_1092, %select_n3A_916 : vector<16xi1>, vector<16xf32>
      %select_n3A_1098 = arith.select %eq3A_1030, %add3A_1096, %select_n3A_1097 : vector<16xi1>, vector<16xf32>
      %broadcast_in_dim3A_1099 = vector.shape_cast %xor3A_33 : vector<16xi32> to vector<16x1xi32>
      %gather3A_1100 = vector.shape_cast %broadcast_in_dim3A_1099 : vector<16x1xi32> to vector<16xi32>
      %gather3A_1101 = tpu.dynamic_gather %scan3A_1023#2[%gather3A_1100] in [0] : vector<16xf32>, vector<16xi32> -> vector<16xf32>
      %add3A_1102 = arith.addf %scan3A_1023#2, %gather3A_1101 : vector<16xf32>
      %broadcast_in_dim3A_1103 = vector.shape_cast %xor3A_33 : vector<16xi32> to vector<16x1xi32>
      %gather3A_1104 = vector.shape_cast %broadcast_in_dim3A_1103 : vector<16x1xi32> to vector<16xi32>
      %gather3A_1105 = tpu.dynamic_gather %scan3A_1023#6[%gather3A_1104] in [0] : vector<16xf32>, vector<16xi32> -> vector<16xf32>
      %add3A_1106 = arith.addf %scan3A_1023#6, %gather3A_1105 : vector<16xf32>
      %broadcast_in_dim3A_1107 = vector.shape_cast %xor3A_36 : vector<16xi32> to vector<16x1xi32>
      %gather3A_1108 = vector.shape_cast %broadcast_in_dim3A_1107 : vector<16x1xi32> to vector<16xi32>
      %gather3A_1109 = tpu.dynamic_gather %add3A_1102[%gather3A_1108] in [0] : vector<16xf32>, vector<16xi32> -> vector<16xf32>
      %add3A_1110 = arith.addf %add3A_1102, %gather3A_1109 : vector<16xf32>
      %broadcast_in_dim3A_1111 = vector.shape_cast %xor3A_36 : vector<16xi32> to vector<16x1xi32>
      %gather3A_1112 = vector.shape_cast %broadcast_in_dim3A_1111 : vector<16x1xi32> to vector<16xi32>
      %gather3A_1113 = tpu.dynamic_gather %add3A_1106[%gather3A_1112] in [0] : vector<16xf32>, vector<16xi32> -> vector<16xf32>
      %add3A_1114 = arith.addf %add3A_1106, %gather3A_1113 : vector<16xf32>
      %broadcast_in_dim3A_1115 = vector.shape_cast %xor3A_39 : vector<16xi32> to vector<16x1xi32>
      %gather3A_1116 = vector.shape_cast %broadcast_in_dim3A_1115 : vector<16x1xi32> to vector<16xi32>
      %gather3A_1117 = tpu.dynamic_gather %add3A_1110[%gather3A_1116] in [0] : vector<16xf32>, vector<16xi32> -> vector<16xf32>
      %add3A_1118 = arith.addf %add3A_1110, %gather3A_1117 : vector<16xf32>
      %broadcast_in_dim3A_1119 = vector.shape_cast %xor3A_39 : vector<16xi32> to vector<16x1xi32>
      %gather3A_1120 = vector.shape_cast %broadcast_in_dim3A_1119 : vector<16x1xi32> to vector<16xi32>
      %gather3A_1121 = tpu.dynamic_gather %add3A_1114[%gather3A_1120] in [0] : vector<16xf32>, vector<16xi32> -> vector<16xf32>
      %add3A_1122 = arith.addf %add3A_1114, %gather3A_1121 : vector<16xf32>
      %broadcast_in_dim3A_1123 = vector.shape_cast %xor3A_42 : vector<16xi32> to vector<16x1xi32>
      %gather3A_1124 = vector.shape_cast %broadcast_in_dim3A_1123 : vector<16x1xi32> to vector<16xi32>
      %gather3A_1125 = tpu.dynamic_gather %add3A_1118[%gather3A_1124] in [0] : vector<16xf32>, vector<16xi32> -> vector<16xf32>
      %add3A_1126 = arith.addf %add3A_1118, %gather3A_1125 : vector<16xf32>
      %broadcast_in_dim3A_1127 = vector.shape_cast %xor3A_42 : vector<16xi32> to vector<16x1xi32>
      %gather3A_1128 = vector.shape_cast %broadcast_in_dim3A_1127 : vector<16x1xi32> to vector<16xi32>
      %gather3A_1129 = tpu.dynamic_gather %add3A_1122[%gather3A_1128] in [0] : vector<16xf32>, vector<16xi32> -> vector<16xf32>
      %add3A_1130 = arith.addf %add3A_1122, %gather3A_1129 : vector<16xf32>
      %select_n3A_1131 = arith.select %eq3A_1027, %add3A_1126, %select_n3A_950 : vector<16xi1>, vector<16xf32>
      %select_n3A_1132 = arith.select %eq3A_1030, %add3A_1130, %select_n3A_1131 : vector<16xi1>, vector<16xf32>
      %broadcast_in_dim3A_1133 = vector.shape_cast %xor3A_33 : vector<16xi32> to vector<16x1xi32>
      %gather3A_1134 = vector.shape_cast %broadcast_in_dim3A_1133 : vector<16x1xi32> to vector<16xi32>
      %gather3A_1135 = tpu.dynamic_gather %scan3A_1023#3[%gather3A_1134] in [0] : vector<16xf32>, vector<16xi32> -> vector<16xf32>
      %add3A_1136 = arith.addf %scan3A_1023#3, %gather3A_1135 : vector<16xf32>
      %broadcast_in_dim3A_1137 = vector.shape_cast %xor3A_33 : vector<16xi32> to vector<16x1xi32>
      %gather3A_1138 = vector.shape_cast %broadcast_in_dim3A_1137 : vector<16x1xi32> to vector<16xi32>
      %gather3A_1139 = tpu.dynamic_gather %scan3A_1023#7[%gather3A_1138] in [0] : vector<16xf32>, vector<16xi32> -> vector<16xf32>
      %add3A_1140 = arith.addf %scan3A_1023#7, %gather3A_1139 : vector<16xf32>
      %broadcast_in_dim3A_1141 = vector.shape_cast %xor3A_36 : vector<16xi32> to vector<16x1xi32>
      %gather3A_1142 = vector.shape_cast %broadcast_in_dim3A_1141 : vector<16x1xi32> to vector<16xi32>
      %gather3A_1143 = tpu.dynamic_gather %add3A_1136[%gather3A_1142] in [0] : vector<16xf32>, vector<16xi32> -> vector<16xf32>
      %add3A_1144 = arith.addf %add3A_1136, %gather3A_1143 : vector<16xf32>
      %broadcast_in_dim3A_1145 = vector.shape_cast %xor3A_36 : vector<16xi32> to vector<16x1xi32>
      %gather3A_1146 = vector.shape_cast %broadcast_in_dim3A_1145 : vector<16x1xi32> to vector<16xi32>
      %gather3A_1147 = tpu.dynamic_gather %add3A_1140[%gather3A_1146] in [0] : vector<16xf32>, vector<16xi32> -> vector<16xf32>
      %add3A_1148 = arith.addf %add3A_1140, %gather3A_1147 : vector<16xf32>
      %broadcast_in_dim3A_1149 = vector.shape_cast %xor3A_39 : vector<16xi32> to vector<16x1xi32>
      %gather3A_1150 = vector.shape_cast %broadcast_in_dim3A_1149 : vector<16x1xi32> to vector<16xi32>
      %gather3A_1151 = tpu.dynamic_gather %add3A_1144[%gather3A_1150] in [0] : vector<16xf32>, vector<16xi32> -> vector<16xf32>
      %add3A_1152 = arith.addf %add3A_1144, %gather3A_1151 : vector<16xf32>
      %broadcast_in_dim3A_1153 = vector.shape_cast %xor3A_39 : vector<16xi32> to vector<16x1xi32>
      %gather3A_1154 = vector.shape_cast %broadcast_in_dim3A_1153 : vector<16x1xi32> to vector<16xi32>
      %gather3A_1155 = tpu.dynamic_gather %add3A_1148[%gather3A_1154] in [0] : vector<16xf32>, vector<16xi32> -> vector<16xf32>
      %add3A_1156 = arith.addf %add3A_1148, %gather3A_1155 : vector<16xf32>
      %broadcast_in_dim3A_1157 = vector.shape_cast %xor3A_42 : vector<16xi32> to vector<16x1xi32>
      %gather3A_1158 = vector.shape_cast %broadcast_in_dim3A_1157 : vector<16x1xi32> to vector<16xi32>
      %gather3A_1159 = tpu.dynamic_gather %add3A_1152[%gather3A_1158] in [0] : vector<16xf32>, vector<16xi32> -> vector<16xf32>
      %add3A_1160 = arith.addf %add3A_1152, %gather3A_1159 : vector<16xf32>
      %broadcast_in_dim3A_1161 = vector.shape_cast %xor3A_42 : vector<16xi32> to vector<16x1xi32>
      %gather3A_1162 = vector.shape_cast %broadcast_in_dim3A_1161 : vector<16x1xi32> to vector<16xi32>
      %gather3A_1163 = tpu.dynamic_gather %add3A_1156[%gather3A_1162] in [0] : vector<16xf32>, vector<16xi32> -> vector<16xf32>
      %add3A_1164 = arith.addf %add3A_1156, %gather3A_1163 : vector<16xf32>
      %select_n3A_1165 = arith.select %eq3A_1027, %add3A_1160, %select_n3A_984 : vector<16xi1>, vector<16xf32>
      %select_n3A_1166 = arith.select %eq3A_1030, %add3A_1164, %select_n3A_1165 : vector<16xi1>, vector<16xf32>
      %slice3A_1167 = vector.extract_strided_slice %get3A_61 {offsets = [12], sizes = [1], strides = [1]} : vector<16xf32> to vector<1xf32>
      %squeeze3A_1168 = vector.extract %slice3A_1167[0] : f32 from vector<1xf32>
      %broadcast_in_dim3A_1169 = vector.broadcast %squeeze3A_1168 : f32 to vector<16xf32>
      %slice3A_1170 = vector.extract_strided_slice %get3A_66 {offsets = [12], sizes = [1], strides = [1]} : vector<16xf32> to vector<1xf32>
      %squeeze3A_1171 = vector.extract %slice3A_1170[0] : f32 from vector<1xf32>
      %broadcast_in_dim3A_1172 = vector.broadcast %squeeze3A_1171 : f32 to vector<16xf32>
      %slice3A_1173 = vector.extract_strided_slice %get3A_71 {offsets = [12], sizes = [1], strides = [1]} : vector<16xf32> to vector<1xf32>
      %squeeze3A_1174 = vector.extract %slice3A_1173[0] : f32 from vector<1xf32>
      %broadcast_in_dim3A_1175 = vector.broadcast %squeeze3A_1174 : f32 to vector<16xf32>
      %slice3A_1176 = vector.extract_strided_slice %get3A_61 {offsets = [13], sizes = [1], strides = [1]} : vector<16xf32> to vector<1xf32>
      %squeeze3A_1177 = vector.extract %slice3A_1176[0] : f32 from vector<1xf32>
      %broadcast_in_dim3A_1178 = vector.broadcast %squeeze3A_1177 : f32 to vector<16xf32>
      %slice3A_1179 = vector.extract_strided_slice %get3A_66 {offsets = [13], sizes = [1], strides = [1]} : vector<16xf32> to vector<1xf32>
      %squeeze3A_1180 = vector.extract %slice3A_1179[0] : f32 from vector<1xf32>
      %broadcast_in_dim3A_1181 = vector.broadcast %squeeze3A_1180 : f32 to vector<16xf32>
      %slice3A_1182 = vector.extract_strided_slice %get3A_71 {offsets = [13], sizes = [1], strides = [1]} : vector<16xf32> to vector<1xf32>
      %squeeze3A_1183 = vector.extract %slice3A_1182[0] : f32 from vector<1xf32>
      %broadcast_in_dim3A_1184 = vector.broadcast %squeeze3A_1183 : f32 to vector<16xf32>
      %broadcast_in_dim3A_1185 = arith.constant 0.000000e+00 : f32
      %broadcast_in_dim3A_1186 = vector.broadcast %broadcast_in_dim3A_1185 : f32 to vector<16xf32>
      %broadcast_in_dim3A_1187 = arith.constant 0.000000e+00 : f32
      %broadcast_in_dim3A_1188 = vector.broadcast %broadcast_in_dim3A_1187 : f32 to vector<16xf32>
      %broadcast_in_dim3A_1189 = arith.constant 0.000000e+00 : f32
      %broadcast_in_dim3A_1190 = vector.broadcast %broadcast_in_dim3A_1189 : f32 to vector<16xf32>
      %broadcast_in_dim3A_1191 = arith.constant 0.000000e+00 : f32
      %broadcast_in_dim3A_1192 = vector.broadcast %broadcast_in_dim3A_1191 : f32 to vector<16xf32>
      %broadcast_in_dim3A_1193 = arith.constant 0.000000e+00 : f32
      %broadcast_in_dim3A_1194 = vector.broadcast %broadcast_in_dim3A_1193 : f32 to vector<16xf32>
      %broadcast_in_dim3A_1195 = arith.constant 0.000000e+00 : f32
      %broadcast_in_dim3A_1196 = vector.broadcast %broadcast_in_dim3A_1195 : f32 to vector<16xf32>
      %broadcast_in_dim3A_1197 = arith.constant 0.000000e+00 : f32
      %broadcast_in_dim3A_1198 = vector.broadcast %broadcast_in_dim3A_1197 : f32 to vector<16xf32>
      %broadcast_in_dim3A_1199 = arith.constant 0.000000e+00 : f32
      %broadcast_in_dim3A_1200 = vector.broadcast %broadcast_in_dim3A_1199 : f32 to vector<16xf32>
      %scan3A_1201 = arith.constant 0 : i32
      %scan3A_1202 = arith.constant 24 : i32
      %scan3A_1203 = arith.addi %scan3A_1201, %scan3A_1202 : i32
      %scan3A_1204 = arith.constant 2 : i32
      %scan3A_1205:8 = scf.for %scan3A_1562 = %scan3A_1201 to %scan3A_1203 step %scan3A_1204 iter_args(%scan3A_1563 = %broadcast_in_dim3A_1186, %scan3A_1564 = %broadcast_in_dim3A_1188, %scan3A_1565 = %broadcast_in_dim3A_1190, %scan3A_1566 = %broadcast_in_dim3A_1192, %scan3A_1567 = %broadcast_in_dim3A_1194, %scan3A_1568 = %broadcast_in_dim3A_1196, %scan3A_1569 = %broadcast_in_dim3A_1198, %scan3A_1570 = %broadcast_in_dim3A_1200) -> (vector<16xf32>, vector<16xf32>, vector<16xf32>, vector<16xf32>, vector<16xf32>, vector<16xf32>, vector<16xf32>, vector<16xf32>)  : i32 {
        %mul3A_1571 = arith.constant 16 : i32
        %mul3A_1572 = arith.muli %scan3A_1562, %mul3A_1571 : i32
        %get3A_1573 = arith.index_cast %mul3A_1572 : i32 to index
        %get3A_1574 = tpu.vector_load %arg11[%get3A_1573] {strides = array<i32>} : memref<384xf32, #tpu.memory_space<vmem>>, vector<16xf32>,
        %get3A_1575 = vector.shape_cast %get3A_1574 : vector<16xf32> to vector<16xf32>
        %get3A_1576 = arith.index_cast %mul3A_1572 : i32 to index
        %get3A_1577 = tpu.vector_load %arg12[%get3A_1576] {strides = array<i32>} : memref<384xf32, #tpu.memory_space<vmem>>, vector<16xf32>,
        %get3A_1578 = vector.shape_cast %get3A_1577 : vector<16xf32> to vector<16xf32>
        %get3A_1579 = arith.index_cast %mul3A_1572 : i32 to index
        %get3A_1580 = tpu.vector_load %arg13[%get3A_1579] {strides = array<i32>} : memref<384xf32, #tpu.memory_space<vmem>>, vector<16xf32>,
        %get3A_1581 = vector.shape_cast %get3A_1580 : vector<16xf32> to vector<16xf32>
        %get3A_1582 = arith.index_cast %mul3A_1572 : i32 to index
        %get3A_1583 = tpu.vector_load %arg14[%get3A_1582] {strides = array<i32>} : memref<384xf32, #tpu.memory_space<vmem>>, vector<16xf32>,
        %get3A_1584 = vector.shape_cast %get3A_1583 : vector<16xf32> to vector<16xf32>
        %sub3A_1585 = arith.subf %broadcast_in_dim3A_1169, %get3A_1575 : vector<16xf32>
        %sub3A_1586 = arith.subf %broadcast_in_dim3A_1172, %get3A_1578 : vector<16xf32>
        %sub3A_1587 = arith.subf %broadcast_in_dim3A_1175, %get3A_1581 : vector<16xf32>
        %mul3A_1588 = arith.mulf %sub3A_1585, %sub3A_1585 : vector<16xf32>
        %mul3A_1589 = arith.mulf %sub3A_1586, %sub3A_1586 : vector<16xf32>
        %add3A_1590 = arith.addf %mul3A_1588, %mul3A_1589 : vector<16xf32>
        %mul3A_1591 = arith.mulf %sub3A_1587, %sub3A_1587 : vector<16xf32>
        %add3A_1592 = arith.addf %add3A_1590, %mul3A_1591 : vector<16xf32>
        %sub3A_1593 = arith.subf %broadcast_in_dim3A_1178, %get3A_1575 : vector<16xf32>
        %sub3A_1594 = arith.subf %broadcast_in_dim3A_1181, %get3A_1578 : vector<16xf32>
        %sub3A_1595 = arith.subf %broadcast_in_dim3A_1184, %get3A_1581 : vector<16xf32>
        %mul3A_1596 = arith.mulf %sub3A_1593, %sub3A_1593 : vector<16xf32>
        %mul3A_1597 = arith.mulf %sub3A_1594, %sub3A_1594 : vector<16xf32>
        %add3A_1598 = arith.addf %mul3A_1596, %mul3A_1597 : vector<16xf32>
        %mul3A_1599 = arith.mulf %sub3A_1595, %sub3A_1595 : vector<16xf32>
        %add3A_1600 = arith.addf %add3A_1598, %mul3A_1599 : vector<16xf32>
        %mul3A_1601 = arith.mulf %add3A_1592, %get3A_22 : vector<16xf32>
        %exp3A = math.exp %mul3A_1601 : vector<16xf32>
        %mul3A_1602 = arith.mulf %exp3A, %get3A_1584 : vector<16xf32>
        %add3A_1603 = arith.addf %scan3A_1563, %mul3A_1602 : vector<16xf32>
        %mul3A_1604 = arith.mulf %add3A_1592, %get3A_25 : vector<16xf32>
        %exp3A_1605 = math.exp %mul3A_1604 : vector<16xf32>
        %mul3A_1606 = arith.mulf %exp3A_1605, %get3A_1584 : vector<16xf32>
        %add3A_1607 = arith.addf %scan3A_1564, %mul3A_1606 : vector<16xf32>
        %mul3A_1608 = arith.mulf %add3A_1592, %get3A_28 : vector<16xf32>
        %exp3A_1609 = math.exp %mul3A_1608 : vector<16xf32>
        %mul3A_1610 = arith.mulf %exp3A_1609, %get3A_1584 : vector<16xf32>
        %add3A_1611 = arith.addf %scan3A_1565, %mul3A_1610 : vector<16xf32>
        %mul3A_1612 = arith.mulf %add3A_1592, %get3A_31 : vector<16xf32>
        %exp3A_1613 = math.exp %mul3A_1612 : vector<16xf32>
        %mul3A_1614 = arith.mulf %exp3A_1613, %get3A_1584 : vector<16xf32>
        %add3A_1615 = arith.addf %scan3A_1566, %mul3A_1614 : vector<16xf32>
        %mul3A_1616 = arith.mulf %add3A_1600, %get3A_22 : vector<16xf32>
        %exp3A_1617 = math.exp %mul3A_1616 : vector<16xf32>
        %mul3A_1618 = arith.mulf %exp3A_1617, %get3A_1584 : vector<16xf32>
        %add3A_1619 = arith.addf %scan3A_1567, %mul3A_1618 : vector<16xf32>
        %mul3A_1620 = arith.mulf %add3A_1600, %get3A_25 : vector<16xf32>
        %exp3A_1621 = math.exp %mul3A_1620 : vector<16xf32>
        %mul3A_1622 = arith.mulf %exp3A_1621, %get3A_1584 : vector<16xf32>
        %add3A_1623 = arith.addf %scan3A_1568, %mul3A_1622 : vector<16xf32>
        %mul3A_1624 = arith.mulf %add3A_1600, %get3A_28 : vector<16xf32>
        %exp3A_1625 = math.exp %mul3A_1624 : vector<16xf32>
        %mul3A_1626 = arith.mulf %exp3A_1625, %get3A_1584 : vector<16xf32>
        %add3A_1627 = arith.addf %scan3A_1569, %mul3A_1626 : vector<16xf32>
        %mul3A_1628 = arith.mulf %add3A_1600, %get3A_31 : vector<16xf32>
        %exp3A_1629 = math.exp %mul3A_1628 : vector<16xf32>
        %mul3A_1630 = arith.mulf %exp3A_1629, %get3A_1584 : vector<16xf32>
        %add3A_1631 = arith.addf %scan3A_1570, %mul3A_1630 : vector<16xf32>
        %scan3A_1632 = arith.constant 1 : i32
        %scan3A_1633 = arith.addi %scan3A_1562, %scan3A_1632 : i32
        %mul3A_1634 = arith.constant 16 : i32
        %mul3A_1635 = arith.muli %scan3A_1633, %mul3A_1634 : i32
        %get3A_1636 = arith.index_cast %mul3A_1635 : i32 to index
        %get3A_1637 = tpu.vector_load %arg11[%get3A_1636] {strides = array<i32>} : memref<384xf32, #tpu.memory_space<vmem>>, vector<16xf32>,
        %get3A_1638 = vector.shape_cast %get3A_1637 : vector<16xf32> to vector<16xf32>
        %get3A_1639 = arith.index_cast %mul3A_1635 : i32 to index
        %get3A_1640 = tpu.vector_load %arg12[%get3A_1639] {strides = array<i32>} : memref<384xf32, #tpu.memory_space<vmem>>, vector<16xf32>,
        %get3A_1641 = vector.shape_cast %get3A_1640 : vector<16xf32> to vector<16xf32>
        %get3A_1642 = arith.index_cast %mul3A_1635 : i32 to index
        %get3A_1643 = tpu.vector_load %arg13[%get3A_1642] {strides = array<i32>} : memref<384xf32, #tpu.memory_space<vmem>>, vector<16xf32>,
        %get3A_1644 = vector.shape_cast %get3A_1643 : vector<16xf32> to vector<16xf32>
        %get3A_1645 = arith.index_cast %mul3A_1635 : i32 to index
        %get3A_1646 = tpu.vector_load %arg14[%get3A_1645] {strides = array<i32>} : memref<384xf32, #tpu.memory_space<vmem>>, vector<16xf32>,
        %get3A_1647 = vector.shape_cast %get3A_1646 : vector<16xf32> to vector<16xf32>
        %sub3A_1648 = arith.subf %broadcast_in_dim3A_1169, %get3A_1638 : vector<16xf32>
        %sub3A_1649 = arith.subf %broadcast_in_dim3A_1172, %get3A_1641 : vector<16xf32>
        %sub3A_1650 = arith.subf %broadcast_in_dim3A_1175, %get3A_1644 : vector<16xf32>
        %mul3A_1651 = arith.mulf %sub3A_1648, %sub3A_1648 : vector<16xf32>
        %mul3A_1652 = arith.mulf %sub3A_1649, %sub3A_1649 : vector<16xf32>
        %add3A_1653 = arith.addf %mul3A_1651, %mul3A_1652 : vector<16xf32>
        %mul3A_1654 = arith.mulf %sub3A_1650, %sub3A_1650 : vector<16xf32>
        %add3A_1655 = arith.addf %add3A_1653, %mul3A_1654 : vector<16xf32>
        %sub3A_1656 = arith.subf %broadcast_in_dim3A_1178, %get3A_1638 : vector<16xf32>
        %sub3A_1657 = arith.subf %broadcast_in_dim3A_1181, %get3A_1641 : vector<16xf32>
        %sub3A_1658 = arith.subf %broadcast_in_dim3A_1184, %get3A_1644 : vector<16xf32>
        %mul3A_1659 = arith.mulf %sub3A_1656, %sub3A_1656 : vector<16xf32>
        %mul3A_1660 = arith.mulf %sub3A_1657, %sub3A_1657 : vector<16xf32>
        %add3A_1661 = arith.addf %mul3A_1659, %mul3A_1660 : vector<16xf32>
        %mul3A_1662 = arith.mulf %sub3A_1658, %sub3A_1658 : vector<16xf32>
        %add3A_1663 = arith.addf %add3A_1661, %mul3A_1662 : vector<16xf32>
        %mul3A_1664 = arith.mulf %add3A_1655, %get3A_22 : vector<16xf32>
        %exp3A_1665 = math.exp %mul3A_1664 : vector<16xf32>
        %mul3A_1666 = arith.mulf %exp3A_1665, %get3A_1647 : vector<16xf32>
        %add3A_1667 = arith.addf %add3A_1603, %mul3A_1666 : vector<16xf32>
        %mul3A_1668 = arith.mulf %add3A_1655, %get3A_25 : vector<16xf32>
        %exp3A_1669 = math.exp %mul3A_1668 : vector<16xf32>
        %mul3A_1670 = arith.mulf %exp3A_1669, %get3A_1647 : vector<16xf32>
        %add3A_1671 = arith.addf %add3A_1607, %mul3A_1670 : vector<16xf32>
        %mul3A_1672 = arith.mulf %add3A_1655, %get3A_28 : vector<16xf32>
        %exp3A_1673 = math.exp %mul3A_1672 : vector<16xf32>
        %mul3A_1674 = arith.mulf %exp3A_1673, %get3A_1647 : vector<16xf32>
        %add3A_1675 = arith.addf %add3A_1611, %mul3A_1674 : vector<16xf32>
        %mul3A_1676 = arith.mulf %add3A_1655, %get3A_31 : vector<16xf32>
        %exp3A_1677 = math.exp %mul3A_1676 : vector<16xf32>
        %mul3A_1678 = arith.mulf %exp3A_1677, %get3A_1647 : vector<16xf32>
        %add3A_1679 = arith.addf %add3A_1615, %mul3A_1678 : vector<16xf32>
        %mul3A_1680 = arith.mulf %add3A_1663, %get3A_22 : vector<16xf32>
        %exp3A_1681 = math.exp %mul3A_1680 : vector<16xf32>
        %mul3A_1682 = arith.mulf %exp3A_1681, %get3A_1647 : vector<16xf32>
        %add3A_1683 = arith.addf %add3A_1619, %mul3A_1682 : vector<16xf32>
        %mul3A_1684 = arith.mulf %add3A_1663, %get3A_25 : vector<16xf32>
        %exp3A_1685 = math.exp %mul3A_1684 : vector<16xf32>
        %mul3A_1686 = arith.mulf %exp3A_1685, %get3A_1647 : vector<16xf32>
        %add3A_1687 = arith.addf %add3A_1623, %mul3A_1686 : vector<16xf32>
        %mul3A_1688 = arith.mulf %add3A_1663, %get3A_28 : vector<16xf32>
        %exp3A_1689 = math.exp %mul3A_1688 : vector<16xf32>
        %mul3A_1690 = arith.mulf %exp3A_1689, %get3A_1647 : vector<16xf32>
        %add3A_1691 = arith.addf %add3A_1627, %mul3A_1690 : vector<16xf32>
        %mul3A_1692 = arith.mulf %add3A_1663, %get3A_31 : vector<16xf32>
        %exp3A_1693 = math.exp %mul3A_1692 : vector<16xf32>
        %mul3A_1694 = arith.mulf %exp3A_1693, %get3A_1647 : vector<16xf32>
        %add3A_1695 = arith.addf %add3A_1631, %mul3A_1694 : vector<16xf32>
        scf.yield %add3A_1667, %add3A_1671, %add3A_1675, %add3A_1679, %add3A_1683, %add3A_1687, %add3A_1691, %add3A_1695 : vector<16xf32>, vector<16xf32>, vector<16xf32>, vector<16xf32>, vector<16xf32>, vector<16xf32>, vector<16xf32>, vector<16xf32>
      }
      %scan3A_1206 = arith.constant 24 : i32
      %eq3A_1207 = arith.constant 12 : i32
      %eq3A_1208 = vector.broadcast %eq3A_1207 : i32 to vector<16xi32>
      %eq3A_1209 = arith.cmpi eq, %iota3A, %eq3A_1208 : vector<16xi32>
      %eq3A_1210 = arith.constant 13 : i32
      %eq3A_1211 = vector.broadcast %eq3A_1210 : i32 to vector<16xi32>
      %eq3A_1212 = arith.cmpi eq, %iota3A, %eq3A_1211 : vector<16xi32>
      %broadcast_in_dim3A_1213 = vector.shape_cast %xor3A_33 : vector<16xi32> to vector<16x1xi32>
      %gather3A_1214 = vector.shape_cast %broadcast_in_dim3A_1213 : vector<16x1xi32> to vector<16xi32>
      %gather3A_1215 = tpu.dynamic_gather %scan3A_1205#0[%gather3A_1214] in [0] : vector<16xf32>, vector<16xi32> -> vector<16xf32>
      %add3A_1216 = arith.addf %scan3A_1205#0, %gather3A_1215 : vector<16xf32>
      %broadcast_in_dim3A_1217 = vector.shape_cast %xor3A_33 : vector<16xi32> to vector<16x1xi32>
      %gather3A_1218 = vector.shape_cast %broadcast_in_dim3A_1217 : vector<16x1xi32> to vector<16xi32>
      %gather3A_1219 = tpu.dynamic_gather %scan3A_1205#4[%gather3A_1218] in [0] : vector<16xf32>, vector<16xi32> -> vector<16xf32>
      %add3A_1220 = arith.addf %scan3A_1205#4, %gather3A_1219 : vector<16xf32>
      %broadcast_in_dim3A_1221 = vector.shape_cast %xor3A_36 : vector<16xi32> to vector<16x1xi32>
      %gather3A_1222 = vector.shape_cast %broadcast_in_dim3A_1221 : vector<16x1xi32> to vector<16xi32>
      %gather3A_1223 = tpu.dynamic_gather %add3A_1216[%gather3A_1222] in [0] : vector<16xf32>, vector<16xi32> -> vector<16xf32>
      %add3A_1224 = arith.addf %add3A_1216, %gather3A_1223 : vector<16xf32>
      %broadcast_in_dim3A_1225 = vector.shape_cast %xor3A_36 : vector<16xi32> to vector<16x1xi32>
      %gather3A_1226 = vector.shape_cast %broadcast_in_dim3A_1225 : vector<16x1xi32> to vector<16xi32>
      %gather3A_1227 = tpu.dynamic_gather %add3A_1220[%gather3A_1226] in [0] : vector<16xf32>, vector<16xi32> -> vector<16xf32>
      %add3A_1228 = arith.addf %add3A_1220, %gather3A_1227 : vector<16xf32>
      %broadcast_in_dim3A_1229 = vector.shape_cast %xor3A_39 : vector<16xi32> to vector<16x1xi32>
      %gather3A_1230 = vector.shape_cast %broadcast_in_dim3A_1229 : vector<16x1xi32> to vector<16xi32>
      %gather3A_1231 = tpu.dynamic_gather %add3A_1224[%gather3A_1230] in [0] : vector<16xf32>, vector<16xi32> -> vector<16xf32>
      %add3A_1232 = arith.addf %add3A_1224, %gather3A_1231 : vector<16xf32>
      %broadcast_in_dim3A_1233 = vector.shape_cast %xor3A_39 : vector<16xi32> to vector<16x1xi32>
      %gather3A_1234 = vector.shape_cast %broadcast_in_dim3A_1233 : vector<16x1xi32> to vector<16xi32>
      %gather3A_1235 = tpu.dynamic_gather %add3A_1228[%gather3A_1234] in [0] : vector<16xf32>, vector<16xi32> -> vector<16xf32>
      %add3A_1236 = arith.addf %add3A_1228, %gather3A_1235 : vector<16xf32>
      %broadcast_in_dim3A_1237 = vector.shape_cast %xor3A_42 : vector<16xi32> to vector<16x1xi32>
      %gather3A_1238 = vector.shape_cast %broadcast_in_dim3A_1237 : vector<16x1xi32> to vector<16xi32>
      %gather3A_1239 = tpu.dynamic_gather %add3A_1232[%gather3A_1238] in [0] : vector<16xf32>, vector<16xi32> -> vector<16xf32>
      %add3A_1240 = arith.addf %add3A_1232, %gather3A_1239 : vector<16xf32>
      %broadcast_in_dim3A_1241 = vector.shape_cast %xor3A_42 : vector<16xi32> to vector<16x1xi32>
      %gather3A_1242 = vector.shape_cast %broadcast_in_dim3A_1241 : vector<16x1xi32> to vector<16xi32>
      %gather3A_1243 = tpu.dynamic_gather %add3A_1236[%gather3A_1242] in [0] : vector<16xf32>, vector<16xi32> -> vector<16xf32>
      %add3A_1244 = arith.addf %add3A_1236, %gather3A_1243 : vector<16xf32>
      %select_n3A_1245 = arith.select %eq3A_1209, %add3A_1240, %select_n3A_1064 : vector<16xi1>, vector<16xf32>
      %select_n3A_1246 = arith.select %eq3A_1212, %add3A_1244, %select_n3A_1245 : vector<16xi1>, vector<16xf32>
      %broadcast_in_dim3A_1247 = vector.shape_cast %xor3A_33 : vector<16xi32> to vector<16x1xi32>
      %gather3A_1248 = vector.shape_cast %broadcast_in_dim3A_1247 : vector<16x1xi32> to vector<16xi32>
      %gather3A_1249 = tpu.dynamic_gather %scan3A_1205#1[%gather3A_1248] in [0] : vector<16xf32>, vector<16xi32> -> vector<16xf32>
      %add3A_1250 = arith.addf %scan3A_1205#1, %gather3A_1249 : vector<16xf32>
      %broadcast_in_dim3A_1251 = vector.shape_cast %xor3A_33 : vector<16xi32> to vector<16x1xi32>
      %gather3A_1252 = vector.shape_cast %broadcast_in_dim3A_1251 : vector<16x1xi32> to vector<16xi32>
      %gather3A_1253 = tpu.dynamic_gather %scan3A_1205#5[%gather3A_1252] in [0] : vector<16xf32>, vector<16xi32> -> vector<16xf32>
      %add3A_1254 = arith.addf %scan3A_1205#5, %gather3A_1253 : vector<16xf32>
      %broadcast_in_dim3A_1255 = vector.shape_cast %xor3A_36 : vector<16xi32> to vector<16x1xi32>
      %gather3A_1256 = vector.shape_cast %broadcast_in_dim3A_1255 : vector<16x1xi32> to vector<16xi32>
      %gather3A_1257 = tpu.dynamic_gather %add3A_1250[%gather3A_1256] in [0] : vector<16xf32>, vector<16xi32> -> vector<16xf32>
      %add3A_1258 = arith.addf %add3A_1250, %gather3A_1257 : vector<16xf32>
      %broadcast_in_dim3A_1259 = vector.shape_cast %xor3A_36 : vector<16xi32> to vector<16x1xi32>
      %gather3A_1260 = vector.shape_cast %broadcast_in_dim3A_1259 : vector<16x1xi32> to vector<16xi32>
      %gather3A_1261 = tpu.dynamic_gather %add3A_1254[%gather3A_1260] in [0] : vector<16xf32>, vector<16xi32> -> vector<16xf32>
      %add3A_1262 = arith.addf %add3A_1254, %gather3A_1261 : vector<16xf32>
      %broadcast_in_dim3A_1263 = vector.shape_cast %xor3A_39 : vector<16xi32> to vector<16x1xi32>
      %gather3A_1264 = vector.shape_cast %broadcast_in_dim3A_1263 : vector<16x1xi32> to vector<16xi32>
      %gather3A_1265 = tpu.dynamic_gather %add3A_1258[%gather3A_1264] in [0] : vector<16xf32>, vector<16xi32> -> vector<16xf32>
      %add3A_1266 = arith.addf %add3A_1258, %gather3A_1265 : vector<16xf32>
      %broadcast_in_dim3A_1267 = vector.shape_cast %xor3A_39 : vector<16xi32> to vector<16x1xi32>
      %gather3A_1268 = vector.shape_cast %broadcast_in_dim3A_1267 : vector<16x1xi32> to vector<16xi32>
      %gather3A_1269 = tpu.dynamic_gather %add3A_1262[%gather3A_1268] in [0] : vector<16xf32>, vector<16xi32> -> vector<16xf32>
      %add3A_1270 = arith.addf %add3A_1262, %gather3A_1269 : vector<16xf32>
      %broadcast_in_dim3A_1271 = vector.shape_cast %xor3A_42 : vector<16xi32> to vector<16x1xi32>
      %gather3A_1272 = vector.shape_cast %broadcast_in_dim3A_1271 : vector<16x1xi32> to vector<16xi32>
      %gather3A_1273 = tpu.dynamic_gather %add3A_1266[%gather3A_1272] in [0] : vector<16xf32>, vector<16xi32> -> vector<16xf32>
      %add3A_1274 = arith.addf %add3A_1266, %gather3A_1273 : vector<16xf32>
      %broadcast_in_dim3A_1275 = vector.shape_cast %xor3A_42 : vector<16xi32> to vector<16x1xi32>
      %gather3A_1276 = vector.shape_cast %broadcast_in_dim3A_1275 : vector<16x1xi32> to vector<16xi32>
      %gather3A_1277 = tpu.dynamic_gather %add3A_1270[%gather3A_1276] in [0] : vector<16xf32>, vector<16xi32> -> vector<16xf32>
      %add3A_1278 = arith.addf %add3A_1270, %gather3A_1277 : vector<16xf32>
      %select_n3A_1279 = arith.select %eq3A_1209, %add3A_1274, %select_n3A_1098 : vector<16xi1>, vector<16xf32>
      %select_n3A_1280 = arith.select %eq3A_1212, %add3A_1278, %select_n3A_1279 : vector<16xi1>, vector<16xf32>
      %broadcast_in_dim3A_1281 = vector.shape_cast %xor3A_33 : vector<16xi32> to vector<16x1xi32>
      %gather3A_1282 = vector.shape_cast %broadcast_in_dim3A_1281 : vector<16x1xi32> to vector<16xi32>
      %gather3A_1283 = tpu.dynamic_gather %scan3A_1205#2[%gather3A_1282] in [0] : vector<16xf32>, vector<16xi32> -> vector<16xf32>
      %add3A_1284 = arith.addf %scan3A_1205#2, %gather3A_1283 : vector<16xf32>
      %broadcast_in_dim3A_1285 = vector.shape_cast %xor3A_33 : vector<16xi32> to vector<16x1xi32>
      %gather3A_1286 = vector.shape_cast %broadcast_in_dim3A_1285 : vector<16x1xi32> to vector<16xi32>
      %gather3A_1287 = tpu.dynamic_gather %scan3A_1205#6[%gather3A_1286] in [0] : vector<16xf32>, vector<16xi32> -> vector<16xf32>
      %add3A_1288 = arith.addf %scan3A_1205#6, %gather3A_1287 : vector<16xf32>
      %broadcast_in_dim3A_1289 = vector.shape_cast %xor3A_36 : vector<16xi32> to vector<16x1xi32>
      %gather3A_1290 = vector.shape_cast %broadcast_in_dim3A_1289 : vector<16x1xi32> to vector<16xi32>
      %gather3A_1291 = tpu.dynamic_gather %add3A_1284[%gather3A_1290] in [0] : vector<16xf32>, vector<16xi32> -> vector<16xf32>
      %add3A_1292 = arith.addf %add3A_1284, %gather3A_1291 : vector<16xf32>
      %broadcast_in_dim3A_1293 = vector.shape_cast %xor3A_36 : vector<16xi32> to vector<16x1xi32>
      %gather3A_1294 = vector.shape_cast %broadcast_in_dim3A_1293 : vector<16x1xi32> to vector<16xi32>
      %gather3A_1295 = tpu.dynamic_gather %add3A_1288[%gather3A_1294] in [0] : vector<16xf32>, vector<16xi32> -> vector<16xf32>
      %add3A_1296 = arith.addf %add3A_1288, %gather3A_1295 : vector<16xf32>
      %broadcast_in_dim3A_1297 = vector.shape_cast %xor3A_39 : vector<16xi32> to vector<16x1xi32>
      %gather3A_1298 = vector.shape_cast %broadcast_in_dim3A_1297 : vector<16x1xi32> to vector<16xi32>
      %gather3A_1299 = tpu.dynamic_gather %add3A_1292[%gather3A_1298] in [0] : vector<16xf32>, vector<16xi32> -> vector<16xf32>
      %add3A_1300 = arith.addf %add3A_1292, %gather3A_1299 : vector<16xf32>
      %broadcast_in_dim3A_1301 = vector.shape_cast %xor3A_39 : vector<16xi32> to vector<16x1xi32>
      %gather3A_1302 = vector.shape_cast %broadcast_in_dim3A_1301 : vector<16x1xi32> to vector<16xi32>
      %gather3A_1303 = tpu.dynamic_gather %add3A_1296[%gather3A_1302] in [0] : vector<16xf32>, vector<16xi32> -> vector<16xf32>
      %add3A_1304 = arith.addf %add3A_1296, %gather3A_1303 : vector<16xf32>
      %broadcast_in_dim3A_1305 = vector.shape_cast %xor3A_42 : vector<16xi32> to vector<16x1xi32>
      %gather3A_1306 = vector.shape_cast %broadcast_in_dim3A_1305 : vector<16x1xi32> to vector<16xi32>
      %gather3A_1307 = tpu.dynamic_gather %add3A_1300[%gather3A_1306] in [0] : vector<16xf32>, vector<16xi32> -> vector<16xf32>
      %add3A_1308 = arith.addf %add3A_1300, %gather3A_1307 : vector<16xf32>
      %broadcast_in_dim3A_1309 = vector.shape_cast %xor3A_42 : vector<16xi32> to vector<16x1xi32>
      %gather3A_1310 = vector.shape_cast %broadcast_in_dim3A_1309 : vector<16x1xi32> to vector<16xi32>
      %gather3A_1311 = tpu.dynamic_gather %add3A_1304[%gather3A_1310] in [0] : vector<16xf32>, vector<16xi32> -> vector<16xf32>
      %add3A_1312 = arith.addf %add3A_1304, %gather3A_1311 : vector<16xf32>
      %select_n3A_1313 = arith.select %eq3A_1209, %add3A_1308, %select_n3A_1132 : vector<16xi1>, vector<16xf32>
      %select_n3A_1314 = arith.select %eq3A_1212, %add3A_1312, %select_n3A_1313 : vector<16xi1>, vector<16xf32>
      %broadcast_in_dim3A_1315 = vector.shape_cast %xor3A_33 : vector<16xi32> to vector<16x1xi32>
      %gather3A_1316 = vector.shape_cast %broadcast_in_dim3A_1315 : vector<16x1xi32> to vector<16xi32>
      %gather3A_1317 = tpu.dynamic_gather %scan3A_1205#3[%gather3A_1316] in [0] : vector<16xf32>, vector<16xi32> -> vector<16xf32>
      %add3A_1318 = arith.addf %scan3A_1205#3, %gather3A_1317 : vector<16xf32>
      %broadcast_in_dim3A_1319 = vector.shape_cast %xor3A_33 : vector<16xi32> to vector<16x1xi32>
      %gather3A_1320 = vector.shape_cast %broadcast_in_dim3A_1319 : vector<16x1xi32> to vector<16xi32>
      %gather3A_1321 = tpu.dynamic_gather %scan3A_1205#7[%gather3A_1320] in [0] : vector<16xf32>, vector<16xi32> -> vector<16xf32>
      %add3A_1322 = arith.addf %scan3A_1205#7, %gather3A_1321 : vector<16xf32>
      %broadcast_in_dim3A_1323 = vector.shape_cast %xor3A_36 : vector<16xi32> to vector<16x1xi32>
      %gather3A_1324 = vector.shape_cast %broadcast_in_dim3A_1323 : vector<16x1xi32> to vector<16xi32>
      %gather3A_1325 = tpu.dynamic_gather %add3A_1318[%gather3A_1324] in [0] : vector<16xf32>, vector<16xi32> -> vector<16xf32>
      %add3A_1326 = arith.addf %add3A_1318, %gather3A_1325 : vector<16xf32>
      %broadcast_in_dim3A_1327 = vector.shape_cast %xor3A_36 : vector<16xi32> to vector<16x1xi32>
      %gather3A_1328 = vector.shape_cast %broadcast_in_dim3A_1327 : vector<16x1xi32> to vector<16xi32>
      %gather3A_1329 = tpu.dynamic_gather %add3A_1322[%gather3A_1328] in [0] : vector<16xf32>, vector<16xi32> -> vector<16xf32>
      %add3A_1330 = arith.addf %add3A_1322, %gather3A_1329 : vector<16xf32>
      %broadcast_in_dim3A_1331 = vector.shape_cast %xor3A_39 : vector<16xi32> to vector<16x1xi32>
      %gather3A_1332 = vector.shape_cast %broadcast_in_dim3A_1331 : vector<16x1xi32> to vector<16xi32>
      %gather3A_1333 = tpu.dynamic_gather %add3A_1326[%gather3A_1332] in [0] : vector<16xf32>, vector<16xi32> -> vector<16xf32>
      %add3A_1334 = arith.addf %add3A_1326, %gather3A_1333 : vector<16xf32>
      %broadcast_in_dim3A_1335 = vector.shape_cast %xor3A_39 : vector<16xi32> to vector<16x1xi32>
      %gather3A_1336 = vector.shape_cast %broadcast_in_dim3A_1335 : vector<16x1xi32> to vector<16xi32>
      %gather3A_1337 = tpu.dynamic_gather %add3A_1330[%gather3A_1336] in [0] : vector<16xf32>, vector<16xi32> -> vector<16xf32>
      %add3A_1338 = arith.addf %add3A_1330, %gather3A_1337 : vector<16xf32>
      %broadcast_in_dim3A_1339 = vector.shape_cast %xor3A_42 : vector<16xi32> to vector<16x1xi32>
      %gather3A_1340 = vector.shape_cast %broadcast_in_dim3A_1339 : vector<16x1xi32> to vector<16xi32>
      %gather3A_1341 = tpu.dynamic_gather %add3A_1334[%gather3A_1340] in [0] : vector<16xf32>, vector<16xi32> -> vector<16xf32>
      %add3A_1342 = arith.addf %add3A_1334, %gather3A_1341 : vector<16xf32>
      %broadcast_in_dim3A_1343 = vector.shape_cast %xor3A_42 : vector<16xi32> to vector<16x1xi32>
      %gather3A_1344 = vector.shape_cast %broadcast_in_dim3A_1343 : vector<16x1xi32> to vector<16xi32>
      %gather3A_1345 = tpu.dynamic_gather %add3A_1338[%gather3A_1344] in [0] : vector<16xf32>, vector<16xi32> -> vector<16xf32>
      %add3A_1346 = arith.addf %add3A_1338, %gather3A_1345 : vector<16xf32>
      %select_n3A_1347 = arith.select %eq3A_1209, %add3A_1342, %select_n3A_1166 : vector<16xi1>, vector<16xf32>
      %select_n3A_1348 = arith.select %eq3A_1212, %add3A_1346, %select_n3A_1347 : vector<16xi1>, vector<16xf32>
      %slice3A_1349 = vector.extract_strided_slice %get3A_61 {offsets = [14], sizes = [1], strides = [1]} : vector<16xf32> to vector<1xf32>
      %squeeze3A_1350 = vector.extract %slice3A_1349[0] : f32 from vector<1xf32>
      %broadcast_in_dim3A_1351 = vector.broadcast %squeeze3A_1350 : f32 to vector<16xf32>
      %slice3A_1352 = vector.extract_strided_slice %get3A_66 {offsets = [14], sizes = [1], strides = [1]} : vector<16xf32> to vector<1xf32>
      %squeeze3A_1353 = vector.extract %slice3A_1352[0] : f32 from vector<1xf32>
      %broadcast_in_dim3A_1354 = vector.broadcast %squeeze3A_1353 : f32 to vector<16xf32>
      %slice3A_1355 = vector.extract_strided_slice %get3A_71 {offsets = [14], sizes = [1], strides = [1]} : vector<16xf32> to vector<1xf32>
      %squeeze3A_1356 = vector.extract %slice3A_1355[0] : f32 from vector<1xf32>
      %broadcast_in_dim3A_1357 = vector.broadcast %squeeze3A_1356 : f32 to vector<16xf32>
      %slice3A_1358 = vector.extract_strided_slice %get3A_61 {offsets = [15], sizes = [1], strides = [1]} : vector<16xf32> to vector<1xf32>
      %squeeze3A_1359 = vector.extract %slice3A_1358[0] : f32 from vector<1xf32>
      %broadcast_in_dim3A_1360 = vector.broadcast %squeeze3A_1359 : f32 to vector<16xf32>
      %slice3A_1361 = vector.extract_strided_slice %get3A_66 {offsets = [15], sizes = [1], strides = [1]} : vector<16xf32> to vector<1xf32>
      %squeeze3A_1362 = vector.extract %slice3A_1361[0] : f32 from vector<1xf32>
      %broadcast_in_dim3A_1363 = vector.broadcast %squeeze3A_1362 : f32 to vector<16xf32>
      %slice3A_1364 = vector.extract_strided_slice %get3A_71 {offsets = [15], sizes = [1], strides = [1]} : vector<16xf32> to vector<1xf32>
      %squeeze3A_1365 = vector.extract %slice3A_1364[0] : f32 from vector<1xf32>
      %broadcast_in_dim3A_1366 = vector.broadcast %squeeze3A_1365 : f32 to vector<16xf32>
      %broadcast_in_dim3A_1367 = arith.constant 0.000000e+00 : f32
      %broadcast_in_dim3A_1368 = vector.broadcast %broadcast_in_dim3A_1367 : f32 to vector<16xf32>
      %broadcast_in_dim3A_1369 = arith.constant 0.000000e+00 : f32
      %broadcast_in_dim3A_1370 = vector.broadcast %broadcast_in_dim3A_1369 : f32 to vector<16xf32>
      %broadcast_in_dim3A_1371 = arith.constant 0.000000e+00 : f32
      %broadcast_in_dim3A_1372 = vector.broadcast %broadcast_in_dim3A_1371 : f32 to vector<16xf32>
      %broadcast_in_dim3A_1373 = arith.constant 0.000000e+00 : f32
      %broadcast_in_dim3A_1374 = vector.broadcast %broadcast_in_dim3A_1373 : f32 to vector<16xf32>
      %broadcast_in_dim3A_1375 = arith.constant 0.000000e+00 : f32
      %broadcast_in_dim3A_1376 = vector.broadcast %broadcast_in_dim3A_1375 : f32 to vector<16xf32>
      %broadcast_in_dim3A_1377 = arith.constant 0.000000e+00 : f32
      %broadcast_in_dim3A_1378 = vector.broadcast %broadcast_in_dim3A_1377 : f32 to vector<16xf32>
      %broadcast_in_dim3A_1379 = arith.constant 0.000000e+00 : f32
      %broadcast_in_dim3A_1380 = vector.broadcast %broadcast_in_dim3A_1379 : f32 to vector<16xf32>
      %broadcast_in_dim3A_1381 = arith.constant 0.000000e+00 : f32
      %broadcast_in_dim3A_1382 = vector.broadcast %broadcast_in_dim3A_1381 : f32 to vector<16xf32>
      %scan3A_1383 = arith.constant 0 : i32
      %scan3A_1384 = arith.constant 24 : i32
      %scan3A_1385 = arith.addi %scan3A_1383, %scan3A_1384 : i32
      %scan3A_1386 = arith.constant 2 : i32
      %scan3A_1387:8 = scf.for %scan3A_1562 = %scan3A_1383 to %scan3A_1385 step %scan3A_1386 iter_args(%scan3A_1563 = %broadcast_in_dim3A_1368, %scan3A_1564 = %broadcast_in_dim3A_1370, %scan3A_1565 = %broadcast_in_dim3A_1372, %scan3A_1566 = %broadcast_in_dim3A_1374, %scan3A_1567 = %broadcast_in_dim3A_1376, %scan3A_1568 = %broadcast_in_dim3A_1378, %scan3A_1569 = %broadcast_in_dim3A_1380, %scan3A_1570 = %broadcast_in_dim3A_1382) -> (vector<16xf32>, vector<16xf32>, vector<16xf32>, vector<16xf32>, vector<16xf32>, vector<16xf32>, vector<16xf32>, vector<16xf32>)  : i32 {
        %mul3A_1571 = arith.constant 16 : i32
        %mul3A_1572 = arith.muli %scan3A_1562, %mul3A_1571 : i32
        %get3A_1573 = arith.index_cast %mul3A_1572 : i32 to index
        %get3A_1574 = tpu.vector_load %arg11[%get3A_1573] {strides = array<i32>} : memref<384xf32, #tpu.memory_space<vmem>>, vector<16xf32>,
        %get3A_1575 = vector.shape_cast %get3A_1574 : vector<16xf32> to vector<16xf32>
        %get3A_1576 = arith.index_cast %mul3A_1572 : i32 to index
        %get3A_1577 = tpu.vector_load %arg12[%get3A_1576] {strides = array<i32>} : memref<384xf32, #tpu.memory_space<vmem>>, vector<16xf32>,
        %get3A_1578 = vector.shape_cast %get3A_1577 : vector<16xf32> to vector<16xf32>
        %get3A_1579 = arith.index_cast %mul3A_1572 : i32 to index
        %get3A_1580 = tpu.vector_load %arg13[%get3A_1579] {strides = array<i32>} : memref<384xf32, #tpu.memory_space<vmem>>, vector<16xf32>,
        %get3A_1581 = vector.shape_cast %get3A_1580 : vector<16xf32> to vector<16xf32>
        %get3A_1582 = arith.index_cast %mul3A_1572 : i32 to index
        %get3A_1583 = tpu.vector_load %arg14[%get3A_1582] {strides = array<i32>} : memref<384xf32, #tpu.memory_space<vmem>>, vector<16xf32>,
        %get3A_1584 = vector.shape_cast %get3A_1583 : vector<16xf32> to vector<16xf32>
        %sub3A_1585 = arith.subf %broadcast_in_dim3A_1351, %get3A_1575 : vector<16xf32>
        %sub3A_1586 = arith.subf %broadcast_in_dim3A_1354, %get3A_1578 : vector<16xf32>
        %sub3A_1587 = arith.subf %broadcast_in_dim3A_1357, %get3A_1581 : vector<16xf32>
        %mul3A_1588 = arith.mulf %sub3A_1585, %sub3A_1585 : vector<16xf32>
        %mul3A_1589 = arith.mulf %sub3A_1586, %sub3A_1586 : vector<16xf32>
        %add3A_1590 = arith.addf %mul3A_1588, %mul3A_1589 : vector<16xf32>
        %mul3A_1591 = arith.mulf %sub3A_1587, %sub3A_1587 : vector<16xf32>
        %add3A_1592 = arith.addf %add3A_1590, %mul3A_1591 : vector<16xf32>
        %sub3A_1593 = arith.subf %broadcast_in_dim3A_1360, %get3A_1575 : vector<16xf32>
        %sub3A_1594 = arith.subf %broadcast_in_dim3A_1363, %get3A_1578 : vector<16xf32>
        %sub3A_1595 = arith.subf %broadcast_in_dim3A_1366, %get3A_1581 : vector<16xf32>
        %mul3A_1596 = arith.mulf %sub3A_1593, %sub3A_1593 : vector<16xf32>
        %mul3A_1597 = arith.mulf %sub3A_1594, %sub3A_1594 : vector<16xf32>
        %add3A_1598 = arith.addf %mul3A_1596, %mul3A_1597 : vector<16xf32>
        %mul3A_1599 = arith.mulf %sub3A_1595, %sub3A_1595 : vector<16xf32>
        %add3A_1600 = arith.addf %add3A_1598, %mul3A_1599 : vector<16xf32>
        %mul3A_1601 = arith.mulf %add3A_1592, %get3A_22 : vector<16xf32>
        %exp3A = math.exp %mul3A_1601 : vector<16xf32>
        %mul3A_1602 = arith.mulf %exp3A, %get3A_1584 : vector<16xf32>
        %add3A_1603 = arith.addf %scan3A_1563, %mul3A_1602 : vector<16xf32>
        %mul3A_1604 = arith.mulf %add3A_1592, %get3A_25 : vector<16xf32>
        %exp3A_1605 = math.exp %mul3A_1604 : vector<16xf32>
        %mul3A_1606 = arith.mulf %exp3A_1605, %get3A_1584 : vector<16xf32>
        %add3A_1607 = arith.addf %scan3A_1564, %mul3A_1606 : vector<16xf32>
        %mul3A_1608 = arith.mulf %add3A_1592, %get3A_28 : vector<16xf32>
        %exp3A_1609 = math.exp %mul3A_1608 : vector<16xf32>
        %mul3A_1610 = arith.mulf %exp3A_1609, %get3A_1584 : vector<16xf32>
        %add3A_1611 = arith.addf %scan3A_1565, %mul3A_1610 : vector<16xf32>
        %mul3A_1612 = arith.mulf %add3A_1592, %get3A_31 : vector<16xf32>
        %exp3A_1613 = math.exp %mul3A_1612 : vector<16xf32>
        %mul3A_1614 = arith.mulf %exp3A_1613, %get3A_1584 : vector<16xf32>
        %add3A_1615 = arith.addf %scan3A_1566, %mul3A_1614 : vector<16xf32>
        %mul3A_1616 = arith.mulf %add3A_1600, %get3A_22 : vector<16xf32>
        %exp3A_1617 = math.exp %mul3A_1616 : vector<16xf32>
        %mul3A_1618 = arith.mulf %exp3A_1617, %get3A_1584 : vector<16xf32>
        %add3A_1619 = arith.addf %scan3A_1567, %mul3A_1618 : vector<16xf32>
        %mul3A_1620 = arith.mulf %add3A_1600, %get3A_25 : vector<16xf32>
        %exp3A_1621 = math.exp %mul3A_1620 : vector<16xf32>
        %mul3A_1622 = arith.mulf %exp3A_1621, %get3A_1584 : vector<16xf32>
        %add3A_1623 = arith.addf %scan3A_1568, %mul3A_1622 : vector<16xf32>
        %mul3A_1624 = arith.mulf %add3A_1600, %get3A_28 : vector<16xf32>
        %exp3A_1625 = math.exp %mul3A_1624 : vector<16xf32>
        %mul3A_1626 = arith.mulf %exp3A_1625, %get3A_1584 : vector<16xf32>
        %add3A_1627 = arith.addf %scan3A_1569, %mul3A_1626 : vector<16xf32>
        %mul3A_1628 = arith.mulf %add3A_1600, %get3A_31 : vector<16xf32>
        %exp3A_1629 = math.exp %mul3A_1628 : vector<16xf32>
        %mul3A_1630 = arith.mulf %exp3A_1629, %get3A_1584 : vector<16xf32>
        %add3A_1631 = arith.addf %scan3A_1570, %mul3A_1630 : vector<16xf32>
        %scan3A_1632 = arith.constant 1 : i32
        %scan3A_1633 = arith.addi %scan3A_1562, %scan3A_1632 : i32
        %mul3A_1634 = arith.constant 16 : i32
        %mul3A_1635 = arith.muli %scan3A_1633, %mul3A_1634 : i32
        %get3A_1636 = arith.index_cast %mul3A_1635 : i32 to index
        %get3A_1637 = tpu.vector_load %arg11[%get3A_1636] {strides = array<i32>} : memref<384xf32, #tpu.memory_space<vmem>>, vector<16xf32>,
        %get3A_1638 = vector.shape_cast %get3A_1637 : vector<16xf32> to vector<16xf32>
        %get3A_1639 = arith.index_cast %mul3A_1635 : i32 to index
        %get3A_1640 = tpu.vector_load %arg12[%get3A_1639] {strides = array<i32>} : memref<384xf32, #tpu.memory_space<vmem>>, vector<16xf32>,
        %get3A_1641 = vector.shape_cast %get3A_1640 : vector<16xf32> to vector<16xf32>
        %get3A_1642 = arith.index_cast %mul3A_1635 : i32 to index
        %get3A_1643 = tpu.vector_load %arg13[%get3A_1642] {strides = array<i32>} : memref<384xf32, #tpu.memory_space<vmem>>, vector<16xf32>,
        %get3A_1644 = vector.shape_cast %get3A_1643 : vector<16xf32> to vector<16xf32>
        %get3A_1645 = arith.index_cast %mul3A_1635 : i32 to index
        %get3A_1646 = tpu.vector_load %arg14[%get3A_1645] {strides = array<i32>} : memref<384xf32, #tpu.memory_space<vmem>>, vector<16xf32>,
        %get3A_1647 = vector.shape_cast %get3A_1646 : vector<16xf32> to vector<16xf32>
        %sub3A_1648 = arith.subf %broadcast_in_dim3A_1351, %get3A_1638 : vector<16xf32>
        %sub3A_1649 = arith.subf %broadcast_in_dim3A_1354, %get3A_1641 : vector<16xf32>
        %sub3A_1650 = arith.subf %broadcast_in_dim3A_1357, %get3A_1644 : vector<16xf32>
        %mul3A_1651 = arith.mulf %sub3A_1648, %sub3A_1648 : vector<16xf32>
        %mul3A_1652 = arith.mulf %sub3A_1649, %sub3A_1649 : vector<16xf32>
        %add3A_1653 = arith.addf %mul3A_1651, %mul3A_1652 : vector<16xf32>
        %mul3A_1654 = arith.mulf %sub3A_1650, %sub3A_1650 : vector<16xf32>
        %add3A_1655 = arith.addf %add3A_1653, %mul3A_1654 : vector<16xf32>
        %sub3A_1656 = arith.subf %broadcast_in_dim3A_1360, %get3A_1638 : vector<16xf32>
        %sub3A_1657 = arith.subf %broadcast_in_dim3A_1363, %get3A_1641 : vector<16xf32>
        %sub3A_1658 = arith.subf %broadcast_in_dim3A_1366, %get3A_1644 : vector<16xf32>
        %mul3A_1659 = arith.mulf %sub3A_1656, %sub3A_1656 : vector<16xf32>
        %mul3A_1660 = arith.mulf %sub3A_1657, %sub3A_1657 : vector<16xf32>
        %add3A_1661 = arith.addf %mul3A_1659, %mul3A_1660 : vector<16xf32>
        %mul3A_1662 = arith.mulf %sub3A_1658, %sub3A_1658 : vector<16xf32>
        %add3A_1663 = arith.addf %add3A_1661, %mul3A_1662 : vector<16xf32>
        %mul3A_1664 = arith.mulf %add3A_1655, %get3A_22 : vector<16xf32>
        %exp3A_1665 = math.exp %mul3A_1664 : vector<16xf32>
        %mul3A_1666 = arith.mulf %exp3A_1665, %get3A_1647 : vector<16xf32>
        %add3A_1667 = arith.addf %add3A_1603, %mul3A_1666 : vector<16xf32>
        %mul3A_1668 = arith.mulf %add3A_1655, %get3A_25 : vector<16xf32>
        %exp3A_1669 = math.exp %mul3A_1668 : vector<16xf32>
        %mul3A_1670 = arith.mulf %exp3A_1669, %get3A_1647 : vector<16xf32>
        %add3A_1671 = arith.addf %add3A_1607, %mul3A_1670 : vector<16xf32>
        %mul3A_1672 = arith.mulf %add3A_1655, %get3A_28 : vector<16xf32>
        %exp3A_1673 = math.exp %mul3A_1672 : vector<16xf32>
        %mul3A_1674 = arith.mulf %exp3A_1673, %get3A_1647 : vector<16xf32>
        %add3A_1675 = arith.addf %add3A_1611, %mul3A_1674 : vector<16xf32>
        %mul3A_1676 = arith.mulf %add3A_1655, %get3A_31 : vector<16xf32>
        %exp3A_1677 = math.exp %mul3A_1676 : vector<16xf32>
        %mul3A_1678 = arith.mulf %exp3A_1677, %get3A_1647 : vector<16xf32>
        %add3A_1679 = arith.addf %add3A_1615, %mul3A_1678 : vector<16xf32>
        %mul3A_1680 = arith.mulf %add3A_1663, %get3A_22 : vector<16xf32>
        %exp3A_1681 = math.exp %mul3A_1680 : vector<16xf32>
        %mul3A_1682 = arith.mulf %exp3A_1681, %get3A_1647 : vector<16xf32>
        %add3A_1683 = arith.addf %add3A_1619, %mul3A_1682 : vector<16xf32>
        %mul3A_1684 = arith.mulf %add3A_1663, %get3A_25 : vector<16xf32>
        %exp3A_1685 = math.exp %mul3A_1684 : vector<16xf32>
        %mul3A_1686 = arith.mulf %exp3A_1685, %get3A_1647 : vector<16xf32>
        %add3A_1687 = arith.addf %add3A_1623, %mul3A_1686 : vector<16xf32>
        %mul3A_1688 = arith.mulf %add3A_1663, %get3A_28 : vector<16xf32>
        %exp3A_1689 = math.exp %mul3A_1688 : vector<16xf32>
        %mul3A_1690 = arith.mulf %exp3A_1689, %get3A_1647 : vector<16xf32>
        %add3A_1691 = arith.addf %add3A_1627, %mul3A_1690 : vector<16xf32>
        %mul3A_1692 = arith.mulf %add3A_1663, %get3A_31 : vector<16xf32>
        %exp3A_1693 = math.exp %mul3A_1692 : vector<16xf32>
        %mul3A_1694 = arith.mulf %exp3A_1693, %get3A_1647 : vector<16xf32>
        %add3A_1695 = arith.addf %add3A_1631, %mul3A_1694 : vector<16xf32>
        scf.yield %add3A_1667, %add3A_1671, %add3A_1675, %add3A_1679, %add3A_1683, %add3A_1687, %add3A_1691, %add3A_1695 : vector<16xf32>, vector<16xf32>, vector<16xf32>, vector<16xf32>, vector<16xf32>, vector<16xf32>, vector<16xf32>, vector<16xf32>
      }
      %scan3A_1388 = arith.constant 24 : i32
      %eq3A_1389 = arith.constant 14 : i32
      %eq3A_1390 = vector.broadcast %eq3A_1389 : i32 to vector<16xi32>
      %eq3A_1391 = arith.cmpi eq, %iota3A, %eq3A_1390 : vector<16xi32>
      %eq3A_1392 = arith.constant 15 : i32
      %eq3A_1393 = vector.broadcast %eq3A_1392 : i32 to vector<16xi32>
      %eq3A_1394 = arith.cmpi eq, %iota3A, %eq3A_1393 : vector<16xi32>
      %broadcast_in_dim3A_1395 = vector.shape_cast %xor3A_33 : vector<16xi32> to vector<16x1xi32>
      %gather3A_1396 = vector.shape_cast %broadcast_in_dim3A_1395 : vector<16x1xi32> to vector<16xi32>
      %gather3A_1397 = tpu.dynamic_gather %scan3A_1387#0[%gather3A_1396] in [0] : vector<16xf32>, vector<16xi32> -> vector<16xf32>
      %add3A_1398 = arith.addf %scan3A_1387#0, %gather3A_1397 : vector<16xf32>
      %broadcast_in_dim3A_1399 = vector.shape_cast %xor3A_33 : vector<16xi32> to vector<16x1xi32>
      %gather3A_1400 = vector.shape_cast %broadcast_in_dim3A_1399 : vector<16x1xi32> to vector<16xi32>
      %gather3A_1401 = tpu.dynamic_gather %scan3A_1387#4[%gather3A_1400] in [0] : vector<16xf32>, vector<16xi32> -> vector<16xf32>
      %add3A_1402 = arith.addf %scan3A_1387#4, %gather3A_1401 : vector<16xf32>
      %broadcast_in_dim3A_1403 = vector.shape_cast %xor3A_36 : vector<16xi32> to vector<16x1xi32>
      %gather3A_1404 = vector.shape_cast %broadcast_in_dim3A_1403 : vector<16x1xi32> to vector<16xi32>
      %gather3A_1405 = tpu.dynamic_gather %add3A_1398[%gather3A_1404] in [0] : vector<16xf32>, vector<16xi32> -> vector<16xf32>
      %add3A_1406 = arith.addf %add3A_1398, %gather3A_1405 : vector<16xf32>
      %broadcast_in_dim3A_1407 = vector.shape_cast %xor3A_36 : vector<16xi32> to vector<16x1xi32>
      %gather3A_1408 = vector.shape_cast %broadcast_in_dim3A_1407 : vector<16x1xi32> to vector<16xi32>
      %gather3A_1409 = tpu.dynamic_gather %add3A_1402[%gather3A_1408] in [0] : vector<16xf32>, vector<16xi32> -> vector<16xf32>
      %add3A_1410 = arith.addf %add3A_1402, %gather3A_1409 : vector<16xf32>
      %broadcast_in_dim3A_1411 = vector.shape_cast %xor3A_39 : vector<16xi32> to vector<16x1xi32>
      %gather3A_1412 = vector.shape_cast %broadcast_in_dim3A_1411 : vector<16x1xi32> to vector<16xi32>
      %gather3A_1413 = tpu.dynamic_gather %add3A_1406[%gather3A_1412] in [0] : vector<16xf32>, vector<16xi32> -> vector<16xf32>
      %add3A_1414 = arith.addf %add3A_1406, %gather3A_1413 : vector<16xf32>
      %broadcast_in_dim3A_1415 = vector.shape_cast %xor3A_39 : vector<16xi32> to vector<16x1xi32>
      %gather3A_1416 = vector.shape_cast %broadcast_in_dim3A_1415 : vector<16x1xi32> to vector<16xi32>
      %gather3A_1417 = tpu.dynamic_gather %add3A_1410[%gather3A_1416] in [0] : vector<16xf32>, vector<16xi32> -> vector<16xf32>
      %add3A_1418 = arith.addf %add3A_1410, %gather3A_1417 : vector<16xf32>
      %broadcast_in_dim3A_1419 = vector.shape_cast %xor3A_42 : vector<16xi32> to vector<16x1xi32>
      %gather3A_1420 = vector.shape_cast %broadcast_in_dim3A_1419 : vector<16x1xi32> to vector<16xi32>
      %gather3A_1421 = tpu.dynamic_gather %add3A_1414[%gather3A_1420] in [0] : vector<16xf32>, vector<16xi32> -> vector<16xf32>
      %add3A_1422 = arith.addf %add3A_1414, %gather3A_1421 : vector<16xf32>
      %broadcast_in_dim3A_1423 = vector.shape_cast %xor3A_42 : vector<16xi32> to vector<16x1xi32>
      %gather3A_1424 = vector.shape_cast %broadcast_in_dim3A_1423 : vector<16x1xi32> to vector<16xi32>
      %gather3A_1425 = tpu.dynamic_gather %add3A_1418[%gather3A_1424] in [0] : vector<16xf32>, vector<16xi32> -> vector<16xf32>
      %add3A_1426 = arith.addf %add3A_1418, %gather3A_1425 : vector<16xf32>
      %select_n3A_1427 = arith.select %eq3A_1391, %add3A_1422, %select_n3A_1246 : vector<16xi1>, vector<16xf32>
      %select_n3A_1428 = arith.select %eq3A_1394, %add3A_1426, %select_n3A_1427 : vector<16xi1>, vector<16xf32>
      %broadcast_in_dim3A_1429 = vector.shape_cast %xor3A_33 : vector<16xi32> to vector<16x1xi32>
      %gather3A_1430 = vector.shape_cast %broadcast_in_dim3A_1429 : vector<16x1xi32> to vector<16xi32>
      %gather3A_1431 = tpu.dynamic_gather %scan3A_1387#1[%gather3A_1430] in [0] : vector<16xf32>, vector<16xi32> -> vector<16xf32>
      %add3A_1432 = arith.addf %scan3A_1387#1, %gather3A_1431 : vector<16xf32>
      %broadcast_in_dim3A_1433 = vector.shape_cast %xor3A_33 : vector<16xi32> to vector<16x1xi32>
      %gather3A_1434 = vector.shape_cast %broadcast_in_dim3A_1433 : vector<16x1xi32> to vector<16xi32>
      %gather3A_1435 = tpu.dynamic_gather %scan3A_1387#5[%gather3A_1434] in [0] : vector<16xf32>, vector<16xi32> -> vector<16xf32>
      %add3A_1436 = arith.addf %scan3A_1387#5, %gather3A_1435 : vector<16xf32>
      %broadcast_in_dim3A_1437 = vector.shape_cast %xor3A_36 : vector<16xi32> to vector<16x1xi32>
      %gather3A_1438 = vector.shape_cast %broadcast_in_dim3A_1437 : vector<16x1xi32> to vector<16xi32>
      %gather3A_1439 = tpu.dynamic_gather %add3A_1432[%gather3A_1438] in [0] : vector<16xf32>, vector<16xi32> -> vector<16xf32>
      %add3A_1440 = arith.addf %add3A_1432, %gather3A_1439 : vector<16xf32>
      %broadcast_in_dim3A_1441 = vector.shape_cast %xor3A_36 : vector<16xi32> to vector<16x1xi32>
      %gather3A_1442 = vector.shape_cast %broadcast_in_dim3A_1441 : vector<16x1xi32> to vector<16xi32>
      %gather3A_1443 = tpu.dynamic_gather %add3A_1436[%gather3A_1442] in [0] : vector<16xf32>, vector<16xi32> -> vector<16xf32>
      %add3A_1444 = arith.addf %add3A_1436, %gather3A_1443 : vector<16xf32>
      %broadcast_in_dim3A_1445 = vector.shape_cast %xor3A_39 : vector<16xi32> to vector<16x1xi32>
      %gather3A_1446 = vector.shape_cast %broadcast_in_dim3A_1445 : vector<16x1xi32> to vector<16xi32>
      %gather3A_1447 = tpu.dynamic_gather %add3A_1440[%gather3A_1446] in [0] : vector<16xf32>, vector<16xi32> -> vector<16xf32>
      %add3A_1448 = arith.addf %add3A_1440, %gather3A_1447 : vector<16xf32>
      %broadcast_in_dim3A_1449 = vector.shape_cast %xor3A_39 : vector<16xi32> to vector<16x1xi32>
      %gather3A_1450 = vector.shape_cast %broadcast_in_dim3A_1449 : vector<16x1xi32> to vector<16xi32>
      %gather3A_1451 = tpu.dynamic_gather %add3A_1444[%gather3A_1450] in [0] : vector<16xf32>, vector<16xi32> -> vector<16xf32>
      %add3A_1452 = arith.addf %add3A_1444, %gather3A_1451 : vector<16xf32>
      %broadcast_in_dim3A_1453 = vector.shape_cast %xor3A_42 : vector<16xi32> to vector<16x1xi32>
      %gather3A_1454 = vector.shape_cast %broadcast_in_dim3A_1453 : vector<16x1xi32> to vector<16xi32>
      %gather3A_1455 = tpu.dynamic_gather %add3A_1448[%gather3A_1454] in [0] : vector<16xf32>, vector<16xi32> -> vector<16xf32>
      %add3A_1456 = arith.addf %add3A_1448, %gather3A_1455 : vector<16xf32>
      %broadcast_in_dim3A_1457 = vector.shape_cast %xor3A_42 : vector<16xi32> to vector<16x1xi32>
      %gather3A_1458 = vector.shape_cast %broadcast_in_dim3A_1457 : vector<16x1xi32> to vector<16xi32>
      %gather3A_1459 = tpu.dynamic_gather %add3A_1452[%gather3A_1458] in [0] : vector<16xf32>, vector<16xi32> -> vector<16xf32>
      %add3A_1460 = arith.addf %add3A_1452, %gather3A_1459 : vector<16xf32>
      %select_n3A_1461 = arith.select %eq3A_1391, %add3A_1456, %select_n3A_1280 : vector<16xi1>, vector<16xf32>
      %select_n3A_1462 = arith.select %eq3A_1394, %add3A_1460, %select_n3A_1461 : vector<16xi1>, vector<16xf32>
      %broadcast_in_dim3A_1463 = vector.shape_cast %xor3A_33 : vector<16xi32> to vector<16x1xi32>
      %gather3A_1464 = vector.shape_cast %broadcast_in_dim3A_1463 : vector<16x1xi32> to vector<16xi32>
      %gather3A_1465 = tpu.dynamic_gather %scan3A_1387#2[%gather3A_1464] in [0] : vector<16xf32>, vector<16xi32> -> vector<16xf32>
      %add3A_1466 = arith.addf %scan3A_1387#2, %gather3A_1465 : vector<16xf32>
      %broadcast_in_dim3A_1467 = vector.shape_cast %xor3A_33 : vector<16xi32> to vector<16x1xi32>
      %gather3A_1468 = vector.shape_cast %broadcast_in_dim3A_1467 : vector<16x1xi32> to vector<16xi32>
      %gather3A_1469 = tpu.dynamic_gather %scan3A_1387#6[%gather3A_1468] in [0] : vector<16xf32>, vector<16xi32> -> vector<16xf32>
      %add3A_1470 = arith.addf %scan3A_1387#6, %gather3A_1469 : vector<16xf32>
      %broadcast_in_dim3A_1471 = vector.shape_cast %xor3A_36 : vector<16xi32> to vector<16x1xi32>
      %gather3A_1472 = vector.shape_cast %broadcast_in_dim3A_1471 : vector<16x1xi32> to vector<16xi32>
      %gather3A_1473 = tpu.dynamic_gather %add3A_1466[%gather3A_1472] in [0] : vector<16xf32>, vector<16xi32> -> vector<16xf32>
      %add3A_1474 = arith.addf %add3A_1466, %gather3A_1473 : vector<16xf32>
      %broadcast_in_dim3A_1475 = vector.shape_cast %xor3A_36 : vector<16xi32> to vector<16x1xi32>
      %gather3A_1476 = vector.shape_cast %broadcast_in_dim3A_1475 : vector<16x1xi32> to vector<16xi32>
      %gather3A_1477 = tpu.dynamic_gather %add3A_1470[%gather3A_1476] in [0] : vector<16xf32>, vector<16xi32> -> vector<16xf32>
      %add3A_1478 = arith.addf %add3A_1470, %gather3A_1477 : vector<16xf32>
      %broadcast_in_dim3A_1479 = vector.shape_cast %xor3A_39 : vector<16xi32> to vector<16x1xi32>
      %gather3A_1480 = vector.shape_cast %broadcast_in_dim3A_1479 : vector<16x1xi32> to vector<16xi32>
      %gather3A_1481 = tpu.dynamic_gather %add3A_1474[%gather3A_1480] in [0] : vector<16xf32>, vector<16xi32> -> vector<16xf32>
      %add3A_1482 = arith.addf %add3A_1474, %gather3A_1481 : vector<16xf32>
      %broadcast_in_dim3A_1483 = vector.shape_cast %xor3A_39 : vector<16xi32> to vector<16x1xi32>
      %gather3A_1484 = vector.shape_cast %broadcast_in_dim3A_1483 : vector<16x1xi32> to vector<16xi32>
      %gather3A_1485 = tpu.dynamic_gather %add3A_1478[%gather3A_1484] in [0] : vector<16xf32>, vector<16xi32> -> vector<16xf32>
      %add3A_1486 = arith.addf %add3A_1478, %gather3A_1485 : vector<16xf32>
      %broadcast_in_dim3A_1487 = vector.shape_cast %xor3A_42 : vector<16xi32> to vector<16x1xi32>
      %gather3A_1488 = vector.shape_cast %broadcast_in_dim3A_1487 : vector<16x1xi32> to vector<16xi32>
      %gather3A_1489 = tpu.dynamic_gather %add3A_1482[%gather3A_1488] in [0] : vector<16xf32>, vector<16xi32> -> vector<16xf32>
      %add3A_1490 = arith.addf %add3A_1482, %gather3A_1489 : vector<16xf32>
      %broadcast_in_dim3A_1491 = vector.shape_cast %xor3A_42 : vector<16xi32> to vector<16x1xi32>
      %gather3A_1492 = vector.shape_cast %broadcast_in_dim3A_1491 : vector<16x1xi32> to vector<16xi32>
      %gather3A_1493 = tpu.dynamic_gather %add3A_1486[%gather3A_1492] in [0] : vector<16xf32>, vector<16xi32> -> vector<16xf32>
      %add3A_1494 = arith.addf %add3A_1486, %gather3A_1493 : vector<16xf32>
      %select_n3A_1495 = arith.select %eq3A_1391, %add3A_1490, %select_n3A_1314 : vector<16xi1>, vector<16xf32>
      %select_n3A_1496 = arith.select %eq3A_1394, %add3A_1494, %select_n3A_1495 : vector<16xi1>, vector<16xf32>
      %broadcast_in_dim3A_1497 = vector.shape_cast %xor3A_33 : vector<16xi32> to vector<16x1xi32>
      %gather3A_1498 = vector.shape_cast %broadcast_in_dim3A_1497 : vector<16x1xi32> to vector<16xi32>
      %gather3A_1499 = tpu.dynamic_gather %scan3A_1387#3[%gather3A_1498] in [0] : vector<16xf32>, vector<16xi32> -> vector<16xf32>
      %add3A_1500 = arith.addf %scan3A_1387#3, %gather3A_1499 : vector<16xf32>
      %broadcast_in_dim3A_1501 = vector.shape_cast %xor3A_33 : vector<16xi32> to vector<16x1xi32>
      %gather3A_1502 = vector.shape_cast %broadcast_in_dim3A_1501 : vector<16x1xi32> to vector<16xi32>
      %gather3A_1503 = tpu.dynamic_gather %scan3A_1387#7[%gather3A_1502] in [0] : vector<16xf32>, vector<16xi32> -> vector<16xf32>
      %add3A_1504 = arith.addf %scan3A_1387#7, %gather3A_1503 : vector<16xf32>
      %broadcast_in_dim3A_1505 = vector.shape_cast %xor3A_36 : vector<16xi32> to vector<16x1xi32>
      %gather3A_1506 = vector.shape_cast %broadcast_in_dim3A_1505 : vector<16x1xi32> to vector<16xi32>
      %gather3A_1507 = tpu.dynamic_gather %add3A_1500[%gather3A_1506] in [0] : vector<16xf32>, vector<16xi32> -> vector<16xf32>
      %add3A_1508 = arith.addf %add3A_1500, %gather3A_1507 : vector<16xf32>
      %broadcast_in_dim3A_1509 = vector.shape_cast %xor3A_36 : vector<16xi32> to vector<16x1xi32>
      %gather3A_1510 = vector.shape_cast %broadcast_in_dim3A_1509 : vector<16x1xi32> to vector<16xi32>
      %gather3A_1511 = tpu.dynamic_gather %add3A_1504[%gather3A_1510] in [0] : vector<16xf32>, vector<16xi32> -> vector<16xf32>
      %add3A_1512 = arith.addf %add3A_1504, %gather3A_1511 : vector<16xf32>
      %broadcast_in_dim3A_1513 = vector.shape_cast %xor3A_39 : vector<16xi32> to vector<16x1xi32>
      %gather3A_1514 = vector.shape_cast %broadcast_in_dim3A_1513 : vector<16x1xi32> to vector<16xi32>
      %gather3A_1515 = tpu.dynamic_gather %add3A_1508[%gather3A_1514] in [0] : vector<16xf32>, vector<16xi32> -> vector<16xf32>
      %add3A_1516 = arith.addf %add3A_1508, %gather3A_1515 : vector<16xf32>
      %broadcast_in_dim3A_1517 = vector.shape_cast %xor3A_39 : vector<16xi32> to vector<16x1xi32>
      %gather3A_1518 = vector.shape_cast %broadcast_in_dim3A_1517 : vector<16x1xi32> to vector<16xi32>
      %gather3A_1519 = tpu.dynamic_gather %add3A_1512[%gather3A_1518] in [0] : vector<16xf32>, vector<16xi32> -> vector<16xf32>
      %add3A_1520 = arith.addf %add3A_1512, %gather3A_1519 : vector<16xf32>
      %broadcast_in_dim3A_1521 = vector.shape_cast %xor3A_42 : vector<16xi32> to vector<16x1xi32>
      %gather3A_1522 = vector.shape_cast %broadcast_in_dim3A_1521 : vector<16x1xi32> to vector<16xi32>
      %gather3A_1523 = tpu.dynamic_gather %add3A_1516[%gather3A_1522] in [0] : vector<16xf32>, vector<16xi32> -> vector<16xf32>
      %add3A_1524 = arith.addf %add3A_1516, %gather3A_1523 : vector<16xf32>
      %broadcast_in_dim3A_1525 = vector.shape_cast %xor3A_42 : vector<16xi32> to vector<16x1xi32>
      %gather3A_1526 = vector.shape_cast %broadcast_in_dim3A_1525 : vector<16x1xi32> to vector<16xi32>
      %gather3A_1527 = tpu.dynamic_gather %add3A_1520[%gather3A_1526] in [0] : vector<16xf32>, vector<16xi32> -> vector<16xf32>
      %add3A_1528 = arith.addf %add3A_1520, %gather3A_1527 : vector<16xf32>
      %select_n3A_1529 = arith.select %eq3A_1391, %add3A_1524, %select_n3A_1348 : vector<16xi1>, vector<16xf32>
      %select_n3A_1530 = arith.select %eq3A_1394, %add3A_1528, %select_n3A_1529 : vector<16xi1>, vector<16xf32>
      %mul3A_1531 = arith.constant 16 : i32
      %mul3A_1532 = arith.muli %scan3A_56, %mul3A_1531 : i32
      %add3A_1533 = arith.constant 0 : i32
      %add3A_1534 = arith.addi %add3A_1533, %mul3A_1532 : i32
      %swap3A = arith.index_cast %add3A_1534 : i32 to index
      %swap3A_1535 = tpu.vector_load %arg19[%swap3A] {strides = array<i32>} : memref<576xf32, #tpu.memory_space<vmem>>, vector<16xf32>,
      %swap3A_1536 = vector.shape_cast %swap3A_1535 : vector<16xf32> to vector<16xf32>
      %swap3A_1537 = vector.shape_cast %select_n3A_1428 : vector<16xf32> to vector<16xf32>
      tpu.vector_store %arg19[%swap3A], %swap3A_1537 {strides = array<i32>} : memref<576xf32, #tpu.memory_space<vmem>>, vector<16xf32>,
      %mul3A_1538 = arith.constant 16 : i32
      %mul3A_1539 = arith.muli %scan3A_56, %mul3A_1538 : i32
      %add3A_1540 = arith.constant 144 : i32
      %add3A_1541 = arith.addi %add3A_1540, %mul3A_1539 : i32
      %swap3A_1542 = arith.index_cast %add3A_1541 : i32 to index
      %swap3A_1543 = tpu.vector_load %arg19[%swap3A_1542] {strides = array<i32>} : memref<576xf32, #tpu.memory_space<vmem>>, vector<16xf32>,
      %swap3A_1544 = vector.shape_cast %swap3A_1543 : vector<16xf32> to vector<16xf32>
      %swap3A_1545 = vector.shape_cast %select_n3A_1462 : vector<16xf32> to vector<16xf32>
      tpu.vector_store %arg19[%swap3A_1542], %swap3A_1545 {strides = array<i32>} : memref<576xf32, #tpu.memory_space<vmem>>, vector<16xf32>,
      %mul3A_1546 = arith.constant 16 : i32
      %mul3A_1547 = arith.muli %scan3A_56, %mul3A_1546 : i32
      %add3A_1548 = arith.constant 288 : i32
      %add3A_1549 = arith.addi %add3A_1548, %mul3A_1547 : i32
      %swap3A_1550 = arith.index_cast %add3A_1549 : i32 to index
      %swap3A_1551 = tpu.vector_load %arg19[%swap3A_1550] {strides = array<i32>} : memref<576xf32, #tpu.memory_space<vmem>>, vector<16xf32>,
      %swap3A_1552 = vector.shape_cast %swap3A_1551 : vector<16xf32> to vector<16xf32>
      %swap3A_1553 = vector.shape_cast %select_n3A_1496 : vector<16xf32> to vector<16xf32>
      tpu.vector_store %arg19[%swap3A_1550], %swap3A_1553 {strides = array<i32>} : memref<576xf32, #tpu.memory_space<vmem>>, vector<16xf32>,
      %mul3A_1554 = arith.constant 16 : i32
      %mul3A_1555 = arith.muli %scan3A_56, %mul3A_1554 : i32
      %add3A_1556 = arith.constant 432 : i32
      %add3A_1557 = arith.addi %add3A_1556, %mul3A_1555 : i32
      %swap3A_1558 = arith.index_cast %add3A_1557 : i32 to index
      %swap3A_1559 = tpu.vector_load %arg19[%swap3A_1558] {strides = array<i32>} : memref<576xf32, #tpu.memory_space<vmem>>, vector<16xf32>,
      %swap3A_1560 = vector.shape_cast %swap3A_1559 : vector<16xf32> to vector<16xf32>
      %swap3A_1561 = vector.shape_cast %select_n3A_1530 : vector<16xf32> to vector<16xf32>
      tpu.vector_store %arg19[%swap3A_1558], %swap3A_1561 {strides = array<i32>} : memref<576xf32, #tpu.memory_space<vmem>>, vector<16xf32>,
    }
    %scan3A_47 = arith.constant 8 : i32
    %add3A_48 = arith.constant 0 : i32
    %add3A_49 = arith.addi %add3A_48, %mul3A_2 : i32
    "tpu.region"() ({
      %run_scoped3A = tpu.sem_alloc : memref<!tpu.dma_semaphore, #tpu.memory_space<semaphore_mem>>
      %dma_start3A = arith.constant 0 : i32
      %dma_start3A_56 = tpu.memref_slice %arg19[%dma_start3A] : memref<576xf32, #tpu.memory_space<vmem>> -> memref<128xf32, #tpu.memory_space<vmem>>
      %dma_start3A_57 = tpu.memref_slice %arg10[%add3A_49] : memref<16384xf32, #tpu.memory_space<hbm>> -> memref<128xf32, #tpu.memory_space<hbm>>
      %dma_start3A_58 = tpu.memref_slice %arg10[%add3A_49] : memref<16384xf32, #tpu.memory_space<hbm>> -> memref<128xf32, #tpu.memory_space<hbm>>
      %dma_start3A_59 = arith.constant 0 : i32
      %dma_start3A_60 = tpu.memref_slice %arg19[%dma_start3A_59] : memref<576xf32, #tpu.memory_space<vmem>> -> memref<128xf32, #tpu.memory_space<vmem>>
      tpu.enqueue_dma source(%dma_start3A_60 : memref<128xf32, #tpu.memory_space<vmem>>) target(%dma_start3A_58 : memref<128xf32, #tpu.memory_space<hbm>>) target_semaphore(%run_scoped3A : memref<!tpu.dma_semaphore, #tpu.memory_space<semaphore_mem>>)
      %dma_wait3A = arith.constant 0 : i32
      %dma_wait3A_61 = tpu.memref_slice %arg19[%dma_wait3A] : memref<576xf32, #tpu.memory_space<vmem>> -> memref<128xf32, #tpu.memory_space<vmem>>
      %dma_wait3A_62 = tpu.memref_slice %arg10[%add3A_49] : memref<16384xf32, #tpu.memory_space<hbm>> -> memref<128xf32, #tpu.memory_space<hbm>>
      %dma_wait3A_63 = tpu.memref_slice %arg10[%add3A_49] : memref<16384xf32, #tpu.memory_space<hbm>> -> memref<128xf32, #tpu.memory_space<hbm>>
      %dma_wait3A_64 = arith.constant 0 : i32
      %dma_wait3A_65 = tpu.memref_slice %arg19[%dma_wait3A_64] : memref<576xf32, #tpu.memory_space<vmem>> -> memref<128xf32, #tpu.memory_space<vmem>>
      tpu.wait_dma2 semaphore(%run_scoped3A : memref<!tpu.dma_semaphore, #tpu.memory_space<semaphore_mem>>) src(%dma_wait3A_65 : memref<128xf32, #tpu.memory_space<vmem>>) dst(%dma_wait3A_63 : memref<128xf32, #tpu.memory_space<hbm>>)
      tpu.yield
    }) : () -> ()
    %add3A_50 = arith.constant 4096 : i32
    %add3A_51 = arith.addi %add3A_50, %mul3A_2 : i32
    "tpu.region"() ({
      %run_scoped3A = tpu.sem_alloc : memref<!tpu.dma_semaphore, #tpu.memory_space<semaphore_mem>>
      %dma_start3A = arith.constant 144 : i32
      %dma_start3A_56 = tpu.memref_slice %arg19[%dma_start3A] : memref<576xf32, #tpu.memory_space<vmem>> -> memref<128xf32, #tpu.memory_space<vmem>>
      %dma_start3A_57 = tpu.memref_slice %arg10[%add3A_51] : memref<16384xf32, #tpu.memory_space<hbm>> -> memref<128xf32, #tpu.memory_space<hbm>>
      %dma_start3A_58 = tpu.memref_slice %arg10[%add3A_51] : memref<16384xf32, #tpu.memory_space<hbm>> -> memref<128xf32, #tpu.memory_space<hbm>>
      %dma_start3A_59 = arith.constant 144 : i32
      %dma_start3A_60 = tpu.memref_slice %arg19[%dma_start3A_59] : memref<576xf32, #tpu.memory_space<vmem>> -> memref<128xf32, #tpu.memory_space<vmem>>
      tpu.enqueue_dma source(%dma_start3A_60 : memref<128xf32, #tpu.memory_space<vmem>>) target(%dma_start3A_58 : memref<128xf32, #tpu.memory_space<hbm>>) target_semaphore(%run_scoped3A : memref<!tpu.dma_semaphore, #tpu.memory_space<semaphore_mem>>)
      %dma_wait3A = arith.constant 144 : i32
      %dma_wait3A_61 = tpu.memref_slice %arg19[%dma_wait3A] : memref<576xf32, #tpu.memory_space<vmem>> -> memref<128xf32, #tpu.memory_space<vmem>>
      %dma_wait3A_62 = tpu.memref_slice %arg10[%add3A_51] : memref<16384xf32, #tpu.memory_space<hbm>> -> memref<128xf32, #tpu.memory_space<hbm>>
      %dma_wait3A_63 = tpu.memref_slice %arg10[%add3A_51] : memref<16384xf32, #tpu.memory_space<hbm>> -> memref<128xf32, #tpu.memory_space<hbm>>
      %dma_wait3A_64 = arith.constant 144 : i32
      %dma_wait3A_65 = tpu.memref_slice %arg19[%dma_wait3A_64] : memref<576xf32, #tpu.memory_space<vmem>> -> memref<128xf32, #tpu.memory_space<vmem>>
      tpu.wait_dma2 semaphore(%run_scoped3A : memref<!tpu.dma_semaphore, #tpu.memory_space<semaphore_mem>>) src(%dma_wait3A_65 : memref<128xf32, #tpu.memory_space<vmem>>) dst(%dma_wait3A_63 : memref<128xf32, #tpu.memory_space<hbm>>)
      tpu.yield
    }) : () -> ()
    %add3A_52 = arith.constant 8192 : i32
    %add3A_53 = arith.addi %add3A_52, %mul3A_2 : i32
    "tpu.region"() ({
      %run_scoped3A = tpu.sem_alloc : memref<!tpu.dma_semaphore, #tpu.memory_space<semaphore_mem>>
      %dma_start3A = arith.constant 288 : i32
      %dma_start3A_56 = tpu.memref_slice %arg19[%dma_start3A] : memref<576xf32, #tpu.memory_space<vmem>> -> memref<128xf32, #tpu.memory_space<vmem>>
      %dma_start3A_57 = tpu.memref_slice %arg10[%add3A_53] : memref<16384xf32, #tpu.memory_space<hbm>> -> memref<128xf32, #tpu.memory_space<hbm>>
      %dma_start3A_58 = tpu.memref_slice %arg10[%add3A_53] : memref<16384xf32, #tpu.memory_space<hbm>> -> memref<128xf32, #tpu.memory_space<hbm>>
      %dma_start3A_59 = arith.constant 288 : i32
      %dma_start3A_60 = tpu.memref_slice %arg19[%dma_start3A_59] : memref<576xf32, #tpu.memory_space<vmem>> -> memref<128xf32, #tpu.memory_space<vmem>>
      tpu.enqueue_dma source(%dma_start3A_60 : memref<128xf32, #tpu.memory_space<vmem>>) target(%dma_start3A_58 : memref<128xf32, #tpu.memory_space<hbm>>) target_semaphore(%run_scoped3A : memref<!tpu.dma_semaphore, #tpu.memory_space<semaphore_mem>>)
      %dma_wait3A = arith.constant 288 : i32
      %dma_wait3A_61 = tpu.memref_slice %arg19[%dma_wait3A] : memref<576xf32, #tpu.memory_space<vmem>> -> memref<128xf32, #tpu.memory_space<vmem>>
      %dma_wait3A_62 = tpu.memref_slice %arg10[%add3A_53] : memref<16384xf32, #tpu.memory_space<hbm>> -> memref<128xf32, #tpu.memory_space<hbm>>
      %dma_wait3A_63 = tpu.memref_slice %arg10[%add3A_53] : memref<16384xf32, #tpu.memory_space<hbm>> -> memref<128xf32, #tpu.memory_space<hbm>>
      %dma_wait3A_64 = arith.constant 288 : i32
      %dma_wait3A_65 = tpu.memref_slice %arg19[%dma_wait3A_64] : memref<576xf32, #tpu.memory_space<vmem>> -> memref<128xf32, #tpu.memory_space<vmem>>
      tpu.wait_dma2 semaphore(%run_scoped3A : memref<!tpu.dma_semaphore, #tpu.memory_space<semaphore_mem>>) src(%dma_wait3A_65 : memref<128xf32, #tpu.memory_space<vmem>>) dst(%dma_wait3A_63 : memref<128xf32, #tpu.memory_space<hbm>>)
      tpu.yield
    }) : () -> ()
    %add3A_54 = arith.constant 12288 : i32
    %add3A_55 = arith.addi %add3A_54, %mul3A_2 : i32
    "tpu.region"() ({
      %run_scoped3A = tpu.sem_alloc : memref<!tpu.dma_semaphore, #tpu.memory_space<semaphore_mem>>
      %dma_start3A = arith.constant 432 : i32
      %dma_start3A_56 = tpu.memref_slice %arg19[%dma_start3A] : memref<576xf32, #tpu.memory_space<vmem>> -> memref<128xf32, #tpu.memory_space<vmem>>
      %dma_start3A_57 = tpu.memref_slice %arg10[%add3A_55] : memref<16384xf32, #tpu.memory_space<hbm>> -> memref<128xf32, #tpu.memory_space<hbm>>
      %dma_start3A_58 = tpu.memref_slice %arg10[%add3A_55] : memref<16384xf32, #tpu.memory_space<hbm>> -> memref<128xf32, #tpu.memory_space<hbm>>
      %dma_start3A_59 = arith.constant 432 : i32
      %dma_start3A_60 = tpu.memref_slice %arg19[%dma_start3A_59] : memref<576xf32, #tpu.memory_space<vmem>> -> memref<128xf32, #tpu.memory_space<vmem>>
      tpu.enqueue_dma source(%dma_start3A_60 : memref<128xf32, #tpu.memory_space<vmem>>) target(%dma_start3A_58 : memref<128xf32, #tpu.memory_space<hbm>>) target_semaphore(%run_scoped3A : memref<!tpu.dma_semaphore, #tpu.memory_space<semaphore_mem>>)
      %dma_wait3A = arith.constant 432 : i32
      %dma_wait3A_61 = tpu.memref_slice %arg19[%dma_wait3A] : memref<576xf32, #tpu.memory_space<vmem>> -> memref<128xf32, #tpu.memory_space<vmem>>
      %dma_wait3A_62 = tpu.memref_slice %arg10[%add3A_55] : memref<16384xf32, #tpu.memory_space<hbm>> -> memref<128xf32, #tpu.memory_space<hbm>>
      %dma_wait3A_63 = tpu.memref_slice %arg10[%add3A_55] : memref<16384xf32, #tpu.memory_space<hbm>> -> memref<128xf32, #tpu.memory_space<hbm>>
      %dma_wait3A_64 = arith.constant 432 : i32
      %dma_wait3A_65 = tpu.memref_slice %arg19[%dma_wait3A_64] : memref<576xf32, #tpu.memory_space<vmem>> -> memref<128xf32, #tpu.memory_space<vmem>>
      tpu.wait_dma2 semaphore(%run_scoped3A : memref<!tpu.dma_semaphore, #tpu.memory_space<semaphore_mem>>) src(%dma_wait3A_65 : memref<128xf32, #tpu.memory_space<vmem>>) dst(%dma_wait3A_63 : memref<128xf32, #tpu.memory_space<hbm>>)
      tpu.yield
    }) : () -> ()
    return
  }
}

module attributes {stable_mosaic.version = 14 : i64} {
  func.func @_epilogue_body(%arg0: memref<4x4x1024xf32, #tpu.memory_space<vmem>>, %arg1: memref<4x4x1024xf32, #tpu.memory_space<vmem>>, %arg2: memref<4x1024xf32, #tpu.memory_space<vmem>>, %arg3: memref<4x2xf32, #tpu.memory_space<vmem>>, %arg4: memref<1x1xf32, #tpu.memory_space<vmem>>) attributes {dimension_semantics = [], scalar_prefetch = 0 : i64, scratch_operands = 0 : i64, tpu.core_type = #tpu.core_type<tc>} {
    %get3A = arith.constant 0 : index
    %get3A_0 = arith.constant 0 : index
    %get3A_1 = arith.constant 0 : index
    %get3A_2 = vector.load %arg0[%get3A, %get3A_0, %get3A_1] : memref<4x4x1024xf32, #tpu.memory_space<vmem>>, vector<4x4x1024xf32>
    %get3A_3 = arith.constant 0 : index
    %get3A_4 = arith.constant 0 : index
    %get3A_5 = arith.constant 0 : index
    %get3A_6 = vector.load %arg1[%get3A_3, %get3A_4, %get3A_5] : memref<4x4x1024xf32, #tpu.memory_space<vmem>>, vector<4x4x1024xf32>
    %transpose3A = tpu.transpose %get3A_6, [1, 0, 2] : vector<4x4x1024xf32> -> vector<4x4x1024xf32>
    %add3A = arith.addf %get3A_2, %transpose3A : vector<4x4x1024xf32>
    %get3A_7 = arith.constant 0 : index
    %get3A_8 = arith.constant 0 : index
    %get3A_9 = vector.load %arg2[%get3A_7, %get3A_8] : memref<4x1024xf32, #tpu.memory_space<vmem>>, vector<4x1024xf32>
    %get3A_10 = arith.constant 0 : index
    %get3A_11 = arith.constant 0 : index
    %get3A_12 = vector.load %arg3[%get3A_10, %get3A_11] : memref<4x2xf32, #tpu.memory_space<vmem>>, vector<4x2xf32>
    %slice3A = vector.extract_strided_slice %get3A_12 {offsets = [0, 0], sizes = [4, 1], strides = [1, 1]} : vector<4x2xf32> to vector<4x1xf32>
    %squeeze3A = vector.shape_cast %slice3A : vector<4x1xf32> to vector<4xf32>
    %slice3A_13 = vector.extract_strided_slice %get3A_12 {offsets = [0, 1], sizes = [4, 1], strides = [1, 1]} : vector<4x2xf32> to vector<4x1xf32>
    %squeeze3A_14 = vector.shape_cast %slice3A_13 : vector<4x1xf32> to vector<4xf32>
    %reduce_sum3A = arith.constant dense<0.000000e+00> : vector<4xf32>
    %reduce_sum3A_15 = vector.multi_reduction <add>, %get3A_9, %reduce_sum3A [1] : vector<4x1024xf32> to vector<4xf32>
    %broadcast_in_dim3A = vector.shape_cast %squeeze3A : vector<4xf32> to vector<4x1x1xf32>
    %broadcast_in_dim3A_16 = vector.shape_cast %reduce_sum3A_15 : vector<4xf32> to vector<1x4x1xf32>
    %mul3A = vector.broadcast %broadcast_in_dim3A : vector<4x1x1xf32> to vector<4x4x1xf32>
    %mul3A_17 = vector.broadcast %broadcast_in_dim3A_16 : vector<1x4x1xf32> to vector<4x4x1xf32>
    %mul3A_18 = arith.mulf %mul3A, %mul3A_17 : vector<4x4x1xf32>
    %add3A_19 = arith.constant 9.99999996E-13 : f32
    %add3A_20 = vector.broadcast %add3A_19 : f32 to vector<4x4x1xf32>
    %add3A_21 = arith.addf %mul3A_18, %add3A_20 : vector<4x4x1xf32>
    %div3A = vector.broadcast %add3A_21 : vector<4x4x1xf32> to vector<4x4x1024xf32>
    %div3A_22 = arith.divf %add3A, %div3A : vector<4x4x1024xf32>
    %add3A_23 = arith.constant 9.99999996E-13 : f32
    %add3A_24 = vector.broadcast %add3A_23 : f32 to vector<4x4x1024xf32>
    %add3A_25 = arith.addf %div3A_22, %add3A_24 : vector<4x4x1024xf32>
    %log3A = math.log %add3A_25 : vector<4x4x1024xf32>
    %neg3A = arith.constant 0.000000e+00 : f32
    %neg3A_26 = vector.broadcast %neg3A : f32 to vector<4x4x1024xf32>
    %neg3A_27 = arith.subf %neg3A_26, %log3A : vector<4x4x1024xf32>
    %broadcast_in_dim3A_28 = vector.shape_cast %get3A_9 : vector<4x1024xf32> to vector<1x4x1024xf32>
    %mul3A_29 = vector.broadcast %broadcast_in_dim3A_28 : vector<1x4x1024xf32> to vector<4x4x1024xf32>
    %mul3A_30 = arith.mulf %mul3A_29, %neg3A_27 : vector<4x4x1024xf32>
    %reduce_sum3A_31 = arith.constant dense<0.000000e+00> : vector<4x4xf32>
    %reduce_sum3A_32 = vector.multi_reduction <add>, %mul3A_30, %reduce_sum3A_31 [2] : vector<4x4x1024xf32> to vector<4x4xf32>
    %broadcast_in_dim3A_33 = vector.shape_cast %reduce_sum3A_15 : vector<4xf32> to vector<1x4xf32>
    %add3A_34 = arith.constant 9.99999996E-13 : f32
    %add3A_35 = vector.broadcast %add3A_34 : f32 to vector<1x4xf32>
    %add3A_36 = arith.addf %broadcast_in_dim3A_33, %add3A_35 : vector<1x4xf32>
    %div3A_37 = vector.broadcast %add3A_36 : vector<1x4xf32> to vector<4x4xf32>
    %div3A_38 = arith.divf %reduce_sum3A_32, %div3A_37 : vector<4x4xf32>
    %reduce_sum3A_39 = arith.constant dense<0.000000e+00> : vector<4xf32>
    %reduce_sum3A_40 = vector.multi_reduction <add>, %div3A_38, %reduce_sum3A_39 [1] : vector<4x4xf32> to vector<4xf32>
    %div3A_41 = arith.constant 4.000000e+00 : f32
    %div3A_42 = vector.broadcast %div3A_41 : f32 to vector<4xf32>
    %div3A_43 = arith.divf %reduce_sum3A_40, %div3A_42 : vector<4xf32>
    %mul3A_44 = arith.mulf %squeeze3A_14, %div3A_43 : vector<4xf32>
    %reduce_sum3A_45 = vector.shape_cast %mul3A_44 : vector<4xf32> to vector<1x4xf32>
    %reduce_sum3A_46 = arith.constant dense<0.000000e+00> : vector<1xf32>
    %reduce_sum3A_47 = vector.multi_reduction <add>, %reduce_sum3A_45, %reduce_sum3A_46 [1] : vector<1x4xf32> to vector<1xf32>
    %reduce_sum3A_48 = vector.shape_cast %reduce_sum3A_47 : vector<1xf32> to vector<1x1xf32>
    %reduce_sum3A_49 = vector.extract %reduce_sum3A_48[0, 0] : f32 from vector<1x1xf32>
    %broadcast_in_dim3A_50 = vector.broadcast %reduce_sum3A_49 : f32 to vector<1x1xf32>
    %swap3A = arith.constant 0 : index
    %swap3A_51 = arith.constant 0 : index
    %swap3A_52 = vector.load %arg4[%swap3A, %swap3A_51] : memref<1x1xf32, #tpu.memory_space<vmem>>, vector<1x1xf32>
    tpu.vector_store %arg4[%swap3A, %swap3A_51], %broadcast_in_dim3A_50 {strides = array<i32>} : memref<1x1xf32, #tpu.memory_space<vmem>>, vector<1x1xf32>,
    return
  }
}

module attributes {stable_mosaic.version = 14 : i64} {
  func.func @_tc_rowsums_body(%arg0: i32, %arg1: memref<3x1024xf32, #tpu.memory_space<vmem>>, %arg2: memref<3x1024xf32, #tpu.memory_space<vmem>>, %arg3: memref<1x1x1024xf32, #tpu.memory_space<vmem>>, %arg4: memref<1x4xf32, #tpu.memory_space<vmem>>, %arg5: memref<1x4x1024xf32, #tpu.memory_space<vmem>>) attributes {dimension_semantics = [#tpu.dimension_semantics<arbitrary>], iteration_bounds = array<i64: 4>, scalar_prefetch = 0 : i64, scratch_operands = 0 : i64, tpu.core_type = #tpu.core_type<tc>, window_params = [{transform_indices = @transform_0, window_bounds = array<i64: 3, 1024>}, {transform_indices = @transform_1, window_bounds = array<i64: 3, 1024>}, {transform_indices = @transform_2, window_bounds = array<i64: 1, 1, 1024>}, {pipeline_mode = #tpu.pipeline_mode<synchronous>, transform_indices = @transform_3, window_bounds = array<i64: 1, 4>}, {transform_indices = @transform_4, window_bounds = array<i64: 1, 4, 1024>}]} {
    %get3A = arith.constant 0 : index
    %get3A_0 = arith.constant 0 : index
    %get3A_1 = vector.load %arg1[%get3A, %get3A_0] : memref<3x1024xf32, #tpu.memory_space<vmem>>, vector<3x1024xf32>
    %get3A_2 = arith.constant 0 : index
    %get3A_3 = arith.constant 0 : index
    %get3A_4 = vector.load %arg2[%get3A_2, %get3A_3] : memref<3x1024xf32, #tpu.memory_space<vmem>>, vector<3x1024xf32>
    %slice3A = vector.extract_strided_slice %get3A_4 {offsets = [0, 384], sizes = [3, 640], strides = [1, 1]} : vector<3x1024xf32> to vector<3x640xf32>
    %get3A_5 = arith.constant 0 : index
    %get3A_6 = arith.constant 0 : index
    %get3A_7 = arith.constant 0 : index
    %get3A_8 = vector.load %arg3[%get3A_5, %get3A_6, %get3A_7] : memref<1x1x1024xf32, #tpu.memory_space<vmem>>, vector<1x1x1024xf32>
    %get3A_9 = vector.shape_cast %get3A_8 : vector<1x1x1024xf32> to vector<1x1024xf32>
    %slice3A_10 = vector.extract_strided_slice %get3A_9 {offsets = [0, 384], sizes = [1, 640], strides = [1, 1]} : vector<1x1024xf32> to vector<1x640xf32>
    %get3A_11 = arith.constant 0 : index
    %get3A_12 = arith.constant 0 : index
    %get3A_13 = vector.load %arg4[%get3A_11, %get3A_12] : memref<1x4xf32, #tpu.memory_space<vmem>>, vector<1x4xf32>
    %mul3A = arith.mulf %get3A_1, %get3A_1 : vector<3x1024xf32>
    %reduce_sum3A = arith.constant dense<0.000000e+00> : vector<1024xf32>
    %reduce_sum3A_14 = vector.multi_reduction <add>, %mul3A, %reduce_sum3A [0] : vector<3x1024xf32> to vector<1024xf32>
    %mul3A_15 = arith.mulf %slice3A, %slice3A : vector<3x640xf32>
    %reduce_sum3A_16 = arith.constant dense<0.000000e+00> : vector<640xf32>
    %reduce_sum3A_17 = vector.multi_reduction <add>, %mul3A_15, %reduce_sum3A_16 [0] : vector<3x640xf32> to vector<640xf32>
    %dot_general3A = arith.constant dense<0.000000e+00> : vector<1024x640xf32>
    %dot_general3A_18 = tpu.matmul %get3A_1, %slice3A, %dot_general3A {dimension_numbers = #tpu.dot_dimension_numbers<[0], [0], [1], [1], [0, 1, 1, 1], [], []>, precision = #tpu.contract_precision<fp32>, transpose_lhs_hint = false} : vector<3x1024xf32>, vector<3x640xf32>, vector<1024x640xf32> -> vector<1024x640xf32>
    %broadcast_in_dim3A = vector.shape_cast %reduce_sum3A_14 : vector<1024xf32> to vector<1024x1xf32>
    %broadcast_in_dim3A_19 = vector.shape_cast %reduce_sum3A_17 : vector<640xf32> to vector<1x640xf32>
    %add3A = vector.broadcast %broadcast_in_dim3A : vector<1024x1xf32> to vector<1024x640xf32>
    %add3A_20 = vector.broadcast %broadcast_in_dim3A_19 : vector<1x640xf32> to vector<1024x640xf32>
    %add3A_21 = arith.addf %add3A, %add3A_20 : vector<1024x640xf32>
    %mul3A_22 = arith.constant 2.000000e+00 : f32
    %mul3A_23 = vector.broadcast %mul3A_22 : f32 to vector<1024x640xf32>
    %mul3A_24 = arith.mulf %mul3A_23, %dot_general3A_18 : vector<1024x640xf32>
    %sub3A = arith.subf %add3A_21, %mul3A_24 : vector<1024x640xf32>
    %slice3A_25 = vector.extract_strided_slice %get3A_13 {offsets = [0, 0], sizes = [1, 1], strides = [1, 1]} : vector<1x4xf32> to vector<1x1xf32>
    %squeeze3A = vector.extract %slice3A_25[0, 0] : f32 from vector<1x1xf32>
    %mul3A_26 = vector.broadcast %squeeze3A : f32 to vector<1024x640xf32>
    %mul3A_27 = arith.mulf %sub3A, %mul3A_26 : vector<1024x640xf32>
    %exp3A = math.exp %mul3A_27 : vector<1024x640xf32>
    %mul3A_28 = vector.broadcast %slice3A_10 : vector<1x640xf32> to vector<1024x640xf32>
    %mul3A_29 = arith.mulf %exp3A, %mul3A_28 : vector<1024x640xf32>
    %reduce_sum3A_30 = arith.constant dense<0.000000e+00> : vector<1024xf32>
    %reduce_sum3A_31 = vector.multi_reduction <add>, %mul3A_29, %reduce_sum3A_30 [1] : vector<1024x640xf32> to vector<1024xf32>
    %swap3A = arith.constant 0 : index
    %swap3A_32 = arith.constant 0 : index
    %swap3A_33 = arith.constant 0 : index
    %swap3A_34 = vector.load %arg5[%swap3A, %swap3A_32, %swap3A_33] : memref<1x4x1024xf32, #tpu.memory_space<vmem>>, vector<1x1x1024xf32>
    %swap3A_35 = vector.shape_cast %swap3A_34 : vector<1x1x1024xf32> to vector<1024xf32>
    %swap3A_36 = vector.shape_cast %reduce_sum3A_31 : vector<1024xf32> to vector<1x1x1024xf32>
    tpu.vector_store %arg5[%swap3A, %swap3A_32, %swap3A_33], %swap3A_36 {strides = array<i32>} : memref<1x4x1024xf32, #tpu.memory_space<vmem>>, vector<1x1x1024xf32>,
    %slice3A_37 = vector.extract_strided_slice %get3A_13 {offsets = [0, 1], sizes = [1, 1], strides = [1, 1]} : vector<1x4xf32> to vector<1x1xf32>
    %squeeze3A_38 = vector.extract %slice3A_37[0, 0] : f32 from vector<1x1xf32>
    %mul3A_39 = vector.broadcast %squeeze3A_38 : f32 to vector<1024x640xf32>
    %mul3A_40 = arith.mulf %sub3A, %mul3A_39 : vector<1024x640xf32>
    %exp3A_41 = math.exp %mul3A_40 : vector<1024x640xf32>
    %mul3A_42 = vector.broadcast %slice3A_10 : vector<1x640xf32> to vector<1024x640xf32>
    %mul3A_43 = arith.mulf %exp3A_41, %mul3A_42 : vector<1024x640xf32>
    %reduce_sum3A_44 = arith.constant dense<0.000000e+00> : vector<1024xf32>
    %reduce_sum3A_45 = vector.multi_reduction <add>, %mul3A_43, %reduce_sum3A_44 [1] : vector<1024x640xf32> to vector<1024xf32>
    %swap3A_46 = arith.constant 0 : index
    %swap3A_47 = arith.constant 1 : index
    %swap3A_48 = arith.constant 0 : index
    %swap3A_49 = vector.load %arg5[%swap3A_46, %swap3A_47, %swap3A_48] : memref<1x4x1024xf32, #tpu.memory_space<vmem>>, vector<1x1x1024xf32>
    %swap3A_50 = vector.shape_cast %swap3A_49 : vector<1x1x1024xf32> to vector<1024xf32>
    %swap3A_51 = vector.shape_cast %reduce_sum3A_45 : vector<1024xf32> to vector<1x1x1024xf32>
    tpu.vector_store %arg5[%swap3A_46, %swap3A_47, %swap3A_48], %swap3A_51 {strides = array<i32>} : memref<1x4x1024xf32, #tpu.memory_space<vmem>>, vector<1x1x1024xf32>,
    %slice3A_52 = vector.extract_strided_slice %get3A_13 {offsets = [0, 2], sizes = [1, 1], strides = [1, 1]} : vector<1x4xf32> to vector<1x1xf32>
    %squeeze3A_53 = vector.extract %slice3A_52[0, 0] : f32 from vector<1x1xf32>
    %mul3A_54 = vector.broadcast %squeeze3A_53 : f32 to vector<1024x640xf32>
    %mul3A_55 = arith.mulf %sub3A, %mul3A_54 : vector<1024x640xf32>
    %exp3A_56 = math.exp %mul3A_55 : vector<1024x640xf32>
    %mul3A_57 = vector.broadcast %slice3A_10 : vector<1x640xf32> to vector<1024x640xf32>
    %mul3A_58 = arith.mulf %exp3A_56, %mul3A_57 : vector<1024x640xf32>
    %reduce_sum3A_59 = arith.constant dense<0.000000e+00> : vector<1024xf32>
    %reduce_sum3A_60 = vector.multi_reduction <add>, %mul3A_58, %reduce_sum3A_59 [1] : vector<1024x640xf32> to vector<1024xf32>
    %swap3A_61 = arith.constant 0 : index
    %swap3A_62 = arith.constant 2 : index
    %swap3A_63 = arith.constant 0 : index
    %swap3A_64 = vector.load %arg5[%swap3A_61, %swap3A_62, %swap3A_63] : memref<1x4x1024xf32, #tpu.memory_space<vmem>>, vector<1x1x1024xf32>
    %swap3A_65 = vector.shape_cast %swap3A_64 : vector<1x1x1024xf32> to vector<1024xf32>
    %swap3A_66 = vector.shape_cast %reduce_sum3A_60 : vector<1024xf32> to vector<1x1x1024xf32>
    tpu.vector_store %arg5[%swap3A_61, %swap3A_62, %swap3A_63], %swap3A_66 {strides = array<i32>} : memref<1x4x1024xf32, #tpu.memory_space<vmem>>, vector<1x1x1024xf32>,
    %slice3A_67 = vector.extract_strided_slice %get3A_13 {offsets = [0, 3], sizes = [1, 1], strides = [1, 1]} : vector<1x4xf32> to vector<1x1xf32>
    %squeeze3A_68 = vector.extract %slice3A_67[0, 0] : f32 from vector<1x1xf32>
    %mul3A_69 = vector.broadcast %squeeze3A_68 : f32 to vector<1024x640xf32>
    %mul3A_70 = arith.mulf %sub3A, %mul3A_69 : vector<1024x640xf32>
    %exp3A_71 = math.exp %mul3A_70 : vector<1024x640xf32>
    %mul3A_72 = vector.broadcast %slice3A_10 : vector<1x640xf32> to vector<1024x640xf32>
    %mul3A_73 = arith.mulf %exp3A_71, %mul3A_72 : vector<1024x640xf32>
    %reduce_sum3A_74 = arith.constant dense<0.000000e+00> : vector<1024xf32>
    %reduce_sum3A_75 = vector.multi_reduction <add>, %mul3A_73, %reduce_sum3A_74 [1] : vector<1024x640xf32> to vector<1024xf32>
    %swap3A_76 = arith.constant 0 : index
    %swap3A_77 = arith.constant 3 : index
    %swap3A_78 = arith.constant 0 : index
    %swap3A_79 = vector.load %arg5[%swap3A_76, %swap3A_77, %swap3A_78] : memref<1x4x1024xf32, #tpu.memory_space<vmem>>, vector<1x1x1024xf32>
    %swap3A_80 = vector.shape_cast %swap3A_79 : vector<1x1x1024xf32> to vector<1024xf32>
    %swap3A_81 = vector.shape_cast %reduce_sum3A_75 : vector<1024xf32> to vector<1x1x1024xf32>
    tpu.vector_store %arg5[%swap3A_76, %swap3A_77, %swap3A_78], %swap3A_81 {strides = array<i32>} : memref<1x4x1024xf32, #tpu.memory_space<vmem>>, vector<1x1x1024xf32>,
    return
  }
  func.func @transform_0(%arg0: i32) -> (i32, i32) {
    %c0_i32 = arith.constant 0 : i32
    %c0_i32_0 = arith.constant 0 : i32
    return %c0_i32, %arg0 : i32, i32
  }
  func.func @transform_1(%arg0: i32) -> (i32, i32) {
    %c0_i32 = arith.constant 0 : i32
    %c0_i32_0 = arith.constant 0 : i32
    return %c0_i32, %arg0 : i32, i32
  }
  func.func @transform_2(%arg0: i32) -> (i32, i32, i32) {
    %c0_i32 = arith.constant 0 : i32
    %c0_i32_0 = arith.constant 0 : i32
    %c0_i32_1 = arith.constant 0 : i32
    return %arg0, %c0_i32, %c0_i32_0 : i32, i32, i32
  }
  func.func @transform_3(%arg0: i32) -> (i32, i32) {
    %c0_i32 = arith.constant 0 : i32
    %c0_i32_0 = arith.constant 0 : i32
    %c0_i32_1 = arith.constant 0 : i32
    return %c0_i32, %c0_i32_0 : i32, i32
  }
  func.func @transform_4(%arg0: i32) -> (i32, i32, i32) {
    %c0_i32 = arith.constant 0 : i32
    %c0_i32_0 = arith.constant 0 : i32
    %c0_i32_1 = arith.constant 0 : i32
    return %arg0, %c0_i32, %c0_i32_0 : i32, i32, i32
  }
}

</mosaic_0001>

<sc_bundles>
// kernel: kernel.5.cloned.1.call-start
scs
__scs_entry_jumppad:
0x0: {  	(pc) =	sbr.rel $0x88, $3  }
0x1: {  	(tag) =	ssettag $0x0;
	lr =	simm.s32 $0x1  }
0x2: {  	[smem:$0x3F9C] =	sst lr;
	_ =	strace $0xD0000000  }
0x3: {  	_ = 	snop  }
0x4: {  	_ = 	snop  }
0x5: {  	_ = 	snop  }
0x6: {  	_ = 	snop  }
0x7: {  	_ = 	snop  }
__scs_overlays_trampoline_lowered:
0x8: {  	[smem:$0x3FAB] =	sst s0  }
0x9: {  	[smem:$0x3FAC] =	sst s1  }
0xa: {  	[smem:$0x3FAD] =	sst s2  }
0xb: {  	[smem:$0x3FAE] =	sst s3  }
0xc: {  	[smem:$0x3FAF] =	sst s4  }
0xd: {  	[smem:$0x3FB0] =	sst s5  }
0xe: {  	[smem:$0x3FB1] =	sst s6  }
0xf: {  	[smem:$0x3FB2] =	sst s7  }
0x10: {  	[smem:$0x3FB3] =	sst s8  }
0x11: {  	[smem:$0x3FB4] =	sst s9;
	s0 =	simm.s32 @!p0 $0x0  }
0x12: {  	s1 =	sld [smem:$0x3F9A];
	s0 =	simm.s32 @p0 $0x1  }
0x13: {  	[smem:$0x3FB5] =	sst s0;
	s0 =	simm.s32 @!p1 $0x0  }
0x14: {  	s2 =	sld [smem:$0x3F99];
	s0 =	simm.s32 @p1 $0x1  }
0x15: {  	[smem:$0x3FB6] =	sst s0;
	s0 =	simm.s32 @!p2 $0x0  }
0x16: {  	s3 =	sld [smem:$0x3FDB];
	s0 =	simm.s32 @p2 $0x1  }
0x17: {  	s4 =	simm.s32 $0x1BF5;
	[smem:$0x3FB8] =	sst s0  }
0x18: {  	s0 =	sld [smem:$0x3F9B];
	_ =	swait.ge [sflag:s4], $0x0  }
0x19: {  	s7 =	sld [smem:$0x3F9C]  }
0x1a: {  	s8 =	sadd.s32 $0xFFFFE003, lr  }
0x1b: {  	s9 =	sadd.s32 $0xFFFFFEF7, lr;
	s5 =	simm.s32 $0xFFFFFFFF;
	p2 =	slt.u32 s8, $0xFFFFF086  }
0x1c: {  	p1 =	slt.u32 s9, $0xF7A;
	s5 =	simm.s32 @!p2 $0x0  }
0x1d: {  	s5 =	simm.s32 @p1 $0x1;
	p0 =	seq.s32 s7, s2  }
0x1e: {  	s7 =	smul.u32 @!p0 $0xF7A, s2;
	p2 =	seq.s32 @!p0 s5, $0x0  }
0x1f: {  	s9 =	smul.u32 $0xF7A, s1;
	s8 =	simm.s32 @!p0 $0x1BF5;
	p2 =	por !p2, p0  }
0x20: {  	[sflag:s8] =	ssyncset.s32 @!p0 $0xFFFFF086;
	s6 =	sadd.s32 @!p0 s3, s7;
	s7 =	simm.s32 @!p0 $0x108  }
0x21: {  	s3 =	sadd.s32 s3, s9;
	s6 =	sadd.s32 @!p0 $0x88, s6;
	s7 =	simm.s32 @p2 $0x1082  }
0x22: {  	[simem:s7], [sflag:s8] =	dma.local @!p0 [hbm:s6], $0xF7A  }
0x23: {  	s9 =	sor.u32 $0xD0000000, s2;
	s6 =	simm.s32 $0x108;
	_ =	swait.ge @!p0 [sflag:s8], $0x0  }
0x24: {  	s3 =	sadd.s32 $0x88, s3;
	s6 =	simm.s32 @!p1 $0x1082;
	[sflag:s4] =	ssyncset.s32 $0xFFFFF086  }
0x25: {  	[simem:s6], [sflag:s4] =	dma.local [hbm:s3], $0xF7A  }
0x26: {  	[smem:$0x3F9C] =	sst s1;
	(tag) =	ssettag s2;
	_ =	strace s9  }
0x27: {  	s1 =	sld [smem:$0x3FAC]  }
0x28: {  	s2 =	sld [smem:$0x3FAD]  }
0x29: {  	s4 =	sld [smem:$0x3FAF]  }
0x2a: {  	p0 =	seq.s32 s5, $0x0;
	s5 =	sld [smem:$0x3FB0]  }
0x2b: {  	s6 =	sld [smem:$0x3FB1]  }
0x2c: {  	s7 =	sld [smem:$0x3FB2]  }
0x2d: {  	s3 =	simm.s32 $0x108;
	s8 =	sld [smem:$0x3FB3]  }
0x2e: {  	s3 =	simm.s32 @!p0 $0x1082;
	s9 =	sld [smem:$0x3FB4]  }
0x2f: {  	lr =	sadd.s32 s0, s3;
	s0 =	sld [smem:$0x3FAB]  }
0x30: {  	s3 =	sld [smem:$0x3FAE]  }
0x31: {  	[smem:$0x3FB7] =	sst s10  }
0x32: {  	s10 =	sld [smem:$0x3FB5];
	_ =	sdelay $0x3  }
0x33: {  	p0 =	seq.s32 s10, $0x1;
	s10 =	sld [smem:$0x3FB7];
	_ =	sdelay $0x3  }
0x34: {  	[smem:$0x3FB7] =	sst s10  }
0x35: {  	s10 =	sld [smem:$0x3FB6];
	_ =	sdelay $0x3  }
0x36: {  	p1 =	seq.s32 s10, $0x1;
	s10 =	sld [smem:$0x3FB7];
	_ =	sdelay $0x3  }
0x37: {  	[smem:$0x3FB7] =	sst s10  }
0x38: {  	s10 =	sld [smem:$0x3FB8]  }
0x39: {  	_ = 	snop;
	(pc) =	sbr.ind lr, $3  }
0x3a: {  	_ = 	snop  }
0x3b: {  	_ = 	snop  }
0x3c: {  	p2 =	seq.s32 s10, $0x1;
	s10 =	sld [smem:$0x3FB7]  }
0x3d: {  	_ =	shalt  }
0x3e: {  	_ =	shalt  }
0x3f: {  	_ =	shalt  }
0x40: {  	_ =	shalt  }
0x41: {  	_ =	shalt  }
0x42: {  	_ =	shalt  }
0x43: {  	_ =	shalt  }
0x44: {  	_ =	shalt  }
0x45: {  	_ =	shalt  }
0x46: {  	_ =	shalt  }
0x47: {  	_ =	shalt  }
0x48: {  	_ =	shalt  }
0x49: {  	_ =	shalt  }
0x4a: {  	_ =	shalt  }
0x4b: {  	_ =	shalt  }
0x4c: {  	_ =	shalt  }
0x4d: {  	_ =	shalt  }
0x4e: {  	_ =	shalt  }
0x4f: {  	_ =	shalt  }
0x50: {  	_ =	shalt  }
0x51: {  	_ =	shalt  }
0x52: {  	_ =	shalt  }
0x53: {  	_ =	shalt  }
0x54: {  	_ =	shalt  }
0x55: {  	_ =	shalt  }
0x56: {  	_ =	shalt  }
0x57: {  	_ =	shalt  }
0x58: {  	_ =	shalt  }
0x59: {  	_ =	shalt  }
0x5a: {  	_ =	shalt  }
0x5b: {  	_ =	shalt  }
0x5c: {  	_ =	shalt  }
0x5d: {  	_ =	shalt  }
0x5e: {  	_ =	shalt  }
0x5f: {  	_ =	shalt  }
0x60: {  	_ =	shalt  }
0x61: {  	_ =	shalt  }
0x62: {  	_ =	shalt  }
0x63: {  	_ =	shalt  }
0x64: {  	_ =	shalt  }
0x65: {  	_ =	shalt  }
0x66: {  	_ =	shalt  }
0x67: {  	_ =	shalt  }
0x68: {  	_ =	shalt  }
0x69: {  	_ =	shalt  }
0x6a: {  	_ =	shalt  }
0x6b: {  	_ =	shalt  }
0x6c: {  	_ =	shalt  }
0x6d: {  	_ =	shalt  }
0x6e: {  	_ =	shalt  }
0x6f: {  	_ =	shalt  }
0x70: {  	_ =	shalt  }
0x71: {  	_ =	shalt  }
0x72: {  	_ =	shalt  }
0x73: {  	_ =	shalt  }
0x74: {  	_ =	shalt  }
0x75: {  	_ =	shalt  }
0x76: {  	_ =	shalt  }
0x77: {  	_ =	shalt  }
0x78: {  	_ =	shalt  }
0x79: {  	_ =	shalt  }
0x7a: {  	_ =	shalt  }
0x7b: {  	_ =	shalt  }
0x7c: {  	_ =	shalt  }
0x7d: {  	_ =	shalt  }
0x7e: {  	_ =	shalt  }
0x7f: {  	_ =	shalt  }
0x80: {  	_ =	shalt  }
0x81: {  	_ =	shalt  }
0x82: {  	_ =	shalt  }
0x83: {  	_ =	shalt  }
0x84: {  	_ =	shalt  }
0x85: {  	_ =	shalt  }
0x86: {  	_ =	shalt  }
0x87: {  	_ =	shalt  }
.Lfunc_end0:
.L_simem_size_0:
called_computation_lowered:
.L_overlay_start_0:
0x88: {  	s2 =	sld [smem:$0x3FD9]  }
0x89: {  	s3 =	sld [smem:$0x3FFE];
	_ =	sdelay $0x1  }
0x8a: {  	s1 =	srdreg.scid  }
0x8b: {  	s0 =	sand.u32 $0x1, s1  }
0x8c: {  	s17 =	sshll.u32 s0, $0xA;
	s2 =	sadd.s32 s3, s2  }
0x8d: {  	s2 =	sadd.s32 s2, s17  }
0x8e: {  	[smem:$0x3FC3] =	sst s2  }
0x8f: {  	_ = 	snop  }
0x90: {  	s2 =	sld [smem:$0x3FC7]  }
0x91: {  	s18 =	sld [smem:$0x3FD0];
	(tm) =	ssettm $0x1  }
0x92: {  	s4 =	sld [smem:$0x3FFB];
	_ =	sdelay $0x3  }
0x93: {  	_ =	strace s4  }
0x94: {  	s4 =	sld [smem:$0x3FFC];
	_ =	sdelay $0x3  }
0x95: {  	_ =	strace s4  }
0x96: {  	s4 =	sld [smem:$0x3FFD];
	_ =	sdelay $0x3  }
0x97: {  	_ =	strace s4  }
0x98: {  	_ =	strace $0x8FFFFFFF  }
0x99: {  	s19 =	sld [smem:$0x3FDB];
	_ =	sdelay $0x1  }
0x9a: {  	s5 =	simm.s32 $_scs_section_size  }
0x9b: {  	s6 =	simm.s32 $_size__tile_overlayer_lowered;
	s7 =	simm.s32 $_tile_overlayer_lowered  }
0x9c: {  	s22 =	simm.s32 $0x1BFF;
	s21 =	sshll.u32 s7, $0x1;
	s4 =	sadd.s32 s5, s19  }
0x9d: {  	s8 =	simm.s32 $0x0;
	s20 =	sshll.u32 s6, $0x1;
	s6 =	sadd.s32 s21, s4  }
0x9e: {  	[timem:s8], [sflag:s22] =	dma.local [hbm:s6], s20  }
0x9f: {  	_ =	swait.ge [sflag:s22], s20  }
0xa0: {  	s5 =	ssub.s32 $0x0, s20;
	[sflag:s22] =	ssyncset.done $0x0  }
0xa1: {  	[sflag:s22] =	ssyncadd.s32 s5;
	_ =	sdelay $0x1  }
0xa2: {  	s23 =	simm.s32 $0x1B8B  }
0xa3: {  	_ =	swait.ge [sflag:s23], $0x1  }
0xa4: {  	[sflag:s23] =	ssyncset.done $0x0  }
0xa5: {  	s25 =	simm.s32 $0x1B8E;
	s24 =	sld [smem:$0x3FFE];
	[sflag:s23] =	ssyncadd.s32 $0xFFFFFFFF  }
0xa6: {  	s26 =	simm.s32 $execute0_lowered;
	[smem:$0x3FD2] =	sst s25  }
0xa7: {  	s6 =	sshll.u32 s26, $0x1;
	_ =	strace $0x80000046;
	[dreg:$0x1] =	wrdreg $0xFFFFFFFF  }
0xa8: {  	s28 =	simm.s32 $_size_execute0_lowered;
	s4 =	sadd.s32 s4, s6;
	[dreg:$0x0] =	wrdreg $0x0  }
0xa9: {  	s6 =	sshll.u32 s28, $0x1;
	[dreg:$0x2] =	wrdreg s4  }
0xaa: {  	[dreg:$0x3] =	wrdreg s6  }
0xab: {  	[dreg:$0x4] =	wrdreg $0xC0  }
0xac: {  	_ =	task [dreg:s8], $0x5FFFF  }
0xad: {  	[dreg:$0x1] =	wrdreg $0xFFFFFFFF  }
0xae: {  	[dreg:$0x0] =	wrdreg $0x60  }
0xaf: {  	[dreg:$0x2] =	wrdreg s24  }
0xb0: {  	[dreg:$0x3] =	wrdreg s2  }
0xb1: {  	[dreg:$0x4] =	wrdreg s18  }
0xb2: {  	[dreg:$0x5] =	wrdreg $0x9  }
0xb3: {  	_ =	task.clear_ibuf [dreg:s8], $0x6FFFF;
	_ =	strace $0x90000046  }
0xb4: {  	s29 =	simm.s32 $0x9;
	_ =	strace $0x80000048  }
0xb5: {  	_ =	swait.ge [sflag:s29], $0x1  }
0xb6: {  	[sflag:s29] =	ssyncadd.s32 $0xFFFFFFFF  }
0xb7: {  	_ =	strace $0x90000048  }
0xb8: {  	_ =	sfence  }
0xb9: {  	s30 =	sld [smem:$0x0];
	_ =	sdelay $0x2  }
0xba: {  	s31 =	sshll.u32 s1, $0xD;
	s1 =	sshrl.u32 s1, $0x2  }
0xbb: {  	s3 =	sand.u32 $0x4000, s31;
	s1 =	sadd.s32 s1, s30  }
0xbc: {  	s0 =	sor.u32 s3, s0;
	s1 =	sshll.u32 s1, $0x11  }
0xbd: {  	s0 =	sor.u32 s1, s0  }
0xbe: {  	s0 =	sadd.s32 $0x8F2B, s0  }
0xbf: {  	[sflag:s0] =	ssyncadd.remote.s32 $0x1  }
0xc0: {  	_ =	sfence.sel $0xFFFF  }
0xc1: {  	[dreg:$0x0] =	wrdreg $0xFFFFFFFF;
	(pc) =	sbr.abs _section_cstart, $3  }
0xc2: {  	[dreg:$0x1] =	wrdreg $0xFFFFFFFF  }
0xc3: {  	_ =	task.clear_ibuf [dreg:s8], $0x2FFFF;
	_ =	strace $0x9FFFFFFF  }
0xc4: {  	(tm) =	ssettm $0x7FFFFFFF  }
0xc5: {  	_ =	shalt  }
tec
execute0_lowered:
.L_overlay_start_1:
0x0: {  	(tag) =	ssettag $0x1  }
0x1: {  	s0 =	rddreg [dreg:$0x0]  }
0x2: {  	s1 =	rddreg [dreg:$0x1];
	s3 =	simm.s32 $0x0;
	s4 =	stileid.u32;
	v0 =	vimm.s32 $0xEFCDAB89;
	v1 =	vimm.s32 $0x67452301;
	v2 =	vimm.s32 $0xDCFE98BA  }
0x3: {  	s2 =	srdreg.scid;
	v3 =	vimm.s32 $0x54761032;
	v4 =	vimm.s32 $0xBA98FEDC;
	s16 =	simm.s32 $0x1;
	s19 =	simm.s32 $0x480  }
0x4: {  	v5 =	vimm.s32 $0x32107654;
	s20 =	simm.s32 $0x600;
	s21 =	simm.s32 $0x680;
	s22 =	simm.s32 $0x700  }
0x5: {  	v6 =	vimm.s32 $0xFEDCBA98;
	s23 =	simm.s32 $0x780;
	s24 =	simm.s32 $0x800;
	s25 =	simm.s32 $0x890  }
0x6: {  	v7 =	vimm.s32 $0x76543210;
	s26 =	simm.s32 $0x920;
	s28 =	simm.s32 $0x9B0;
	s29 =	simm.s32 $0x0;
	v0 =	vunpack.c.l.s4.s8 v0;
	v1 =	vunpack.c.l.s4.s8 v1  }
0x7: {  	[smem:$0x7FF] =	sst s3;
	s4 =	sshll.u32 s4, $0x5;
	s2 =	sand.u32 $0x1, s2;
	v2 =	vunpack.c.l.s4.s8 v2;
	v3 =	vunpack.c.l.s4.s8 v3;
	v4 =	vunpack.c.l.s4.s8 v4  }
0x8: {  	v5 =	vunpack.c.l.s4.s8 v5;
	v6 =	vunpack.c.l.s4.s8 v6;
	v7 =	vunpack.c.l.s4.s8 v7;
	_ =	strace $0x80000047;
	s7 =	sand.u32 $0x180, s4;
	s5 =	sshll.u32 s2, $0x4  }
0x9: {  	s2 =	ssub.s32 $0x2, s2;
	s6 =	sadd.s32 s7, s0;
	s4 =	sor.u32 s5, s4;
	v0 =	vunpack.c.0.s8.s32 v0;
	v1 =	vunpack.c.0.s8.s32 v1;
	v2 =	vunpack.c.0.s8.s32 v2  }
0xa: {  	s31 =	sshrl.u32 s2, $0x1;
	s7 =	sadd.s32 s1, s7;
	v3 =	vunpack.c.0.s8.s32 v3;
	v4 =	vunpack.c.0.s8.s32 v4;
	v5 =	vunpack.c.0.s8.s32 v5;
	s0 =	sadd.s32 s4, s0  }
0xb: {  	s2 =	ssub.s32 s2, s31;
	s4 =	sadd.s32 $0x1400, s6;
	s5 =	sadd.s32 $0x1200, s6;
	v0 =	vcombine.low v1, v0;
	v1 =	vunpack.c.0.s8.s32 v6  }
0xc: {  	s6 =	sadd.s32 $0x1000, s6;
	s8 =	sadd.s32 $0xE00, s0;
	s9 =	sadd.s32 $0xC00, s0;
	v2 =	vcombine.low v3, v2;
	v3 =	vcombine.low v5, v4;
	v4 =	vunpack.c.0.s8.s32 v7  }
0xd: {  	s10 =	sadd.s32 $0xA00, s0;
	s11 =	sadd.s32 $0x1600, s0;
	s12 =	sadd.s32 $0x1800, s0;
	v0 =	vand.u32 $0xF, v0;
	v5 =	vand.u32 $0xF, v1  }
0xe: {  	s13 =	sadd.s32 $0x1A00, s0;
	s14 =	sadd.s32 $0x1C00, s0;
	s15 =	smax.u32 s2, $0x1;
	v1 =	vand.u32 $0xF, v2;
	v2 =	vand.u32 $0xF, v3;
	v3 =	vcombine.low v5, v4  }
.LBB2_1:
0xf: {  	[tilespmem:s3], [sflag:$0x1] =	stream.linear.gather [hbm4b:s4+s3], $0x180, $0x38;
	[tilespmem:$0xA80] =	vst v63  }
0x10: {  	_ =	swait.ge [sflag:s16], $0x180  }
0x11: {  	[sflag:s16] =	ssyncset.done $0x0  }
0x12: {  	s0 =	simm.s32 $0x180;
	[sflag:s16] =	ssyncadd.s32 $0xFFFFFE80  }
0x13: {  	[tilespmem:s0], [sflag:$0x1] =	stream.linear.gather [hbm4b:s5+s3], $0x180, $0x38;
	[tilespmem:$0xA80] =	vst v63  }
0x14: {  	_ =	swait.ge [sflag:s16], $0x180  }
0x15: {  	[sflag:s16] =	ssyncset.done $0x0  }
0x16: {  	s18 =	simm.s32 $0x300;
	[sflag:s16] =	ssyncadd.s32 $0xFFFFFE80  }
0x17: {  	[tilespmem:s18], [sflag:$0x1] =	stream.linear.gather [hbm4b:s6+s3], $0x180, $0x38;
	[tilespmem:$0xA80] =	vst v63  }
0x18: {  	_ =	swait.ge [sflag:s16], $0x180  }
0x19: {  	[sflag:s16] =	ssyncset.done $0x0  }
0x1a: {  	[sflag:s16] =	ssyncadd.s32 $0xFFFFFE80  }
0x1b: {  	[tilespmem:s19], [sflag:$0x1] =	stream.linear.gather [hbm4b:s7+s3], $0x180, $0x38;
	[tilespmem:$0xA80] =	vst v63  }
0x1c: {  	_ =	swait.ge [sflag:s16], $0x180  }
0x1d: {  	[sflag:s16] =	ssyncset.done $0x0  }
0x1e: {  	[sflag:s16] =	ssyncadd.s32 $0xFFFFFE80  }
0x1f: {  	[tilespmem:s20], [sflag:$0x1] =	stream.linear.gather [hbm4b:s8+s3], $0x80, $0x38;
	[tilespmem:$0xA80] =	vst v63  }
0x20: {  	_ =	swait.ge [sflag:s16], $0x80  }
0x21: {  	[sflag:s16] =	ssyncset.done $0x0  }
0x22: {  	[sflag:s16] =	ssyncadd.s32 $0xFFFFFF80  }
0x23: {  	[tilespmem:s21], [sflag:$0x1] =	stream.linear.gather [hbm4b:s9+s3], $0x80, $0x38;
	[tilespmem:$0xA80] =	vst v63  }
0x24: {  	_ =	swait.ge [sflag:s16], $0x80  }
0x25: {  	[sflag:s16] =	ssyncset.done $0x0  }
0x26: {  	[sflag:s16] =	ssyncadd.s32 $0xFFFFFF80  }
0x27: {  	[tilespmem:s22], [sflag:$0x1] =	stream.linear.gather [hbm4b:s10+s3], $0x80, $0x38;
	[tilespmem:$0xA80] =	vst v63  }
0x28: {  	_ =	swait.ge [sflag:s16], $0x80  }
0x29: {  	[sflag:s16] =	ssyncset.done $0x0  }
0x2a: {  	[sflag:s16] =	ssyncadd.s32 $0xFFFFFF80  }
0x2b: {  	s31 =	rddreg [dreg:$0x2]  }
0x2c: {  	[tilespmem:s23], [sflag:$0x1] =	stream.linear.gather [hbm4b:s31+s3], $0x80, $0x38;
	[tilespmem:$0xA80] =	vst v63  }
0x2d: {  	_ =	swait.ge [sflag:s16], $0x80  }
0x2e: {  	[sflag:s16] =	ssyncset.done $0x0  }
0x2f: {  	[sflag:s16] =	ssyncadd.s32 $0xFFFFFF80  }
0x30: {  	v6 =	vld [tilespmem:$0x7A0];
	_ =	sdelay $0x1  }
0x31: {  	v4 =	vld [tilespmem:$0x780]  }
0x32: {  	v5 =	vld [tilespmem:$0x790]  }
0x33: {  	s30 =	simm.s32 $0x0;
	v7 =	vld [tilespmem:$0x7B0]  }
.LBB2_2:
0x34: {  	s31 =	sshll.u32 s30, $0x4  }
0x35: {  	v8 =	vld [tilespmem:s31+$0x600]  }
0x36: {  	s0 =	simm.s32 $0x190;
	v10 =	vld [tilespmem:s31+$0x680]  }
0x37: {  	s1 =	simm.s32 $0x10;
	v17 =	vld [tilespmem:s0+$0xFFFFFFF0]  }
0x38: {  	v18 =	vld [tilespmem:s1+$0xFFFFFFF0]  }
0x39: {  	v9 =	vld [tilespmem:s31+$0x700]  }
0x3a: {  	s2 =	simm.s32 $0x310  }
0x3b: {  	v19 =	vld [tilespmem:s2+$0xFFFFFFF0];
	v11 =	vbroadcast v8, $0x1;
	v12 =	vbroadcast v10, $0x1;
	_ =	sdelay $0x1  }
0x3c: {  	v23 =	vld [tilespmem:s0+$0x0];
	v14 =	vsub.f32 v12, v17;
	v15 =	vsub.f32 v11, v18  }
0x3d: {  	v24 =	vld [tilespmem:s2+$0x0];
	v13 =	vbroadcast v9, $0x1  }
0x3e: {  	v16 =	vmul.f32 v14, v14;
	v22 =	vmul.f32 v15, v15  }
0x3f: {  	v20 =	vld [tilespmem:s1+$0x0];
	v21 =	vsub.f32 v13, v19;
	v14 =	vbroadcast v10, $0x0;
	v15 =	vbroadcast v9, $0x0  }
0x40: {  	v22 =	vadd.f32 v16, v22  }
0x41: {  	v21 =	vmul.f32 v21, v21;
	v17 =	vsub.f32 v14, v17;
	v19 =	vsub.f32 v15, v19  }
0x42: {  	v16 =	vbroadcast v8, $0x0;
	v25 =	vsub.f32 v14, v23;
	v27 =	vsub.f32 v15, v24  }
0x43: {  	v24 =	vsub.f32 v13, v24;
	v21 =	vadd.f32 v21, v22;
	v17 =	vmul.f32 v17, v17  }
0x44: {  	v22 =	vsub.f32 v11, v20;
	v20 =	vsub.f32 v16, v20;
	v19 =	vmul.f32 v19, v19  }
0x45: {  	v23 =	vsub.f32 v12, v23;
	v25 =	vmul.f32 v25, v25;
	v26 =	vmul.f32 v21, v7  }
0x46: {  	v27 =	vmul.f32 v27, v27;
	v18 =	vsub.f32 v16, v18;
	v20 =	vmul.f32 v20, v20  }
0x47: {  	v24 =	vmul.f32 v24, v24;
	v26 =	vmul.f32 $1.442695020e+00, v26  }
0x48: {  	v23 =	vmul.f32 v23, v23;
	v18 =	vmul.f32 v18, v18;
	v20 =	vadd.f32 v25, v20  }
0x49: {  	v22 =	vmul.f32 v22, v22;
	(erf) = vpow2.f32 v26  }
0x4a: {  	v17 =	vadd.f32 v17, v18;
	v26 =	vmul.f32 v21, v6;
	v25 =	vadd.f32 v27, v20  }
0x4b: {  	v20 =	vmul.f32 v21, v5;
	v21 =	vmul.f32 v21, v4  }
0x4c: {  	v17 =	vadd.f32 v19, v17;
	v26 =	vmul.f32 $1.442695020e+00, v26;
	v18 =	vmul.f32 v25, v4  }
0x4d: {  	v27 =	vmul.f32 v25, v7;
	v19 =	vmul.f32 $1.442695020e+00, v20  }
0x4e: {  	v28 =	vmul.f32 v25, v5;
	v29 =	vmul.f32 v17, v6  }
0x4f: {  	s0 =	simm.s32 $0x490;
	v22 =	vadd.f32 v23, v22;
	v21 =	vmul.f32 $1.442695020e+00, v21;
	v30 =	vmul.f32 v17, v4  }
0x50: {  	v20 =	vld [tilespmem:s0+$0xFFFFFFF0];
	v18 =	vmul.f32 $1.442695020e+00, v18;
	v23 =	vmul.f32 $1.442695020e+00, v28  }
0x51: {  	(erf) = vpow2.f32 v26;
	v26 =	vmul.f32 $1.442695020e+00, v29;
	v28 =	vadd.f32 v24, v22  }
0x52: {  	v22 =	vmul.f32 v17, v5;
	v29 =	vpop (erf);
	(erf) = vpow2.f32 v18  }
0x53: {  	v32 =	vmul.f32 v17, v7;
	v17 =	vmul.f32 v28, v4  }
0x54: {  	v24 =	vimm.f32 $0.0e+00;
	v31 =	vmul.f32 $1.442695020e+00, v22;
	v33 =	vmul.f32 v28, v5  }
0x55: {  	v22 =	vimm.f32 $0.0e+00;
	v18 =	vmul.f32 v29, v20;
	(erf) = vpow2.f32 v26  }
0x56: {  	v29 =	vmul.f32 $1.442695020e+00, v17;
	v26 =	vimm.f32 $0.0e+00;
	(erf) = vpow2.f32 v21  }
0x57: {  	v21 =	vmul.f32 $1.442695020e+00, v27;
	v27 =	vimm.f32 $0.0e+00;
	(erf) = vpow2.f32 v23  }
0x58: {  	s17 =	simm.s32 $0x1B0;
	v17 =	vimm.f32 $0.0e+00;
	v18 =	vadd.f32 v18, v27;
	(erf) = vpow2.f32 v19  }
0x59: {  	s18 =	simm.s32 $0x30;
	s1 =	simm.s32 $0x0;
	s2 =	simm.s32 $0x330;
	v23 =	vimm.f32 $0.0e+00;
	v19 =	vld [tilespmem:s0+$0x0];
	(erf) = vpow2.f32 v21;
	v21 =	vimm.f32 $0.0e+00  }
.LBB2_3:
0x5a: {  	v34 =	vld [tilespmem:s17+$0xFFFFFFF0];
	s1 =	sadd.s32 $0x2, s1;
	v32 =	vmul.f32 $1.442695020e+00, v32;
	v35 =	vmul.f32 v28, v6;
	s0 =	sadd.s32 $0x20, s0;
	v36 =	vpop (erf)  }
0x5b: {  	v37 =	vld [tilespmem:s2+$0x0];
	p0 =	slt.u32 s1, $0x16;
	v33 =	vmul.f32 $1.442695020e+00, v33;
	(erf) = vpow2.f32 v31;
	v31 =	vpop (erf)  }
0x5c: {  	v39 =	vmul.f32 v36, v20;
	v38 =	vld [tilespmem:s2+$0xFFFFFFF0];
	(erf) = vpow2.f32 v32  }
0x5d: {  	v35 =	vmul.f32 $1.442695020e+00, v35;
	v32 =	vld [tilespmem:s17+$0x0];
	(erf) = vpow2.f32 v33  }
0x5e: {  	v43 =	vmul.f32 $1.442695020e+00, v30;
	v27 =	vadd.f32 v39, v27;
	v33 =	vld [tilespmem:s18+$0xFFFFFFF0];
	v31 =	vmul.f32 v31, v19;
	v36 =	vpop (erf)  }
0x5f: {  	v25 =	vmul.f32 v25, v6;
	v28 =	vmul.f32 v28, v7;
	v39 =	vsub.f32 v14, v34;
	v40 =	vld [tilespmem:s18+$0x0];
	v41 =	vpop (erf)  }
0x60: {  	v34 =	vsub.f32 v12, v34;
	v41 =	vmul.f32 v41, v20;
	v42 =	vpop (erf);
	(erf) = vpow2.f32 v35  }
0x61: {  	v35 =	vmul.f32 v39, v39;
	(erf) = vpow2.f32 v43;
	v30 =	vpop (erf)  }
0x62: {  	v28 =	vmul.f32 $1.442695020e+00, v28;
	v39 =	vsub.f32 v15, v38;
	v34 =	vmul.f32 v34, v34;
	v43 =	vpop (erf)  }
0x63: {  	v25 =	vmul.f32 $1.442695020e+00, v25;
	v38 =	vsub.f32 v13, v38;
	v30 =	vmul.f32 v30, v20  }
0x64: {  	v39 =	vmul.f32 v39, v39;
	v44 =	vsub.f32 v11, v40;
	v45 =	vpop (erf);
	(erf) = vpow2.f32 v29  }
0x65: {  	v29 =	vmul.f32 v38, v38;
	v38 =	vsub.f32 v16, v40;
	v40 =	vpop (erf);
	(erf) = vpow2.f32 v28  }
0x66: {  	v28 =	vsub.f32 v11, v33;
	v44 =	vmul.f32 v44, v44;
	v40 =	vmul.f32 v40, v20;
	v46 =	vpop (erf)  }
0x67: {  	v47 =	vsub.f32 v15, v37;
	v45 =	vmul.f32 v45, v20;
	v38 =	vmul.f32 v38, v38  }
0x68: {  	v37 =	vsub.f32 v13, v37;
	v42 =	vmul.f32 v42, v19;
	v28 =	vmul.f32 v28, v28  }
0x69: {  	v48 =	vsub.f32 v14, v32;
	v47 =	vmul.f32 v47, v47;
	v26 =	vadd.f32 v30, v26;
	v30 =	vpop (erf)  }
0x6a: {  	v28 =	vadd.f32 v34, v28;
	v34 =	vmul.f32 v36, v20;
	v36 =	vmul.f32 v43, v19;
	v43 =	vpop (erf)  }
0x6b: {  	v32 =	vsub.f32 v12, v32;
	v37 =	vmul.f32 v37, v37;
	v20 =	vmul.f32 v43, v20  }
0x6c: {  	v28 =	vadd.f32 v29, v28;
	v29 =	vmul.f32 v48, v48;
	(erf) = vpow2.f32 v25  }
0x6d: {  	v32 =	vmul.f32 v32, v32;
	v33 =	vsub.f32 v16, v33;
	v43 =	vmul.f32 v46, v19;
	v46 =	vpop (erf)  }
0x6e: {  	v21 =	vadd.f32 v40, v21;
	v25 =	vmul.f32 v28, v7;
	v29 =	vadd.f32 v29, v38;
	v38 =	vpop (erf)  }
0x6f: {  	v24 =	vadd.f32 v41, v24;
	v30 =	vmul.f32 v30, v19;
	v40 =	vmul.f32 v28, v6  }
0x70: {  	v41 =	vmul.f32 $1.442695020e+00, v25;
	v25 =	vadd.f32 v47, v29;
	v29 =	vmul.f32 v38, v19  }
0x71: {  	v27 =	vadd.f32 v30, v27;
	v20 =	vadd.f32 v20, v22;
	v38 =	vmul.f32 $1.442695020e+00, v40  }
0x72: {  	v30 =	vmul.f32 v33, v33;
	v18 =	vadd.f32 v29, v18;
	(erf) = vpow2.f32 v41  }
0x73: {  	v22 =	vadd.f32 v31, v20;
	v29 =	vmul.f32 v28, v5;
	v33 =	vmul.f32 v25, v4  }
0x74: {  	v23 =	vadd.f32 v34, v23;
	v20 =	vadd.f32 v35, v30;
	v35 =	vmul.f32 v25, v7  }
0x75: {  	v21 =	vadd.f32 v36, v21;
	v30 =	vmul.f32 v46, v19;
	v28 =	vmul.f32 v28, v4;
	v31 =	vpop (erf)  }
0x76: {  	v17 =	vadd.f32 v45, v17;
	v34 =	vadd.f32 v39, v20;
	v36 =	vmul.f32 $1.442695020e+00, v29  }
0x77: {  	v29 =	vadd.f32 v32, v44;
	v32 =	vmul.f32 $1.442695020e+00, v33;
	v33 =	vmul.f32 v25, v5;
	v20 =	vld [tilespmem:s0+$0xFFFFFFF0]  }
0x78: {  	v17 =	vadd.f32 v42, v17;
	v39 =	vmul.f32 v34, v6;
	v40 =	vmul.f32 $1.442695020e+00, v28  }
0x79: {  	v24 =	vadd.f32 v30, v24;
	v33 =	vmul.f32 $1.442695020e+00, v33;
	v19 =	vmul.f32 v31, v19  }
0x7a: {  	v28 =	vadd.f32 v37, v29;
	v31 =	vmul.f32 $1.442695020e+00, v39;
	(erf) = vpow2.f32 v38  }
0x7b: {  	v26 =	vadd.f32 v43, v26;
	v23 =	vadd.f32 v19, v23;
	v29 =	vpop (erf);
	(erf) = vpow2.f32 v32  }
0x7c: {  	v30 =	vmul.f32 v34, v4;
	v19 =	vmul.f32 v29, v20  }
0x7d: {  	v32 =	vmul.f32 v34, v7;
	v29 =	vmul.f32 v34, v5  }
.Ltmp0:
0x7e: {  	v18 =	vadd.f32 v19, v18;
	v19 =	vmul.f32 v28, v4;
	(erf) = vpow2.f32 v31;
	(pc) =	sbr.rel @p0 .LBB2_3-.Ltmp0, $4  }
0x7f: {  	v31 =	vmul.f32 $1.442695020e+00, v29;
	(erf) = vpow2.f32 v40  }
0x80: {  	v34 =	vmul.f32 $1.442695020e+00, v35;
	(erf) = vpow2.f32 v33  }
0x81: {  	v29 =	vmul.f32 $1.442695020e+00, v19;
	(erf) = vpow2.f32 v36  }
0x82: {  	s2 =	sadd.s32 $0x20, s2;
	s17 =	sadd.s32 $0x20, s17;
	s18 =	sadd.s32 $0x20, s18;
	v33 =	vmul.f32 v28, v5;
	v19 =	vld [tilespmem:s0+$0x0];
	(erf) = vpow2.f32 v34  }
0x83: {  	v12 =	vmul.f32 v28, v6  }
0x84: {  	v11 =	vmul.f32 $1.442695020e+00, v32  }
0x85: {  	(erf) = vpow2.f32 v31;
	v13 =	vmul.f32 $1.442695020e+00, v33  }
0x86: {  	(erf) = vpow2.f32 v11;
	v11 =	vmul.f32 $1.442695020e+00, v12  }
0x87: {  	v12 =	vpop (erf);
	(erf) = vpow2.f32 v13;
	v13 =	vmul.f32 $1.442695020e+00, v30;
	_ =	sdelay $0x1  }
0x88: {  	v14 =	vpop (erf);
	(erf) = vpow2.f32 v11  }
0x89: {  	v11 =	vpop (erf);
	(erf) = vpow2.f32 v13  }
0x8a: {  	v13 =	vpop (erf)  }
0x8b: {  	v28 =	vmul.f32 v28, v7;
	v15 =	vpop (erf)  }
0x8c: {  	v16 =	vpop (erf)  }
0x8d: {  	v28 =	vmul.f32 $1.442695020e+00, v28;
	(erf) = vpow2.f32 v29;
	v30 =	vpop (erf)  }
0x8e: {  	v25 =	vmul.f32 v25, v6;
	v29 =	vpop (erf)  }
0x8f: {  	v31 =	vpop (erf)  }
0x90: {  	v25 =	vmul.f32 $1.442695020e+00, v25;
	v62 =	vpop (erf)  }
0x91: {  	(erf) = vpow2.f32 v28;
	v28 =	vpop (erf)  }
0x92: {  	v63 =	vpop (erf);
	(erf) = vpow2.f32 v25  }
0x93: {  	v12 =	vmul.f32 v12, v20;
	v25 =	vmul.f32 v63, v20  }
0x94: {  	v14 =	vmul.f32 v14, v19;
	v11 =	vmul.f32 v11, v20  }
0x95: {  	v13 =	vmul.f32 v13, v20;
	v16 =	vmul.f32 v16, v20;
	v22 =	vadd.f32 v25, v22  }
0x96: {  	v12 =	vadd.f32 v12, v27;
	v27 =	vmul.f32 v29, v20;
	v25 =	vmul.f32 v31, v20;
	v29 =	vpop (erf)  }
0x97: {  	v13 =	vadd.f32 v13, v24;
	v14 =	vadd.f32 v14, v22;
	v22 =	vmul.f32 v29, v19  }
0x98: {  	v11 =	vadd.f32 v11, v23;
	v15 =	vmul.f32 v15, v19  }
0x99: {  	v16 =	vadd.f32 v16, v26;
	v13 =	vadd.f32 v22, v13;
	v22 =	vperm.xlane v14, v0  }
0x9a: {  	v24 =	vmul.f32 v62, v19;
	v17 =	vadd.f32 v27, v17;
	v21 =	vadd.f32 v25, v21;
	v25 =	vpop (erf)  }
0x9b: {  	v26 =	vmul.f32 v28, v19;
	v27 =	vpop (erf);
	v14 =	vadd.f32 v22, v14;
	v22 =	vperm.xlane v13, v0  }
0x9c: {  	v15 =	vadd.f32 v15, v17;
	v16 =	vadd.f32 v24, v16;
	v17 =	vmul.f32 v27, v19  }
0x9d: {  	v20 =	vmul.f32 v30, v19;
	v13 =	vadd.f32 v22, v13;
	v22 =	vperm.xlane v14, v1  }
0x9e: {  	v19 =	vmul.f32 v25, v19;
	v11 =	vadd.f32 v17, v11;
	v17 =	vperm.xlane v15, v0  }
0x9f: {  	v14 =	vadd.f32 v22, v14;
	v22 =	vperm.xlane v13, v1  }
0xa0: {  	v18 =	vadd.f32 v19, v18;
	v15 =	vadd.f32 v17, v15;
	v17 =	vperm.xlane v16, v0  }
0xa1: {  	v23 =	vperm.xlane v11, v0;
	v13 =	vadd.f32 v22, v13;
	v19 =	vperm.xlane v14, v2  }
0xa2: {  	v12 =	vadd.f32 v26, v12;
	v16 =	vadd.f32 v17, v16;
	v17 =	vperm.xlane v15, v1  }
0xa3: {  	v11 =	vadd.f32 v23, v11;
	v23 =	vadd.f32 v19, v14;
	v14 =	vperm.xlane v13, v2  }
0xa4: {  	v19 =	vperm.xlane v12, v0;
	v15 =	vadd.f32 v17, v15;
	v17 =	vperm.xlane v16, v1  }
0xa5: {  	v22 =	vperm.xlane v11, v1;
	v24 =	vadd.f32 v14, v13;
	v13 =	vperm.xlane v23, v3  }
0xa6: {  	v12 =	vadd.f32 v19, v12;
	v14 =	vperm.xlane v15, v2  }
0xa7: {  	v11 =	vadd.f32 v22, v11;
	[tilespmem:$0x1FF10] =	vst v13;
	v13 =	vadd.f32 v17, v16;
	v17 =	vperm.xlane v24, v3  }
0xa8: {  	v16 =	vadd.f32 v20, v21  }
0xa9: {  	v20 =	vadd.f32 v14, v15;
	v15 =	vperm.xlane v11, v2;
	[tilespmem:$0x1FF30] =	vst v17;
	v17 =	vperm.xlane v12, v1  }
0xaa: {  	v14 =	vperm.xlane v13, v2  }
0xab: {  	v15 =	vadd.f32 v15, v11;
	v12 =	vadd.f32 v17, v12  }
0xac: {  	[tilespmem:$0x1FF40] =	vst v20;
	v17 =	vperm.xlane v16, v0;
	v21 =	vadd.f32 v14, v13;
	v13 =	vperm.xlane v20, v3  }
0xad: {  	s0 =	simm.s32 $0x190;
	v19 =	vperm.xlane v18, v0;
	[tilespmem:$0x1FF80] =	vst v15  }
0xae: {  	s1 =	simm.s32 $0x10;
	v20 =	vld [tilespmem:s0+$0xFFFFFFF0];
	v15 =	vperm.xlane v15, v3;
	[tilespmem:$0x1FF50] =	vst v13;
	v11 =	vperm.xlane v12, v2;
	v13 =	vadd.f32 v17, v16  }
0xaf: {  	v14 =	vadd.f32 v19, v18;
	v17 =	vld [tilespmem:s1+$0xFFFFFFF0];
	v16 =	vperm.xlane v21, v3  }
0xb0: {  	s2 =	simm.s32 $0x310;
	[tilespmem:$0x1FF90] =	vst v15;
	v19 =	vadd.f32 v11, v12;
	v15 =	vperm.xlane v13, v1  }
0xb1: {  	v18 =	vld [tilespmem:s2+$0xFFFFFFF0];
	[tilespmem:$0x1FF70] =	vst v16;
	v16 =	vperm.xlane v14, v1;
	v12 =	vbroadcast v10, $0x3  }
0xb2: {  	v11 =	vbroadcast v8, $0x3;
	[tilespmem:$0x1FFA0] =	vst v19;
	v19 =	vperm.xlane v19, v3;
	v15 =	vadd.f32 v15, v13  }
0xb3: {  	[tilespmem:$0x1FF60] =	vst v21;
	v14 =	vadd.f32 v16, v14;
	v16 =	vsub.f32 v12, v20  }
0xb4: {  	v13 =	vbroadcast v9, $0x3;
	[tilespmem:$0x1FFB0] =	vst v19;
	v19 =	vsub.f32 v11, v17;
	v21 =	vperm.xlane v15, v2  }
0xb5: {  	[tilespmem:$0x1FF00] =	vst v23;
	v23 =	vld [tilespmem:s1+$0x0];
	v22 =	vperm.xlane v14, v2;
	v16 =	vmul.f32 v16, v16  }
0xb6: {  	[tilespmem:$0x1FF20] =	vst v24;
	v24 =	vsub.f32 v13, v18;
	v19 =	vmul.f32 v19, v19;
	v25 =	vadd.f32 v21, v15;
	v21 =	vld [tilespmem:s0+$0x0]  }
0xb7: {  	v26 =	vadd.f32 v22, v14;
	v14 =	vbroadcast v10, $0x2;
	v15 =	vbroadcast v9, $0x2  }
0xb8: {  	v22 =	vld [tilespmem:s2+$0x0];
	v24 =	vmul.f32 v24, v24;
	v19 =	vadd.f32 v16, v19;
	v16 =	vperm.xlane v25, v3  }
0xb9: {  	[tilespmem:$0x1FFC0] =	vst v25;
	v20 =	vsub.f32 v14, v20;
	v25 =	vperm.xlane v26, v3  }
0xba: {  	v18 =	vsub.f32 v15, v18;
	[tilespmem:$0x1FFD0] =	vst v16;
	v16 =	vbroadcast v8, $0x2;
	v19 =	vadd.f32 v24, v19  }
0xbb: {  	[tilespmem:$0x1FFF0] =	vst v25;
	v20 =	vmul.f32 v20, v20;
	v24 =	vsub.f32 v11, v23;
	v25 =	vsub.f32 v14, v21  }
0xbc: {  	[tilespmem:$0x1FFE0] =	vst v26;
	v18 =	vmul.f32 v18, v18;
	v23 =	vsub.f32 v16, v23;
	v26 =	vmul.f32 v19, v7  }
0xbd: {  	v27 =	vsub.f32 v15, v22;
	v17 =	vsub.f32 v16, v17;
	v25 =	vmul.f32 v25, v25  }
0xbe: {  	v22 =	vsub.f32 v13, v22;
	v23 =	vmul.f32 v23, v23;
	v26 =	vmul.f32 $1.442695020e+00, v26  }
0xbf: {  	v21 =	vsub.f32 v12, v21;
	v27 =	vmul.f32 v27, v27;
	v17 =	vmul.f32 v17, v17  }
0xc0: {  	v23 =	vadd.f32 v25, v23;
	(erf) = vpow2.f32 v26;
	v26 =	vmul.f32 v19, v6  }
0xc1: {  	v24 =	vmul.f32 v24, v24;
	v22 =	vmul.f32 v22, v22;
	v17 =	vadd.f32 v20, v17  }
0xc2: {  	v21 =	vmul.f32 v21, v21;
	v25 =	vadd.f32 v27, v23;
	v23 =	vmul.f32 $1.442695020e+00, v26  }
0xc3: {  	v26 =	vmul.f32 v19, v5;
	v19 =	vmul.f32 v19, v4;
	v17 =	vadd.f32 v18, v17  }
0xc4: {  	v27 =	vmul.f32 v25, v4;
	v29 =	vmul.f32 v25, v7  }
0xc5: {  	v18 =	vmul.f32 $1.442695020e+00, v26;
	v28 =	vmul.f32 v17, v6  }
0xc6: {  	v19 =	vmul.f32 $1.442695020e+00, v19;
	(erf) = vpow2.f32 v23  }
0xc7: {  	v21 =	vadd.f32 v21, v24;
	v30 =	vmul.f32 v17, v4;
	v32 =	vmul.f32 v17, v7  }
0xc8: {  	v26 =	vmul.f32 $1.442695020e+00, v27;
	v27 =	vmul.f32 v25, v5  }
0xc9: {  	s0 =	simm.s32 $0x490;
	v23 =	vmul.f32 $1.442695020e+00, v28;
	v28 =	vadd.f32 v22, v21;
	v22 =	vmul.f32 v17, v5  }
0xca: {  	v20 =	vld [tilespmem:s0+$0xFFFFFFF0];
	v24 =	vmul.f32 $1.442695020e+00, v27;
	(erf) = vpow2.f32 v26  }
0xcb: {  	v17 =	vmul.f32 v28, v4;
	v31 =	vmul.f32 $1.442695020e+00, v22  }
0xcc: {  	v33 =	vmul.f32 v28, v5;
	(erf) = vpow2.f32 v23  }
0xcd: {  	v26 =	vimm.f32 $0.0e+00;
	v22 =	vimm.f32 $0.0e+00;
	(erf) = vpow2.f32 v19  }
0xce: {  	v23 =	vimm.f32 $0.0e+00;
	v27 =	vpop (erf);
	v19 =	vmul.f32 $1.442695020e+00, v29;
	v29 =	vmul.f32 $1.442695020e+00, v17  }
0xcf: {  	v17 =	vimm.f32 $0.0e+00;
	v21 =	vmul.f32 v27, v20;
	(erf) = vpow2.f32 v24  }
0xd0: {  	s17 =	simm.s32 $0x1B0;
	v27 =	vimm.f32 $0.0e+00;
	v24 =	vimm.f32 $0.0e+00;
	(erf) = vpow2.f32 v18  }
0xd1: {  	s18 =	simm.s32 $0x30;
	s1 =	simm.s32 $0x0;
	s2 =	simm.s32 $0x330;
	v18 =	vadd.f32 v21, v27;
	(erf) = vpow2.f32 v19;
	v21 =	vimm.f32 $0.0e+00;
	v19 =	vld [tilespmem:s0+$0x0]  }
.LBB2_5:
0xd2: {  	v34 =	vld [tilespmem:s17+$0xFFFFFFF0];
	s1 =	sadd.s32 $0x2, s1;
	v32 =	vmul.f32 $1.442695020e+00, v32;
	v35 =	vmul.f32 v28, v6;
	s0 =	sadd.s32 $0x20, s0;
	v36 =	vpop (erf)  }
0xd3: {  	v37 =	vld [tilespmem:s2+$0x0];
	p0 =	slt.u32 s1, $0x16;
	v33 =	vmul.f32 $1.442695020e+00, v33;
	(erf) = vpow2.f32 v31;
	v31 =	vpop (erf)  }
0xd4: {  	v39 =	vmul.f32 v36, v20;
	v38 =	vld [tilespmem:s2+$0xFFFFFFF0];
	(erf) = vpow2.f32 v32  }
0xd5: {  	v35 =	vmul.f32 $1.442695020e+00, v35;
	v32 =	vld [tilespmem:s17+$0x0];
	(erf) = vpow2.f32 v33  }
0xd6: {  	v43 =	vmul.f32 $1.442695020e+00, v30;
	v27 =	vadd.f32 v39, v27;
	v33 =	vld [tilespmem:s18+$0xFFFFFFF0];
	v31 =	vmul.f32 v31, v19;
	v36 =	vpop (erf)  }
0xd7: {  	v25 =	vmul.f32 v25, v6;
	v28 =	vmul.f32 v28, v7;
	v39 =	vsub.f32 v14, v34;
	v40 =	vld [tilespmem:s18+$0x0];
	v41 =	vpop (erf)  }
0xd8: {  	v34 =	vsub.f32 v12, v34;
	v41 =	vmul.f32 v41, v20;
	v42 =	vpop (erf);
	(erf) = vpow2.f32 v35  }
0xd9: {  	v35 =	vmul.f32 v39, v39;
	(erf) = vpow2.f32 v43;
	v30 =	vpop (erf)  }
0xda: {  	v28 =	vmul.f32 $1.442695020e+00, v28;
	v39 =	vsub.f32 v15, v38;
	v34 =	vmul.f32 v34, v34;
	v43 =	vpop (erf)  }
0xdb: {  	v25 =	vmul.f32 $1.442695020e+00, v25;
	v38 =	vsub.f32 v13, v38;
	v30 =	vmul.f32 v30, v20  }
0xdc: {  	v39 =	vmul.f32 v39, v39;
	v44 =	vsub.f32 v11, v40;
	v45 =	vpop (erf);
	(erf) = vpow2.f32 v29  }
0xdd: {  	v29 =	vmul.f32 v38, v38;
	v38 =	vsub.f32 v16, v40;
	v40 =	vpop (erf);
	(erf) = vpow2.f32 v28  }
0xde: {  	v28 =	vsub.f32 v11, v33;
	v44 =	vmul.f32 v44, v44;
	v40 =	vmul.f32 v40, v20;
	v46 =	vpop (erf)  }
0xdf: {  	v47 =	vsub.f32 v15, v37;
	v45 =	vmul.f32 v45, v20;
	v38 =	vmul.f32 v38, v38  }
0xe0: {  	v37 =	vsub.f32 v13, v37;
	v42 =	vmul.f32 v42, v19;
	v28 =	vmul.f32 v28, v28  }
0xe1: {  	v48 =	vsub.f32 v14, v32;
	v47 =	vmul.f32 v47, v47;
	v26 =	vadd.f32 v30, v26;
	v30 =	vpop (erf)  }
0xe2: {  	v28 =	vadd.f32 v34, v28;
	v34 =	vmul.f32 v36, v20;
	v36 =	vmul.f32 v43, v19;
	v43 =	vpop (erf)  }
0xe3: {  	v32 =	vsub.f32 v12, v32;
	v37 =	vmul.f32 v37, v37;
	v20 =	vmul.f32 v43, v20  }
0xe4: {  	v28 =	vadd.f32 v29, v28;
	v29 =	vmul.f32 v48, v48;
	(erf) = vpow2.f32 v25  }
0xe5: {  	v32 =	vmul.f32 v32, v32;
	v33 =	vsub.f32 v16, v33;
	v43 =	vmul.f32 v46, v19;
	v46 =	vpop (erf)  }
0xe6: {  	v21 =	vadd.f32 v40, v21;
	v25 =	vmul.f32 v28, v7;
	v29 =	vadd.f32 v29, v38;
	v38 =	vpop (erf)  }
0xe7: {  	v24 =	vadd.f32 v41, v24;
	v30 =	vmul.f32 v30, v19;
	v40 =	vmul.f32 v28, v6  }
0xe8: {  	v41 =	vmul.f32 $1.442695020e+00, v25;
	v25 =	vadd.f32 v47, v29;
	v29 =	vmul.f32 v38, v19  }
0xe9: {  	v27 =	vadd.f32 v30, v27;
	v20 =	vadd.f32 v20, v22;
	v38 =	vmul.f32 $1.442695020e+00, v40  }
0xea: {  	v30 =	vmul.f32 v33, v33;
	v18 =	vadd.f32 v29, v18;
	(erf) = vpow2.f32 v41  }
0xeb: {  	v22 =	vadd.f32 v31, v20;
	v29 =	vmul.f32 v28, v5;
	v33 =	vmul.f32 v25, v4  }
0xec: {  	v23 =	vadd.f32 v34, v23;
	v20 =	vadd.f32 v35, v30;
	v35 =	vmul.f32 v25, v7  }
0xed: {  	v21 =	vadd.f32 v36, v21;
	v30 =	vmul.f32 v46, v19;
	v28 =	vmul.f32 v28, v4;
	v31 =	vpop (erf)  }
0xee: {  	v17 =	vadd.f32 v45, v17;
	v34 =	vadd.f32 v39, v20;
	v36 =	vmul.f32 $1.442695020e+00, v29  }
0xef: {  	v29 =	vadd.f32 v32, v44;
	v32 =	vmul.f32 $1.442695020e+00, v33;
	v33 =	vmul.f32 v25, v5;
	v20 =	vld [tilespmem:s0+$0xFFFFFFF0]  }
0xf0: {  	v17 =	vadd.f32 v42, v17;
	v39 =	vmul.f32 v34, v6;
	v40 =	vmul.f32 $1.442695020e+00, v28  }
0xf1: {  	v24 =	vadd.f32 v30, v24;
	v33 =	vmul.f32 $1.442695020e+00, v33;
	v19 =	vmul.f32 v31, v19  }
0xf2: {  	v28 =	vadd.f32 v37, v29;
	v31 =	vmul.f32 $1.442695020e+00, v39;
	(erf) = vpow2.f32 v38  }
0xf3: {  	v26 =	vadd.f32 v43, v26;
	v23 =	vadd.f32 v19, v23;
	v29 =	vpop (erf);
	(erf) = vpow2.f32 v32  }
0xf4: {  	v30 =	vmul.f32 v34, v4;
	v19 =	vmul.f32 v29, v20  }
0xf5: {  	v32 =	vmul.f32 v34, v7;
	v29 =	vmul.f32 v34, v5  }
.Ltmp1:
0xf6: {  	v18 =	vadd.f32 v19, v18;
	v19 =	vmul.f32 v28, v4;
	(erf) = vpow2.f32 v31;
	(pc) =	sbr.rel @p0 .LBB2_5-.Ltmp1, $4  }
0xf7: {  	v31 =	vmul.f32 $1.442695020e+00, v29;
	(erf) = vpow2.f32 v40  }
0xf8: {  	v34 =	vmul.f32 $1.442695020e+00, v35;
	(erf) = vpow2.f32 v33  }
0xf9: {  	v29 =	vmul.f32 $1.442695020e+00, v19;
	(erf) = vpow2.f32 v36  }
0xfa: {  	s2 =	sadd.s32 $0x20, s2;
	s17 =	sadd.s32 $0x20, s17;
	s18 =	sadd.s32 $0x20, s18;
	v33 =	vmul.f32 v28, v5;
	v19 =	vld [tilespmem:s0+$0x0];
	(erf) = vpow2.f32 v34  }
0xfb: {  	v12 =	vmul.f32 v28, v6  }
0xfc: {  	v11 =	vmul.f32 $1.442695020e+00, v32  }
0xfd: {  	(erf) = vpow2.f32 v31;
	v13 =	vmul.f32 $1.442695020e+00, v33  }
0xfe: {  	(erf) = vpow2.f32 v11;
	v11 =	vmul.f32 $1.442695020e+00, v12  }
0xff: {  	v12 =	vpop (erf);
	(erf) = vpow2.f32 v13;
	v13 =	vmul.f32 $1.442695020e+00, v30;
	_ =	sdelay $0x1  }
0x100: {  	v14 =	vpop (erf);
	(erf) = vpow2.f32 v11  }
0x101: {  	v11 =	vpop (erf);
	(erf) = vpow2.f32 v13  }
0x102: {  	v13 =	vpop (erf)  }
0x103: {  	v28 =	vmul.f32 v28, v7;
	v15 =	vpop (erf)  }
0x104: {  	v16 =	vpop (erf)  }
0x105: {  	v28 =	vmul.f32 $1.442695020e+00, v28;
	(erf) = vpow2.f32 v29;
	v30 =	vpop (erf)  }
0x106: {  	v25 =	vmul.f32 v25, v6;
	v29 =	vpop (erf)  }
0x107: {  	v31 =	vpop (erf)  }
0x108: {  	v25 =	vmul.f32 $1.442695020e+00, v25;
	v62 =	vpop (erf)  }
0x109: {  	(erf) = vpow2.f32 v28;
	v28 =	vpop (erf)  }
0x10a: {  	v63 =	vpop (erf);
	(erf) = vpow2.f32 v25  }
0x10b: {  	v12 =	vmul.f32 v12, v20;
	v25 =	vmul.f32 v63, v20  }
0x10c: {  	v14 =	vmul.f32 v14, v19;
	v11 =	vmul.f32 v11, v20  }
0x10d: {  	v13 =	vmul.f32 v13, v20;
	v16 =	vmul.f32 v16, v20;
	v22 =	vadd.f32 v25, v22  }
0x10e: {  	v12 =	vadd.f32 v12, v27;
	v27 =	vmul.f32 v29, v20;
	v25 =	vmul.f32 v31, v20;
	v29 =	vpop (erf)  }
0x10f: {  	v13 =	vadd.f32 v13, v24;
	v14 =	vadd.f32 v14, v22;
	v22 =	vmul.f32 v29, v19  }
0x110: {  	v11 =	vadd.f32 v11, v23;
	v15 =	vmul.f32 v15, v19  }
0x111: {  	v16 =	vadd.f32 v16, v26;
	v13 =	vadd.f32 v22, v13;
	v22 =	vperm.xlane v14, v0  }
0x112: {  	v24 =	vmul.f32 v62, v19;
	v17 =	vadd.f32 v27, v17;
	v21 =	vadd.f32 v25, v21;
	v25 =	vpop (erf)  }
0x113: {  	v26 =	vmul.f32 v28, v19;
	v27 =	vpop (erf);
	v14 =	vadd.f32 v22, v14;
	v22 =	vperm.xlane v13, v0  }
0x114: {  	v15 =	vadd.f32 v15, v17;
	v16 =	vadd.f32 v24, v16;
	v17 =	vmul.f32 v27, v19  }
0x115: {  	v20 =	vmul.f32 v30, v19;
	v13 =	vadd.f32 v22, v13;
	v22 =	vperm.xlane v14, v1  }
0x116: {  	v19 =	vmul.f32 v25, v19;
	v11 =	vadd.f32 v17, v11;
	v17 =	vperm.xlane v15, v0  }
0x117: {  	v14 =	vadd.f32 v22, v14;
	v22 =	vperm.xlane v13, v1  }
0x118: {  	v18 =	vadd.f32 v19, v18;
	v15 =	vadd.f32 v17, v15;
	v17 =	vperm.xlane v16, v0  }
0x119: {  	v23 =	vperm.xlane v11, v0;
	v13 =	vadd.f32 v22, v13;
	v19 =	vperm.xlane v14, v2  }
0x11a: {  	v12 =	vadd.f32 v26, v12;
	v16 =	vadd.f32 v17, v16;
	v17 =	vperm.xlane v15, v1  }
0x11b: {  	v11 =	vadd.f32 v23, v11;
	v23 =	vadd.f32 v19, v14;
	v14 =	vperm.xlane v13, v2  }
0x11c: {  	v19 =	vperm.xlane v12, v0;
	v15 =	vadd.f32 v17, v15;
	v17 =	vperm.xlane v16, v1  }
0x11d: {  	v22 =	vperm.xlane v11, v1;
	v24 =	vadd.f32 v14, v13;
	v13 =	vperm.xlane v23, v3  }
0x11e: {  	v12 =	vadd.f32 v19, v12;
	v14 =	vperm.xlane v15, v2  }
0x11f: {  	v11 =	vadd.f32 v22, v11;
	[tilespmem:$0x1FE10] =	vst v13;
	v13 =	vadd.f32 v17, v16;
	v17 =	vperm.xlane v24, v3  }
0x120: {  	v16 =	vadd.f32 v20, v21  }
0x121: {  	v20 =	vadd.f32 v14, v15;
	v15 =	vperm.xlane v11, v2;
	[tilespmem:$0x1FE30] =	vst v17;
	v17 =	vperm.xlane v12, v1  }
0x122: {  	v14 =	vperm.xlane v13, v2  }
0x123: {  	v15 =	vadd.f32 v15, v11;
	v12 =	vadd.f32 v17, v12  }
0x124: {  	[tilespmem:$0x1FE40] =	vst v20;
	v17 =	vperm.xlane v16, v0;
	v21 =	vadd.f32 v14, v13;
	v13 =	vperm.xlane v20, v3  }
0x125: {  	s0 =	simm.s32 $0x190;
	v19 =	vperm.xlane v18, v0;
	[tilespmem:$0x1FE80] =	vst v15  }
0x126: {  	s1 =	simm.s32 $0x10;
	v20 =	vld [tilespmem:s0+$0xFFFFFFF0];
	v15 =	vperm.xlane v15, v3;
	[tilespmem:$0x1FE50] =	vst v13;
	v11 =	vperm.xlane v12, v2;
	v13 =	vadd.f32 v17, v16  }
0x127: {  	v14 =	vadd.f32 v19, v18;
	v17 =	vld [tilespmem:s1+$0xFFFFFFF0];
	v16 =	vperm.xlane v21, v3  }
0x128: {  	s2 =	simm.s32 $0x310;
	[tilespmem:$0x1FE90] =	vst v15;
	v19 =	vadd.f32 v11, v12;
	v15 =	vperm.xlane v13, v1  }
0x129: {  	v18 =	vld [tilespmem:s2+$0xFFFFFFF0];
	[tilespmem:$0x1FE70] =	vst v16;
	v16 =	vperm.xlane v14, v1;
	v12 =	vbroadcast v10, $0x5  }
0x12a: {  	v11 =	vbroadcast v8, $0x5;
	[tilespmem:$0x1FEA0] =	vst v19;
	v19 =	vperm.xlane v19, v3;
	v15 =	vadd.f32 v15, v13  }
0x12b: {  	[tilespmem:$0x1FE60] =	vst v21;
	v14 =	vadd.f32 v16, v14;
	v16 =	vsub.f32 v12, v20  }
0x12c: {  	v13 =	vbroadcast v9, $0x5;
	[tilespmem:$0x1FEB0] =	vst v19;
	v19 =	vsub.f32 v11, v17;
	v21 =	vperm.xlane v15, v2  }
0x12d: {  	[tilespmem:$0x1FE00] =	vst v23;
	v23 =	vld [tilespmem:s1+$0x0];
	v22 =	vperm.xlane v14, v2;
	v16 =	vmul.f32 v16, v16  }
0x12e: {  	[tilespmem:$0x1FE20] =	vst v24;
	v24 =	vsub.f32 v13, v18;
	v19 =	vmul.f32 v19, v19;
	v26 =	vadd.f32 v21, v15;
	v21 =	vld [tilespmem:s0+$0x0]  }
0x12f: {  	v25 =	vadd.f32 v22, v14;
	v14 =	vbroadcast v10, $0x4;
	v15 =	vbroadcast v9, $0x4  }
0x130: {  	v22 =	vld [tilespmem:s2+$0x0];
	v24 =	vmul.f32 v24, v24;
	v19 =	vadd.f32 v16, v19;
	v16 =	vperm.xlane v26, v3  }
0x131: {  	v20 =	vsub.f32 v14, v20;
	[tilespmem:$0x1FEE0] =	vst v25;
	v25 =	vperm.xlane v25, v3  }
0x132: {  	v18 =	vsub.f32 v15, v18;
	[tilespmem:$0x1FED0] =	vst v16;
	v16 =	vbroadcast v8, $0x4;
	v19 =	vadd.f32 v24, v19  }
0x133: {  	[tilespmem:$0x1FEF0] =	vst v25;
	v20 =	vmul.f32 v20, v20;
	v24 =	vsub.f32 v11, v23;
	v25 =	vsub.f32 v14, v21  }
0x134: {  	[tilespmem:$0x1FEC0] =	vst v26;
	v18 =	vmul.f32 v18, v18;
	v23 =	vsub.f32 v16, v23;
	v26 =	vmul.f32 v19, v7  }
0x135: {  	v27 =	vsub.f32 v15, v22;
	v17 =	vsub.f32 v16, v17;
	v25 =	vmul.f32 v25, v25  }
0x136: {  	v22 =	vsub.f32 v13, v22;
	v23 =	vmul.f32 v23, v23;
	v26 =	vmul.f32 $1.442695020e+00, v26  }
0x137: {  	v21 =	vsub.f32 v12, v21;
	v27 =	vmul.f32 v27, v27;
	v17 =	vmul.f32 v17, v17  }
0x138: {  	v23 =	vadd.f32 v25, v23;
	(erf) = vpow2.f32 v26;
	v26 =	vmul.f32 v19, v6  }
0x139: {  	v24 =	vmul.f32 v24, v24;
	v22 =	vmul.f32 v22, v22;
	v17 =	vadd.f32 v20, v17  }
0x13a: {  	v21 =	vmul.f32 v21, v21;
	v25 =	vadd.f32 v27, v23;
	v23 =	vmul.f32 $1.442695020e+00, v26  }
0x13b: {  	v26 =	vmul.f32 v19, v5;
	v19 =	vmul.f32 v19, v4;
	v17 =	vadd.f32 v18, v17  }
0x13c: {  	v27 =	vmul.f32 v25, v4;
	v29 =	vmul.f32 v25, v7  }
0x13d: {  	v18 =	vmul.f32 $1.442695020e+00, v26;
	v28 =	vmul.f32 v17, v6  }
0x13e: {  	v19 =	vmul.f32 $1.442695020e+00, v19;
	(erf) = vpow2.f32 v23  }
0x13f: {  	v21 =	vadd.f32 v21, v24;
	v30 =	vmul.f32 v17, v4;
	v32 =	vmul.f32 v17, v7  }
0x140: {  	v26 =	vmul.f32 $1.442695020e+00, v27;
	v27 =	vmul.f32 v25, v5  }
0x141: {  	s0 =	simm.s32 $0x490;
	v23 =	vmul.f32 $1.442695020e+00, v28;
	v28 =	vadd.f32 v22, v21;
	v22 =	vmul.f32 v17, v5  }
0x142: {  	v20 =	vld [tilespmem:s0+$0xFFFFFFF0];
	v24 =	vmul.f32 $1.442695020e+00, v27;
	(erf) = vpow2.f32 v26  }
0x143: {  	v17 =	vmul.f32 v28, v4;
	v31 =	vmul.f32 $1.442695020e+00, v22  }
0x144: {  	v33 =	vmul.f32 v28, v5;
	(erf) = vpow2.f32 v23  }
0x145: {  	v26 =	vimm.f32 $0.0e+00;
	v22 =	vimm.f32 $0.0e+00;
	(erf) = vpow2.f32 v19  }
0x146: {  	v23 =	vimm.f32 $0.0e+00;
	v27 =	vpop (erf);
	v19 =	vmul.f32 $1.442695020e+00, v29;
	v29 =	vmul.f32 $1.442695020e+00, v17  }
0x147: {  	v17 =	vimm.f32 $0.0e+00;
	v21 =	vmul.f32 v27, v20;
	(erf) = vpow2.f32 v24  }
0x148: {  	s17 =	simm.s32 $0x1B0;
	v27 =	vimm.f32 $0.0e+00;
	v24 =	vimm.f32 $0.0e+00;
	(erf) = vpow2.f32 v18  }
0x149: {  	s18 =	simm.s32 $0x30;
	s1 =	simm.s32 $0x0;
	s2 =	simm.s32 $0x330;
	v18 =	vadd.f32 v21, v27;
	(erf) = vpow2.f32 v19;
	v21 =	vimm.f32 $0.0e+00;
	v19 =	vld [tilespmem:s0+$0x0]  }
.LBB2_7:
0x14a: {  	v34 =	vld [tilespmem:s17+$0xFFFFFFF0];
	s1 =	sadd.s32 $0x2, s1;
	v32 =	vmul.f32 $1.442695020e+00, v32;
	v35 =	vmul.f32 v28, v6;
	s0 =	sadd.s32 $0x20, s0;
	v36 =	vpop (erf)  }
0x14b: {  	v37 =	vld [tilespmem:s2+$0x0];
	p0 =	slt.u32 s1, $0x16;
	v33 =	vmul.f32 $1.442695020e+00, v33;
	(erf) = vpow2.f32 v31;
	v31 =	vpop (erf)  }
0x14c: {  	v39 =	vmul.f32 v36, v20;
	v38 =	vld [tilespmem:s2+$0xFFFFFFF0];
	(erf) = vpow2.f32 v32  }
0x14d: {  	v35 =	vmul.f32 $1.442695020e+00, v35;
	v32 =	vld [tilespmem:s17+$0x0];
	(erf) = vpow2.f32 v33  }
0x14e: {  	v43 =	vmul.f32 $1.442695020e+00, v30;
	v27 =	vadd.f32 v39, v27;
	v33 =	vld [tilespmem:s18+$0xFFFFFFF0];
	v31 =	vmul.f32 v31, v19;
	v36 =	vpop (erf)  }
0x14f: {  	v25 =	vmul.f32 v25, v6;
	v28 =	vmul.f32 v28, v7;
	v39 =	vsub.f32 v14, v34;
	v40 =	vld [tilespmem:s18+$0x0];
	v41 =	vpop (erf)  }
0x150: {  	v34 =	vsub.f32 v12, v34;
	v41 =	vmul.f32 v41, v20;
	v42 =	vpop (erf);
	(erf) = vpow2.f32 v35  }
0x151: {  	v35 =	vmul.f32 v39, v39;
	(erf) = vpow2.f32 v43;
	v30 =	vpop (erf)  }
0x152: {  	v28 =	vmul.f32 $1.442695020e+00, v28;
	v39 =	vsub.f32 v15, v38;
	v34 =	vmul.f32 v34, v34;
	v43 =	vpop (erf)  }
0x153: {  	v25 =	vmul.f32 $1.442695020e+00, v25;
	v38 =	vsub.f32 v13, v38;
	v30 =	vmul.f32 v30, v20  }
0x154: {  	v39 =	vmul.f32 v39, v39;
	v44 =	vsub.f32 v11, v40;
	v45 =	vpop (erf);
	(erf) = vpow2.f32 v29  }
0x155: {  	v29 =	vmul.f32 v38, v38;
	v38 =	vsub.f32 v16, v40;
	v40 =	vpop (erf);
	(erf) = vpow2.f32 v28  }
0x156: {  	v28 =	vsub.f32 v11, v33;
	v44 =	vmul.f32 v44, v44;
	v40 =	vmul.f32 v40, v20;
	v46 =	vpop (erf)  }
0x157: {  	v47 =	vsub.f32 v15, v37;
	v45 =	vmul.f32 v45, v20;
	v38 =	vmul.f32 v38, v38  }
0x158: {  	v37 =	vsub.f32 v13, v37;
	v42 =	vmul.f32 v42, v19;
	v28 =	vmul.f32 v28, v28  }
0x159: {  	v48 =	vsub.f32 v14, v32;
	v47 =	vmul.f32 v47, v47;
	v26 =	vadd.f32 v30, v26;
	v30 =	vpop (erf)  }
0x15a: {  	v28 =	vadd.f32 v34, v28;
	v34 =	vmul.f32 v36, v20;
	v36 =	vmul.f32 v43, v19;
	v43 =	vpop (erf)  }
0x15b: {  	v32 =	vsub.f32 v12, v32;
	v37 =	vmul.f32 v37, v37;
	v20 =	vmul.f32 v43, v20  }
0x15c: {  	v28 =	vadd.f32 v29, v28;
	v29 =	vmul.f32 v48, v48;
	(erf) = vpow2.f32 v25  }
0x15d: {  	v32 =	vmul.f32 v32, v32;
	v33 =	vsub.f32 v16, v33;
	v43 =	vmul.f32 v46, v19;
	v46 =	vpop (erf)  }
0x15e: {  	v21 =	vadd.f32 v40, v21;
	v25 =	vmul.f32 v28, v7;
	v29 =	vadd.f32 v29, v38;
	v38 =	vpop (erf)  }
0x15f: {  	v24 =	vadd.f32 v41, v24;
	v30 =	vmul.f32 v30, v19;
	v40 =	vmul.f32 v28, v6  }
0x160: {  	v41 =	vmul.f32 $1.442695020e+00, v25;
	v25 =	vadd.f32 v47, v29;
	v29 =	vmul.f32 v38, v19  }
0x161: {  	v27 =	vadd.f32 v30, v27;
	v20 =	vadd.f32 v20, v22;
	v38 =	vmul.f32 $1.442695020e+00, v40  }
0x162: {  	v30 =	vmul.f32 v33, v33;
	v18 =	vadd.f32 v29, v18;
	(erf) = vpow2.f32 v41  }
0x163: {  	v22 =	vadd.f32 v31, v20;
	v29 =	vmul.f32 v28, v5;
	v33 =	vmul.f32 v25, v4  }
0x164: {  	v23 =	vadd.f32 v34, v23;
	v20 =	vadd.f32 v35, v30;
	v35 =	vmul.f32 v25, v7  }
0x165: {  	v21 =	vadd.f32 v36, v21;
	v30 =	vmul.f32 v46, v19;
	v28 =	vmul.f32 v28, v4;
	v31 =	vpop (erf)  }
0x166: {  	v17 =	vadd.f32 v45, v17;
	v34 =	vadd.f32 v39, v20;
	v36 =	vmul.f32 $1.442695020e+00, v29  }
0x167: {  	v29 =	vadd.f32 v32, v44;
	v32 =	vmul.f32 $1.442695020e+00, v33;
	v33 =	vmul.f32 v25, v5;
	v20 =	vld [tilespmem:s0+$0xFFFFFFF0]  }
0x168: {  	v17 =	vadd.f32 v42, v17;
	v39 =	vmul.f32 v34, v6;
	v40 =	vmul.f32 $1.442695020e+00, v28  }
0x169: {  	v24 =	vadd.f32 v30, v24;
	v33 =	vmul.f32 $1.442695020e+00, v33;
	v19 =	vmul.f32 v31, v19  }
0x16a: {  	v28 =	vadd.f32 v37, v29;
	v31 =	vmul.f32 $1.442695020e+00, v39;
	(erf) = vpow2.f32 v38  }
0x16b: {  	v26 =	vadd.f32 v43, v26;
	v23 =	vadd.f32 v19, v23;
	v29 =	vpop (erf);
	(erf) = vpow2.f32 v32  }
0x16c: {  	v30 =	vmul.f32 v34, v4;
	v19 =	vmul.f32 v29, v20  }
0x16d: {  	v32 =	vmul.f32 v34, v7;
	v29 =	vmul.f32 v34, v5  }
.Ltmp2:
0x16e: {  	v18 =	vadd.f32 v19, v18;
	v19 =	vmul.f32 v28, v4;
	(erf) = vpow2.f32 v31;
	(pc) =	sbr.rel @p0 .LBB2_7-.Ltmp2, $4  }
0x16f: {  	v31 =	vmul.f32 $1.442695020e+00, v29;
	(erf) = vpow2.f32 v40  }
0x170: {  	v34 =	vmul.f32 $1.442695020e+00, v35;
	(erf) = vpow2.f32 v33  }
0x171: {  	v29 =	vmul.f32 $1.442695020e+00, v19;
	(erf) = vpow2.f32 v36  }
0x172: {  	s2 =	sadd.s32 $0x20, s2;
	s17 =	sadd.s32 $0x20, s17;
	s18 =	sadd.s32 $0x20, s18;
	v33 =	vmul.f32 v28, v5;
	v19 =	vld [tilespmem:s0+$0x0];
	(erf) = vpow2.f32 v34  }
0x173: {  	v12 =	vmul.f32 v28, v6  }
0x174: {  	v11 =	vmul.f32 $1.442695020e+00, v32  }
0x175: {  	(erf) = vpow2.f32 v31;
	v13 =	vmul.f32 $1.442695020e+00, v33  }
0x176: {  	(erf) = vpow2.f32 v11;
	v11 =	vmul.f32 $1.442695020e+00, v12  }
0x177: {  	v12 =	vpop (erf);
	(erf) = vpow2.f32 v13;
	v13 =	vmul.f32 $1.442695020e+00, v30;
	_ =	sdelay $0x1  }
0x178: {  	v14 =	vpop (erf);
	(erf) = vpow2.f32 v11  }
0x179: {  	v11 =	vpop (erf);
	(erf) = vpow2.f32 v13  }
0x17a: {  	v13 =	vpop (erf)  }
0x17b: {  	v28 =	vmul.f32 v28, v7;
	v15 =	vpop (erf)  }
0x17c: {  	v16 =	vpop (erf)  }
0x17d: {  	v28 =	vmul.f32 $1.442695020e+00, v28;
	(erf) = vpow2.f32 v29;
	v30 =	vpop (erf)  }
0x17e: {  	v25 =	vmul.f32 v25, v6;
	v29 =	vpop (erf)  }
0x17f: {  	v31 =	vpop (erf)  }
0x180: {  	v25 =	vmul.f32 $1.442695020e+00, v25;
	v62 =	vpop (erf)  }
0x181: {  	(erf) = vpow2.f32 v28;
	v28 =	vpop (erf)  }
0x182: {  	v63 =	vpop (erf);
	(erf) = vpow2.f32 v25  }
0x183: {  	v12 =	vmul.f32 v12, v20;
	v25 =	vmul.f32 v63, v20  }
0x184: {  	v14 =	vmul.f32 v14, v19;
	v11 =	vmul.f32 v11, v20  }
0x185: {  	v13 =	vmul.f32 v13, v20;
	v16 =	vmul.f32 v16, v20;
	v22 =	vadd.f32 v25, v22  }
0x186: {  	v12 =	vadd.f32 v12, v27;
	v27 =	vmul.f32 v29, v20;
	v25 =	vmul.f32 v31, v20;
	v29 =	vpop (erf)  }
0x187: {  	v13 =	vadd.f32 v13, v24;
	v14 =	vadd.f32 v14, v22;
	v22 =	vmul.f32 v29, v19  }
0x188: {  	v11 =	vadd.f32 v11, v23;
	v15 =	vmul.f32 v15, v19  }
0x189: {  	v16 =	vadd.f32 v16, v26;
	v13 =	vadd.f32 v22, v13;
	v22 =	vperm.xlane v14, v0  }
0x18a: {  	v24 =	vmul.f32 v62, v19;
	v17 =	vadd.f32 v27, v17;
	v21 =	vadd.f32 v25, v21;
	v25 =	vpop (erf)  }
0x18b: {  	v26 =	vmul.f32 v28, v19;
	v27 =	vpop (erf);
	v14 =	vadd.f32 v22, v14;
	v22 =	vperm.xlane v13, v0  }
0x18c: {  	v15 =	vadd.f32 v15, v17;
	v16 =	vadd.f32 v24, v16;
	v17 =	vmul.f32 v27, v19  }
0x18d: {  	v20 =	vmul.f32 v30, v19;
	v13 =	vadd.f32 v22, v13;
	v22 =	vperm.xlane v14, v1  }
0x18e: {  	v19 =	vmul.f32 v25, v19;
	v11 =	vadd.f32 v17, v11;
	v17 =	vperm.xlane v15, v0  }
0x18f: {  	v14 =	vadd.f32 v22, v14;
	v22 =	vperm.xlane v13, v1  }
0x190: {  	v18 =	vadd.f32 v19, v18;
	v15 =	vadd.f32 v17, v15;
	v17 =	vperm.xlane v16, v0  }
0x191: {  	v23 =	vperm.xlane v11, v0;
	v13 =	vadd.f32 v22, v13;
	v19 =	vperm.xlane v14, v2  }
0x192: {  	v12 =	vadd.f32 v26, v12;
	v16 =	vadd.f32 v17, v16;
	v17 =	vperm.xlane v15, v1  }
0x193: {  	v11 =	vadd.f32 v23, v11;
	v23 =	vadd.f32 v19, v14;
	v14 =	vperm.xlane v13, v2  }
0x194: {  	v19 =	vperm.xlane v12, v0;
	v15 =	vadd.f32 v17, v15;
	v17 =	vperm.xlane v16, v1  }
0x195: {  	v22 =	vperm.xlane v11, v1;
	v24 =	vadd.f32 v14, v13;
	v13 =	vperm.xlane v23, v3  }
0x196: {  	v12 =	vadd.f32 v19, v12;
	v14 =	vperm.xlane v15, v2  }
0x197: {  	v11 =	vadd.f32 v22, v11;
	[tilespmem:$0x1FD10] =	vst v13;
	v13 =	vadd.f32 v17, v16;
	v17 =	vperm.xlane v24, v3  }
0x198: {  	v16 =	vadd.f32 v20, v21  }
0x199: {  	v20 =	vadd.f32 v14, v15;
	v15 =	vperm.xlane v11, v2;
	[tilespmem:$0x1FD30] =	vst v17;
	v17 =	vperm.xlane v12, v1  }
0x19a: {  	v14 =	vperm.xlane v13, v2  }
0x19b: {  	v15 =	vadd.f32 v15, v11;
	v12 =	vadd.f32 v17, v12  }
0x19c: {  	[tilespmem:$0x1FD40] =	vst v20;
	v17 =	vperm.xlane v16, v0;
	v21 =	vadd.f32 v14, v13;
	v13 =	vperm.xlane v20, v3  }
0x19d: {  	s0 =	simm.s32 $0x190;
	v19 =	vperm.xlane v18, v0;
	[tilespmem:$0x1FD80] =	vst v15  }
0x19e: {  	s1 =	simm.s32 $0x10;
	v20 =	vld [tilespmem:s0+$0xFFFFFFF0];
	v15 =	vperm.xlane v15, v3;
	[tilespmem:$0x1FD50] =	vst v13;
	v11 =	vperm.xlane v12, v2;
	v13 =	vadd.f32 v17, v16  }
0x19f: {  	v14 =	vadd.f32 v19, v18;
	v17 =	vld [tilespmem:s1+$0xFFFFFFF0];
	v16 =	vperm.xlane v21, v3  }
0x1a0: {  	s2 =	simm.s32 $0x310;
	[tilespmem:$0x1FD90] =	vst v15;
	v19 =	vadd.f32 v11, v12;
	v15 =	vperm.xlane v13, v1  }
0x1a1: {  	v18 =	vld [tilespmem:s2+$0xFFFFFFF0];
	[tilespmem:$0x1FD70] =	vst v16;
	v16 =	vperm.xlane v14, v1;
	v12 =	vbroadcast v10, $0x7  }
0x1a2: {  	v11 =	vbroadcast v8, $0x7;
	[tilespmem:$0x1FDA0] =	vst v19;
	v19 =	vperm.xlane v19, v3;
	v15 =	vadd.f32 v15, v13  }
0x1a3: {  	[tilespmem:$0x1FD60] =	vst v21;
	v14 =	vadd.f32 v16, v14;
	v16 =	vsub.f32 v12, v20  }
0x1a4: {  	v13 =	vbroadcast v9, $0x7;
	[tilespmem:$0x1FDB0] =	vst v19;
	v19 =	vsub.f32 v11, v17;
	v21 =	vperm.xlane v15, v2  }
0x1a5: {  	[tilespmem:$0x1FD00] =	vst v23;
	v23 =	vld [tilespmem:s1+$0x0];
	v22 =	vperm.xlane v14, v2;
	v16 =	vmul.f32 v16, v16  }
0x1a6: {  	[tilespmem:$0x1FD20] =	vst v24;
	v24 =	vsub.f32 v13, v18;
	v19 =	vmul.f32 v19, v19;
	v26 =	vadd.f32 v21, v15;
	v21 =	vld [tilespmem:s0+$0x0]  }
0x1a7: {  	v25 =	vadd.f32 v22, v14;
	v14 =	vbroadcast v10, $0x6;
	v15 =	vbroadcast v9, $0x6  }
0x1a8: {  	v22 =	vld [tilespmem:s2+$0x0];
	v24 =	vmul.f32 v24, v24;
	v19 =	vadd.f32 v16, v19;
	v16 =	vperm.xlane v26, v3  }
0x1a9: {  	v20 =	vsub.f32 v14, v20;
	[tilespmem:$0x1FDE0] =	vst v25;
	v25 =	vperm.xlane v25, v3  }
0x1aa: {  	v18 =	vsub.f32 v15, v18;
	[tilespmem:$0x1FDD0] =	vst v16;
	v16 =	vbroadcast v8, $0x6;
	v19 =	vadd.f32 v24, v19  }
0x1ab: {  	[tilespmem:$0x1FDF0] =	vst v25;
	v20 =	vmul.f32 v20, v20;
	v24 =	vsub.f32 v11, v23;
	v25 =	vsub.f32 v14, v21  }
0x1ac: {  	[tilespmem:$0x1FDC0] =	vst v26;
	v18 =	vmul.f32 v18, v18;
	v23 =	vsub.f32 v16, v23;
	v26 =	vmul.f32 v19, v7  }
0x1ad: {  	v27 =	vsub.f32 v15, v22;
	v17 =	vsub.f32 v16, v17;
	v25 =	vmul.f32 v25, v25  }
0x1ae: {  	v22 =	vsub.f32 v13, v22;
	v23 =	vmul.f32 v23, v23;
	v26 =	vmul.f32 $1.442695020e+00, v26  }
0x1af: {  	v21 =	vsub.f32 v12, v21;
	v27 =	vmul.f32 v27, v27;
	v17 =	vmul.f32 v17, v17  }
0x1b0: {  	v23 =	vadd.f32 v25, v23;
	(erf) = vpow2.f32 v26;
	v26 =	vmul.f32 v19, v6  }
0x1b1: {  	v24 =	vmul.f32 v24, v24;
	v22 =	vmul.f32 v22, v22;
	v17 =	vadd.f32 v20, v17  }
0x1b2: {  	v21 =	vmul.f32 v21, v21;
	v25 =	vadd.f32 v27, v23;
	v23 =	vmul.f32 $1.442695020e+00, v26  }
0x1b3: {  	v26 =	vmul.f32 v19, v5;
	v19 =	vmul.f32 v19, v4;
	v17 =	vadd.f32 v18, v17  }
0x1b4: {  	v27 =	vmul.f32 v25, v4;
	v29 =	vmul.f32 v25, v7  }
0x1b5: {  	v18 =	vmul.f32 $1.442695020e+00, v26;
	v28 =	vmul.f32 v17, v6  }
0x1b6: {  	v19 =	vmul.f32 $1.442695020e+00, v19;
	(erf) = vpow2.f32 v23  }
0x1b7: {  	v21 =	vadd.f32 v21, v24;
	v30 =	vmul.f32 v17, v4;
	v32 =	vmul.f32 v17, v7  }
0x1b8: {  	v26 =	vmul.f32 $1.442695020e+00, v27;
	v27 =	vmul.f32 v25, v5  }
0x1b9: {  	s0 =	simm.s32 $0x490;
	v23 =	vmul.f32 $1.442695020e+00, v28;
	v28 =	vadd.f32 v22, v21;
	v22 =	vmul.f32 v17, v5  }
0x1ba: {  	v20 =	vld [tilespmem:s0+$0xFFFFFFF0];
	v24 =	vmul.f32 $1.442695020e+00, v27;
	(erf) = vpow2.f32 v26  }
0x1bb: {  	v17 =	vmul.f32 v28, v4;
	v31 =	vmul.f32 $1.442695020e+00, v22  }
0x1bc: {  	v33 =	vmul.f32 v28, v5;
	(erf) = vpow2.f32 v23  }
0x1bd: {  	v26 =	vimm.f32 $0.0e+00;
	v22 =	vimm.f32 $0.0e+00;
	(erf) = vpow2.f32 v19  }
0x1be: {  	v23 =	vimm.f32 $0.0e+00;
	v27 =	vpop (erf);
	v19 =	vmul.f32 $1.442695020e+00, v29;
	v29 =	vmul.f32 $1.442695020e+00, v17  }
0x1bf: {  	v17 =	vimm.f32 $0.0e+00;
	v21 =	vmul.f32 v27, v20;
	(erf) = vpow2.f32 v24  }
0x1c0: {  	s17 =	simm.s32 $0x1B0;
	v27 =	vimm.f32 $0.0e+00;
	v24 =	vimm.f32 $0.0e+00;
	(erf) = vpow2.f32 v18  }
0x1c1: {  	s18 =	simm.s32 $0x30;
	s1 =	simm.s32 $0x0;
	s2 =	simm.s32 $0x330;
	v18 =	vadd.f32 v21, v27;
	(erf) = vpow2.f32 v19;
	v21 =	vimm.f32 $0.0e+00;
	v19 =	vld [tilespmem:s0+$0x0]  }
.LBB2_9:
0x1c2: {  	v34 =	vld [tilespmem:s17+$0xFFFFFFF0];
	s1 =	sadd.s32 $0x2, s1;
	v32 =	vmul.f32 $1.442695020e+00, v32;
	v35 =	vmul.f32 v28, v6;
	s0 =	sadd.s32 $0x20, s0;
	v36 =	vpop (erf)  }
0x1c3: {  	v37 =	vld [tilespmem:s2+$0x0];
	p0 =	slt.u32 s1, $0x16;
	v33 =	vmul.f32 $1.442695020e+00, v33;
	(erf) = vpow2.f32 v31;
	v31 =	vpop (erf)  }
0x1c4: {  	v39 =	vmul.f32 v36, v20;
	v38 =	vld [tilespmem:s2+$0xFFFFFFF0];
	(erf) = vpow2.f32 v32  }
0x1c5: {  	v35 =	vmul.f32 $1.442695020e+00, v35;
	v32 =	vld [tilespmem:s17+$0x0];
	(erf) = vpow2.f32 v33  }
0x1c6: {  	v43 =	vmul.f32 $1.442695020e+00, v30;
	v27 =	vadd.f32 v39, v27;
	v33 =	vld [tilespmem:s18+$0xFFFFFFF0];
	v31 =	vmul.f32 v31, v19;
	v36 =	vpop (erf)  }
0x1c7: {  	v25 =	vmul.f32 v25, v6;
	v28 =	vmul.f32 v28, v7;
	v39 =	vsub.f32 v14, v34;
	v40 =	vld [tilespmem:s18+$0x0];
	v41 =	vpop (erf)  }
0x1c8: {  	v34 =	vsub.f32 v12, v34;
	v41 =	vmul.f32 v41, v20;
	v42 =	vpop (erf);
	(erf) = vpow2.f32 v35  }
0x1c9: {  	v35 =	vmul.f32 v39, v39;
	(erf) = vpow2.f32 v43;
	v30 =	vpop (erf)  }
0x1ca: {  	v28 =	vmul.f32 $1.442695020e+00, v28;
	v39 =	vsub.f32 v15, v38;
	v34 =	vmul.f32 v34, v34;
	v43 =	vpop (erf)  }
0x1cb: {  	v25 =	vmul.f32 $1.442695020e+00, v25;
	v38 =	vsub.f32 v13, v38;
	v30 =	vmul.f32 v30, v20  }
0x1cc: {  	v39 =	vmul.f32 v39, v39;
	v44 =	vsub.f32 v11, v40;
	v45 =	vpop (erf);
	(erf) = vpow2.f32 v29  }
0x1cd: {  	v29 =	vmul.f32 v38, v38;
	v38 =	vsub.f32 v16, v40;
	v40 =	vpop (erf);
	(erf) = vpow2.f32 v28  }
0x1ce: {  	v28 =	vsub.f32 v11, v33;
	v44 =	vmul.f32 v44, v44;
	v40 =	vmul.f32 v40, v20;
	v46 =	vpop (erf)  }
0x1cf: {  	v47 =	vsub.f32 v15, v37;
	v45 =	vmul.f32 v45, v20;
	v38 =	vmul.f32 v38, v38  }
0x1d0: {  	v37 =	vsub.f32 v13, v37;
	v42 =	vmul.f32 v42, v19;
	v28 =	vmul.f32 v28, v28  }
0x1d1: {  	v48 =	vsub.f32 v14, v32;
	v47 =	vmul.f32 v47, v47;
	v26 =	vadd.f32 v30, v26;
	v30 =	vpop (erf)  }
0x1d2: {  	v28 =	vadd.f32 v34, v28;
	v34 =	vmul.f32 v36, v20;
	v36 =	vmul.f32 v43, v19;
	v43 =	vpop (erf)  }
0x1d3: {  	v32 =	vsub.f32 v12, v32;
	v37 =	vmul.f32 v37, v37;
	v20 =	vmul.f32 v43, v20  }
0x1d4: {  	v28 =	vadd.f32 v29, v28;
	v29 =	vmul.f32 v48, v48;
	(erf) = vpow2.f32 v25  }
0x1d5: {  	v32 =	vmul.f32 v32, v32;
	v33 =	vsub.f32 v16, v33;
	v43 =	vmul.f32 v46, v19;
	v46 =	vpop (erf)  }
0x1d6: {  	v21 =	vadd.f32 v40, v21;
	v25 =	vmul.f32 v28, v7;
	v29 =	vadd.f32 v29, v38;
	v38 =	vpop (erf)  }
0x1d7: {  	v24 =	vadd.f32 v41, v24;
	v30 =	vmul.f32 v30, v19;
	v40 =	vmul.f32 v28, v6  }
0x1d8: {  	v41 =	vmul.f32 $1.442695020e+00, v25;
	v25 =	vadd.f32 v47, v29;
	v29 =	vmul.f32 v38, v19  }
0x1d9: {  	v27 =	vadd.f32 v30, v27;
	v20 =	vadd.f32 v20, v22;
	v38 =	vmul.f32 $1.442695020e+00, v40  }
0x1da: {  	v30 =	vmul.f32 v33, v33;
	v18 =	vadd.f32 v29, v18;
	(erf) = vpow2.f32 v41  }
0x1db: {  	v22 =	vadd.f32 v31, v20;
	v29 =	vmul.f32 v28, v5;
	v33 =	vmul.f32 v25, v4  }
0x1dc: {  	v23 =	vadd.f32 v34, v23;
	v20 =	vadd.f32 v35, v30;
	v35 =	vmul.f32 v25, v7  }
0x1dd: {  	v21 =	vadd.f32 v36, v21;
	v30 =	vmul.f32 v46, v19;
	v28 =	vmul.f32 v28, v4;
	v31 =	vpop (erf)  }
0x1de: {  	v17 =	vadd.f32 v45, v17;
	v34 =	vadd.f32 v39, v20;
	v36 =	vmul.f32 $1.442695020e+00, v29  }
0x1df: {  	v29 =	vadd.f32 v32, v44;
	v32 =	vmul.f32 $1.442695020e+00, v33;
	v33 =	vmul.f32 v25, v5;
	v20 =	vld [tilespmem:s0+$0xFFFFFFF0]  }
0x1e0: {  	v17 =	vadd.f32 v42, v17;
	v39 =	vmul.f32 v34, v6;
	v40 =	vmul.f32 $1.442695020e+00, v28  }
0x1e1: {  	v24 =	vadd.f32 v30, v24;
	v33 =	vmul.f32 $1.442695020e+00, v33;
	v19 =	vmul.f32 v31, v19  }
0x1e2: {  	v28 =	vadd.f32 v37, v29;
	v31 =	vmul.f32 $1.442695020e+00, v39;
	(erf) = vpow2.f32 v38  }
0x1e3: {  	v26 =	vadd.f32 v43, v26;
	v23 =	vadd.f32 v19, v23;
	v29 =	vpop (erf);
	(erf) = vpow2.f32 v32  }
0x1e4: {  	v30 =	vmul.f32 v34, v4;
	v19 =	vmul.f32 v29, v20  }
0x1e5: {  	v32 =	vmul.f32 v34, v7;
	v29 =	vmul.f32 v34, v5  }
.Ltmp3:
0x1e6: {  	v18 =	vadd.f32 v19, v18;
	v19 =	vmul.f32 v28, v4;
	(erf) = vpow2.f32 v31;
	(pc) =	sbr.rel @p0 .LBB2_9-.Ltmp3, $4  }
0x1e7: {  	v31 =	vmul.f32 $1.442695020e+00, v29;
	(erf) = vpow2.f32 v40  }
0x1e8: {  	v34 =	vmul.f32 $1.442695020e+00, v35;
	(erf) = vpow2.f32 v33  }
0x1e9: {  	v29 =	vmul.f32 $1.442695020e+00, v19;
	(erf) = vpow2.f32 v36  }
0x1ea: {  	s2 =	sadd.s32 $0x20, s2;
	s17 =	sadd.s32 $0x20, s17;
	s18 =	sadd.s32 $0x20, s18;
	v33 =	vmul.f32 v28, v5;
	v19 =	vld [tilespmem:s0+$0x0];
	(erf) = vpow2.f32 v34  }
0x1eb: {  	v12 =	vmul.f32 v28, v6  }
0x1ec: {  	v11 =	vmul.f32 $1.442695020e+00, v32  }
0x1ed: {  	(erf) = vpow2.f32 v31;
	v13 =	vmul.f32 $1.442695020e+00, v33  }
0x1ee: {  	(erf) = vpow2.f32 v11;
	v11 =	vmul.f32 $1.442695020e+00, v12  }
0x1ef: {  	v12 =	vpop (erf);
	(erf) = vpow2.f32 v13;
	v13 =	vmul.f32 $1.442695020e+00, v30;
	_ =	sdelay $0x1  }
0x1f0: {  	v14 =	vpop (erf);
	(erf) = vpow2.f32 v11  }
0x1f1: {  	v11 =	vpop (erf);
	(erf) = vpow2.f32 v13  }
0x1f2: {  	v13 =	vpop (erf)  }
0x1f3: {  	v28 =	vmul.f32 v28, v7;
	v15 =	vpop (erf)  }
0x1f4: {  	v16 =	vpop (erf)  }
0x1f5: {  	v28 =	vmul.f32 $1.442695020e+00, v28;
	(erf) = vpow2.f32 v29;
	v30 =	vpop (erf)  }
0x1f6: {  	v25 =	vmul.f32 v25, v6;
	v29 =	vpop (erf)  }
0x1f7: {  	v31 =	vpop (erf)  }
0x1f8: {  	v25 =	vmul.f32 $1.442695020e+00, v25;
	v62 =	vpop (erf)  }
0x1f9: {  	(erf) = vpow2.f32 v28;
	v28 =	vpop (erf)  }
0x1fa: {  	v63 =	vpop (erf);
	(erf) = vpow2.f32 v25  }
0x1fb: {  	v12 =	vmul.f32 v12, v20;
	v25 =	vmul.f32 v63, v20  }
0x1fc: {  	v14 =	vmul.f32 v14, v19;
	v11 =	vmul.f32 v11, v20  }
0x1fd: {  	v13 =	vmul.f32 v13, v20;
	v16 =	vmul.f32 v16, v20;
	v22 =	vadd.f32 v25, v22  }
0x1fe: {  	v12 =	vadd.f32 v12, v27;
	v27 =	vmul.f32 v29, v20;
	v25 =	vmul.f32 v31, v20;
	v29 =	vpop (erf)  }
0x1ff: {  	v13 =	vadd.f32 v13, v24;
	v14 =	vadd.f32 v14, v22;
	v22 =	vmul.f32 v29, v19  }
0x200: {  	v11 =	vadd.f32 v11, v23;
	v15 =	vmul.f32 v15, v19  }
0x201: {  	v16 =	vadd.f32 v16, v26;
	v13 =	vadd.f32 v22, v13;
	v22 =	vperm.xlane v14, v0  }
0x202: {  	v24 =	vmul.f32 v62, v19;
	v17 =	vadd.f32 v27, v17;
	v21 =	vadd.f32 v25, v21;
	v25 =	vpop (erf)  }
0x203: {  	v26 =	vmul.f32 v28, v19;
	v27 =	vpop (erf);
	v14 =	vadd.f32 v22, v14;
	v22 =	vperm.xlane v13, v0  }
0x204: {  	v15 =	vadd.f32 v15, v17;
	v16 =	vadd.f32 v24, v16;
	v17 =	vmul.f32 v27, v19  }
0x205: {  	v20 =	vmul.f32 v30, v19;
	v13 =	vadd.f32 v22, v13;
	v22 =	vperm.xlane v14, v1  }
0x206: {  	v19 =	vmul.f32 v25, v19;
	v11 =	vadd.f32 v17, v11;
	v17 =	vperm.xlane v15, v0  }
0x207: {  	v14 =	vadd.f32 v22, v14;
	v22 =	vperm.xlane v13, v1  }
0x208: {  	v18 =	vadd.f32 v19, v18;
	v15 =	vadd.f32 v17, v15;
	v17 =	vperm.xlane v16, v0  }
0x209: {  	v23 =	vperm.xlane v11, v0;
	v13 =	vadd.f32 v22, v13;
	v19 =	vperm.xlane v14, v2  }
0x20a: {  	v12 =	vadd.f32 v26, v12;
	v16 =	vadd.f32 v17, v16;
	v17 =	vperm.xlane v15, v1  }
0x20b: {  	v11 =	vadd.f32 v23, v11;
	v23 =	vadd.f32 v19, v14;
	v14 =	vperm.xlane v13, v2  }
0x20c: {  	v19 =	vperm.xlane v12, v0;
	v15 =	vadd.f32 v17, v15  }
0x20d: {  	v17 =	vperm.xlane v16, v1;
	v24 =	vadd.f32 v14, v13;
	v13 =	vperm.xlane v23, v3  }
0x20e: {  	v22 =	vperm.xlane v11, v1;
	v12 =	vadd.f32 v19, v12  }
0x20f: {  	v14 =	vperm.xlane v15, v2;
	[tilespmem:$0x1FC10] =	vst v13;
	v13 =	vadd.f32 v17, v16;
	v17 =	vperm.xlane v24, v3  }
0x210: {  	v11 =	vadd.f32 v22, v11;
	v16 =	vadd.f32 v20, v21  }
0x211: {  	v20 =	vadd.f32 v14, v15;
	[tilespmem:$0x1FC30] =	vst v17;
	v17 =	vperm.xlane v12, v1;
	v14 =	vperm.xlane v13, v2  }
0x212: {  	v15 =	vperm.xlane v11, v2  }
0x213: {  	v12 =	vadd.f32 v17, v12;
	v17 =	vperm.xlane v16, v0;
	v21 =	vadd.f32 v14, v13  }
0x214: {  	v19 =	vperm.xlane v18, v0;
	v13 =	vperm.xlane v20, v3  }
0x215: {  	s1 =	simm.s32 $0x10;
	[tilespmem:$0x1FC40] =	vst v20;
	v20 =	vadd.f32 v15, v11;
	v14 =	vadd.f32 v17, v16;
	v16 =	vperm.xlane v21, v3  }
0x216: {  	s0 =	simm.s32 $0x190;
	v15 =	vadd.f32 v19, v18;
	v19 =	vld [tilespmem:s1+$0xFFFFFFF0];
	[tilespmem:$0x1FC50] =	vst v13;
	v11 =	vperm.xlane v12, v2  }
0x217: {  	v13 =	vld [tilespmem:s0+$0xFFFFFFF0];
	[tilespmem:$0x1FC70] =	vst v16;
	v16 =	vperm.xlane v20, v3  }
0x218: {  	s2 =	simm.s32 $0x310;
	[tilespmem:$0x1FC80] =	vst v20;
	v17 =	vperm.xlane v15, v1;
	v18 =	vadd.f32 v11, v12  }
0x219: {  	v20 =	vld [tilespmem:s2+$0xFFFFFFF0];
	v11 =	vbroadcast v8, $0x9;
	[tilespmem:$0x1FC90] =	vst v16;
	v16 =	vperm.xlane v14, v1  }
0x21a: {  	v12 =	vbroadcast v10, $0x9;
	[tilespmem:$0x1FCA0] =	vst v18;
	v18 =	vperm.xlane v18, v3  }
0x21b: {  	[tilespmem:$0x1FC00] =	vst v23;
	v14 =	vadd.f32 v16, v14;
	v16 =	vadd.f32 v17, v15  }
0x21c: {  	[tilespmem:$0x1FCB0] =	vst v18;
	v15 =	vbroadcast v9, $0x9;
	v17 =	vsub.f32 v12, v13;
	v18 =	vsub.f32 v11, v19  }
0x21d: {  	[tilespmem:$0x1FC60] =	vst v21;
	v21 =	vperm.xlane v14, v2;
	v22 =	vperm.xlane v16, v2  }
0x21e: {  	v23 =	vld [tilespmem:s1+$0x0];
	[tilespmem:$0x1FC20] =	vst v24;
	v24 =	vmul.f32 v17, v17;
	v25 =	vsub.f32 v15, v20;
	v18 =	vmul.f32 v18, v18  }
0x21f: {  	v17 =	vbroadcast v9, $0x8;
	v27 =	vadd.f32 v21, v14;
	v26 =	vadd.f32 v22, v16  }
0x220: {  	v16 =	vbroadcast v10, $0x8;
	v14 =	vld [tilespmem:s0+$0x0];
	v22 =	vmul.f32 v25, v25;
	v24 =	vadd.f32 v24, v18  }
0x221: {  	v21 =	vld [tilespmem:s2+$0x0];
	v20 =	vsub.f32 v17, v20;
	v18 =	vperm.xlane v27, v3  }
0x222: {  	v13 =	vsub.f32 v16, v13;
	v25 =	vperm.xlane v26, v3;
	v22 =	vadd.f32 v22, v24  }
0x223: {  	v24 =	vsub.f32 v11, v23;
	v20 =	vmul.f32 v20, v20;
	[tilespmem:$0x1FCD0] =	vst v18;
	v18 =	vbroadcast v8, $0x8  }
0x224: {  	[tilespmem:$0x1FCE0] =	vst v26;
	v13 =	vmul.f32 v13, v13;
	v26 =	vmul.f32 v22, v7  }
0x225: {  	[tilespmem:$0x1FCF0] =	vst v25;
	v24 =	vmul.f32 v24, v24;
	v25 =	vsub.f32 v16, v14;
	v23 =	vsub.f32 v18, v23  }
0x226: {  	[tilespmem:$0x1FCC0] =	vst v27;
	v27 =	vsub.f32 v17, v21;
	v21 =	vsub.f32 v15, v21;
	v26 =	vmul.f32 $1.442695020e+00, v26  }
0x227: {  	v19 =	vsub.f32 v18, v19;
	v25 =	vmul.f32 v25, v25;
	v23 =	vmul.f32 v23, v23  }
0x228: {  	v14 =	vsub.f32 v12, v14;
	v27 =	vmul.f32 v27, v27;
	v21 =	vmul.f32 v21, v21  }
0x229: {  	v19 =	vmul.f32 v19, v19;
	v23 =	vadd.f32 v25, v23;
	v25 =	vmul.f32 v22, v6  }
0x22a: {  	(erf) = vpow2.f32 v26;
	v26 =	vmul.f32 v14, v14  }
0x22b: {  	v13 =	vadd.f32 v13, v19;
	v14 =	vadd.f32 v27, v23;
	v25 =	vmul.f32 $1.442695020e+00, v25  }
0x22c: {  	v23 =	vmul.f32 v22, v5;
	v22 =	vmul.f32 v22, v4  }
0x22d: {  	v13 =	vadd.f32 v20, v13;
	v19 =	vmul.f32 v14, v4;
	v27 =	vmul.f32 v14, v7  }
0x22e: {  	v20 =	vmul.f32 $1.442695020e+00, v23;
	v28 =	vmul.f32 v14, v5  }
0x22f: {  	v29 =	vmul.f32 v13, v6;
	v22 =	vmul.f32 $1.442695020e+00, v22  }
0x230: {  	s0 =	simm.s32 $0x490;
	v24 =	vadd.f32 v26, v24;
	(erf) = vpow2.f32 v25;
	v30 =	vmul.f32 v13, v4  }
0x231: {  	v23 =	vld [tilespmem:s0+$0xFFFFFFF0];
	v32 =	vmul.f32 v13, v7;
	v19 =	vmul.f32 $1.442695020e+00, v19  }
0x232: {  	v26 =	vmul.f32 $1.442695020e+00, v28;
	v28 =	vadd.f32 v21, v24;
	v21 =	vmul.f32 v13, v5  }
0x233: {  	v25 =	vmul.f32 $1.442695020e+00, v29;
	(erf) = vpow2.f32 v19  }
0x234: {  	v13 =	vmul.f32 v28, v4;
	v31 =	vmul.f32 $1.442695020e+00, v21  }
0x235: {  	v29 =	vpop (erf);
	v33 =	vmul.f32 v28, v5;
	(erf) = vpow2.f32 v25  }
0x236: {  	v24 =	vimm.f32 $0.0e+00;
	v19 =	vmul.f32 v29, v23;
	(erf) = vpow2.f32 v22  }
0x237: {  	v25 =	vimm.f32 $0.0e+00;
	v22 =	vmul.f32 $1.442695020e+00, v27;
	v29 =	vmul.f32 $1.442695020e+00, v13  }
0x238: {  	v13 =	vimm.f32 $0.0e+00;
	(erf) = vpow2.f32 v26;
	v26 =	vimm.f32 $0.0e+00  }
0x239: {  	s17 =	simm.s32 $0x1B0;
	v27 =	vimm.f32 $0.0e+00;
	(erf) = vpow2.f32 v20;
	v21 =	vadd.f32 v19, v26  }
0x23a: {  	s18 =	simm.s32 $0x30;
	s1 =	simm.s32 $0x0;
	s2 =	simm.s32 $0x330;
	v19 =	vimm.f32 $0.0e+00;
	v20 =	vimm.f32 $0.0e+00;
	(erf) = vpow2.f32 v22;
	v22 =	vld [tilespmem:s0+$0x0]  }
.LBB2_11:
0x23b: {  	v34 =	vld [tilespmem:s17+$0xFFFFFFF0];
	s1 =	sadd.s32 $0x2, s1;
	v32 =	vmul.f32 $1.442695020e+00, v32;
	v35 =	vmul.f32 v28, v6;
	s0 =	sadd.s32 $0x20, s0;
	v36 =	vpop (erf)  }
0x23c: {  	v37 =	vld [tilespmem:s2+$0x0];
	p0 =	slt.u32 s1, $0x16;
	v33 =	vmul.f32 $1.442695020e+00, v33;
	(erf) = vpow2.f32 v31;
	v31 =	vpop (erf)  }
0x23d: {  	v39 =	vmul.f32 v36, v23;
	v38 =	vld [tilespmem:s2+$0xFFFFFFF0];
	(erf) = vpow2.f32 v32  }
0x23e: {  	v35 =	vmul.f32 $1.442695020e+00, v35;
	v32 =	vld [tilespmem:s17+$0x0];
	(erf) = vpow2.f32 v33  }
0x23f: {  	v43 =	vmul.f32 $1.442695020e+00, v30;
	v26 =	vadd.f32 v39, v26;
	v33 =	vld [tilespmem:s18+$0xFFFFFFF0];
	v31 =	vmul.f32 v31, v22;
	v36 =	vpop (erf)  }
0x240: {  	v14 =	vmul.f32 v14, v6;
	v28 =	vmul.f32 v28, v7;
	v39 =	vsub.f32 v16, v34;
	v40 =	vld [tilespmem:s18+$0x0];
	v41 =	vpop (erf)  }
0x241: {  	v34 =	vsub.f32 v12, v34;
	v41 =	vmul.f32 v41, v23;
	v42 =	vpop (erf);
	(erf) = vpow2.f32 v35  }
0x242: {  	v35 =	vmul.f32 v39, v39;
	(erf) = vpow2.f32 v43;
	v30 =	vpop (erf)  }
0x243: {  	v28 =	vmul.f32 $1.442695020e+00, v28;
	v39 =	vsub.f32 v17, v38;
	v34 =	vmul.f32 v34, v34;
	v43 =	vpop (erf)  }
0x244: {  	v14 =	vmul.f32 $1.442695020e+00, v14;
	v38 =	vsub.f32 v15, v38;
	v30 =	vmul.f32 v30, v23  }
0x245: {  	v39 =	vmul.f32 v39, v39;
	v44 =	vsub.f32 v11, v40;
	v45 =	vpop (erf);
	(erf) = vpow2.f32 v29  }
0x246: {  	v29 =	vmul.f32 v38, v38;
	v38 =	vsub.f32 v18, v40;
	v40 =	vpop (erf);
	(erf) = vpow2.f32 v28  }
0x247: {  	v28 =	vsub.f32 v11, v33;
	v44 =	vmul.f32 v44, v44;
	v40 =	vmul.f32 v40, v23;
	v46 =	vpop (erf)  }
0x248: {  	v47 =	vsub.f32 v17, v37;
	v45 =	vmul.f32 v45, v23;
	v38 =	vmul.f32 v38, v38  }
0x249: {  	v37 =	vsub.f32 v15, v37;
	v42 =	vmul.f32 v42, v22;
	v28 =	vmul.f32 v28, v28  }
0x24a: {  	v48 =	vsub.f32 v16, v32;
	v47 =	vmul.f32 v47, v47;
	v19 =	vadd.f32 v30, v19;
	v30 =	vpop (erf)  }
0x24b: {  	v28 =	vadd.f32 v34, v28;
	v34 =	vmul.f32 v36, v23;
	v36 =	vmul.f32 v43, v22;
	v43 =	vpop (erf)  }
0x24c: {  	v32 =	vsub.f32 v12, v32;
	v37 =	vmul.f32 v37, v37;
	v23 =	vmul.f32 v43, v23  }
0x24d: {  	v28 =	vadd.f32 v29, v28;
	v29 =	vmul.f32 v48, v48;
	(erf) = vpow2.f32 v14  }
0x24e: {  	v32 =	vmul.f32 v32, v32;
	v33 =	vsub.f32 v18, v33;
	v43 =	vmul.f32 v46, v22;
	v46 =	vpop (erf)  }
0x24f: {  	v24 =	vadd.f32 v40, v24;
	v14 =	vmul.f32 v28, v7;
	v29 =	vadd.f32 v29, v38;
	v38 =	vpop (erf)  }
0x250: {  	v13 =	vadd.f32 v41, v13;
	v30 =	vmul.f32 v30, v22;
	v40 =	vmul.f32 v28, v6  }
0x251: {  	v41 =	vmul.f32 $1.442695020e+00, v14;
	v14 =	vadd.f32 v47, v29;
	v29 =	vmul.f32 v38, v22  }
0x252: {  	v26 =	vadd.f32 v30, v26;
	v23 =	vadd.f32 v23, v25;
	v38 =	vmul.f32 $1.442695020e+00, v40  }
0x253: {  	v30 =	vmul.f32 v33, v33;
	v21 =	vadd.f32 v29, v21;
	(erf) = vpow2.f32 v41  }
0x254: {  	v25 =	vadd.f32 v31, v23;
	v29 =	vmul.f32 v28, v5;
	v33 =	vmul.f32 v14, v4  }
0x255: {  	v27 =	vadd.f32 v34, v27;
	v23 =	vadd.f32 v35, v30;
	v35 =	vmul.f32 v14, v7  }
0x256: {  	v24 =	vadd.f32 v36, v24;
	v30 =	vmul.f32 v46, v22;
	v28 =	vmul.f32 v28, v4;
	v31 =	vpop (erf)  }
0x257: {  	v20 =	vadd.f32 v45, v20;
	v34 =	vadd.f32 v39, v23;
	v36 =	vmul.f32 $1.442695020e+00, v29  }
0x258: {  	v29 =	vadd.f32 v32, v44;
	v32 =	vmul.f32 $1.442695020e+00, v33;
	v33 =	vmul.f32 v14, v5;
	v23 =	vld [tilespmem:s0+$0xFFFFFFF0]  }
0x259: {  	v20 =	vadd.f32 v42, v20;
	v39 =	vmul.f32 v34, v6;
	v40 =	vmul.f32 $1.442695020e+00, v28  }
0x25a: {  	v13 =	vadd.f32 v30, v13;
	v33 =	vmul.f32 $1.442695020e+00, v33;
	v22 =	vmul.f32 v31, v22  }
0x25b: {  	v28 =	vadd.f32 v37, v29;
	v31 =	vmul.f32 $1.442695020e+00, v39;
	(erf) = vpow2.f32 v38  }
0x25c: {  	v19 =	vadd.f32 v43, v19;
	v27 =	vadd.f32 v22, v27;
	v29 =	vpop (erf);
	(erf) = vpow2.f32 v32  }
0x25d: {  	v30 =	vmul.f32 v34, v4;
	v22 =	vmul.f32 v29, v23  }
0x25e: {  	v32 =	vmul.f32 v34, v7;
	v29 =	vmul.f32 v34, v5  }
.Ltmp4:
0x25f: {  	v21 =	vadd.f32 v22, v21;
	v22 =	vmul.f32 v28, v4;
	(erf) = vpow2.f32 v31;
	(pc) =	sbr.rel @p0 .LBB2_11-.Ltmp4, $4  }
0x260: {  	v31 =	vmul.f32 $1.442695020e+00, v29;
	(erf) = vpow2.f32 v40  }
0x261: {  	v34 =	vmul.f32 $1.442695020e+00, v35;
	(erf) = vpow2.f32 v33  }
0x262: {  	v29 =	vmul.f32 $1.442695020e+00, v22;
	(erf) = vpow2.f32 v36  }
0x263: {  	s2 =	sadd.s32 $0x20, s2;
	s17 =	sadd.s32 $0x20, s17;
	s18 =	sadd.s32 $0x20, s18;
	v33 =	vmul.f32 v28, v5;
	v22 =	vld [tilespmem:s0+$0x0];
	(erf) = vpow2.f32 v34  }
0x264: {  	v12 =	vmul.f32 v28, v6  }
0x265: {  	v11 =	vmul.f32 $1.442695020e+00, v32  }
0x266: {  	(erf) = vpow2.f32 v31;
	v15 =	vmul.f32 $1.442695020e+00, v33  }
0x267: {  	(erf) = vpow2.f32 v11;
	v11 =	vmul.f32 $1.442695020e+00, v12  }
0x268: {  	v12 =	vpop (erf);
	(erf) = vpow2.f32 v15;
	v15 =	vmul.f32 $1.442695020e+00, v30;
	_ =	sdelay $0x1  }
0x269: {  	v16 =	vpop (erf);
	(erf) = vpow2.f32 v11  }
0x26a: {  	v11 =	vpop (erf);
	(erf) = vpow2.f32 v15  }
0x26b: {  	v15 =	vpop (erf)  }
0x26c: {  	v28 =	vmul.f32 v28, v7;
	v17 =	vpop (erf)  }
0x26d: {  	v18 =	vpop (erf)  }
0x26e: {  	v28 =	vmul.f32 $1.442695020e+00, v28;
	(erf) = vpow2.f32 v29;
	v30 =	vpop (erf)  }
0x26f: {  	v29 =	vpop (erf)  }
0x270: {  	v14 =	vmul.f32 v14, v6;
	v31 =	vpop (erf)  }
0x271: {  	v62 =	vpop (erf)  }
0x272: {  	v14 =	vmul.f32 $1.442695020e+00, v14;
	(erf) = vpow2.f32 v28;
	v28 =	vpop (erf)  }
0x273: {  	v63 =	vpop (erf)  }
0x274: {  	(erf) = vpow2.f32 v14;
	v14 =	vmul.f32 v63, v23  }
0x275: {  	v12 =	vmul.f32 v12, v23  }
0x276: {  	v16 =	vmul.f32 v16, v22;
	v15 =	vmul.f32 v15, v23;
	v14 =	vadd.f32 v14, v25  }
0x277: {  	v12 =	vadd.f32 v12, v26;
	v11 =	vmul.f32 v11, v23;
	v26 =	vmul.f32 v29, v23;
	v29 =	vpop (erf)  }
0x278: {  	v13 =	vadd.f32 v15, v13;
	v15 =	vmul.f32 v29, v22;
	v14 =	vadd.f32 v16, v14  }
0x279: {  	v11 =	vadd.f32 v11, v27;
	v18 =	vmul.f32 v18, v23;
	v20 =	vadd.f32 v26, v20  }
0x27a: {  	v25 =	vmul.f32 v31, v23;
	v13 =	vadd.f32 v15, v13;
	v15 =	vperm.xlane v14, v0  }
0x27b: {  	v16 =	vmul.f32 v17, v22;
	v17 =	vadd.f32 v18, v19;
	v18 =	vmul.f32 v30, v22  }
0x27c: {  	v23 =	vadd.f32 v25, v24;
	v24 =	vpop (erf);
	v14 =	vadd.f32 v15, v14;
	v15 =	vperm.xlane v13, v0  }
0x27d: {  	v19 =	vmul.f32 v62, v22;
	v25 =	vmul.f32 v28, v22;
	v16 =	vadd.f32 v16, v20;
	v26 =	vpop (erf)  }
0x27e: {  	v20 =	vmul.f32 v26, v22;
	v13 =	vadd.f32 v15, v13;
	v15 =	vperm.xlane v14, v1  }
0x27f: {  	v17 =	vadd.f32 v19, v17;
	v12 =	vadd.f32 v25, v12;
	v19 =	vperm.xlane v16, v0  }
0x280: {  	v11 =	vadd.f32 v20, v11;
	v14 =	vadd.f32 v15, v14;
	v15 =	vperm.xlane v13, v1  }
0x281: {  	v22 =	vmul.f32 v24, v22;
	v16 =	vadd.f32 v19, v16;
	v19 =	vperm.xlane v17, v0  }
0x282: {  	v20 =	vperm.xlane v11, v0;
	v13 =	vadd.f32 v15, v13;
	v15 =	vperm.xlane v14, v2  }
0x283: {  	v21 =	vadd.f32 v22, v21;
	v17 =	vadd.f32 v19, v17;
	v19 =	vperm.xlane v16, v1  }
0x284: {  	v11 =	vadd.f32 v20, v11;
	v22 =	vadd.f32 v15, v14;
	v14 =	vperm.xlane v13, v2  }
0x285: {  	v16 =	vadd.f32 v19, v16;
	v19 =	vperm.xlane v17, v1;
	v15 =	vperm.xlane v12, v0  }
0x286: {  	v20 =	vperm.xlane v11, v1;
	v24 =	vadd.f32 v14, v13;
	v13 =	vperm.xlane v22, v3  }
0x287: {  	v12 =	vadd.f32 v15, v12;
	v14 =	vperm.xlane v16, v2  }
0x288: {  	v11 =	vadd.f32 v20, v11;
	[tilespmem:$0x1FB10] =	vst v13;
	v13 =	vadd.f32 v19, v17;
	v17 =	vperm.xlane v24, v3  }
0x289: {  	v15 =	vadd.f32 v18, v23  }
0x28a: {  	v19 =	vadd.f32 v14, v16;
	v16 =	vperm.xlane v11, v2;
	[tilespmem:$0x1FB30] =	vst v17;
	v17 =	vperm.xlane v12, v1  }
0x28b: {  	v14 =	vperm.xlane v13, v2  }
0x28c: {  	v16 =	vadd.f32 v16, v11;
	v12 =	vadd.f32 v17, v12;
	v17 =	vperm.xlane v15, v0  }
0x28d: {  	s1 =	simm.s32 $0x10;
	v18 =	vperm.xlane v21, v0;
	[tilespmem:$0x1FB40] =	vst v19;
	v20 =	vadd.f32 v14, v13;
	v13 =	vperm.xlane v19, v3  }
0x28e: {  	s0 =	simm.s32 $0x190;
	v19 =	vld [tilespmem:s1+$0xFFFFFFF0];
	[tilespmem:$0x1FB80] =	vst v16;
	v16 =	vperm.xlane v16, v3;
	v11 =	vperm.xlane v12, v2;
	v14 =	vadd.f32 v17, v15  }
0x28f: {  	[tilespmem:$0x1FB50] =	vst v13;
	v13 =	vld [tilespmem:s0+$0xFFFFFFF0];
	v15 =	vadd.f32 v18, v21;
	v17 =	vperm.xlane v20, v3  }
0x290: {  	s2 =	simm.s32 $0x310;
	[tilespmem:$0x1FB90] =	vst v16;
	v18 =	vadd.f32 v11, v12;
	v11 =	vperm.xlane v14, v1  }
0x291: {  	v23 =	vld [tilespmem:s2+$0xFFFFFFF0];
	v16 =	vbroadcast v8, $0xB;
	[tilespmem:$0x1FB70] =	vst v17;
	v12 =	vperm.xlane v15, v1  }
0x292: {  	v17 =	vbroadcast v10, $0xB;
	[tilespmem:$0x1FBA0] =	vst v18;
	v18 =	vperm.xlane v18, v3;
	v11 =	vadd.f32 v11, v14  }
0x293: {  	[tilespmem:$0x1FB60] =	vst v20;
	v12 =	vadd.f32 v12, v15;
	v15 =	vsub.f32 v16, v19  }
0x294: {  	v14 =	vsub.f32 v17, v13;
	[tilespmem:$0x1FBB0] =	vst v18;
	v18 =	vbroadcast v9, $0xB;
	v20 =	vperm.xlane v11, v2  }
0x295: {  	[tilespmem:$0x1FB00] =	vst v22;
	v21 =	vperm.xlane v12, v2;
	v15 =	vmul.f32 v15, v15  }
0x296: {  	[tilespmem:$0x1FB20] =	vst v24;
	v24 =	vld [tilespmem:s1+$0x0];
	v14 =	vmul.f32 v14, v14;
	v22 =	vsub.f32 v18, v23;
	v27 =	vadd.f32 v20, v11  }
0x297: {  	v11 =	vadd.f32 v21, v12;
	v20 =	vbroadcast v10, $0xA;
	v12 =	vld [tilespmem:s0+$0x0];
	v21 =	vbroadcast v9, $0xA  }
0x298: {  	v14 =	vadd.f32 v14, v15;
	v26 =	vmul.f32 v22, v22;
	v15 =	vperm.xlane v27, v3  }
0x299: {  	v25 =	vld [tilespmem:s2+$0x0];
	v22 =	vbroadcast v8, $0xA;
	v13 =	vsub.f32 v20, v13  }
0x29a: {  	[tilespmem:$0x1FBD0] =	vst v15;
	v15 =	vsub.f32 v21, v23;
	v23 =	vadd.f32 v26, v14  }
0x29b: {  	[tilespmem:$0x1FBE0] =	vst v11;
	v11 =	vperm.xlane v11, v3;
	v14 =	vsub.f32 v16, v24;
	v24 =	vsub.f32 v22, v24  }
0x29c: {  	v13 =	vmul.f32 v13, v13;
	v19 =	vsub.f32 v22, v19;
	v26 =	vsub.f32 v20, v12  }
0x29d: {  	[tilespmem:$0x1FBC0] =	vst v27;
	v12 =	vsub.f32 v17, v12;
	v15 =	vmul.f32 v15, v15;
	v27 =	vmul.f32 v23, v7  }
0x29e: {  	v28 =	vmul.f32 v14, v14;
	v14 =	vsub.f32 v21, v25;
	v19 =	vmul.f32 v19, v19  }
0x29f: {  	v24 =	vmul.f32 v24, v24;
	v25 =	vsub.f32 v18, v25;
	v26 =	vmul.f32 v26, v26  }
0x2a0: {  	v12 =	vmul.f32 v12, v12;
	v27 =	vmul.f32 $1.442695020e+00, v27;
	v13 =	vadd.f32 v13, v19  }
0x2a1: {  	v14 =	vmul.f32 v14, v14;
	v24 =	vadd.f32 v26, v24;
	v26 =	vmul.f32 v23, v6  }
0x2a2: {  	v25 =	vmul.f32 v25, v25;
	(erf) = vpow2.f32 v27;
	v13 =	vadd.f32 v15, v13  }
0x2a3: {  	v14 =	vadd.f32 v14, v24;
	v26 =	vmul.f32 $1.442695020e+00, v26;
	v24 =	vmul.f32 v23, v5  }
0x2a4: {  	v23 =	vmul.f32 v23, v4;
	v30 =	vmul.f32 v13, v6  }
0x2a5: {  	v31 =	vmul.f32 v13, v4;
	v33 =	vmul.f32 v13, v7  }
0x2a6: {  	v19 =	vmul.f32 v14, v4;
	v27 =	vmul.f32 v14, v7  }
0x2a7: {  	v12 =	vadd.f32 v12, v28;
	v15 =	vmul.f32 $1.442695020e+00, v24;
	v29 =	vmul.f32 v14, v5  }
0x2a8: {  	s0 =	simm.s32 $0x490;
	v23 =	vmul.f32 $1.442695020e+00, v23;
	v19 =	vmul.f32 $1.442695020e+00, v19  }
0x2a9: {  	v24 =	vld [tilespmem:s0+$0xFFFFFFF0];
	(erf) = vpow2.f32 v26;
	v28 =	vmul.f32 $1.442695020e+00, v29;
	v29 =	vadd.f32 v25, v12  }
0x2aa: {  	v26 =	vmul.f32 $1.442695020e+00, v30;
	(erf) = vpow2.f32 v19  }
0x2ab: {  	v19 =	vmul.f32 v13, v5;
	v13 =	vmul.f32 v29, v4  }
0x2ac: {  	v25 =	vimm.f32 $0.0e+00;
	v34 =	vmul.f32 v29, v5;
	(erf) = vpow2.f32 v26  }
0x2ad: {  	v26 =	vimm.f32 $0.0e+00;
	v30 =	vpop (erf);
	v32 =	vmul.f32 $1.442695020e+00, v19;
	(erf) = vpow2.f32 v23  }
0x2ae: {  	v19 =	vmul.f32 $1.442695020e+00, v27;
	v27 =	vimm.f32 $0.0e+00;
	v12 =	vmul.f32 v30, v24  }
0x2af: {  	v23 =	vimm.f32 $0.0e+00;
	(erf) = vpow2.f32 v28;
	v30 =	vmul.f32 $1.442695020e+00, v13  }
0x2b0: {  	s17 =	simm.s32 $0x1B0;
	v13 =	vimm.f32 $0.0e+00;
	v28 =	vimm.f32 $0.0e+00;
	(erf) = vpow2.f32 v15  }
0x2b1: {  	s18 =	simm.s32 $0x30;
	s2 =	simm.s32 $0x330;
	s1 =	simm.s32 $0x0;
	[tilespmem:$0x1FBF0] =	vst v11;
	v15 =	vld [tilespmem:s0+$0x0];
	v12 =	vadd.f32 v12, v26;
	(erf) = vpow2.f32 v19;
	v19 =	vimm.f32 $0.0e+00  }
.LBB2_13:
0x2b2: {  	v36 =	vld [tilespmem:s17+$0xFFFFFFF0];
	s1 =	sadd.s32 $0x2, s1;
	v33 =	vmul.f32 $1.442695020e+00, v33;
	v38 =	vmul.f32 v29, v6;
	s0 =	sadd.s32 $0x20, s0;
	v39 =	vpop (erf)  }
0x2b3: {  	v40 =	vld [tilespmem:s2+$0x0];
	p0 =	slt.u32 s1, $0x16;
	v34 =	vmul.f32 $1.442695020e+00, v34;
	(erf) = vpow2.f32 v32;
	v32 =	vpop (erf)  }
0x2b4: {  	v11 =	vmul.f32 v39, v24;
	v41 =	vld [tilespmem:s2+$0xFFFFFFF0];
	(erf) = vpow2.f32 v33  }
0x2b5: {  	v38 =	vmul.f32 $1.442695020e+00, v38;
	v33 =	vld [tilespmem:s17+$0x0];
	(erf) = vpow2.f32 v34  }
0x2b6: {  	v35 =	vmul.f32 $1.442695020e+00, v31;
	v26 =	vadd.f32 v11, v26;
	v34 =	vld [tilespmem:s18+$0xFFFFFFF0];
	v32 =	vmul.f32 v32, v15;
	v39 =	vpop (erf)  }
0x2b7: {  	v14 =	vmul.f32 v14, v6;
	v29 =	vmul.f32 v29, v7;
	v43 =	vsub.f32 v20, v36;
	v44 =	vld [tilespmem:s18+$0x0];
	v46 =	vpop (erf)  }
0x2b8: {  	v36 =	vsub.f32 v17, v36;
	v46 =	vmul.f32 v46, v24;
	v48 =	vpop (erf);
	(erf) = vpow2.f32 v38  }
0x2b9: {  	v38 =	vmul.f32 v43, v43;
	(erf) = vpow2.f32 v35;
	v31 =	vpop (erf)  }
0x2ba: {  	v29 =	vmul.f32 $1.442695020e+00, v29;
	v43 =	vsub.f32 v21, v41;
	v36 =	vmul.f32 v36, v36;
	v49 =	vpop (erf)  }
0x2bb: {  	v14 =	vmul.f32 $1.442695020e+00, v14;
	v41 =	vsub.f32 v18, v41;
	v31 =	vmul.f32 v31, v24  }
0x2bc: {  	v43 =	vmul.f32 v43, v43;
	v50 =	vsub.f32 v16, v44;
	v52 =	vpop (erf);
	(erf) = vpow2.f32 v30  }
0x2bd: {  	v30 =	vmul.f32 v41, v41;
	v41 =	vsub.f32 v22, v44;
	v44 =	vpop (erf);
	(erf) = vpow2.f32 v29  }
0x2be: {  	v29 =	vsub.f32 v16, v34;
	v50 =	vmul.f32 v50, v50;
	v44 =	vmul.f32 v44, v24;
	v53 =	vpop (erf)  }
0x2bf: {  	v54 =	vsub.f32 v21, v40;
	v52 =	vmul.f32 v52, v24;
	v41 =	vmul.f32 v41, v41  }
0x2c0: {  	v40 =	vsub.f32 v18, v40;
	v48 =	vmul.f32 v48, v15;
	v29 =	vmul.f32 v29, v29  }
0x2c1: {  	v55 =	vsub.f32 v20, v33;
	v54 =	vmul.f32 v54, v54;
	v19 =	vadd.f32 v31, v19;
	v31 =	vpop (erf)  }
0x2c2: {  	v29 =	vadd.f32 v36, v29;
	v36 =	vmul.f32 v39, v24;
	v39 =	vmul.f32 v49, v15;
	v49 =	vpop (erf)  }
0x2c3: {  	v33 =	vsub.f32 v17, v33;
	v40 =	vmul.f32 v40, v40;
	v24 =	vmul.f32 v49, v24  }
0x2c4: {  	v29 =	vadd.f32 v30, v29;
	v30 =	vmul.f32 v55, v55;
	(erf) = vpow2.f32 v14  }
0x2c5: {  	v33 =	vmul.f32 v33, v33;
	v34 =	vsub.f32 v22, v34;
	v49 =	vmul.f32 v53, v15;
	v53 =	vpop (erf)  }
0x2c6: {  	v25 =	vadd.f32 v44, v25;
	v14 =	vmul.f32 v29, v7;
	v30 =	vadd.f32 v30, v41;
	v41 =	vpop (erf)  }
0x2c7: {  	v13 =	vadd.f32 v46, v13;
	v31 =	vmul.f32 v31, v15;
	v44 =	vmul.f32 v29, v6  }
0x2c8: {  	v46 =	vmul.f32 $1.442695020e+00, v14;
	v14 =	vadd.f32 v54, v30;
	v30 =	vmul.f32 v41, v15  }
0x2c9: {  	v26 =	vadd.f32 v31, v26;
	v24 =	vadd.f32 v24, v27;
	v41 =	vmul.f32 $1.442695020e+00, v44  }
0x2ca: {  	v31 =	vmul.f32 v34, v34;
	v12 =	vadd.f32 v30, v12;
	(erf) = vpow2.f32 v46  }
0x2cb: {  	v27 =	vadd.f32 v32, v24;
	v30 =	vmul.f32 v29, v5;
	v34 =	vmul.f32 v14, v4  }
0x2cc: {  	v28 =	vadd.f32 v36, v28;
	v24 =	vadd.f32 v38, v31;
	v38 =	vmul.f32 v14, v7  }
0x2cd: {  	v25 =	vadd.f32 v39, v25;
	v31 =	vmul.f32 v53, v15;
	v29 =	vmul.f32 v29, v4;
	v32 =	vpop (erf)  }
0x2ce: {  	v23 =	vadd.f32 v52, v23;
	v36 =	vadd.f32 v43, v24;
	v39 =	vmul.f32 $1.442695020e+00, v30  }
0x2cf: {  	v30 =	vadd.f32 v33, v50;
	v33 =	vmul.f32 $1.442695020e+00, v34;
	v34 =	vmul.f32 v14, v5;
	v24 =	vld [tilespmem:s0+$0xFFFFFFF0]  }
0x2d0: {  	v23 =	vadd.f32 v48, v23;
	v43 =	vmul.f32 v36, v6;
	v44 =	vmul.f32 $1.442695020e+00, v29  }
0x2d1: {  	v13 =	vadd.f32 v31, v13;
	v34 =	vmul.f32 $1.442695020e+00, v34;
	v15 =	vmul.f32 v32, v15  }
0x2d2: {  	v29 =	vadd.f32 v40, v30;
	v32 =	vmul.f32 $1.442695020e+00, v43;
	(erf) = vpow2.f32 v41  }
0x2d3: {  	v19 =	vadd.f32 v49, v19;
	v28 =	vadd.f32 v15, v28;
	v30 =	vpop (erf);
	(erf) = vpow2.f32 v33  }
0x2d4: {  	v31 =	vmul.f32 v36, v4;
	v15 =	vmul.f32 v30, v24  }
0x2d5: {  	v33 =	vmul.f32 v36, v7;
	v30 =	vmul.f32 v36, v5  }
.Ltmp5:
0x2d6: {  	v12 =	vadd.f32 v15, v12;
	v15 =	vmul.f32 v29, v4;
	(erf) = vpow2.f32 v32;
	(pc) =	sbr.rel @p0 .LBB2_13-.Ltmp5, $4  }
0x2d7: {  	v32 =	vmul.f32 $1.442695020e+00, v30;
	(erf) = vpow2.f32 v44  }
0x2d8: {  	v36 =	vmul.f32 $1.442695020e+00, v38;
	(erf) = vpow2.f32 v34  }
0x2d9: {  	v30 =	vmul.f32 $1.442695020e+00, v15;
	(erf) = vpow2.f32 v39  }
0x2da: {  	s2 =	sadd.s32 $0x20, s2;
	s17 =	sadd.s32 $0x20, s17;
	s18 =	sadd.s32 $0x20, s18;
	v34 =	vmul.f32 v29, v5;
	v15 =	vld [tilespmem:s0+$0x0];
	(erf) = vpow2.f32 v36  }
0x2db: {  	v17 =	vmul.f32 v29, v6  }
0x2dc: {  	v16 =	vmul.f32 $1.442695020e+00, v33  }
0x2dd: {  	(erf) = vpow2.f32 v32;
	v18 =	vmul.f32 $1.442695020e+00, v34  }
0x2de: {  	(erf) = vpow2.f32 v16;
	v16 =	vmul.f32 $1.442695020e+00, v17  }
0x2df: {  	v17 =	vpop (erf);
	(erf) = vpow2.f32 v18;
	v18 =	vmul.f32 $1.442695020e+00, v31;
	_ =	sdelay $0x1  }
0x2e0: {  	v20 =	vpop (erf);
	(erf) = vpow2.f32 v16  }
0x2e1: {  	v16 =	vpop (erf);
	(erf) = vpow2.f32 v18  }
0x2e2: {  	v18 =	vpop (erf)  }
0x2e3: {  	v29 =	vmul.f32 v29, v7;
	v21 =	vpop (erf)  }
0x2e4: {  	v22 =	vpop (erf)  }
0x2e5: {  	v29 =	vmul.f32 $1.442695020e+00, v29;
	(erf) = vpow2.f32 v30;
	v31 =	vpop (erf)  }
0x2e6: {  	v14 =	vmul.f32 v14, v6;
	v30 =	vpop (erf)  }
0x2e7: {  	v61 =	vpop (erf)  }
0x2e8: {  	v14 =	vmul.f32 $1.442695020e+00, v14;
	v62 =	vpop (erf)  }
0x2e9: {  	(erf) = vpow2.f32 v29;
	v29 =	vpop (erf)  }
0x2ea: {  	v63 =	vpop (erf);
	(erf) = vpow2.f32 v14  }
0x2eb: {  	v14 =	vmul.f32 v63, v24  }
0x2ec: {  	v17 =	vmul.f32 v17, v24;
	v20 =	vmul.f32 v20, v15  }
0x2ed: {  	v16 =	vmul.f32 v16, v24;
	v18 =	vmul.f32 v18, v24;
	v14 =	vadd.f32 v14, v27  }
0x2ee: {  	v17 =	vadd.f32 v17, v26;
	v22 =	vmul.f32 v22, v24;
	v27 =	vmul.f32 v30, v24;
	v30 =	vpop (erf)  }
0x2ef: {  	v13 =	vadd.f32 v18, v13;
	v18 =	vmul.f32 v30, v15;
	v14 =	vadd.f32 v20, v14  }
0x2f0: {  	v16 =	vadd.f32 v16, v28;
	v19 =	vadd.f32 v22, v19;
	v26 =	vmul.f32 v61, v24  }
0x2f1: {  	v22 =	vmul.f32 v62, v15;
	v13 =	vadd.f32 v18, v13;
	v18 =	vperm.xlane v14, v0  }
0x2f2: {  	v24 =	vadd.f32 v26, v25;
	v20 =	vmul.f32 v21, v15;
	v23 =	vadd.f32 v27, v23;
	v25 =	vpop (erf)  }
0x2f3: {  	v19 =	vadd.f32 v22, v19;
	v27 =	vpop (erf);
	v14 =	vadd.f32 v18, v14;
	v18 =	vperm.xlane v13, v0  }
0x2f4: {  	v26 =	vmul.f32 v29, v15;
	v20 =	vadd.f32 v20, v23;
	v23 =	vmul.f32 v27, v15  }
0x2f5: {  	v21 =	vmul.f32 v31, v15;
	v13 =	vadd.f32 v18, v13;
	v18 =	vperm.xlane v14, v1  }
0x2f6: {  	v22 =	vperm.xlane v20, v0;
	v15 =	vmul.f32 v25, v15;
	v16 =	vadd.f32 v23, v16  }
0x2f7: {  	v23 =	vadd.f32 v26, v17;
	v14 =	vadd.f32 v18, v14;
	v17 =	vperm.xlane v13, v1  }
0x2f8: {  	v12 =	vadd.f32 v15, v12  }
0x2f9: {  	v18 =	vadd.f32 v22, v20;
	v13 =	vadd.f32 v17, v13;
	v15 =	vperm.xlane v14, v2  }
0x2fa: {  	v20 =	vperm.xlane v19, v0;
	v22 =	vperm.xlane v16, v0  }
0x2fb: {  	v17 =	vperm.xlane v18, v1;
	v11 =	vadd.f32 v15, v14;
	v14 =	vperm.xlane v13, v2  }
0x2fc: {  	v19 =	vadd.f32 v20, v19;
	v20 =	vadd.f32 v22, v16;
	v15 =	vperm.xlane v23, v0  }
0x2fd: {  	v18 =	vadd.f32 v17, v18;
	v16 =	vadd.f32 v14, v13;
	[tilespmem:$0x1FA20] =	vst v11;
	v11 =	vperm.xlane v11, v3  }
0x2fe: {  	v22 =	vperm.xlane v19, v1;
	v25 =	vperm.xlane v20, v1  }
0x2ff: {  	v13 =	vadd.f32 v15, v23;
	v15 =	vperm.xlane v18, v2;
	[tilespmem:$0x1FA30] =	vst v11;
	v11 =	vperm.xlane v16, v3  }
0x300: {  	v14 =	vadd.f32 v22, v19  }
0x301: {  	v19 =	vadd.f32 v25, v20;
	[tilespmem:$0x1FA50] =	vst v11;
	v11 =	vadd.f32 v15, v18  }
0x302: {  	v20 =	vadd.f32 v21, v24;
	v21 =	vperm.xlane v13, v1  }
0x303: {  	v18 =	vperm.xlane v19, v2;
	[tilespmem:$0x1FA60] =	vst v11;
	v11 =	vperm.xlane v11, v3  }
0x304: {  	v22 =	vperm.xlane v12, v0;
	v15 =	vperm.xlane v14, v2  }
0x305: {  	s0 =	simm.s32 $0x190;
	v13 =	vadd.f32 v21, v13;
	v21 =	vperm.xlane v20, v0;
	[tilespmem:$0x1FA70] =	vst v11;
	v11 =	vadd.f32 v18, v19  }
0x306: {  	s2 =	simm.s32 $0x310;
	[tilespmem:$0x1FA40] =	vst v16;
	v12 =	vadd.f32 v22, v12;
	v16 =	vadd.f32 v15, v14;
	v14 =	vld [tilespmem:s0+$0xFFFFFFF0]  }
0x307: {  	s1 =	simm.s32 $0x10;
	v15 =	vperm.xlane v13, v2;
	v18 =	vadd.f32 v21, v20;
	v21 =	vld [tilespmem:s2+$0xFFFFFFF0];
	[tilespmem:$0x1FAA0] =	vst v11;
	v11 =	vperm.xlane v11, v3  }
0x308: {  	v32 =	vbroadcast v8, $0xD;
	v33 =	vbroadcast v10, $0xD;
	v19 =	vld [tilespmem:s1+$0xFFFFFFF0]  }
0x309: {  	v36 =	vbroadcast v9, $0xD;
	[tilespmem:$0x1FAB0] =	vst v11;
	v11 =	vadd.f32 v15, v13;
	v15 =	vperm.xlane v12, v1  }
0x30a: {  	v38 =	vbroadcast v10, $0xC;
	v13 =	vperm.xlane v18, v1  }
0x30b: {  	v39 =	vbroadcast v9, $0xC;
	v40 =	vbroadcast v8, $0xC;
	v12 =	vadd.f32 v15, v12  }
0x30c: {  	[tilespmem:$0x1FA80] =	vst v16;
	v16 =	vperm.xlane v16, v3;
	v26 =	vsub.f32 v36, v21;
	v13 =	vadd.f32 v13, v18  }
0x30d: {  	v25 =	vld [tilespmem:s1+$0x0];
	v15 =	vsub.f32 v33, v14;
	v18 =	vsub.f32 v32, v19;
	v24 =	vperm.xlane v12, v2  }
0x30e: {  	[tilespmem:$0x1FAC0] =	vst v11;
	v11 =	vperm.xlane v11, v3;
	v19 =	vsub.f32 v40, v19;
	v22 =	vperm.xlane v13, v2  }
0x30f: {  	v15 =	vmul.f32 v15, v15;
	v18 =	vmul.f32 v18, v18;
	v28 =	vadd.f32 v24, v12;
	v12 =	vld [tilespmem:s0+$0x0]  }
0x310: {  	v14 =	vsub.f32 v38, v14;
	v19 =	vmul.f32 v19, v19;
	v31 =	vadd.f32 v22, v13  }
0x311: {  	v13 =	vld [tilespmem:s2+$0x0];
	v22 =	vmul.f32 v26, v26;
	v15 =	vadd.f32 v15, v18;
	v18 =	vsub.f32 v39, v21  }
0x312: {  	[tilespmem:$0x1FAD0] =	vst v11;
	v21 =	vmul.f32 v14, v14;
	v14 =	vsub.f32 v32, v25;
	v11 =	vperm.xlane v31, v3  }
0x313: {  	v15 =	vadd.f32 v22, v15;
	v22 =	vsub.f32 v40, v25;
	v18 =	vmul.f32 v18, v18  }
0x314: {  	v26 =	vmul.f32 v14, v14;
	[tilespmem:$0x1FAE0] =	vst v11;
	v11 =	vperm.xlane v28, v3;
	v24 =	vsub.f32 v38, v12  }
0x315: {  	v19 =	vadd.f32 v21, v19;
	v25 =	vmul.f32 v15, v7;
	v22 =	vmul.f32 v22, v22  }
0x316: {  	v14 =	vsub.f32 v39, v13;
	v13 =	vsub.f32 v36, v13;
	v24 =	vmul.f32 v24, v24  }
0x317: {  	v19 =	vadd.f32 v18, v19;
	v12 =	vsub.f32 v33, v12;
	v25 =	vmul.f32 $1.442695020e+00, v25  }
0x318: {  	v14 =	vmul.f32 v14, v14;
	v13 =	vmul.f32 v13, v13;
	v22 =	vadd.f32 v24, v22  }
0x319: {  	(erf) = vpow2.f32 v25;
	v24 =	vmul.f32 v15, v6  }
0x31a: {  	v12 =	vmul.f32 v12, v12;
	v25 =	vmul.f32 v19, v7;
	v14 =	vadd.f32 v14, v22  }
0x31b: {  	v22 =	vmul.f32 $1.442695020e+00, v24;
	v24 =	vmul.f32 v15, v5  }
0x31c: {  	v15 =	vmul.f32 v15, v4;
	v21 =	vmul.f32 v14, v4  }
0x31d: {  	s0 =	simm.s32 $0x490;
	v27 =	vmul.f32 v14, v7;
	v29 =	vmul.f32 $1.442695020e+00, v24  }
0x31e: {  	v43 =	vld [tilespmem:s0+$0xFFFFFFF0];
	v24 =	vmul.f32 v19, v6;
	v15 =	vmul.f32 $1.442695020e+00, v15  }
0x31f: {  	v18 =	vmul.f32 $1.442695020e+00, v21;
	v21 =	vmul.f32 v14, v5  }
0x320: {  	v12 =	vadd.f32 v12, v26;
	(erf) = vpow2.f32 v22;
	v22 =	vmul.f32 $1.442695020e+00, v24  }
0x321: {  	v44 =	vimm.f32 $0.0e+00;
	v26 =	vmul.f32 $1.442695020e+00, v21;
	(erf) = vpow2.f32 v18  }
0x322: {  	v24 =	vpop (erf);
	v21 =	vadd.f32 v13, v12;
	v18 =	vmul.f32 v19, v4;
	v13 =	vmul.f32 v19, v5  }
0x323: {  	v46 =	vimm.f32 $0.0e+00;
	v12 =	vmul.f32 v24, v43;
	(erf) = vpow2.f32 v22  }
0x324: {  	v48 =	vimm.f32 $0.0e+00;
	v19 =	vmul.f32 v21, v4;
	v22 =	vmul.f32 $1.442695020e+00, v13  }
0x325: {  	v41 =	vimm.f32 $0.0e+00;
	(erf) = vpow2.f32 v15;
	v13 =	vmul.f32 $1.442695020e+00, v27  }
0x326: {  	v27 =	vmul.f32 v21, v5;
	(erf) = vpow2.f32 v26;
	v26 =	vimm.f32 $0.0e+00  }
0x327: {  	s17 =	simm.s32 $0x1B0;
	[tilespmem:$0x1FA90] =	vst v16;
	v24 =	vmul.f32 $1.442695020e+00, v19;
	(erf) = vpow2.f32 v29;
	v12 =	vadd.f32 v12, v26  }
0x328: {  	s18 =	simm.s32 $0x30;
	s1 =	simm.s32 $0x0;
	s2 =	simm.s32 $0x330;
	[tilespmem:$0x1FAF0] =	vst v11;
	v15 =	vld [tilespmem:s0+$0x0];
	v19 =	vimm.f32 $0.0e+00;
	(erf) = vpow2.f32 v13;
	v13 =	vimm.f32 $0.0e+00  }
.LBB2_15:
0x329: {  	v29 =	vld [tilespmem:s17+$0xFFFFFFF0];
	s1 =	sadd.s32 $0x2, s1;
	v25 =	vmul.f32 $1.442695020e+00, v25;
	v30 =	vmul.f32 v21, v6;
	s0 =	sadd.s32 $0x20, s0;
	v49 =	vpop (erf)  }
0x32a: {  	v50 =	vld [tilespmem:s2+$0x0];
	p0 =	slt.u32 s1, $0x16;
	v27 =	vmul.f32 $1.442695020e+00, v27;
	(erf) = vpow2.f32 v22;
	v22 =	vpop (erf)  }
0x32b: {  	v11 =	vmul.f32 v49, v43;
	v52 =	vld [tilespmem:s2+$0xFFFFFFF0];
	(erf) = vpow2.f32 v25  }
0x32c: {  	v30 =	vmul.f32 $1.442695020e+00, v30;
	v25 =	vld [tilespmem:s17+$0x0];
	(erf) = vpow2.f32 v27  }
0x32d: {  	v16 =	vmul.f32 $1.442695020e+00, v18;
	v26 =	vadd.f32 v11, v26;
	v27 =	vld [tilespmem:s18+$0xFFFFFFF0];
	v22 =	vmul.f32 v22, v15;
	v49 =	vpop (erf)  }
0x32e: {  	v14 =	vmul.f32 v14, v6;
	v21 =	vmul.f32 v21, v7;
	v53 =	vsub.f32 v38, v29;
	v54 =	vld [tilespmem:s18+$0x0];
	v55 =	vpop (erf)  }
0x32f: {  	v29 =	vsub.f32 v33, v29;
	v55 =	vmul.f32 v55, v43;
	v56 =	vpop (erf);
	(erf) = vpow2.f32 v30  }
0x330: {  	v30 =	vmul.f32 v53, v53;
	(erf) = vpow2.f32 v16;
	v18 =	vpop (erf)  }
0x331: {  	v21 =	vmul.f32 $1.442695020e+00, v21;
	v53 =	vsub.f32 v39, v52;
	v29 =	vmul.f32 v29, v29;
	v57 =	vpop (erf)  }
0x332: {  	v14 =	vmul.f32 $1.442695020e+00, v14;
	v52 =	vsub.f32 v36, v52;
	v18 =	vmul.f32 v18, v43  }
0x333: {  	v53 =	vmul.f32 v53, v53;
	v59 =	vsub.f32 v32, v54;
	v60 =	vpop (erf);
	(erf) = vpow2.f32 v24  }
0x334: {  	v24 =	vmul.f32 v52, v52;
	v52 =	vsub.f32 v40, v54;
	v54 =	vpop (erf);
	(erf) = vpow2.f32 v21  }
0x335: {  	v21 =	vsub.f32 v32, v27;
	v59 =	vmul.f32 v59, v59;
	v54 =	vmul.f32 v54, v43;
	v62 =	vpop (erf)  }
0x336: {  	v34 =	vsub.f32 v39, v50;
	v60 =	vmul.f32 v60, v43;
	v52 =	vmul.f32 v52, v52  }
0x337: {  	v50 =	vsub.f32 v36, v50;
	v56 =	vmul.f32 v56, v15;
	v21 =	vmul.f32 v21, v21  }
0x338: {  	v35 =	vsub.f32 v38, v25;
	v34 =	vmul.f32 v34, v34;
	v18 =	vadd.f32 v18, v19;
	v19 =	vpop (erf)  }
0x339: {  	v21 =	vadd.f32 v29, v21;
	v29 =	vmul.f32 v49, v43;
	v49 =	vmul.f32 v57, v15;
	v57 =	vpop (erf)  }
0x33a: {  	v25 =	vsub.f32 v33, v25;
	v50 =	vmul.f32 v50, v50;
	v43 =	vmul.f32 v57, v43  }
0x33b: {  	v21 =	vadd.f32 v24, v21;
	v24 =	vmul.f32 v35, v35;
	(erf) = vpow2.f32 v14  }
0x33c: {  	v25 =	vmul.f32 v25, v25;
	v27 =	vsub.f32 v40, v27;
	v35 =	vmul.f32 v62, v15;
	v57 =	vpop (erf)  }
0x33d: {  	v44 =	vadd.f32 v54, v44;
	v14 =	vmul.f32 v21, v7;
	v24 =	vadd.f32 v24, v52;
	v52 =	vpop (erf)  }
0x33e: {  	v13 =	vadd.f32 v55, v13;
	v19 =	vmul.f32 v19, v15;
	v54 =	vmul.f32 v21, v6  }
0x33f: {  	v55 =	vmul.f32 $1.442695020e+00, v14;
	v14 =	vadd.f32 v34, v24;
	v24 =	vmul.f32 v52, v15  }
0x340: {  	v26 =	vadd.f32 v19, v26;
	v43 =	vadd.f32 v43, v46;
	v34 =	vmul.f32 $1.442695020e+00, v54  }
0x341: {  	v19 =	vmul.f32 v27, v27;
	v12 =	vadd.f32 v24, v12;
	(erf) = vpow2.f32 v55  }
0x342: {  	v46 =	vadd.f32 v22, v43;
	v24 =	vmul.f32 v21, v5;
	v27 =	vmul.f32 v14, v4  }
0x343: {  	v19 =	vadd.f32 v30, v19;
	v22 =	vadd.f32 v29, v48;
	v30 =	vmul.f32 v14, v7  }
0x344: {  	v44 =	vadd.f32 v49, v44;
	v29 =	vmul.f32 v57, v15;
	v21 =	vmul.f32 v21, v4;
	v48 =	vpop (erf)  }
0x345: {  	v49 =	vadd.f32 v53, v19;
	v19 =	vadd.f32 v60, v41;
	v52 =	vmul.f32 $1.442695020e+00, v24  }
0x346: {  	v24 =	vadd.f32 v25, v59;
	v25 =	vmul.f32 $1.442695020e+00, v27;
	v27 =	vmul.f32 v14, v5;
	v43 =	vld [tilespmem:s0+$0xFFFFFFF0]  }
0x347: {  	v53 =	vmul.f32 v49, v6;
	v41 =	vadd.f32 v56, v19;
	v54 =	vmul.f32 $1.442695020e+00, v21  }
0x348: {  	v13 =	vadd.f32 v29, v13;
	v27 =	vmul.f32 $1.442695020e+00, v27;
	v15 =	vmul.f32 v48, v15  }
0x349: {  	v29 =	vmul.f32 $1.442695020e+00, v53;
	v21 =	vadd.f32 v50, v24;
	(erf) = vpow2.f32 v34  }
0x34a: {  	v19 =	vadd.f32 v35, v18;
	v48 =	vadd.f32 v15, v22;
	v24 =	vpop (erf);
	(erf) = vpow2.f32 v25  }
0x34b: {  	v18 =	vmul.f32 v49, v4;
	v15 =	vmul.f32 v24, v43  }
0x34c: {  	v22 =	vmul.f32 v49, v5;
	v25 =	vmul.f32 v49, v7  }
.Ltmp6:
0x34d: {  	v12 =	vadd.f32 v15, v12;
	v15 =	vmul.f32 v21, v4;
	(erf) = vpow2.f32 v29;
	(pc) =	sbr.rel @p0 .LBB2_15-.Ltmp6, $4  }
0x34e: {  	v22 =	vmul.f32 $1.442695020e+00, v22;
	(erf) = vpow2.f32 v54  }
0x34f: {  	v29 =	vmul.f32 $1.442695020e+00, v30;
	(erf) = vpow2.f32 v27  }
0x350: {  	v24 =	vmul.f32 $1.442695020e+00, v15;
	(erf) = vpow2.f32 v52  }
0x351: {  	s2 =	sadd.s32 $0x20, s2;
	s17 =	sadd.s32 $0x20, s17;
	s18 =	sadd.s32 $0x20, s18;
	v27 =	vmul.f32 v21, v5;
	v15 =	vld [tilespmem:s0+$0x0];
	(erf) = vpow2.f32 v29  }
0x352: {  	v25 =	vmul.f32 $1.442695020e+00, v25;
	v29 =	vmul.f32 v21, v6  }
0x353: {  	v27 =	vmul.f32 $1.442695020e+00, v27  }
0x354: {  	(erf) = vpow2.f32 v22;
	v22 =	vmul.f32 $1.442695020e+00, v29  }
0x355: {  	v18 =	vmul.f32 $1.442695020e+00, v18;
	(erf) = vpow2.f32 v25  }
0x356: {  	v25 =	vpop (erf);
	(erf) = vpow2.f32 v27  }
0x357: {  	v27 =	vpop (erf);
	(erf) = vpow2.f32 v22  }
0x358: {  	v22 =	vpop (erf);
	(erf) = vpow2.f32 v18  }
0x359: {  	v18 =	vpop (erf)  }
0x35a: {  	v21 =	vmul.f32 v21, v7;
	v29 =	vpop (erf)  }
0x35b: {  	v30 =	vpop (erf)  }
0x35c: {  	v21 =	vmul.f32 $1.442695020e+00, v21;
	(erf) = vpow2.f32 v24;
	v32 =	vpop (erf)  }
0x35d: {  	v14 =	vmul.f32 v14, v6;
	v24 =	vpop (erf)  }
0x35e: {  	v33 =	vpop (erf)  }
0x35f: {  	v14 =	vmul.f32 $1.442695020e+00, v14;
	v34 =	vpop (erf)  }
0x360: {  	(erf) = vpow2.f32 v21;
	v21 =	vpop (erf)  }
0x361: {  	v35 =	vpop (erf);
	(erf) = vpow2.f32 v14  }
0x362: {  	v14 =	vmul.f32 v35, v43  }
0x363: {  	v50 =	vbroadcast v10, $0xF;
	v25 =	vmul.f32 v25, v43  }
0x364: {  	v27 =	vmul.f32 v27, v15;
	v18 =	vmul.f32 v18, v43;
	v14 =	vadd.f32 v14, v46  }
0x365: {  	v22 =	vmul.f32 v22, v43;
	v30 =	vmul.f32 v30, v43;
	v61 =	vpop (erf)  }
0x366: {  	v13 =	vadd.f32 v18, v13;
	v18 =	vmul.f32 v61, v15;
	v14 =	vadd.f32 v27, v14  }
0x367: {  	v25 =	vadd.f32 v25, v26;
	v22 =	vadd.f32 v22, v48;
	v24 =	vmul.f32 v24, v43  }
0x368: {  	v19 =	vadd.f32 v30, v19;
	v13 =	vadd.f32 v18, v13;
	v18 =	vperm.xlane v14, v0  }
0x369: {  	v30 =	vmul.f32 v34, v15;
	v24 =	vadd.f32 v24, v41;
	v27 =	vmul.f32 v29, v15;
	v62 =	vpop (erf)  }
0x36a: {  	v21 =	vmul.f32 v21, v15;
	v63 =	vpop (erf);
	v14 =	vadd.f32 v18, v14;
	v18 =	vperm.xlane v13, v0  }
0x36b: {  	v19 =	vadd.f32 v30, v19;
	v24 =	vadd.f32 v27, v24;
	v27 =	vmul.f32 v63, v15  }
0x36c: {  	v21 =	vadd.f32 v21, v25;
	v13 =	vadd.f32 v18, v13;
	v18 =	vperm.xlane v14, v1  }
0x36d: {  	v29 =	vmul.f32 v32, v15;
	v22 =	vadd.f32 v27, v22;
	v27 =	vperm.xlane v24, v0  }
0x36e: {  	v15 =	vmul.f32 v62, v15;
	v14 =	vadd.f32 v18, v14;
	v18 =	vperm.xlane v13, v1  }
0x36f: {  	v25 =	vperm.xlane v19, v0;
	v24 =	vadd.f32 v27, v24;
	v27 =	vperm.xlane v22, v0  }
0x370: {  	v12 =	vadd.f32 v15, v12;
	v13 =	vadd.f32 v18, v13;
	v15 =	vperm.xlane v14, v2  }
0x371: {  	v18 =	vadd.f32 v25, v19;
	v19 =	vperm.xlane v24, v1;
	v22 =	vadd.f32 v27, v22  }
0x372: {  	v32 =	vadd.f32 v15, v14;
	v14 =	vperm.xlane v13, v2;
	v15 =	vperm.xlane v21, v0  }
0x373: {  	v26 =	vmul.f32 v33, v43;
	v19 =	vadd.f32 v19, v24;
	v24 =	vperm.xlane v18, v1  }
0x374: {  	v25 =	vperm.xlane v22, v1;
	v33 =	vadd.f32 v14, v13;
	v13 =	vadd.f32 v15, v21  }
0x375: {  	v53 =	vbroadcast v9, $0xF;
	v26 =	vadd.f32 v26, v44;
	v14 =	vadd.f32 v24, v18  }
0x376: {  	v15 =	vperm.xlane v19, v2;
	v18 =	vadd.f32 v25, v22;
	v22 =	vperm.xlane v13, v1  }
0x377: {  	v10 =	vbroadcast v10, $0xE;
	v21 =	vadd.f32 v29, v26;
	v24 =	vperm.xlane v12, v0  }
0x378: {  	v39 =	vadd.f32 v15, v19;
	v15 =	vperm.xlane v14, v2;
	v13 =	vadd.f32 v22, v13  }
0x379: {  	s0 =	simm.s32 $0x190;
	v19 =	vperm.xlane v18, v2;
	v22 =	vperm.xlane v21, v0  }
0x37a: {  	s1 =	simm.s32 $0x10;
	v12 =	vadd.f32 v24, v12;
	v44 =	vadd.f32 v15, v14;
	v14 =	vld [tilespmem:s0+$0xFFFFFFF0];
	v15 =	vperm.xlane v13, v2  }
0x37b: {  	s2 =	simm.s32 $0x310;
	v54 =	vbroadcast v9, $0xE;
	v40 =	vadd.f32 v19, v18;
	v19 =	vld [tilespmem:s1+$0xFFFFFFF0];
	v18 =	vadd.f32 v22, v21  }
0x37c: {  	v57 =	vbroadcast v8, $0xE;
	v21 =	vld [tilespmem:s2+$0xFFFFFFF0];
	v48 =	vadd.f32 v15, v13;
	v15 =	vperm.xlane v12, v1  }
0x37d: {  	v41 =	vbroadcast v8, $0xF;
	v13 =	vperm.xlane v18, v1  }
0x37e: {  	v36 =	vperm.xlane v32, v3;
	v43 =	vperm.xlane v33, v3;
	v12 =	vadd.f32 v15, v12  }
0x37f: {  	v46 =	vperm.xlane v39, v3;
	v52 =	vperm.xlane v44, v3;
	v13 =	vadd.f32 v13, v18  }
0x380: {  	v15 =	vsub.f32 v50, v14;
	v18 =	vsub.f32 v41, v19;
	v24 =	vperm.xlane v12, v2  }
0x381: {  	v25 =	vld [tilespmem:s1+$0x0];
	v49 =	vperm.xlane v40, v3;
	v26 =	vsub.f32 v53, v21;
	v22 =	vperm.xlane v13, v2  }
0x382: {  	v15 =	vmul.f32 v15, v15;
	v18 =	vmul.f32 v18, v18;
	v56 =	vadd.f32 v24, v12;
	v12 =	vld [tilespmem:s0+$0x0]  }
0x383: {  	v55 =	vperm.xlane v48, v3;
	v14 =	vsub.f32 v10, v14;
	v19 =	vsub.f32 v57, v19  }
0x384: {  	v38 =	vadd.f32 v22, v13;
	v13 =	vld [tilespmem:s2+$0x0];
	v22 =	vmul.f32 v26, v26;
	v15 =	vadd.f32 v15, v18  }
0x385: {  	v14 =	vmul.f32 v14, v14;
	v19 =	vmul.f32 v19, v19  }
0x386: {  	v18 =	vsub.f32 v54, v21;
	v9 =	vperm.xlane v38, v3;
	v15 =	vadd.f32 v22, v15  }
0x387: {  	v8 =	vperm.xlane v56, v3;
	v22 =	vsub.f32 v57, v25;
	v24 =	vsub.f32 v10, v12  }
0x388: {  	v21 =	vsub.f32 v41, v25;
	v18 =	vmul.f32 v18, v18;
	v25 =	vmul.f32 v15, v7  }
0x389: {  	v22 =	vmul.f32 v22, v22;
	v26 =	vsub.f32 v54, v13;
	v24 =	vmul.f32 v24, v24  }
0x38a: {  	v21 =	vmul.f32 v21, v21;
	v13 =	vsub.f32 v53, v13;
	v12 =	vsub.f32 v50, v12  }
0x38b: {  	v25 =	vmul.f32 $1.442695020e+00, v25;
	v26 =	vmul.f32 v26, v26;
	v22 =	vadd.f32 v24, v22  }
0x38c: {  	v14 =	vadd.f32 v14, v19;
	v13 =	vmul.f32 v13, v13;
	v24 =	vmul.f32 v15, v6  }
0x38d: {  	v12 =	vmul.f32 v12, v12;
	(erf) = vpow2.f32 v25;
	v26 =	vadd.f32 v26, v22  }
0x38e: {  	v22 =	vmul.f32 $1.442695020e+00, v24;
	v24 =	vmul.f32 v15, v5  }
0x38f: {  	v14 =	vadd.f32 v18, v14;
	v15 =	vmul.f32 v15, v4;
	v19 =	vmul.f32 v26, v4  }
0x390: {  	v29 =	vmul.f32 v26, v7;
	v30 =	vmul.f32 $1.442695020e+00, v24  }
0x391: {  	s0 =	simm.s32 $0x490;
	v24 =	vmul.f32 v14, v6;
	v15 =	vmul.f32 $1.442695020e+00, v15  }
0x392: {  	v59 =	vld [tilespmem:s0+$0xFFFFFFF0];
	v12 =	vadd.f32 v12, v21;
	(erf) = vpow2.f32 v22;
	v22 =	vmul.f32 v14, v4  }
0x393: {  	v18 =	vmul.f32 $1.442695020e+00, v19;
	v19 =	vmul.f32 v26, v5  }
0x394: {  	v21 =	vmul.f32 $1.442695020e+00, v24;
	v24 =	vadd.f32 v13, v12;
	v13 =	vmul.f32 v14, v5  }
0x395: {  	v19 =	vmul.f32 $1.442695020e+00, v19;
	(erf) = vpow2.f32 v18  }
0x396: {  	v25 =	vpop (erf);
	v27 =	vmul.f32 $1.442695020e+00, v13;
	v13 =	vmul.f32 $1.442695020e+00, v29  }
0x397: {  	v60 =	vimm.f32 $0.0e+00;
	v12 =	vmul.f32 v25, v59;
	v25 =	vmul.f32 v14, v7  }
0x398: {  	v62 =	vimm.f32 $0.0e+00;
	v14 =	vmul.f32 v24, v4;
	(erf) = vpow2.f32 v21  }
0x399: {  	v29 =	vimm.f32 $0.0e+00;
	v21 =	vimm.f32 $0.0e+00;
	(erf) = vpow2.f32 v15  }
0x39a: {  	(erf) = vpow2.f32 v19;
	v18 =	vmul.f32 $1.442695020e+00, v14;
	v14 =	vadd.f32 v12, v21  }
0x39b: {  	s17 =	simm.s32 $0x1B0;
	v19 =	vimm.f32 $0.0e+00;
	v12 =	vimm.f32 $0.0e+00;
	(erf) = vpow2.f32 v30  }
0x39c: {  	s18 =	simm.s32 $0x30;
	s1 =	simm.s32 $0x0;
	s2 =	simm.s32 $0x330;
	v15 =	vld [tilespmem:s0+$0x0];
	v30 =	vmul.f32 v24, v5;
	(erf) = vpow2.f32 v13;
	v13 =	vimm.f32 $0.0e+00  }
.LBB2_17:
0x39d: {  	v34 =	vld [tilespmem:s17+$0xFFFFFFF0];
	s1 =	sadd.s32 $0x2, s1;
	v25 =	vmul.f32 $1.442695020e+00, v25;
	v35 =	vmul.f32 v24, v6;
	s0 =	sadd.s32 $0x20, s0;
	v37 =	vpop (erf)  }
0x39e: {  	v42 =	vld [tilespmem:s2+$0x0];
	p0 =	slt.u32 s1, $0x16;
	v30 =	vmul.f32 $1.442695020e+00, v30;
	(erf) = vpow2.f32 v27;
	v27 =	vpop (erf)  }
0x39f: {  	v11 =	vmul.f32 v37, v59;
	v45 =	vld [tilespmem:s2+$0xFFFFFFF0];
	(erf) = vpow2.f32 v25  }
0x3a0: {  	v35 =	vmul.f32 $1.442695020e+00, v35;
	v25 =	vld [tilespmem:s17+$0x0];
	(erf) = vpow2.f32 v30  }
0x3a1: {  	v16 =	vmul.f32 $1.442695020e+00, v22;
	v21 =	vadd.f32 v11, v21;
	v30 =	vld [tilespmem:s18+$0xFFFFFFF0];
	v27 =	vmul.f32 v27, v15;
	v37 =	vpop (erf)  }
0x3a2: {  	v26 =	vmul.f32 v26, v6;
	v24 =	vmul.f32 v24, v7;
	v47 =	vsub.f32 v10, v34;
	v51 =	vld [tilespmem:s18+$0x0];
	v58 =	vpop (erf)  }
0x3a3: {  	v34 =	vsub.f32 v50, v34;
	v58 =	vmul.f32 v58, v59;
	v11 =	vpop (erf);
	(erf) = vpow2.f32 v35  }
0x3a4: {  	v35 =	vmul.f32 v47, v47;
	(erf) = vpow2.f32 v16;
	v22 =	vpop (erf)  }
0x3a5: {  	v24 =	vmul.f32 $1.442695020e+00, v24;
	v47 =	vsub.f32 v54, v45;
	v34 =	vmul.f32 v34, v34;
	v16 =	vpop (erf)  }
0x3a6: {  	v26 =	vmul.f32 $1.442695020e+00, v26;
	v45 =	vsub.f32 v53, v45;
	v22 =	vmul.f32 v22, v59  }
0x3a7: {  	v47 =	vmul.f32 v47, v47;
	v17 =	vsub.f32 v41, v51;
	v23 =	vpop (erf);
	(erf) = vpow2.f32 v18  }
0x3a8: {  	v18 =	vmul.f32 v45, v45;
	v45 =	vsub.f32 v57, v51;
	v51 =	vpop (erf);
	(erf) = vpow2.f32 v24  }
0x3a9: {  	v24 =	vsub.f32 v41, v30;
	v17 =	vmul.f32 v17, v17;
	v51 =	vmul.f32 v51, v59;
	v61 =	vpop (erf)  }
0x3aa: {  	v63 =	vsub.f32 v54, v42;
	v23 =	vmul.f32 v23, v59;
	v45 =	vmul.f32 v45, v45  }
0x3ab: {  	v42 =	vsub.f32 v53, v42;
	v11 =	vmul.f32 v11, v15;
	v24 =	vmul.f32 v24, v24  }
0x3ac: {  	v20 =	vsub.f32 v10, v25;
	v63 =	vmul.f32 v63, v63;
	v22 =	vadd.f32 v22, v29;
	v29 =	vpop (erf)  }
0x3ad: {  	v16 =	vmul.f32 v16, v15;
	v24 =	vadd.f32 v34, v24;
	v34 =	vmul.f32 v37, v59;
	v37 =	vpop (erf)  }
0x3ae: {  	v25 =	vsub.f32 v50, v25;
	v42 =	vmul.f32 v42, v42;
	v37 =	vmul.f32 v37, v59  }
0x3af: {  	v20 =	vmul.f32 v20, v20;
	v18 =	vadd.f32 v18, v24;
	(erf) = vpow2.f32 v26  }
0x3b0: {  	v25 =	vmul.f32 v25, v25;
	v24 =	vsub.f32 v57, v30;
	v30 =	vmul.f32 v61, v15;
	v59 =	vpop (erf)  }
0x3b1: {  	v20 =	vadd.f32 v20, v45;
	v13 =	vadd.f32 v51, v13;
	v26 =	vmul.f32 v18, v7;
	v45 =	vpop (erf)  }
0x3b2: {  	v19 =	vadd.f32 v58, v19;
	v29 =	vmul.f32 v29, v15;
	v51 =	vmul.f32 v18, v6  }
0x3b3: {  	v58 =	vmul.f32 $1.442695020e+00, v26;
	v26 =	vadd.f32 v63, v20;
	v20 =	vmul.f32 v45, v15  }
0x3b4: {  	v21 =	vadd.f32 v29, v21;
	v37 =	vadd.f32 v37, v60;
	v45 =	vmul.f32 $1.442695020e+00, v51  }
0x3b5: {  	v24 =	vmul.f32 v24, v24;
	v14 =	vadd.f32 v20, v14;
	(erf) = vpow2.f32 v58  }
0x3b6: {  	v60 =	vadd.f32 v27, v37;
	v20 =	vmul.f32 v18, v5;
	v29 =	vmul.f32 v26, v4  }
0x3b7: {  	v24 =	vadd.f32 v35, v24;
	v27 =	vadd.f32 v34, v62;
	v35 =	vmul.f32 v26, v7  }
0x3b8: {  	v13 =	vadd.f32 v16, v13;
	v16 =	vmul.f32 v59, v15;
	v18 =	vmul.f32 v18, v4;
	v34 =	vpop (erf)  }
0x3b9: {  	v12 =	vadd.f32 v23, v12;
	v37 =	vadd.f32 v47, v24;
	v20 =	vmul.f32 $1.442695020e+00, v20  }
0x3ba: {  	v17 =	vadd.f32 v25, v17;
	v24 =	vmul.f32 v26, v5;
	v23 =	vmul.f32 $1.442695020e+00, v29;
	v59 =	vld [tilespmem:s0+$0xFFFFFFF0]  }
0x3bb: {  	v12 =	vadd.f32 v11, v12;
	v25 =	vmul.f32 v37, v6;
	v18 =	vmul.f32 $1.442695020e+00, v18  }
0x3bc: {  	v19 =	vadd.f32 v16, v19;
	v11 =	vmul.f32 $1.442695020e+00, v24;
	v15 =	vmul.f32 v34, v15  }
0x3bd: {  	v24 =	vadd.f32 v42, v17;
	v16 =	vmul.f32 $1.442695020e+00, v25;
	(erf) = vpow2.f32 v45  }
0x3be: {  	v29 =	vadd.f32 v30, v22;
	v62 =	vadd.f32 v15, v27;
	v17 =	vpop (erf);
	(erf) = vpow2.f32 v23  }
0x3bf: {  	v22 =	vmul.f32 v37, v4;
	v15 =	vmul.f32 v17, v59  }
0x3c0: {  	v25 =	vmul.f32 v37, v7;
	v17 =	vmul.f32 v37, v5  }
.Ltmp7:
0x3c1: {  	v14 =	vadd.f32 v15, v14;
	v15 =	vmul.f32 v24, v4;
	(erf) = vpow2.f32 v16;
	(pc) =	sbr.rel @p0 .LBB2_17-.Ltmp7, $4  }
0x3c2: {  	v27 =	vmul.f32 $1.442695020e+00, v17;
	(erf) = vpow2.f32 v18  }
0x3c3: {  	v16 =	vmul.f32 $1.442695020e+00, v35;
	(erf) = vpow2.f32 v11  }
0x3c4: {  	v18 =	vmul.f32 $1.442695020e+00, v15;
	(erf) = vpow2.f32 v20  }
0x3c5: {  	s2 =	sadd.s32 $0x20, s2;
	s17 =	sadd.s32 $0x20, s17;
	s18 =	sadd.s32 $0x20, s18;
	v30 =	vmul.f32 v24, v5;
	v15 =	vld [tilespmem:s0+$0x0];
	(erf) = vpow2.f32 v16  }
0x3c6: {  	v10 =	vmul.f32 $1.442695020e+00, v25;
	v16 =	vmul.f32 v24, v6  }
0x3c7: {  	(erf) = vpow2.f32 v27;
	v11 =	vmul.f32 $1.442695020e+00, v30  }
0x3c8: {  	(erf) = vpow2.f32 v10;
	v47 =	vmul.f32 $1.442695020e+00, v16  }
0x3c9: {  	v50 =	vmul.f32 $1.442695020e+00, v22;
	v17 =	vpop (erf);
	(erf) = vpow2.f32 v11  }
0x3ca: {  	v53 =	vpop (erf);
	(erf) = vpow2.f32 v47  }
0x3cb: {  	v51 =	vmul.f32 v24, v7;
	v16 =	vpop (erf);
	(erf) = vpow2.f32 v50  }
0x3cc: {  	v58 =	vmul.f32 v26, v6;
	v57 =	vpop (erf);
	(erf) = vpow2.f32 v18  }
0x3cd: {  	v26 =	vld [tilespmem:$0x1FF00];
	v54 =	vmul.f32 $1.442695020e+00, v51;
	v16 =	vmul.f32 v16, v59;
	v20 =	vpop (erf)  }
0x3ce: {  	v27 =	vld [tilespmem:$0x1FF10];
	v17 =	vmul.f32 v17, v59;
	v45 =	vmul.f32 v57, v59;
	v61 =	vpop (erf)  }
0x3cf: {  	(erf) = vpow2.f32 v54;
	v16 =	vadd.f32 v16, v62;
	v62 =	vld [tilespmem:$0x1FE30];
	v23 =	vpop (erf);
	v22 =	vmul.f32 v61, v59  }
0x3d0: {  	v11 =	vmul.f32 $1.442695020e+00, v58;
	v54 =	vadd.f32 v45, v19;
	v45 =	vld [tilespmem:$0x1FF90];
	v63 =	vpop (erf)  }
0x3d1: {  	v17 =	vadd.f32 v17, v21;
	v21 =	vadd.f32 v22, v29;
	v57 =	vmul.f32 v63, v59;
	v29 =	vld [tilespmem:$0x1FF20];
	v30 =	vpop (erf)  }
0x3d2: {  	(erf) = vpow2.f32 v11;
	v34 =	vpop (erf);
	v11 =	vmul.f32 v30, v59;
	v30 =	vld [tilespmem:$0x1FF30]  }
0x3d3: {  	v58 =	vadd.f32 v57, v12;
	v57 =	vld [tilespmem:$0x1FFF0];
	v35 =	vpop (erf)  }
0x3d4: {  	v37 =	vpop (erf);
	v47 =	vmul.f32 v35, v15;
	v35 =	vld [tilespmem:$0x1FF50]  }
0x3d5: {  	v41 =	vmul.f32 v37, v59;
	v42 =	vpop (erf);
	v37 =	vld [tilespmem:$0x1FF60]  }
0x3d6: {  	v63 =	vmul.f32 v42, v15;
	v42 =	vld [tilespmem:$0x1FF80]  }
0x3d7: {  	v11 =	vadd.f32 v11, v13;
	v13 =	vadd.f32 v47, v17;
	v47 =	vld [tilespmem:$0x1FFA0]  }
0x3d8: {  	v59 =	vmul.f32 v20, v15;
	v50 =	vpop (erf);
	v22 =	vadd.f32 v41, v60;
	v41 =	vld [tilespmem:$0x1FF70]  }
0x3d9: {  	v51 =	vmul.f32 v53, v15;
	v53 =	vmul.f32 v50, v15;
	v50 =	vld [tilespmem:$0x1FFB0]  }
0x3da: {  	v19 =	vadd.f32 v59, v58;
	v59 =	vld [tilespmem:$0x1FE00]  }
0x3db: {  	v17 =	vadd.f32 v30, v29;
	v29 =	vld [tilespmem:$0x1FE50]  }
0x3dc: {  	v60 =	vmul.f32 v23, v15;
	v61 =	vpop (erf);
	v30 =	vld [tilespmem:$0x1FE60]  }
0x3dd: {  	v24 =	vmul.f32 v61, v15;
	v15 =	vmul.f32 v34, v15;
	v34 =	vld [tilespmem:$0x1FF40]  }
0x3de: {  	v61 =	vld [tilespmem:$0x1FE20]  }
0x3df: {  	v18 =	vadd.f32 v51, v22;
	v51 =	vld [tilespmem:$0x1FFC0]  }
0x3e0: {  	v10 =	vadd.f32 v53, v14;
	v53 =	vld [tilespmem:$0x1FFD0]  }
0x3e1: {  	v12 =	vadd.f32 v60, v11;
	v11 =	vadd.f32 v63, v54;
	v54 =	vld [tilespmem:$0x1FFE0]  }
0x3e2: {  	v60 =	vld [tilespmem:$0x1FE10]  }
0x3e3: {  	v63 =	vld [tilespmem:$0x1FE40]  }
0x3e4: {  	v23 =	vadd.f32 v45, v42;
	v42 =	vld [tilespmem:$0x1FEB0]  }
0x3e5: {  	v45 =	vld [tilespmem:$0x1FEC0]  }
0x3e6: {  	v22 =	vadd.f32 v41, v37;
	v37 =	vld [tilespmem:$0x1FE90]  }
0x3e7: {  	v41 =	vld [tilespmem:$0x1FEA0]  }
0x3e8: {  	v14 =	vadd.f32 v24, v16;
	v24 =	vadd.f32 v50, v47;
	v47 =	vld [tilespmem:$0x1FED0]  }
0x3e9: {  	v50 =	vld [tilespmem:$0x1FEE0]  }
0x3ea: {  	v16 =	vadd.f32 v27, v26;
	v20 =	vadd.f32 v35, v34;
	v34 =	vld [tilespmem:$0x1FE70]  }
0x3eb: {  	vm0 =	vmmov $0x1;
	v35 =	vld [tilespmem:$0x1FE80]  }
0x3ec: {  	v16 =	vsel vm0, v16, v17;
	v17 =	vadd.f32 v53, v51;
	v51 =	vld [tilespmem:$0x1FEF0]  }
0x3ed: {  	v53 =	vld [tilespmem:$0x1FD00]  }
0x3ee: {  	v25 =	vadd.f32 v57, v54;
	v54 =	vld [tilespmem:$0x1FD10]  }
0x3ef: {  	v57 =	vld [tilespmem:$0x1FD20]  }
0x3f0: {  	v58 =	vsel vm0, v23, v24;
	v23 =	vadd.f32 v60, v59;
	v59 =	vld [tilespmem:$0x1FD40]  }
0x3f1: {  	v60 =	vld [tilespmem:$0x1FD50]  }
0x3f2: {  	v24 =	vadd.f32 v62, v61;
	v61 =	vld [tilespmem:$0x1FD60]  }
0x3f3: {  	vm15 =	vmmov $0x3;
	v62 =	vld [tilespmem:$0x1FD70]  }
0x3f4: {  	v16 =	vsel vm15, v16, v23;
	v23 =	vadd.f32 v29, v63;
	v63 =	vld [tilespmem:$0x1FD80]  }
0x3f5: {  	v29 =	vld [tilespmem:$0x1FD90]  }
0x3f6: {  	v26 =	vadd.f32 v47, v45;
	v45 =	vld [tilespmem:$0x1FC00]  }
0x3f7: {  	vm1 =	vmmov $0x7;
	v47 =	vld [tilespmem:$0x1FC10]  }
0x3f8: {  	v16 =	vsel vm1, v16, v24;
	v24 =	vadd.f32 v34, v30;
	v30 =	vld [tilespmem:$0x1FDA0]  }
0x3f9: {  	v34 =	vld [tilespmem:$0x1FDB0]  }
0x3fa: {  	v17 =	vsel vm0, v17, v25;
	v25 =	vadd.f32 v37, v35;
	v35 =	vld [tilespmem:$0x1FDC0]  }
0x3fb: {  	v20 =	vsel vm0, v20, v22;
	v37 =	vld [tilespmem:$0x1FDD0]  }
0x3fc: {  	v20 =	vsel vm15, v20, v23;
	v23 =	vadd.f32 v42, v41;
	v41 =	vld [tilespmem:$0x1FDE0]  }
0x3fd: {  	v42 =	vld [tilespmem:$0x1FDF0]  }
0x3fe: {  	v22 =	vsel vm15, v58, v25;
	v58 =	vld [tilespmem:$0x1FD30]  }
0x3ff: {  	v20 =	vsel vm1, v20, v24;
	v24 =	vadd.f32 v51, v50;
	v50 =	vld [tilespmem:$0x1FC20]  }
0x400: {  	v51 =	vld [tilespmem:$0x1FC30]  }
0x401: {  	v22 =	vsel vm1, v22, v23;
	v23 =	vadd.f32 v54, v53;
	v53 =	vld [tilespmem:$0x1FC40]  }
0x402: {  	v54 =	vld [tilespmem:$0x1FC50]  }
0x403: {  	v25 =	vadd.f32 v29, v63;
	v63 =	vld [tilespmem:$0x1FCA0]  }
0x404: {  	vm4 =	vmmov $0xf;
	v29 =	vld [tilespmem:$0x1FCB0]  }
0x405: {  	v16 =	vsel vm4, v16, v23;
	v23 =	vadd.f32 v60, v59;
	v59 =	vld [tilespmem:$0x1FC80]  }
0x406: {  	v60 =	vld [tilespmem:$0x1FC90]  }
0x407: {  	v17 =	vsel vm15, v17, v26;
	v26 =	vadd.f32 v37, v35;
	v35 =	vld [tilespmem:$0x1FB00]  }
0x408: {  	v37 =	vld [tilespmem:$0x1FB10]  }
0x409: {  	v17 =	vsel vm1, v17, v24;
	v24 =	vadd.f32 v58, v57;
	v57 =	vld [tilespmem:$0x1FC60]  }
0x40a: {  	v58 =	vld [tilespmem:$0x1FC70]  }
0x40b: {  	v20 =	vsel vm4, v20, v23;
	v23 =	vadd.f32 v34, v30;
	v30 =	vld [tilespmem:$0x1FCE0]  }
0x40c: {  	vm5 =	vmmov $0x1f;
	v34 =	vld [tilespmem:$0x1FCF0]  }
0x40d: {  	v16 =	vsel vm5, v16, v24;
	v24 =	vadd.f32 v62, v61;
	v61 =	vld [tilespmem:$0x1FCC0]  }
0x40e: {  	v22 =	vsel vm4, v22, v25;
	v62 =	vld [tilespmem:$0x1FCD0]  }
0x40f: {  	v22 =	vsel vm5, v22, v23;
	v23 =	vadd.f32 v47, v45;
	v45 =	vld [tilespmem:$0x1FB40]  }
0x410: {  	v47 =	vld [tilespmem:$0x1FB50]  }
0x411: {  	v20 =	vsel vm5, v20, v24;
	v24 =	vadd.f32 v42, v41;
	v41 =	vld [tilespmem:$0x1FB20]  }
0x412: {  	vm6 =	vmmov $0x3f;
	v42 =	vld [tilespmem:$0x1FB30]  }
0x413: {  	v16 =	vsel vm6, v16, v23;
	v23 =	vadd.f32 v54, v53;
	v53 =	vld [tilespmem:$0x1FB80]  }
0x414: {  	v54 =	vld [tilespmem:$0x1FB90]  }
0x415: {  	v15 =	vadd.f32 v15, v21;
	v21 =	vadd.f32 v58, v57;
	v57 =	vld [tilespmem:$0x1FBA0]  }
0x416: {  	vm7 =	vmmov $0x7f;
	vm8 =	vmmov $0xff;
	v58 =	vld [tilespmem:$0x1FBB0]  }
0x417: {  	vm9 =	vmmov $0x1ff;
	vm10 =	vmmov $0x3ff;
	v25 =	vadd.f32 v34, v30;
	v30 =	vld [tilespmem:$0x1FA40]  }
0x418: {  	vm11 =	vmmov $0x7ff;
	vm12 =	vmmov $0xfff;
	v17 =	vsel vm4, v17, v26;
	v34 =	vld [tilespmem:$0x1FA50]  }
0x419: {  	vm13 =	vmmov $0x1fff;
	v17 =	vsel vm5, v17, v24;
	v24 =	vadd.f32 v51, v50;
	v50 =	vld [tilespmem:$0x1FB60]  }
0x41a: {  	v9 =	vadd.f32 v9, v38;
	v8 =	vadd.f32 v8, v56;
	vm14 =	vmmov $0x3fff;
	v51 =	vld [tilespmem:$0x1FB70]  }
0x41b: {  	v38 =	vperm.xlane v19, v0;
	v20 =	vsel vm6, v20, v23;
	v23 =	vadd.f32 v60, v59;
	v59 =	vld [tilespmem:$0x1FBC0]  }
0x41c: {  	v60 =	vld [tilespmem:$0x1FBD0];
	v20 =	vsel vm7, v20, v21;
	v21 =	vadd.f32 v29, v63;
	v16 =	vsel vm7, v16, v24  }
0x41d: {  	v63 =	vld [tilespmem:$0x1FA20];
	v24 =	vadd.f32 v62, v61;
	v22 =	vsel vm6, v22, v23;
	v23 =	vadd.f32 v37, v35  }
0x41e: {  	vm15 =	vmmov $0x7fff;
	v29 =	vld [tilespmem:$0x1FA30];
	v21 =	vsel vm7, v22, v21;
	v22 =	vadd.f32 v42, v41  }
0x41f: {  	v61 =	vld [tilespmem:$0x1FBE0];
	v41 =	vperm.xlane v18, v0;
	v17 =	vsel vm6, v17, v24;
	v16 =	vsel vm8, v16, v23  }
0x420: {  	v62 =	vld [tilespmem:$0x1FBF0];
	v23 =	vadd.f32 v47, v45;
	v17 =	vsel vm7, v17, v25;
	v24 =	vadd.f32 v51, v50  }
0x421: {  	v35 =	vld [tilespmem:$0x1FA60];
	v25 =	vadd.f32 v54, v53;
	v16 =	vsel vm9, v16, v22;
	v22 =	vadd.f32 v58, v57  }
0x422: {  	v37 =	vld [tilespmem:$0x1FA70];
	v51 =	vperm.xlane v11, v0;
	v18 =	vadd.f32 v41, v18;
	v20 =	vsel vm8, v20, v23  }
0x423: {  	v42 =	vld [tilespmem:$0x1FA80];
	v41 =	vperm.xlane v13, v0;
	v23 =	vadd.f32 v60, v59;
	v20 =	vsel vm9, v20, v24  }
0x424: {  	v45 =	vld [tilespmem:$0x1FA90];
	v21 =	vsel vm8, v21, v25;
	v24 =	vadd.f32 v29, v63;
	v11 =	vadd.f32 v51, v11  }
0x425: {  	v47 =	vld [tilespmem:$0x1FAA0];
	v59 =	vperm.xlane v18, v1;
	v63 =	vadd.f32 v46, v39;
	v29 =	vadd.f32 v52, v44  }
0x426: {  	v50 =	vld [tilespmem:$0x1FAB0];
	v13 =	vadd.f32 v41, v13;
	v21 =	vsel vm9, v21, v22;
	v22 =	vadd.f32 v62, v61  }
0x427: {  	v57 =	vld [tilespmem:$0x1FAE0];
	v17 =	vsel vm8, v17, v23;
	v23 =	vadd.f32 v34, v30;
	v61 =	vadd.f32 v36, v32  }
0x428: {  	v39 =	vperm.xlane v15, v0;
	v62 =	vadd.f32 v43, v33;
	v32 =	vadd.f32 v55, v48  }
0x429: {  	v53 =	vld [tilespmem:$0x1FAC0];
	v43 =	vperm.xlane v10, v0;
	v16 =	vsel vm10, v16, v24;
	v24 =	vadd.f32 v45, v42  }
0x42a: {  	v58 =	vld [tilespmem:$0x1FAF0];
	v60 =	vperm.xlane v11, v1;
	v18 =	vadd.f32 v59, v18;
	v42 =	vperm.xlane v12, v0  }
0x42b: {  	v54 =	vld [tilespmem:$0x1FAD0];
	v48 =	vperm.xlane v13, v1;
	v17 =	vsel vm9, v17, v22;
	v22 =	vadd.f32 v37, v35  }
0x42c: {  	v16 =	vsel vm11, v16, v23;
	v25 =	vadd.f32 v50, v47;
	v23 =	vadd.f32 v57, v31  }
0x42d: {  	v31 =	vadd.f32 v49, v40;
	v40 =	vperm.xlane v14, v0;
	v10 =	vadd.f32 v43, v10  }
0x42e: {  	v11 =	vadd.f32 v60, v11;
	v12 =	vadd.f32 v42, v12;
	v20 =	vsel vm10, v20, v22  }
0x42f: {  	v20 =	vsel vm11, v20, v24;
	v24 =	vadd.f32 v58, v28;
	v28 =	vperm.xlane v18, v2  }
0x430: {  	v16 =	vsel vm12, v16, v61;
	v13 =	vadd.f32 v48, v13;
	v22 =	vadd.f32 v54, v53  }
0x431: {  	v21 =	vsel vm10, v21, v25;
	v17 =	vsel vm10, v17, v23;
	v18 =	vadd.f32 v28, v18  }
0x432: {  	v16 =	vsel vm13, v16, v62;
	v50 =	vperm.xlane v10, v1;
	v30 =	vperm.xlane v11, v2  }
0x433: {  	v14 =	vadd.f32 v40, v14;
	v49 =	vperm.xlane v12, v1;
	v33 =	vperm.xlane v18, v3  }
0x434: {  	v54 =	vperm.xlane v13, v2;
	v21 =	vsel vm11, v21, v22;
	v11 =	vadd.f32 v30, v11  }
0x435: {  	v20 =	vsel vm12, v20, v63;
	v46 =	vperm.xlane v14, v1;
	v35 =	vadd.f32 v33, v18  }
0x436: {  	v10 =	vadd.f32 v50, v10;
	v17 =	vsel vm11, v17, v24;
	v34 =	vperm.xlane v11, v3  }
0x437: {  	v20 =	vsel vm13, v20, v29;
	v37 =	vsel vm14, v16, v35;
	v16 =	vadd.f32 v38, v19  }
0x438: {  	v21 =	vsel vm12, v21, v31;
	v36 =	vadd.f32 v34, v11;
	v11 =	vadd.f32 v39, v15  }
0x439: {  	v12 =	vadd.f32 v49, v12;
	v13 =	vadd.f32 v54, v13;
	v44 =	vperm.xlane v16, v1  }
0x43a: {  	v21 =	vsel vm13, v21, v32;
	v14 =	vadd.f32 v46, v14;
	v45 =	vperm.xlane v11, v1  }
0x43b: {  	v9 =	vsel vm12, v17, v9;
	v55 =	vperm.xlane v12, v2;
	v47 =	vadd.f32 v44, v16  }
0x43c: {  	v56 =	vperm.xlane v10, v2;
	v53 =	vperm.xlane v14, v2;
	v11 =	vadd.f32 v45, v11  }
0x43d: {  	v8 =	vsel vm13, v9, v8;
	v12 =	vadd.f32 v55, v12;
	v51 =	vperm.xlane v47, v2  }
0x43e: {  	v10 =	vadd.f32 v56, v10;
	v14 =	vadd.f32 v53, v14;
	v52 =	vperm.xlane v11, v2  }
0x43f: {  	v60 =	vperm.xlane v13, v3;
	v61 =	vperm.xlane v12, v3;
	v15 =	vadd.f32 v51, v47  }
0x440: {  	v62 =	vperm.xlane v10, v3;
	v59 =	vperm.xlane v14, v3;
	v11 =	vadd.f32 v52, v11  }
0x441: {  	s30 =	sadd.s32 $0x1, s30;
	v13 =	vadd.f32 v60, v13;
	v12 =	vadd.f32 v61, v12;
	v57 =	vperm.xlane v15, v3  }
0x442: {  	p0 =	sne.s32 s30, $0x8;
	v10 =	vadd.f32 v62, v10;
	v14 =	vadd.f32 v59, v14;
	v58 =	vperm.xlane v11, v3  }
.Ltmp8:
0x443: {  	v9 =	vsel vm15, v37, v36;
	v8 =	vsel vm14, v8, v12;
	v15 =	vadd.f32 v57, v15;
	(pc) =	sbr.rel @p0 .LBB2_2-.Ltmp8, $4  }
0x444: {  	[tilespmem:s31+$0x800] =	vst v9;
	v14 =	vsel vm14, v21, v14;
	v8 =	vsel vm15, v8, v10;
	v11 =	vadd.f32 v58, v11  }
0x445: {  	v63 =	vsel vm15, v14, v13;
	[tilespmem:s31+$0x9B0] =	vst v8;
	v15 =	vsel vm14, v20, v15  }
0x446: {  	[tilespmem:s31+$0x920] =	vst v63;
	v11 =	vsel vm15, v15, v11  }
0x447: {  	[tilespmem:s31+$0x890] =	vst v11  }
0x448: {  	[hbm4b:s11+s3] =	stream.linear.scatter [tilespmem:s24], [sflag:$0x1], $0x80, $0x38;
	[tilespmem:$0xA80] =	vst v63  }
0x449: {  	_ =	swait.ge [sflag:s16], $0x80  }
0x44a: {  	[sflag:s16] =	ssyncset.done $0x0  }
0x44b: {  	[sflag:s16] =	ssyncadd.s32 $0xFFFFFF80  }
0x44c: {  	[hbm4b:s12+s3] =	stream.linear.scatter [tilespmem:s25], [sflag:$0x1], $0x80, $0x38;
	[tilespmem:$0xA80] =	vst v63  }
0x44d: {  	_ =	swait.ge [sflag:s16], $0x80  }
0x44e: {  	[sflag:s16] =	ssyncset.done $0x0  }
0x44f: {  	[sflag:s16] =	ssyncadd.s32 $0xFFFFFF80  }
0x450: {  	[hbm4b:s13+s3] =	stream.linear.scatter [tilespmem:s26], [sflag:$0x1], $0x80, $0x38;
	[tilespmem:$0xA80] =	vst v63  }
0x451: {  	s29 =	sadd.s32 $0x1, s29;
	_ =	swait.ge [sflag:s16], $0x80  }
0x452: {  	p0 =	sne.s32 s29, s15;
	[sflag:s16] =	ssyncset.done $0x0  }
.Ltmp9:
0x453: {  	[sflag:s16] =	ssyncadd.s32 $0xFFFFFF80;
	(pc) =	sbr.rel @p0 .LBB2_1-.Ltmp9, $4  }
0x454: {  	[hbm4b:s14+s3] =	stream.linear.scatter [tilespmem:s28], [sflag:$0x1], $0x80, $0x38;
	[tilespmem:$0xA80] =	vst v63  }
0x455: {  	_ =	swait.ge [sflag:s16], $0x80  }
0x456: {  	[sflag:s16] =	ssyncset.done $0x0  }
0x457: {  	[sflag:s16] =	ssyncadd.s32 $0xFFFFFF80  }
0x458: {  	_ =	sfence.sel $0x180000  }
0x459: {  	[bflag:$0x0] =	sbarrier.arrive $0xFFFF  }
0x45a: {  	_ =	strace $0x90000047  }
0x45b: {  	s0 =	stileid.u32;
	[bflag:$0x2] =	sbarrier.arrive $0xFFFF  }
0x45c: {  	p0 =	sne.s32 s0, $0x0;
	s0 =	rddreg [dreg:$0x3]  }
0x45d: {  	s0 =	sadd.s32 @!p0 $0x100000, s0  }
0x45e: {  	[sflag:s0] =	ssyncadd.tile.s32 @!p0 $0x1;
	_ =	shalt  }
.Lfunc_end2:
_tile_overlayer_lowered:
.L_overlay_start_2:
0x45f: {  	(tag) =	ssettag $0x2  }
0x460: {  	s0 =	rddreg [dreg:$0x0];
	s2 =	stileid.u32  }
0x461: {  	s1 =	rddreg [dreg:$0x1];
	p0 =	sne.s32 s2, $0x0  }
0x462: {  	s3 =	rddreg [dreg:$0x2];
	[bflag:$0x3] =	sbarrier.arrive $0xFFFF;
	s2 =	simm.s32 @!p0 $0x1C01  }
0x463: {  	[timem:s3], [sflag:s2] =	dma.local @!p0 [hbm:s0], s1  }
0x464: {  	s0 =	simm.s32 @!p0 $0x1  }
0x465: {  	_ =	swait.ge @!p0 [sflag:s0], s1  }
0x466: {  	s1 =	ssub.s32 @!p0 $0x0, s1;
	[sflag:s0] =	ssyncset.done @!p0 $0x0  }
0x467: {  	[sflag:s0] =	ssyncadd.s32 @!p0 s1  }
0x468: {  	[bflag:$0x3] =	sbarrier.arrive $0xFFFF  }
0x469: {  	_ =	shalt  }

</sc_bundles>
